<compile_context>
chip_gen: v7x
topology: tpu7x:2x2x1
jax: 0.10.2.dev20260603
libtpu: 0.0.44.dev20260713+nightly
codegen_flags: <defaults>
</compile_context>

<pallas_src>
import functools

import jax
import jax.numpy as jnp
from jax import lax
from jax.experimental import pallas as pl
from jax.experimental.pallas import tpu as pltpu
from jax.experimental.pallas import tpu_sc as plsc

N = 10000
E = 320000
NFEAT = 128
NHID = 128
NCLASS = 64

NC = 2
NS = 16
K = 128
NROWS = 2560
ROWS_PER_W = NROWS // NS
E_PAD = NROWS * K
PAD = E_PAD - E
NG = ROWS_PER_W // 2
NACC = 10112
ROWS_PER_SUB = NACC // NS



def _sc_body(Dh, edge_split, h_hbm, src_hbm, tgt_hbm, zeros_hbm, out_hbm,
             src_v, tgt_v, rows_v, acc_sh, gsem, ssem):
    c = lax.axis_index("c")
    s = lax.axis_index("s")

    if edge_split:
        nrw = NROWS // (2 * NS)
        i0 = pl.multiple_of((c * NS + s) * nrw, 8)
        cp_src = pltpu.async_copy(src_hbm.at[pl.ds(i0, nrw)], src_v,
                                  gsem.at[0])
    else:
        nrw = ROWS_PER_W
        i0 = pl.multiple_of(s * nrw, 8)
        cp_src = pltpu.async_copy(src_hbm.at[c, pl.ds(i0, nrw)], src_v,
                                  gsem.at[0])
    cp_tgt = pltpu.async_copy(tgt_hbm.at[pl.ds(i0, nrw)], tgt_v, gsem.at[1])
    r0 = pl.multiple_of(s * ROWS_PER_SUB, 8)
    cp_z = pltpu.async_copy(zeros_hbm.at[pl.ds(r0, ROWS_PER_SUB)],
                            acc_sh.at[pl.ds(r0, ROWS_PER_SUB)], gsem.at[2])
    cp_src.wait()
    cp_tgt.wait()
    cp_z.wait()
    plsc.subcore_barrier()

    def gather(j, slot):
        pltpu.async_copy(h_hbm.at[src_v.at[j]], rows_v.at[slot],
                         gsem.at[slot])

    def scatter(j, slot):
        pltpu.async_copy(rows_v.at[slot], acc_sh.at[tgt_v.at[j]],
                         ssem.at[slot], add=True)

    def wait_g(slot):
        pltpu.make_async_copy(h_hbm.at[src_v.at[0]], rows_v.at[slot],
                              gsem.at[slot]).wait()

    def wait_s(slot):
        pltpu.make_async_copy(rows_v.at[slot], acc_sh.at[tgt_v.at[0]],
                              ssem.at[slot]).wait()

    R = 5
    DRAIN = 1
    LEAD = R - DRAIN
    NITER = nrw // R

    for r in range(LEAD):
        gather(r, r)

    def chunk_body(j, r, drain, refill):
        p = r
        q = (r + R - DRAIN) % R
        wait_g(p)
        scatter(j, p)
        if drain:
            wait_s(q)
        if refill:
            gather(j + LEAD, q)

    for r in range(R):
        chunk_body(r, r, drain=(r >= DRAIN), refill=True)

    def step(i, carry):
        for r in range(R):
            chunk_body(R * i + r, r, drain=True, refill=True)
        return carry

    lax.fori_loop(1, NITER - 1, step, 0)

    for r in range(R):
        j = R * (NITER - 1) + r
        chunk_body(j, r, drain=(j + LEAD < nrw),
                   refill=(j + LEAD < nrw))
    for r in range(R):
        wait_s(r)
    plsc.subcore_barrier()

    c0 = pl.multiple_of(c * Dh, 32)
    pltpu.sync_copy(acc_sh.at[pl.ds(r0, ROWS_PER_SUB)],
                    out_hbm.at[pl.ds(r0, ROWS_PER_SUB), pl.ds(c0, Dh)])


def _make_sc(Dh, stride, edge_split=False):
    nrw = NROWS // (2 * NS) if edge_split else ROWS_PER_W
    mesh = plsc.VectorSubcoreMesh(core_axis_name="c", subcore_axis_name="s")
    return pl.kernel(
        functools.partial(_sc_body, Dh, edge_split),
        out_type=jax.ShapeDtypeStruct((NACC, 128), jnp.float32),
        mesh=mesh,
        scratch_types=[
            pltpu.VMEM((nrw, K), jnp.int32),
            pltpu.VMEM((nrw, K), jnp.int32),
            pltpu.VMEM((5, K, Dh), jnp.float32),
            pltpu.VMEM_SHARED((NACC, Dh), jnp.float32),
            pltpu.SemaphoreType.DMA((5,)),
            pltpu.SemaphoreType.DMA((5,)),
        ],
        compiler_params=pltpu.CompilerParams(use_tc_tiling_on_sc=False),
        name=f"gcn_edge_agg_{Dh}x{stride}",
    )


_sc128 = _make_sc(64, 2)
_sc64 = _make_sc(64, 2, edge_split=True)



_BLK = 2000


def _mm_body(x_ref, w_ref, b_ref, o_ref):
    o_ref[...] = jnp.dot(x_ref[...], w_ref[...],
                         preferred_element_type=jnp.float32) + b_ref[...]


def _mm(x, W, b):
    m, din = x.shape
    dout = W.shape[1]
    return pl.pallas_call(
        _mm_body,
        grid=(m // _BLK,),
        in_specs=[
            pl.BlockSpec((_BLK, din), lambda i: (i, 0)),
            pl.BlockSpec((din, dout), lambda i: (0, 0)),
            pl.BlockSpec((1, dout), lambda i: (0, 0)),
        ],
        out_specs=pl.BlockSpec((_BLK, dout), lambda i: (i, 0)),
        out_shape=jax.ShapeDtypeStruct((m, dout), jnp.float32),
    )(x, W, b.reshape(1, dout))


def _combine_mm_body(p_ref, mt_ref, w_ref, b_ref, t_ref, h_ref):
    t = jax.nn.relu(mt_ref[...] * p_ref[...])
    t_ref[...] = t
    h_ref[...] = jnp.dot(t, w_ref[...],
                         preferred_element_type=jnp.float32) + b_ref[...]


def _combine_mm(p, Mtgt, W, b):
    din = p.shape[1]
    dout = W.shape[1]
    return pl.pallas_call(
        _combine_mm_body,
        grid=(N // _BLK,),
        in_specs=[
            pl.BlockSpec((_BLK, din), lambda i: (i, 0)),
            pl.BlockSpec((_BLK, 1), lambda i: (i, 0)),
            pl.BlockSpec((din, dout), lambda i: (0, 0)),
            pl.BlockSpec((1, dout), lambda i: (0, 0)),
        ],
        out_specs=[
            pl.BlockSpec((_BLK, din), lambda i: (i, 0)),
            pl.BlockSpec((_BLK, dout), lambda i: (i, 0)),
        ],
        out_shape=[
            jax.ShapeDtypeStruct((N, din), jnp.float32),
            jax.ShapeDtypeStruct((N, dout), jnp.float32),
        ],
    )(p, Mtgt, W, b.reshape(1, dout))


def _combine_res_mm_body(p_ref, mt_ref, r_ref, w_ref, b_ref, h_ref):
    t = jax.nn.relu(mt_ref[...] * p_ref[...]) + r_ref[...]
    h_ref[...] = jnp.dot(t, w_ref[...],
                         preferred_element_type=jnp.float32) + b_ref[...]


def _combine_res_mm(p, Mtgt, r, W, b):
    din = p.shape[1]
    dout = W.shape[1]
    return pl.pallas_call(
        _combine_res_mm_body,
        grid=(N // _BLK,),
        in_specs=[
            pl.BlockSpec((_BLK, din), lambda i: (i, 0)),
            pl.BlockSpec((_BLK, 1), lambda i: (i, 0)),
            pl.BlockSpec((_BLK, din), lambda i: (i, 0)),
            pl.BlockSpec((din, dout), lambda i: (0, 0)),
            pl.BlockSpec((1, dout), lambda i: (0, 0)),
        ],
        out_specs=pl.BlockSpec((_BLK, dout), lambda i: (i, 0)),
        out_shape=jax.ShapeDtypeStruct((N, dout), jnp.float32),
    )(p, Mtgt, r, W, b.reshape(1, dout))


def _final_body(p_ref, mt_ref, o_ref):
    y = mt_ref[...] * (p_ref[:, :NCLASS] + p_ref[:, NCLASS:])
    m = jnp.max(y, axis=1, keepdims=True)
    lse = m + jnp.log(jnp.sum(jnp.exp(y - m), axis=1, keepdims=True))
    o_ref[...] = (y - lse).T


def _final(p, Mtgt):
    return pl.pallas_call(
        _final_body,
        grid=(1,),
        in_specs=[
            pl.BlockSpec((N, 128), lambda i: (0, 0)),
            pl.BlockSpec((N, 1), lambda i: (0, 0)),
        ],
        out_specs=pl.BlockSpec((NCLASS, N), lambda i: (0, 0)),
        out_shape=jax.ShapeDtypeStruct((NCLASS, N), jnp.float32),
    )(p, Mtgt).T



def kernel(x, src, tgt, Mtgt, W0, b0, W1, b1, W2, b2):
    pad_i = jnp.arange(PAD, dtype=jnp.int32)
    src_p = jnp.concatenate([src, pad_i % N]).reshape(NROWS, K)
    src2 = jnp.stack([2 * src_p, 2 * src_p + 1])
    src2e = 2 * src_p
    tgt_p = jnp.concatenate([tgt, N + (pad_i % 16)]).reshape(NROWS, K)
    zeros64 = jnp.zeros((NACC, 64), jnp.float32)

    W2p = jnp.pad(W2, ((0, 0), (0, 128 - NCLASS)))
    b2p = jnp.pad(b2, (0, 128 - NCLASS))

    h0 = _mm(x, W0, b0)
    p0 = _sc128(h0.reshape(2 * N, 64), src2, tgt_p, zeros64)
    t1, h1 = _combine_mm(p0, Mtgt, W1, b1)
    p1 = _sc128(h1.reshape(2 * N, 64), src2, tgt_p, zeros64)
    h2 = _combine_res_mm(p1, Mtgt, t1, W2p, b2p)
    p2 = _sc64(h2.reshape(2 * N, 64), src2e, tgt_p, zeros64)
    return _final(p2, Mtgt)

# --- scband reference (transcript-rebuilt; emitter-appended) ---
"""Pipeline reference for scband-resk1-40956808135034 (READ-ONLY COPY).

The authoritative reference and input builder live on the scoring server;
editing this copy changes nothing except your own understanding.
"""

import jax, jax.numpy as jnp
import numpy as np

N_NODES = 10000
N_EDGES = 320000
NFEAT = 128
NHID = 128
NCLASS = 64

def _glorot(key, fan_in, fan_out):
    s = jnp.sqrt(6.0 / (fan_in + fan_out))
    return jax.random.uniform(key, (fan_in, fan_out), jnp.float32, -s, s)

def setup_inputs(seed: int = 0) -> dict:
    key = jax.random.key(seed)
    ks = jax.random.split(key, 10)
    x = jax.random.normal(ks[0], (N_NODES, NFEAT), jnp.float32)
    src = jax.random.randint(ks[1], (N_EDGES,), 0, N_NODES, jnp.int64 if jax.config.jax_enable_x64 else jnp.int32).astype(jnp.int32)
    tgt = jax.random.randint(ks[2], (N_EDGES,), 0, N_NODES, jnp.int64 if jax.config.jax_enable_x64 else jnp.int32).astype(jnp.int32)
    Mtgt = jax.random.uniform(ks[3], (N_NODES, 1), jnp.float32)
    W0 = _glorot(ks[4], NFEAT, NHID)
    b0 = jnp.zeros((NHID,), jnp.float32)
    W1 = _glorot(ks[5], NHID, NHID)
    b1 = jnp.zeros((NHID,), jnp.float32)
    W2 = _glorot(ks[6], NHID, NCLASS)
    b2 = jnp.zeros((NCLASS,), jnp.float32)
    return {"x": x, "src": src, "tgt": tgt, "Mtgt": Mtgt,
            "W0": W0, "b0": b0, "W1": W1, "b1": b1, "W2": W2, "b2": b2}

def _gcn(x, src, tgt, Mtgt, W, b):
    # GraphConvolution: linear transform, gather messages at src,
    # scatter-add to tgt nodes, then per-target normalization Mtgt.
    h = x @ W + b
    msgs = jnp.take(h, src, axis=0)
    agg = jax.ops.segment_sum(msgs, tgt, num_segments=N_NODES)
    return Mtgt * agg

def reference(x, src, tgt, Mtgt, W0, b0, W1, b1, W2, b2):
    # eval mode: dropout is identity
    h = jax.nn.relu(_gcn(x, src, tgt, Mtgt, W0, b0))
    r = h
    h = jax.nn.relu(_gcn(h, src, tgt, Mtgt, W1, b1))
    h = h + r
    out = _gcn(h, src, tgt, Mtgt, W2, b2)
    return jax.nn.log_softmax(out, axis=1)

if __name__ == "__main__":
    import jax
    _d = setup_inputs()
    print(jax.jit(kernel)(*tuple(_d.values())))

</pallas_src>

<mosaic_0001>
#map = affine_map<(d0, d1) -> (0, 0)>
module attributes {stable_mosaic.version = 14 : i64} {
  func.func @gcn_edge_agg_64x2(%arg0: i32, %arg1: i32, %arg2: memref<20000x64xf32, #tpu.memory_space<hbm>>, %arg3: memref<2560x128xi32, #tpu.memory_space<hbm>>, %arg4: memref<2560x128xi32, #tpu.memory_space<hbm>>, %arg5: memref<10112x64xf32, #tpu.memory_space<hbm>>, %arg6: memref<10112x128xf32, #tpu.memory_space<hbm>>, %arg7: memref<80x128xi32, #tpu.memory_space<vmem>>, %arg8: memref<80x128xi32, #tpu.memory_space<vmem>>, %arg9: memref<5x128x64xf32, #tpu.memory_space<vmem>>, %arg10: memref<10112x64xf32, #tpu.memory_space<vmem_shared>>, %arg11: memref<5x!tpu.dma_semaphore, #tpu.memory_space<semaphore_mem>>, %arg12: memref<5x!tpu.dma_semaphore, #tpu.memory_space<semaphore_mem>>) attributes {dimension_semantics = [#tpu.dimension_semantics<core_parallel>, #tpu.dimension_semantics<subcore_parallel>], iteration_bounds = array<i64: 2, 16>, scalar_prefetch = 0 : i64, scratch_operands = 6 : i64, tpu.core_type = #tpu.core_type<sc_vector_subcore>, window_params = [{transform_indices = #map}, {transform_indices = #map}, {transform_indices = #map}, {transform_indices = #map}, {transform_indices = #map}]} {
    %mul3A = arith.constant 16 : i32
    %mul3A_0 = arith.muli %arg0, %mul3A : i32
    %add3A = arith.addi %mul3A_0, %arg1 : i32
    %mul3A_1 = arith.constant 80 : i32
    %mul3A_2 = arith.muli %add3A, %mul3A_1 : i32
    %multiple_of3A = tpu.assume_multiple %mul3A_2, 8 : i32
    %dma_start3A = arith.constant 0 : i32
    %dma_start3A_3 = arith.constant 0 : i32
    %dma_start3A_4 = tpu.memref_slice %arg3[%multiple_of3A, %dma_start3A_3] : memref<2560x128xi32, #tpu.memory_space<hbm>> -> memref<80x128xi32, #tpu.memory_space<hbm>>
    %dma_start3A_5 = tpu.memref_slice %arg11[%dma_start3A] : memref<5x!tpu.dma_semaphore, #tpu.memory_space<semaphore_mem>> -> memref<1x!tpu.dma_semaphore, #tpu.memory_space<semaphore_mem>>
    %dma_start3A_6 = tpu.memref_squeeze %dma_start3A_5 : memref<1x!tpu.dma_semaphore, #tpu.memory_space<semaphore_mem>> -> memref<!tpu.dma_semaphore, #tpu.memory_space<semaphore_mem>>
    %dma_start3A_7 = arith.constant 0 : i32
    %dma_start3A_8 = tpu.memref_slice %arg3[%multiple_of3A, %dma_start3A_7] : memref<2560x128xi32, #tpu.memory_space<hbm>> -> memref<80x128xi32, #tpu.memory_space<hbm>>
    tpu.enqueue_dma source(%dma_start3A_8 : memref<80x128xi32, #tpu.memory_space<hbm>>) target(%arg7 : memref<80x128xi32, #tpu.memory_space<vmem>>) target_semaphore(%dma_start3A_6 : memref<!tpu.dma_semaphore, #tpu.memory_space<semaphore_mem>>)
    %dma_start3A_9 = arith.constant 1 : i32
    %dma_start3A_10 = arith.constant 0 : i32
    %dma_start3A_11 = tpu.memref_slice %arg4[%multiple_of3A, %dma_start3A_10] : memref<2560x128xi32, #tpu.memory_space<hbm>> -> memref<80x128xi32, #tpu.memory_space<hbm>>
    %dma_start3A_12 = tpu.memref_slice %arg11[%dma_start3A_9] : memref<5x!tpu.dma_semaphore, #tpu.memory_space<semaphore_mem>> -> memref<1x!tpu.dma_semaphore, #tpu.memory_space<semaphore_mem>>
    %dma_start3A_13 = tpu.memref_squeeze %dma_start3A_12 : memref<1x!tpu.dma_semaphore, #tpu.memory_space<semaphore_mem>> -> memref<!tpu.dma_semaphore, #tpu.memory_space<semaphore_mem>>
    %dma_start3A_14 = arith.constant 0 : i32
    %dma_start3A_15 = tpu.memref_slice %arg4[%multiple_of3A, %dma_start3A_14] : memref<2560x128xi32, #tpu.memory_space<hbm>> -> memref<80x128xi32, #tpu.memory_space<hbm>>
    tpu.enqueue_dma source(%dma_start3A_15 : memref<80x128xi32, #tpu.memory_space<hbm>>) target(%arg8 : memref<80x128xi32, #tpu.memory_space<vmem>>) target_semaphore(%dma_start3A_13 : memref<!tpu.dma_semaphore, #tpu.memory_space<semaphore_mem>>)
    %mul3A_16 = arith.constant 632 : i32
    %mul3A_17 = arith.muli %arg1, %mul3A_16 : i32
    %multiple_of3A_18 = tpu.assume_multiple %mul3A_17, 8 : i32
    %dma_start3A_19 = arith.constant 2 : i32
    %dma_start3A_20 = tpu.memref_slice %arg11[%dma_start3A_19] : memref<5x!tpu.dma_semaphore, #tpu.memory_space<semaphore_mem>> -> memref<1x!tpu.dma_semaphore, #tpu.memory_space<semaphore_mem>>
    %dma_start3A_21 = tpu.memref_squeeze %dma_start3A_20 : memref<1x!tpu.dma_semaphore, #tpu.memory_space<semaphore_mem>> -> memref<!tpu.dma_semaphore, #tpu.memory_space<semaphore_mem>>
    %dma_start3A_22 = arith.constant 0 : i32
    %dma_start3A_23 = tpu.memref_slice %arg10[%multiple_of3A_18, %dma_start3A_22] : memref<10112x64xf32, #tpu.memory_space<vmem_shared>> -> memref<632x64xf32, #tpu.memory_space<vmem_shared>>
    %dma_start3A_24 = arith.constant 0 : i32
    %dma_start3A_25 = tpu.memref_slice %arg5[%multiple_of3A_18, %dma_start3A_24] : memref<10112x64xf32, #tpu.memory_space<hbm>> -> memref<632x64xf32, #tpu.memory_space<hbm>>
    tpu.enqueue_dma source(%dma_start3A_25 : memref<632x64xf32, #tpu.memory_space<hbm>>) target(%dma_start3A_23 : memref<632x64xf32, #tpu.memory_space<vmem_shared>>) target_semaphore(%dma_start3A_21 : memref<!tpu.dma_semaphore, #tpu.memory_space<semaphore_mem>>)
    %dma_wait3A = arith.constant 0 : i32
    %dma_wait3A_26 = arith.constant 0 : i32
    %dma_wait3A_27 = tpu.memref_slice %arg3[%multiple_of3A, %dma_wait3A_26] : memref<2560x128xi32, #tpu.memory_space<hbm>> -> memref<80x128xi32, #tpu.memory_space<hbm>>
    %dma_wait3A_28 = tpu.memref_slice %arg11[%dma_wait3A] : memref<5x!tpu.dma_semaphore, #tpu.memory_space<semaphore_mem>> -> memref<1x!tpu.dma_semaphore, #tpu.memory_space<semaphore_mem>>
    %dma_wait3A_29 = tpu.memref_squeeze %dma_wait3A_28 : memref<1x!tpu.dma_semaphore, #tpu.memory_space<semaphore_mem>> -> memref<!tpu.dma_semaphore, #tpu.memory_space<semaphore_mem>>
    %dma_wait3A_30 = arith.constant 0 : i32
    %dma_wait3A_31 = tpu.memref_slice %arg3[%multiple_of3A, %dma_wait3A_30] : memref<2560x128xi32, #tpu.memory_space<hbm>> -> memref<80x128xi32, #tpu.memory_space<hbm>>
    tpu.wait_dma2 semaphore(%dma_wait3A_29 : memref<!tpu.dma_semaphore, #tpu.memory_space<semaphore_mem>>) src(%dma_wait3A_31 : memref<80x128xi32, #tpu.memory_space<hbm>>) dst(%arg7 : memref<80x128xi32, #tpu.memory_space<vmem>>)
    %dma_wait3A_32 = arith.constant 1 : i32
    %dma_wait3A_33 = arith.constant 0 : i32
    %dma_wait3A_34 = tpu.memref_slice %arg4[%multiple_of3A, %dma_wait3A_33] : memref<2560x128xi32, #tpu.memory_space<hbm>> -> memref<80x128xi32, #tpu.memory_space<hbm>>
    %dma_wait3A_35 = tpu.memref_slice %arg11[%dma_wait3A_32] : memref<5x!tpu.dma_semaphore, #tpu.memory_space<semaphore_mem>> -> memref<1x!tpu.dma_semaphore, #tpu.memory_space<semaphore_mem>>
    %dma_wait3A_36 = tpu.memref_squeeze %dma_wait3A_35 : memref<1x!tpu.dma_semaphore, #tpu.memory_space<semaphore_mem>> -> memref<!tpu.dma_semaphore, #tpu.memory_space<semaphore_mem>>
    %dma_wait3A_37 = arith.constant 0 : i32
    %dma_wait3A_38 = tpu.memref_slice %arg4[%multiple_of3A, %dma_wait3A_37] : memref<2560x128xi32, #tpu.memory_space<hbm>> -> memref<80x128xi32, #tpu.memory_space<hbm>>
    tpu.wait_dma2 semaphore(%dma_wait3A_36 : memref<!tpu.dma_semaphore, #tpu.memory_space<semaphore_mem>>) src(%dma_wait3A_38 : memref<80x128xi32, #tpu.memory_space<hbm>>) dst(%arg8 : memref<80x128xi32, #tpu.memory_space<vmem>>)
    %dma_wait3A_39 = arith.constant 2 : i32
    %dma_wait3A_40 = tpu.memref_slice %arg11[%dma_wait3A_39] : memref<5x!tpu.dma_semaphore, #tpu.memory_space<semaphore_mem>> -> memref<1x!tpu.dma_semaphore, #tpu.memory_space<semaphore_mem>>
    %dma_wait3A_41 = tpu.memref_squeeze %dma_wait3A_40 : memref<1x!tpu.dma_semaphore, #tpu.memory_space<semaphore_mem>> -> memref<!tpu.dma_semaphore, #tpu.memory_space<semaphore_mem>>
    %dma_wait3A_42 = arith.constant 0 : i32
    %dma_wait3A_43 = tpu.memref_slice %arg10[%multiple_of3A_18, %dma_wait3A_42] : memref<10112x64xf32, #tpu.memory_space<vmem_shared>> -> memref<632x64xf32, #tpu.memory_space<vmem_shared>>
    %dma_wait3A_44 = arith.constant 0 : i32
    %dma_wait3A_45 = tpu.memref_slice %arg5[%multiple_of3A_18, %dma_wait3A_44] : memref<10112x64xf32, #tpu.memory_space<hbm>> -> memref<632x64xf32, #tpu.memory_space<hbm>>
    tpu.wait_dma2 semaphore(%dma_wait3A_41 : memref<!tpu.dma_semaphore, #tpu.memory_space<semaphore_mem>>) src(%dma_wait3A_45 : memref<632x64xf32, #tpu.memory_space<hbm>>) dst(%dma_wait3A_43 : memref<632x64xf32, #tpu.memory_space<vmem_shared>>)
    %barrier3A = arith.constant 0 : index
    tpu.barrier barrier_id(%barrier3A)
    %dma_start3A_46 = arith.constant 0 : i32
    %dma_start3A_47 = arith.constant 0 : i32
    %dma_start3A_48 = arith.constant 0 : i32
    %dma_start3A_49 = arith.constant 0 : i32
    %dma_start3A_50 = arith.constant 0 : i32
    %dma_start3A_51 = tpu.memref_slice %arg9[%dma_start3A_47, %dma_start3A_49, %dma_start3A_50] : memref<5x128x64xf32, #tpu.memory_space<vmem>> -> memref<1x128x64xf32, #tpu.memory_space<vmem>>
    %dma_start3A_52 = tpu.memref_squeeze %dma_start3A_51 : memref<1x128x64xf32, #tpu.memory_space<vmem>> -> memref<128x64xf32, #tpu.memory_space<vmem>>
    %dma_start3A_53 = arith.constant 0 : i32
    %dma_start3A_54 = tpu.memref_slice %arg7[%dma_start3A_46, %dma_start3A_53] : memref<80x128xi32, #tpu.memory_space<vmem>> -> memref<1x128xi32, #tpu.memory_space<vmem>>
    %dma_start3A_55 = tpu.memref_squeeze %dma_start3A_54 : memref<1x128xi32, #tpu.memory_space<vmem>> -> memref<128xi32, #tpu.memory_space<vmem>>
    %dma_start3A_56 = arith.constant 0 : i32
    %dma_start3A_57 = arith.constant 0 : i32
    %dma_start3A_58 = tpu.memref_slice %arg2[%dma_start3A_56, %dma_start3A_57] : memref<20000x64xf32, #tpu.memory_space<hbm>> -> memref<20000x64xf32, #tpu.memory_space<hbm>>
    %dma_start3A_59 = tpu.memref_slice %arg11[%dma_start3A_48] : memref<5x!tpu.dma_semaphore, #tpu.memory_space<semaphore_mem>> -> memref<1x!tpu.dma_semaphore, #tpu.memory_space<semaphore_mem>>
    %dma_start3A_60 = tpu.memref_squeeze %dma_start3A_59 : memref<1x!tpu.dma_semaphore, #tpu.memory_space<semaphore_mem>> -> memref<!tpu.dma_semaphore, #tpu.memory_space<semaphore_mem>>
    tpu.enqueue_indirect_dma source(%dma_start3A_58 : memref<20000x64xf32, #tpu.memory_space<hbm>>) target(%dma_start3A_52 : memref<128x64xf32, #tpu.memory_space<vmem>>) offsets(%dma_start3A_55 : memref<128xi32, #tpu.memory_space<vmem>>) semaphore(%dma_start3A_60 : memref<!tpu.dma_semaphore, #tpu.memory_space<semaphore_mem>>)
    %dma_start3A_61 = arith.constant 1 : i32
    %dma_start3A_62 = arith.constant 1 : i32
    %dma_start3A_63 = arith.constant 1 : i32
    %dma_start3A_64 = arith.constant 0 : i32
    %dma_start3A_65 = arith.constant 0 : i32
    %dma_start3A_66 = tpu.memref_slice %arg9[%dma_start3A_62, %dma_start3A_64, %dma_start3A_65] : memref<5x128x64xf32, #tpu.memory_space<vmem>> -> memref<1x128x64xf32, #tpu.memory_space<vmem>>
    %dma_start3A_67 = tpu.memref_squeeze %dma_start3A_66 : memref<1x128x64xf32, #tpu.memory_space<vmem>> -> memref<128x64xf32, #tpu.memory_space<vmem>>
    %dma_start3A_68 = arith.constant 0 : i32
    %dma_start3A_69 = tpu.memref_slice %arg7[%dma_start3A_61, %dma_start3A_68] : memref<80x128xi32, #tpu.memory_space<vmem>> -> memref<1x128xi32, #tpu.memory_space<vmem>>
    %dma_start3A_70 = tpu.memref_squeeze %dma_start3A_69 : memref<1x128xi32, #tpu.memory_space<vmem>> -> memref<128xi32, #tpu.memory_space<vmem>>
    %dma_start3A_71 = arith.constant 0 : i32
    %dma_start3A_72 = arith.constant 0 : i32
    %dma_start3A_73 = tpu.memref_slice %arg2[%dma_start3A_71, %dma_start3A_72] : memref<20000x64xf32, #tpu.memory_space<hbm>> -> memref<20000x64xf32, #tpu.memory_space<hbm>>
    %dma_start3A_74 = tpu.memref_slice %arg11[%dma_start3A_63] : memref<5x!tpu.dma_semaphore, #tpu.memory_space<semaphore_mem>> -> memref<1x!tpu.dma_semaphore, #tpu.memory_space<semaphore_mem>>
    %dma_start3A_75 = tpu.memref_squeeze %dma_start3A_74 : memref<1x!tpu.dma_semaphore, #tpu.memory_space<semaphore_mem>> -> memref<!tpu.dma_semaphore, #tpu.memory_space<semaphore_mem>>
    tpu.enqueue_indirect_dma source(%dma_start3A_73 : memref<20000x64xf32, #tpu.memory_space<hbm>>) target(%dma_start3A_67 : memref<128x64xf32, #tpu.memory_space<vmem>>) offsets(%dma_start3A_70 : memref<128xi32, #tpu.memory_space<vmem>>) semaphore(%dma_start3A_75 : memref<!tpu.dma_semaphore, #tpu.memory_space<semaphore_mem>>)
    %dma_start3A_76 = arith.constant 2 : i32
    %dma_start3A_77 = arith.constant 2 : i32
    %dma_start3A_78 = arith.constant 2 : i32
    %dma_start3A_79 = arith.constant 0 : i32
    %dma_start3A_80 = arith.constant 0 : i32
    %dma_start3A_81 = tpu.memref_slice %arg9[%dma_start3A_77, %dma_start3A_79, %dma_start3A_80] : memref<5x128x64xf32, #tpu.memory_space<vmem>> -> memref<1x128x64xf32, #tpu.memory_space<vmem>>
    %dma_start3A_82 = tpu.memref_squeeze %dma_start3A_81 : memref<1x128x64xf32, #tpu.memory_space<vmem>> -> memref<128x64xf32, #tpu.memory_space<vmem>>
    %dma_start3A_83 = arith.constant 0 : i32
    %dma_start3A_84 = tpu.memref_slice %arg7[%dma_start3A_76, %dma_start3A_83] : memref<80x128xi32, #tpu.memory_space<vmem>> -> memref<1x128xi32, #tpu.memory_space<vmem>>
    %dma_start3A_85 = tpu.memref_squeeze %dma_start3A_84 : memref<1x128xi32, #tpu.memory_space<vmem>> -> memref<128xi32, #tpu.memory_space<vmem>>
    %dma_start3A_86 = arith.constant 0 : i32
    %dma_start3A_87 = arith.constant 0 : i32
    %dma_start3A_88 = tpu.memref_slice %arg2[%dma_start3A_86, %dma_start3A_87] : memref<20000x64xf32, #tpu.memory_space<hbm>> -> memref<20000x64xf32, #tpu.memory_space<hbm>>
    %dma_start3A_89 = tpu.memref_slice %arg11[%dma_start3A_78] : memref<5x!tpu.dma_semaphore, #tpu.memory_space<semaphore_mem>> -> memref<1x!tpu.dma_semaphore, #tpu.memory_space<semaphore_mem>>
    %dma_start3A_90 = tpu.memref_squeeze %dma_start3A_89 : memref<1x!tpu.dma_semaphore, #tpu.memory_space<semaphore_mem>> -> memref<!tpu.dma_semaphore, #tpu.memory_space<semaphore_mem>>
    tpu.enqueue_indirect_dma source(%dma_start3A_88 : memref<20000x64xf32, #tpu.memory_space<hbm>>) target(%dma_start3A_82 : memref<128x64xf32, #tpu.memory_space<vmem>>) offsets(%dma_start3A_85 : memref<128xi32, #tpu.memory_space<vmem>>) semaphore(%dma_start3A_90 : memref<!tpu.dma_semaphore, #tpu.memory_space<semaphore_mem>>)
    %dma_start3A_91 = arith.constant 3 : i32
    %dma_start3A_92 = arith.constant 3 : i32
    %dma_start3A_93 = arith.constant 3 : i32
    %dma_start3A_94 = arith.constant 0 : i32
    %dma_start3A_95 = arith.constant 0 : i32
    %dma_start3A_96 = tpu.memref_slice %arg9[%dma_start3A_92, %dma_start3A_94, %dma_start3A_95] : memref<5x128x64xf32, #tpu.memory_space<vmem>> -> memref<1x128x64xf32, #tpu.memory_space<vmem>>
    %dma_start3A_97 = tpu.memref_squeeze %dma_start3A_96 : memref<1x128x64xf32, #tpu.memory_space<vmem>> -> memref<128x64xf32, #tpu.memory_space<vmem>>
    %dma_start3A_98 = arith.constant 0 : i32
    %dma_start3A_99 = tpu.memref_slice %arg7[%dma_start3A_91, %dma_start3A_98] : memref<80x128xi32, #tpu.memory_space<vmem>> -> memref<1x128xi32, #tpu.memory_space<vmem>>
    %dma_start3A_100 = tpu.memref_squeeze %dma_start3A_99 : memref<1x128xi32, #tpu.memory_space<vmem>> -> memref<128xi32, #tpu.memory_space<vmem>>
    %dma_start3A_101 = arith.constant 0 : i32
    %dma_start3A_102 = arith.constant 0 : i32
    %dma_start3A_103 = tpu.memref_slice %arg2[%dma_start3A_101, %dma_start3A_102] : memref<20000x64xf32, #tpu.memory_space<hbm>> -> memref<20000x64xf32, #tpu.memory_space<hbm>>
    %dma_start3A_104 = tpu.memref_slice %arg11[%dma_start3A_93] : memref<5x!tpu.dma_semaphore, #tpu.memory_space<semaphore_mem>> -> memref<1x!tpu.dma_semaphore, #tpu.memory_space<semaphore_mem>>
    %dma_start3A_105 = tpu.memref_squeeze %dma_start3A_104 : memref<1x!tpu.dma_semaphore, #tpu.memory_space<semaphore_mem>> -> memref<!tpu.dma_semaphore, #tpu.memory_space<semaphore_mem>>
    tpu.enqueue_indirect_dma source(%dma_start3A_103 : memref<20000x64xf32, #tpu.memory_space<hbm>>) target(%dma_start3A_97 : memref<128x64xf32, #tpu.memory_space<vmem>>) offsets(%dma_start3A_100 : memref<128xi32, #tpu.memory_space<vmem>>) semaphore(%dma_start3A_105 : memref<!tpu.dma_semaphore, #tpu.memory_space<semaphore_mem>>)
    %dma_wait3A_106 = arith.constant 0 : i32
    %dma_wait3A_107 = arith.constant 0 : i32
    %dma_wait3A_108 = arith.constant 0 : i32
    %dma_wait3A_109 = arith.constant 0 : i32
    %dma_wait3A_110 = arith.constant 0 : i32
    %dma_wait3A_111 = tpu.memref_slice %arg9[%dma_wait3A_107, %dma_wait3A_109, %dma_wait3A_110] : memref<5x128x64xf32, #tpu.memory_space<vmem>> -> memref<1x128x64xf32, #tpu.memory_space<vmem>>
    %dma_wait3A_112 = tpu.memref_squeeze %dma_wait3A_111 : memref<1x128x64xf32, #tpu.memory_space<vmem>> -> memref<128x64xf32, #tpu.memory_space<vmem>>
    %dma_wait3A_113 = arith.constant 0 : i32
    %dma_wait3A_114 = tpu.memref_slice %arg7[%dma_wait3A_106, %dma_wait3A_113] : memref<80x128xi32, #tpu.memory_space<vmem>> -> memref<1x128xi32, #tpu.memory_space<vmem>>
    %dma_wait3A_115 = tpu.memref_squeeze %dma_wait3A_114 : memref<1x128xi32, #tpu.memory_space<vmem>> -> memref<128xi32, #tpu.memory_space<vmem>>
    %dma_wait3A_116 = arith.constant 0 : i32
    %dma_wait3A_117 = arith.constant 0 : i32
    %dma_wait3A_118 = tpu.memref_slice %arg2[%dma_wait3A_116, %dma_wait3A_117] : memref<20000x64xf32, #tpu.memory_space<hbm>> -> memref<20000x64xf32, #tpu.memory_space<hbm>>
    %dma_wait3A_119 = tpu.memref_slice %arg11[%dma_wait3A_108] : memref<5x!tpu.dma_semaphore, #tpu.memory_space<semaphore_mem>> -> memref<1x!tpu.dma_semaphore, #tpu.memory_space<semaphore_mem>>
    %dma_wait3A_120 = tpu.memref_squeeze %dma_wait3A_119 : memref<1x!tpu.dma_semaphore, #tpu.memory_space<semaphore_mem>> -> memref<!tpu.dma_semaphore, #tpu.memory_space<semaphore_mem>>
    tpu.wait_indirect_dma semaphore(%dma_wait3A_120 : memref<!tpu.dma_semaphore, #tpu.memory_space<semaphore_mem>>) src(%dma_wait3A_118 : memref<20000x64xf32, #tpu.memory_space<hbm>>) dst(%dma_wait3A_112 : memref<128x64xf32, #tpu.memory_space<vmem>>)
    %dma_start3A_121 = arith.constant 0 : i32
    %dma_start3A_122 = arith.constant 0 : i32
    %dma_start3A_123 = arith.constant 0 : i32
    %dma_start3A_124 = arith.constant 0 : i32
    %dma_start3A_125 = arith.constant 0 : i32
    %dma_start3A_126 = tpu.memref_slice %arg9[%dma_start3A_121, %dma_start3A_124, %dma_start3A_125] : memref<5x128x64xf32, #tpu.memory_space<vmem>> -> memref<1x128x64xf32, #tpu.memory_space<vmem>>
    %dma_start3A_127 = tpu.memref_squeeze %dma_start3A_126 : memref<1x128x64xf32, #tpu.memory_space<vmem>> -> memref<128x64xf32, #tpu.memory_space<vmem>>
    %dma_start3A_128 = arith.constant 0 : i32
    %dma_start3A_129 = tpu.memref_slice %arg8[%dma_start3A_122, %dma_start3A_128] : memref<80x128xi32, #tpu.memory_space<vmem>> -> memref<1x128xi32, #tpu.memory_space<vmem>>
    %dma_start3A_130 = tpu.memref_squeeze %dma_start3A_129 : memref<1x128xi32, #tpu.memory_space<vmem>> -> memref<128xi32, #tpu.memory_space<vmem>>
    %dma_start3A_131 = arith.constant 0 : i32
    %dma_start3A_132 = arith.constant 0 : i32
    %dma_start3A_133 = tpu.memref_slice %arg10[%dma_start3A_131, %dma_start3A_132] : memref<10112x64xf32, #tpu.memory_space<vmem_shared>> -> memref<10112x64xf32, #tpu.memory_space<vmem_shared>>
    %dma_start3A_134 = tpu.memref_slice %arg12[%dma_start3A_123] : memref<5x!tpu.dma_semaphore, #tpu.memory_space<semaphore_mem>> -> memref<1x!tpu.dma_semaphore, #tpu.memory_space<semaphore_mem>>
    %dma_start3A_135 = tpu.memref_squeeze %dma_start3A_134 : memref<1x!tpu.dma_semaphore, #tpu.memory_space<semaphore_mem>> -> memref<!tpu.dma_semaphore, #tpu.memory_space<semaphore_mem>>
    tpu.enqueue_indirect_dma source(%dma_start3A_127 : memref<128x64xf32, #tpu.memory_space<vmem>>) target(%dma_start3A_133 : memref<10112x64xf32, #tpu.memory_space<vmem_shared>>) offsets(%dma_start3A_130 : memref<128xi32, #tpu.memory_space<vmem>>) semaphore(%dma_start3A_135 : memref<!tpu.dma_semaphore, #tpu.memory_space<semaphore_mem>>) {add = true}
    %dma_start3A_136 = arith.constant 4 : i32
    %dma_start3A_137 = arith.constant 4 : i32
    %dma_start3A_138 = arith.constant 4 : i32
    %dma_start3A_139 = arith.constant 0 : i32
    %dma_start3A_140 = arith.constant 0 : i32
    %dma_start3A_141 = tpu.memref_slice %arg9[%dma_start3A_137, %dma_start3A_139, %dma_start3A_140] : memref<5x128x64xf32, #tpu.memory_space<vmem>> -> memref<1x128x64xf32, #tpu.memory_space<vmem>>
    %dma_start3A_142 = tpu.memref_squeeze %dma_start3A_141 : memref<1x128x64xf32, #tpu.memory_space<vmem>> -> memref<128x64xf32, #tpu.memory_space<vmem>>
    %dma_start3A_143 = arith.constant 0 : i32
    %dma_start3A_144 = tpu.memref_slice %arg7[%dma_start3A_136, %dma_start3A_143] : memref<80x128xi32, #tpu.memory_space<vmem>> -> memref<1x128xi32, #tpu.memory_space<vmem>>
    %dma_start3A_145 = tpu.memref_squeeze %dma_start3A_144 : memref<1x128xi32, #tpu.memory_space<vmem>> -> memref<128xi32, #tpu.memory_space<vmem>>
    %dma_start3A_146 = arith.constant 0 : i32
    %dma_start3A_147 = arith.constant 0 : i32
    %dma_start3A_148 = tpu.memref_slice %arg2[%dma_start3A_146, %dma_start3A_147] : memref<20000x64xf32, #tpu.memory_space<hbm>> -> memref<20000x64xf32, #tpu.memory_space<hbm>>
    %dma_start3A_149 = tpu.memref_slice %arg11[%dma_start3A_138] : memref<5x!tpu.dma_semaphore, #tpu.memory_space<semaphore_mem>> -> memref<1x!tpu.dma_semaphore, #tpu.memory_space<semaphore_mem>>
    %dma_start3A_150 = tpu.memref_squeeze %dma_start3A_149 : memref<1x!tpu.dma_semaphore, #tpu.memory_space<semaphore_mem>> -> memref<!tpu.dma_semaphore, #tpu.memory_space<semaphore_mem>>
    tpu.enqueue_indirect_dma source(%dma_start3A_148 : memref<20000x64xf32, #tpu.memory_space<hbm>>) target(%dma_start3A_142 : memref<128x64xf32, #tpu.memory_space<vmem>>) offsets(%dma_start3A_145 : memref<128xi32, #tpu.memory_space<vmem>>) semaphore(%dma_start3A_150 : memref<!tpu.dma_semaphore, #tpu.memory_space<semaphore_mem>>)
    %dma_wait3A_151 = arith.constant 0 : i32
    %dma_wait3A_152 = arith.constant 1 : i32
    %dma_wait3A_153 = arith.constant 1 : i32
    %dma_wait3A_154 = arith.constant 0 : i32
    %dma_wait3A_155 = arith.constant 0 : i32
    %dma_wait3A_156 = tpu.memref_slice %arg9[%dma_wait3A_152, %dma_wait3A_154, %dma_wait3A_155] : memref<5x128x64xf32, #tpu.memory_space<vmem>> -> memref<1x128x64xf32, #tpu.memory_space<vmem>>
    %dma_wait3A_157 = tpu.memref_squeeze %dma_wait3A_156 : memref<1x128x64xf32, #tpu.memory_space<vmem>> -> memref<128x64xf32, #tpu.memory_space<vmem>>
    %dma_wait3A_158 = arith.constant 0 : i32
    %dma_wait3A_159 = tpu.memref_slice %arg7[%dma_wait3A_151, %dma_wait3A_158] : memref<80x128xi32, #tpu.memory_space<vmem>> -> memref<1x128xi32, #tpu.memory_space<vmem>>
    %dma_wait3A_160 = tpu.memref_squeeze %dma_wait3A_159 : memref<1x128xi32, #tpu.memory_space<vmem>> -> memref<128xi32, #tpu.memory_space<vmem>>
    %dma_wait3A_161 = arith.constant 0 : i32
    %dma_wait3A_162 = arith.constant 0 : i32
    %dma_wait3A_163 = tpu.memref_slice %arg2[%dma_wait3A_161, %dma_wait3A_162] : memref<20000x64xf32, #tpu.memory_space<hbm>> -> memref<20000x64xf32, #tpu.memory_space<hbm>>
    %dma_wait3A_164 = tpu.memref_slice %arg11[%dma_wait3A_153] : memref<5x!tpu.dma_semaphore, #tpu.memory_space<semaphore_mem>> -> memref<1x!tpu.dma_semaphore, #tpu.memory_space<semaphore_mem>>
    %dma_wait3A_165 = tpu.memref_squeeze %dma_wait3A_164 : memref<1x!tpu.dma_semaphore, #tpu.memory_space<semaphore_mem>> -> memref<!tpu.dma_semaphore, #tpu.memory_space<semaphore_mem>>
    tpu.wait_indirect_dma semaphore(%dma_wait3A_165 : memref<!tpu.dma_semaphore, #tpu.memory_space<semaphore_mem>>) src(%dma_wait3A_163 : memref<20000x64xf32, #tpu.memory_space<hbm>>) dst(%dma_wait3A_157 : memref<128x64xf32, #tpu.memory_space<vmem>>)
    %dma_start3A_166 = arith.constant 1 : i32
    %dma_start3A_167 = arith.constant 1 : i32
    %dma_start3A_168 = arith.constant 1 : i32
    %dma_start3A_169 = arith.constant 0 : i32
    %dma_start3A_170 = arith.constant 0 : i32
    %dma_start3A_171 = tpu.memref_slice %arg9[%dma_start3A_166, %dma_start3A_169, %dma_start3A_170] : memref<5x128x64xf32, #tpu.memory_space<vmem>> -> memref<1x128x64xf32, #tpu.memory_space<vmem>>
    %dma_start3A_172 = tpu.memref_squeeze %dma_start3A_171 : memref<1x128x64xf32, #tpu.memory_space<vmem>> -> memref<128x64xf32, #tpu.memory_space<vmem>>
    %dma_start3A_173 = arith.constant 0 : i32
    %dma_start3A_174 = tpu.memref_slice %arg8[%dma_start3A_167, %dma_start3A_173] : memref<80x128xi32, #tpu.memory_space<vmem>> -> memref<1x128xi32, #tpu.memory_space<vmem>>
    %dma_start3A_175 = tpu.memref_squeeze %dma_start3A_174 : memref<1x128xi32, #tpu.memory_space<vmem>> -> memref<128xi32, #tpu.memory_space<vmem>>
    %dma_start3A_176 = arith.constant 0 : i32
    %dma_start3A_177 = arith.constant 0 : i32
    %dma_start3A_178 = tpu.memref_slice %arg10[%dma_start3A_176, %dma_start3A_177] : memref<10112x64xf32, #tpu.memory_space<vmem_shared>> -> memref<10112x64xf32, #tpu.memory_space<vmem_shared>>
    %dma_start3A_179 = tpu.memref_slice %arg12[%dma_start3A_168] : memref<5x!tpu.dma_semaphore, #tpu.memory_space<semaphore_mem>> -> memref<1x!tpu.dma_semaphore, #tpu.memory_space<semaphore_mem>>
    %dma_start3A_180 = tpu.memref_squeeze %dma_start3A_179 : memref<1x!tpu.dma_semaphore, #tpu.memory_space<semaphore_mem>> -> memref<!tpu.dma_semaphore, #tpu.memory_space<semaphore_mem>>
    tpu.enqueue_indirect_dma source(%dma_start3A_172 : memref<128x64xf32, #tpu.memory_space<vmem>>) target(%dma_start3A_178 : memref<10112x64xf32, #tpu.memory_space<vmem_shared>>) offsets(%dma_start3A_175 : memref<128xi32, #tpu.memory_space<vmem>>) semaphore(%dma_start3A_180 : memref<!tpu.dma_semaphore, #tpu.memory_space<semaphore_mem>>) {add = true}
    %dma_wait3A_181 = arith.constant 0 : i32
    %dma_wait3A_182 = arith.constant 0 : i32
    %dma_wait3A_183 = arith.constant 0 : i32
    %dma_wait3A_184 = arith.constant 0 : i32
    %dma_wait3A_185 = arith.constant 0 : i32
    %dma_wait3A_186 = tpu.memref_slice %arg9[%dma_wait3A_181, %dma_wait3A_184, %dma_wait3A_185] : memref<5x128x64xf32, #tpu.memory_space<vmem>> -> memref<1x128x64xf32, #tpu.memory_space<vmem>>
    %dma_wait3A_187 = tpu.memref_squeeze %dma_wait3A_186 : memref<1x128x64xf32, #tpu.memory_space<vmem>> -> memref<128x64xf32, #tpu.memory_space<vmem>>
    %dma_wait3A_188 = arith.constant 0 : i32
    %dma_wait3A_189 = tpu.memref_slice %arg8[%dma_wait3A_182, %dma_wait3A_188] : memref<80x128xi32, #tpu.memory_space<vmem>> -> memref<1x128xi32, #tpu.memory_space<vmem>>
    %dma_wait3A_190 = tpu.memref_squeeze %dma_wait3A_189 : memref<1x128xi32, #tpu.memory_space<vmem>> -> memref<128xi32, #tpu.memory_space<vmem>>
    %dma_wait3A_191 = arith.constant 0 : i32
    %dma_wait3A_192 = arith.constant 0 : i32
    %dma_wait3A_193 = tpu.memref_slice %arg10[%dma_wait3A_191, %dma_wait3A_192] : memref<10112x64xf32, #tpu.memory_space<vmem_shared>> -> memref<10112x64xf32, #tpu.memory_space<vmem_shared>>
    %dma_wait3A_194 = tpu.memref_slice %arg12[%dma_wait3A_183] : memref<5x!tpu.dma_semaphore, #tpu.memory_space<semaphore_mem>> -> memref<1x!tpu.dma_semaphore, #tpu.memory_space<semaphore_mem>>
    %dma_wait3A_195 = tpu.memref_squeeze %dma_wait3A_194 : memref<1x!tpu.dma_semaphore, #tpu.memory_space<semaphore_mem>> -> memref<!tpu.dma_semaphore, #tpu.memory_space<semaphore_mem>>
    tpu.wait_indirect_dma semaphore(%dma_wait3A_195 : memref<!tpu.dma_semaphore, #tpu.memory_space<semaphore_mem>>) src(%dma_wait3A_187 : memref<128x64xf32, #tpu.memory_space<vmem>>) dst(%dma_wait3A_193 : memref<10112x64xf32, #tpu.memory_space<vmem_shared>>)
    %dma_start3A_196 = arith.constant 5 : i32
    %dma_start3A_197 = arith.constant 0 : i32
    %dma_start3A_198 = arith.constant 0 : i32
    %dma_start3A_199 = arith.constant 0 : i32
    %dma_start3A_200 = arith.constant 0 : i32
    %dma_start3A_201 = tpu.memref_slice %arg9[%dma_start3A_197, %dma_start3A_199, %dma_start3A_200] : memref<5x128x64xf32, #tpu.memory_space<vmem>> -> memref<1x128x64xf32, #tpu.memory_space<vmem>>
    %dma_start3A_202 = tpu.memref_squeeze %dma_start3A_201 : memref<1x128x64xf32, #tpu.memory_space<vmem>> -> memref<128x64xf32, #tpu.memory_space<vmem>>
    %dma_start3A_203 = arith.constant 0 : i32
    %dma_start3A_204 = tpu.memref_slice %arg7[%dma_start3A_196, %dma_start3A_203] : memref<80x128xi32, #tpu.memory_space<vmem>> -> memref<1x128xi32, #tpu.memory_space<vmem>>
    %dma_start3A_205 = tpu.memref_squeeze %dma_start3A_204 : memref<1x128xi32, #tpu.memory_space<vmem>> -> memref<128xi32, #tpu.memory_space<vmem>>
    %dma_start3A_206 = arith.constant 0 : i32
    %dma_start3A_207 = arith.constant 0 : i32
    %dma_start3A_208 = tpu.memref_slice %arg2[%dma_start3A_206, %dma_start3A_207] : memref<20000x64xf32, #tpu.memory_space<hbm>> -> memref<20000x64xf32, #tpu.memory_space<hbm>>
    %dma_start3A_209 = tpu.memref_slice %arg11[%dma_start3A_198] : memref<5x!tpu.dma_semaphore, #tpu.memory_space<semaphore_mem>> -> memref<1x!tpu.dma_semaphore, #tpu.memory_space<semaphore_mem>>
    %dma_start3A_210 = tpu.memref_squeeze %dma_start3A_209 : memref<1x!tpu.dma_semaphore, #tpu.memory_space<semaphore_mem>> -> memref<!tpu.dma_semaphore, #tpu.memory_space<semaphore_mem>>
    tpu.enqueue_indirect_dma source(%dma_start3A_208 : memref<20000x64xf32, #tpu.memory_space<hbm>>) target(%dma_start3A_202 : memref<128x64xf32, #tpu.memory_space<vmem>>) offsets(%dma_start3A_205 : memref<128xi32, #tpu.memory_space<vmem>>) semaphore(%dma_start3A_210 : memref<!tpu.dma_semaphore, #tpu.memory_space<semaphore_mem>>)
    %dma_wait3A_211 = arith.constant 0 : i32
    %dma_wait3A_212 = arith.constant 2 : i32
    %dma_wait3A_213 = arith.constant 2 : i32
    %dma_wait3A_214 = arith.constant 0 : i32
    %dma_wait3A_215 = arith.constant 0 : i32
    %dma_wait3A_216 = tpu.memref_slice %arg9[%dma_wait3A_212, %dma_wait3A_214, %dma_wait3A_215] : memref<5x128x64xf32, #tpu.memory_space<vmem>> -> memref<1x128x64xf32, #tpu.memory_space<vmem>>
    %dma_wait3A_217 = tpu.memref_squeeze %dma_wait3A_216 : memref<1x128x64xf32, #tpu.memory_space<vmem>> -> memref<128x64xf32, #tpu.memory_space<vmem>>
    %dma_wait3A_218 = arith.constant 0 : i32
    %dma_wait3A_219 = tpu.memref_slice %arg7[%dma_wait3A_211, %dma_wait3A_218] : memref<80x128xi32, #tpu.memory_space<vmem>> -> memref<1x128xi32, #tpu.memory_space<vmem>>
    %dma_wait3A_220 = tpu.memref_squeeze %dma_wait3A_219 : memref<1x128xi32, #tpu.memory_space<vmem>> -> memref<128xi32, #tpu.memory_space<vmem>>
    %dma_wait3A_221 = arith.constant 0 : i32
    %dma_wait3A_222 = arith.constant 0 : i32
    %dma_wait3A_223 = tpu.memref_slice %arg2[%dma_wait3A_221, %dma_wait3A_222] : memref<20000x64xf32, #tpu.memory_space<hbm>> -> memref<20000x64xf32, #tpu.memory_space<hbm>>
    %dma_wait3A_224 = tpu.memref_slice %arg11[%dma_wait3A_213] : memref<5x!tpu.dma_semaphore, #tpu.memory_space<semaphore_mem>> -> memref<1x!tpu.dma_semaphore, #tpu.memory_space<semaphore_mem>>
    %dma_wait3A_225 = tpu.memref_squeeze %dma_wait3A_224 : memref<1x!tpu.dma_semaphore, #tpu.memory_space<semaphore_mem>> -> memref<!tpu.dma_semaphore, #tpu.memory_space<semaphore_mem>>
    tpu.wait_indirect_dma semaphore(%dma_wait3A_225 : memref<!tpu.dma_semaphore, #tpu.memory_space<semaphore_mem>>) src(%dma_wait3A_223 : memref<20000x64xf32, #tpu.memory_space<hbm>>) dst(%dma_wait3A_217 : memref<128x64xf32, #tpu.memory_space<vmem>>)
    %dma_start3A_226 = arith.constant 2 : i32
    %dma_start3A_227 = arith.constant 2 : i32
    %dma_start3A_228 = arith.constant 2 : i32
    %dma_start3A_229 = arith.constant 0 : i32
    %dma_start3A_230 = arith.constant 0 : i32
    %dma_start3A_231 = tpu.memref_slice %arg9[%dma_start3A_226, %dma_start3A_229, %dma_start3A_230] : memref<5x128x64xf32, #tpu.memory_space<vmem>> -> memref<1x128x64xf32, #tpu.memory_space<vmem>>
    %dma_start3A_232 = tpu.memref_squeeze %dma_start3A_231 : memref<1x128x64xf32, #tpu.memory_space<vmem>> -> memref<128x64xf32, #tpu.memory_space<vmem>>
    %dma_start3A_233 = arith.constant 0 : i32
    %dma_start3A_234 = tpu.memref_slice %arg8[%dma_start3A_227, %dma_start3A_233] : memref<80x128xi32, #tpu.memory_space<vmem>> -> memref<1x128xi32, #tpu.memory_space<vmem>>
    %dma_start3A_235 = tpu.memref_squeeze %dma_start3A_234 : memref<1x128xi32, #tpu.memory_space<vmem>> -> memref<128xi32, #tpu.memory_space<vmem>>
    %dma_start3A_236 = arith.constant 0 : i32
    %dma_start3A_237 = arith.constant 0 : i32
    %dma_start3A_238 = tpu.memref_slice %arg10[%dma_start3A_236, %dma_start3A_237] : memref<10112x64xf32, #tpu.memory_space<vmem_shared>> -> memref<10112x64xf32, #tpu.memory_space<vmem_shared>>
    %dma_start3A_239 = tpu.memref_slice %arg12[%dma_start3A_228] : memref<5x!tpu.dma_semaphore, #tpu.memory_space<semaphore_mem>> -> memref<1x!tpu.dma_semaphore, #tpu.memory_space<semaphore_mem>>
    %dma_start3A_240 = tpu.memref_squeeze %dma_start3A_239 : memref<1x!tpu.dma_semaphore, #tpu.memory_space<semaphore_mem>> -> memref<!tpu.dma_semaphore, #tpu.memory_space<semaphore_mem>>
    tpu.enqueue_indirect_dma source(%dma_start3A_232 : memref<128x64xf32, #tpu.memory_space<vmem>>) target(%dma_start3A_238 : memref<10112x64xf32, #tpu.memory_space<vmem_shared>>) offsets(%dma_start3A_235 : memref<128xi32, #tpu.memory_space<vmem>>) semaphore(%dma_start3A_240 : memref<!tpu.dma_semaphore, #tpu.memory_space<semaphore_mem>>) {add = true}
    %dma_wait3A_241 = arith.constant 1 : i32
    %dma_wait3A_242 = arith.constant 0 : i32
    %dma_wait3A_243 = arith.constant 1 : i32
    %dma_wait3A_244 = arith.constant 0 : i32
    %dma_wait3A_245 = arith.constant 0 : i32
    %dma_wait3A_246 = tpu.memref_slice %arg9[%dma_wait3A_241, %dma_wait3A_244, %dma_wait3A_245] : memref<5x128x64xf32, #tpu.memory_space<vmem>> -> memref<1x128x64xf32, #tpu.memory_space<vmem>>
    %dma_wait3A_247 = tpu.memref_squeeze %dma_wait3A_246 : memref<1x128x64xf32, #tpu.memory_space<vmem>> -> memref<128x64xf32, #tpu.memory_space<vmem>>
    %dma_wait3A_248 = arith.constant 0 : i32
    %dma_wait3A_249 = tpu.memref_slice %arg8[%dma_wait3A_242, %dma_wait3A_248] : memref<80x128xi32, #tpu.memory_space<vmem>> -> memref<1x128xi32, #tpu.memory_space<vmem>>
    %dma_wait3A_250 = tpu.memref_squeeze %dma_wait3A_249 : memref<1x128xi32, #tpu.memory_space<vmem>> -> memref<128xi32, #tpu.memory_space<vmem>>
    %dma_wait3A_251 = arith.constant 0 : i32
    %dma_wait3A_252 = arith.constant 0 : i32
    %dma_wait3A_253 = tpu.memref_slice %arg10[%dma_wait3A_251, %dma_wait3A_252] : memref<10112x64xf32, #tpu.memory_space<vmem_shared>> -> memref<10112x64xf32, #tpu.memory_space<vmem_shared>>
    %dma_wait3A_254 = tpu.memref_slice %arg12[%dma_wait3A_243] : memref<5x!tpu.dma_semaphore, #tpu.memory_space<semaphore_mem>> -> memref<1x!tpu.dma_semaphore, #tpu.memory_space<semaphore_mem>>
    %dma_wait3A_255 = tpu.memref_squeeze %dma_wait3A_254 : memref<1x!tpu.dma_semaphore, #tpu.memory_space<semaphore_mem>> -> memref<!tpu.dma_semaphore, #tpu.memory_space<semaphore_mem>>
    tpu.wait_indirect_dma semaphore(%dma_wait3A_255 : memref<!tpu.dma_semaphore, #tpu.memory_space<semaphore_mem>>) src(%dma_wait3A_247 : memref<128x64xf32, #tpu.memory_space<vmem>>) dst(%dma_wait3A_253 : memref<10112x64xf32, #tpu.memory_space<vmem_shared>>)
    %dma_start3A_256 = arith.constant 6 : i32
    %dma_start3A_257 = arith.constant 1 : i32
    %dma_start3A_258 = arith.constant 1 : i32
    %dma_start3A_259 = arith.constant 0 : i32
    %dma_start3A_260 = arith.constant 0 : i32
    %dma_start3A_261 = tpu.memref_slice %arg9[%dma_start3A_257, %dma_start3A_259, %dma_start3A_260] : memref<5x128x64xf32, #tpu.memory_space<vmem>> -> memref<1x128x64xf32, #tpu.memory_space<vmem>>
    %dma_start3A_262 = tpu.memref_squeeze %dma_start3A_261 : memref<1x128x64xf32, #tpu.memory_space<vmem>> -> memref<128x64xf32, #tpu.memory_space<vmem>>
    %dma_start3A_263 = arith.constant 0 : i32
    %dma_start3A_264 = tpu.memref_slice %arg7[%dma_start3A_256, %dma_start3A_263] : memref<80x128xi32, #tpu.memory_space<vmem>> -> memref<1x128xi32, #tpu.memory_space<vmem>>
    %dma_start3A_265 = tpu.memref_squeeze %dma_start3A_264 : memref<1x128xi32, #tpu.memory_space<vmem>> -> memref<128xi32, #tpu.memory_space<vmem>>
    %dma_start3A_266 = arith.constant 0 : i32
    %dma_start3A_267 = arith.constant 0 : i32
    %dma_start3A_268 = tpu.memref_slice %arg2[%dma_start3A_266, %dma_start3A_267] : memref<20000x64xf32, #tpu.memory_space<hbm>> -> memref<20000x64xf32, #tpu.memory_space<hbm>>
    %dma_start3A_269 = tpu.memref_slice %arg11[%dma_start3A_258] : memref<5x!tpu.dma_semaphore, #tpu.memory_space<semaphore_mem>> -> memref<1x!tpu.dma_semaphore, #tpu.memory_space<semaphore_mem>>
    %dma_start3A_270 = tpu.memref_squeeze %dma_start3A_269 : memref<1x!tpu.dma_semaphore, #tpu.memory_space<semaphore_mem>> -> memref<!tpu.dma_semaphore, #tpu.memory_space<semaphore_mem>>
    tpu.enqueue_indirect_dma source(%dma_start3A_268 : memref<20000x64xf32, #tpu.memory_space<hbm>>) target(%dma_start3A_262 : memref<128x64xf32, #tpu.memory_space<vmem>>) offsets(%dma_start3A_265 : memref<128xi32, #tpu.memory_space<vmem>>) semaphore(%dma_start3A_270 : memref<!tpu.dma_semaphore, #tpu.memory_space<semaphore_mem>>)
    %dma_wait3A_271 = arith.constant 0 : i32
    %dma_wait3A_272 = arith.constant 3 : i32
    %dma_wait3A_273 = arith.constant 3 : i32
    %dma_wait3A_274 = arith.constant 0 : i32
    %dma_wait3A_275 = arith.constant 0 : i32
    %dma_wait3A_276 = tpu.memref_slice %arg9[%dma_wait3A_272, %dma_wait3A_274, %dma_wait3A_275] : memref<5x128x64xf32, #tpu.memory_space<vmem>> -> memref<1x128x64xf32, #tpu.memory_space<vmem>>
    %dma_wait3A_277 = tpu.memref_squeeze %dma_wait3A_276 : memref<1x128x64xf32, #tpu.memory_space<vmem>> -> memref<128x64xf32, #tpu.memory_space<vmem>>
    %dma_wait3A_278 = arith.constant 0 : i32
    %dma_wait3A_279 = tpu.memref_slice %arg7[%dma_wait3A_271, %dma_wait3A_278] : memref<80x128xi32, #tpu.memory_space<vmem>> -> memref<1x128xi32, #tpu.memory_space<vmem>>
    %dma_wait3A_280 = tpu.memref_squeeze %dma_wait3A_279 : memref<1x128xi32, #tpu.memory_space<vmem>> -> memref<128xi32, #tpu.memory_space<vmem>>
    %dma_wait3A_281 = arith.constant 0 : i32
    %dma_wait3A_282 = arith.constant 0 : i32
    %dma_wait3A_283 = tpu.memref_slice %arg2[%dma_wait3A_281, %dma_wait3A_282] : memref<20000x64xf32, #tpu.memory_space<hbm>> -> memref<20000x64xf32, #tpu.memory_space<hbm>>
    %dma_wait3A_284 = tpu.memref_slice %arg11[%dma_wait3A_273] : memref<5x!tpu.dma_semaphore, #tpu.memory_space<semaphore_mem>> -> memref<1x!tpu.dma_semaphore, #tpu.memory_space<semaphore_mem>>
    %dma_wait3A_285 = tpu.memref_squeeze %dma_wait3A_284 : memref<1x!tpu.dma_semaphore, #tpu.memory_space<semaphore_mem>> -> memref<!tpu.dma_semaphore, #tpu.memory_space<semaphore_mem>>
    tpu.wait_indirect_dma semaphore(%dma_wait3A_285 : memref<!tpu.dma_semaphore, #tpu.memory_space<semaphore_mem>>) src(%dma_wait3A_283 : memref<20000x64xf32, #tpu.memory_space<hbm>>) dst(%dma_wait3A_277 : memref<128x64xf32, #tpu.memory_space<vmem>>)
    %dma_start3A_286 = arith.constant 3 : i32
    %dma_start3A_287 = arith.constant 3 : i32
    %dma_start3A_288 = arith.constant 3 : i32
    %dma_start3A_289 = arith.constant 0 : i32
    %dma_start3A_290 = arith.constant 0 : i32
    %dma_start3A_291 = tpu.memref_slice %arg9[%dma_start3A_286, %dma_start3A_289, %dma_start3A_290] : memref<5x128x64xf32, #tpu.memory_space<vmem>> -> memref<1x128x64xf32, #tpu.memory_space<vmem>>
    %dma_start3A_292 = tpu.memref_squeeze %dma_start3A_291 : memref<1x128x64xf32, #tpu.memory_space<vmem>> -> memref<128x64xf32, #tpu.memory_space<vmem>>
    %dma_start3A_293 = arith.constant 0 : i32
    %dma_start3A_294 = tpu.memref_slice %arg8[%dma_start3A_287, %dma_start3A_293] : memref<80x128xi32, #tpu.memory_space<vmem>> -> memref<1x128xi32, #tpu.memory_space<vmem>>
    %dma_start3A_295 = tpu.memref_squeeze %dma_start3A_294 : memref<1x128xi32, #tpu.memory_space<vmem>> -> memref<128xi32, #tpu.memory_space<vmem>>
    %dma_start3A_296 = arith.constant 0 : i32
    %dma_start3A_297 = arith.constant 0 : i32
    %dma_start3A_298 = tpu.memref_slice %arg10[%dma_start3A_296, %dma_start3A_297] : memref<10112x64xf32, #tpu.memory_space<vmem_shared>> -> memref<10112x64xf32, #tpu.memory_space<vmem_shared>>
    %dma_start3A_299 = tpu.memref_slice %arg12[%dma_start3A_288] : memref<5x!tpu.dma_semaphore, #tpu.memory_space<semaphore_mem>> -> memref<1x!tpu.dma_semaphore, #tpu.memory_space<semaphore_mem>>
    %dma_start3A_300 = tpu.memref_squeeze %dma_start3A_299 : memref<1x!tpu.dma_semaphore, #tpu.memory_space<semaphore_mem>> -> memref<!tpu.dma_semaphore, #tpu.memory_space<semaphore_mem>>
    tpu.enqueue_indirect_dma source(%dma_start3A_292 : memref<128x64xf32, #tpu.memory_space<vmem>>) target(%dma_start3A_298 : memref<10112x64xf32, #tpu.memory_space<vmem_shared>>) offsets(%dma_start3A_295 : memref<128xi32, #tpu.memory_space<vmem>>) semaphore(%dma_start3A_300 : memref<!tpu.dma_semaphore, #tpu.memory_space<semaphore_mem>>) {add = true}
    %dma_wait3A_301 = arith.constant 2 : i32
    %dma_wait3A_302 = arith.constant 0 : i32
    %dma_wait3A_303 = arith.constant 2 : i32
    %dma_wait3A_304 = arith.constant 0 : i32
    %dma_wait3A_305 = arith.constant 0 : i32
    %dma_wait3A_306 = tpu.memref_slice %arg9[%dma_wait3A_301, %dma_wait3A_304, %dma_wait3A_305] : memref<5x128x64xf32, #tpu.memory_space<vmem>> -> memref<1x128x64xf32, #tpu.memory_space<vmem>>
    %dma_wait3A_307 = tpu.memref_squeeze %dma_wait3A_306 : memref<1x128x64xf32, #tpu.memory_space<vmem>> -> memref<128x64xf32, #tpu.memory_space<vmem>>
    %dma_wait3A_308 = arith.constant 0 : i32
    %dma_wait3A_309 = tpu.memref_slice %arg8[%dma_wait3A_302, %dma_wait3A_308] : memref<80x128xi32, #tpu.memory_space<vmem>> -> memref<1x128xi32, #tpu.memory_space<vmem>>
    %dma_wait3A_310 = tpu.memref_squeeze %dma_wait3A_309 : memref<1x128xi32, #tpu.memory_space<vmem>> -> memref<128xi32, #tpu.memory_space<vmem>>
    %dma_wait3A_311 = arith.constant 0 : i32
    %dma_wait3A_312 = arith.constant 0 : i32
    %dma_wait3A_313 = tpu.memref_slice %arg10[%dma_wait3A_311, %dma_wait3A_312] : memref<10112x64xf32, #tpu.memory_space<vmem_shared>> -> memref<10112x64xf32, #tpu.memory_space<vmem_shared>>
    %dma_wait3A_314 = tpu.memref_slice %arg12[%dma_wait3A_303] : memref<5x!tpu.dma_semaphore, #tpu.memory_space<semaphore_mem>> -> memref<1x!tpu.dma_semaphore, #tpu.memory_space<semaphore_mem>>
    %dma_wait3A_315 = tpu.memref_squeeze %dma_wait3A_314 : memref<1x!tpu.dma_semaphore, #tpu.memory_space<semaphore_mem>> -> memref<!tpu.dma_semaphore, #tpu.memory_space<semaphore_mem>>
    tpu.wait_indirect_dma semaphore(%dma_wait3A_315 : memref<!tpu.dma_semaphore, #tpu.memory_space<semaphore_mem>>) src(%dma_wait3A_307 : memref<128x64xf32, #tpu.memory_space<vmem>>) dst(%dma_wait3A_313 : memref<10112x64xf32, #tpu.memory_space<vmem_shared>>)
    %dma_start3A_316 = arith.constant 7 : i32
    %dma_start3A_317 = arith.constant 2 : i32
    %dma_start3A_318 = arith.constant 2 : i32
    %dma_start3A_319 = arith.constant 0 : i32
    %dma_start3A_320 = arith.constant 0 : i32
    %dma_start3A_321 = tpu.memref_slice %arg9[%dma_start3A_317, %dma_start3A_319, %dma_start3A_320] : memref<5x128x64xf32, #tpu.memory_space<vmem>> -> memref<1x128x64xf32, #tpu.memory_space<vmem>>
    %dma_start3A_322 = tpu.memref_squeeze %dma_start3A_321 : memref<1x128x64xf32, #tpu.memory_space<vmem>> -> memref<128x64xf32, #tpu.memory_space<vmem>>
    %dma_start3A_323 = arith.constant 0 : i32
    %dma_start3A_324 = tpu.memref_slice %arg7[%dma_start3A_316, %dma_start3A_323] : memref<80x128xi32, #tpu.memory_space<vmem>> -> memref<1x128xi32, #tpu.memory_space<vmem>>
    %dma_start3A_325 = tpu.memref_squeeze %dma_start3A_324 : memref<1x128xi32, #tpu.memory_space<vmem>> -> memref<128xi32, #tpu.memory_space<vmem>>
    %dma_start3A_326 = arith.constant 0 : i32
    %dma_start3A_327 = arith.constant 0 : i32
    %dma_start3A_328 = tpu.memref_slice %arg2[%dma_start3A_326, %dma_start3A_327] : memref<20000x64xf32, #tpu.memory_space<hbm>> -> memref<20000x64xf32, #tpu.memory_space<hbm>>
    %dma_start3A_329 = tpu.memref_slice %arg11[%dma_start3A_318] : memref<5x!tpu.dma_semaphore, #tpu.memory_space<semaphore_mem>> -> memref<1x!tpu.dma_semaphore, #tpu.memory_space<semaphore_mem>>
    %dma_start3A_330 = tpu.memref_squeeze %dma_start3A_329 : memref<1x!tpu.dma_semaphore, #tpu.memory_space<semaphore_mem>> -> memref<!tpu.dma_semaphore, #tpu.memory_space<semaphore_mem>>
    tpu.enqueue_indirect_dma source(%dma_start3A_328 : memref<20000x64xf32, #tpu.memory_space<hbm>>) target(%dma_start3A_322 : memref<128x64xf32, #tpu.memory_space<vmem>>) offsets(%dma_start3A_325 : memref<128xi32, #tpu.memory_space<vmem>>) semaphore(%dma_start3A_330 : memref<!tpu.dma_semaphore, #tpu.memory_space<semaphore_mem>>)
    %dma_wait3A_331 = arith.constant 0 : i32
    %dma_wait3A_332 = arith.constant 4 : i32
    %dma_wait3A_333 = arith.constant 4 : i32
    %dma_wait3A_334 = arith.constant 0 : i32
    %dma_wait3A_335 = arith.constant 0 : i32
    %dma_wait3A_336 = tpu.memref_slice %arg9[%dma_wait3A_332, %dma_wait3A_334, %dma_wait3A_335] : memref<5x128x64xf32, #tpu.memory_space<vmem>> -> memref<1x128x64xf32, #tpu.memory_space<vmem>>
    %dma_wait3A_337 = tpu.memref_squeeze %dma_wait3A_336 : memref<1x128x64xf32, #tpu.memory_space<vmem>> -> memref<128x64xf32, #tpu.memory_space<vmem>>
    %dma_wait3A_338 = arith.constant 0 : i32
    %dma_wait3A_339 = tpu.memref_slice %arg7[%dma_wait3A_331, %dma_wait3A_338] : memref<80x128xi32, #tpu.memory_space<vmem>> -> memref<1x128xi32, #tpu.memory_space<vmem>>
    %dma_wait3A_340 = tpu.memref_squeeze %dma_wait3A_339 : memref<1x128xi32, #tpu.memory_space<vmem>> -> memref<128xi32, #tpu.memory_space<vmem>>
    %dma_wait3A_341 = arith.constant 0 : i32
    %dma_wait3A_342 = arith.constant 0 : i32
    %dma_wait3A_343 = tpu.memref_slice %arg2[%dma_wait3A_341, %dma_wait3A_342] : memref<20000x64xf32, #tpu.memory_space<hbm>> -> memref<20000x64xf32, #tpu.memory_space<hbm>>
    %dma_wait3A_344 = tpu.memref_slice %arg11[%dma_wait3A_333] : memref<5x!tpu.dma_semaphore, #tpu.memory_space<semaphore_mem>> -> memref<1x!tpu.dma_semaphore, #tpu.memory_space<semaphore_mem>>
    %dma_wait3A_345 = tpu.memref_squeeze %dma_wait3A_344 : memref<1x!tpu.dma_semaphore, #tpu.memory_space<semaphore_mem>> -> memref<!tpu.dma_semaphore, #tpu.memory_space<semaphore_mem>>
    tpu.wait_indirect_dma semaphore(%dma_wait3A_345 : memref<!tpu.dma_semaphore, #tpu.memory_space<semaphore_mem>>) src(%dma_wait3A_343 : memref<20000x64xf32, #tpu.memory_space<hbm>>) dst(%dma_wait3A_337 : memref<128x64xf32, #tpu.memory_space<vmem>>)
    %dma_start3A_346 = arith.constant 4 : i32
    %dma_start3A_347 = arith.constant 4 : i32
    %dma_start3A_348 = arith.constant 4 : i32
    %dma_start3A_349 = arith.constant 0 : i32
    %dma_start3A_350 = arith.constant 0 : i32
    %dma_start3A_351 = tpu.memref_slice %arg9[%dma_start3A_346, %dma_start3A_349, %dma_start3A_350] : memref<5x128x64xf32, #tpu.memory_space<vmem>> -> memref<1x128x64xf32, #tpu.memory_space<vmem>>
    %dma_start3A_352 = tpu.memref_squeeze %dma_start3A_351 : memref<1x128x64xf32, #tpu.memory_space<vmem>> -> memref<128x64xf32, #tpu.memory_space<vmem>>
    %dma_start3A_353 = arith.constant 0 : i32
    %dma_start3A_354 = tpu.memref_slice %arg8[%dma_start3A_347, %dma_start3A_353] : memref<80x128xi32, #tpu.memory_space<vmem>> -> memref<1x128xi32, #tpu.memory_space<vmem>>
    %dma_start3A_355 = tpu.memref_squeeze %dma_start3A_354 : memref<1x128xi32, #tpu.memory_space<vmem>> -> memref<128xi32, #tpu.memory_space<vmem>>
    %dma_start3A_356 = arith.constant 0 : i32
    %dma_start3A_357 = arith.constant 0 : i32
    %dma_start3A_358 = tpu.memref_slice %arg10[%dma_start3A_356, %dma_start3A_357] : memref<10112x64xf32, #tpu.memory_space<vmem_shared>> -> memref<10112x64xf32, #tpu.memory_space<vmem_shared>>
    %dma_start3A_359 = tpu.memref_slice %arg12[%dma_start3A_348] : memref<5x!tpu.dma_semaphore, #tpu.memory_space<semaphore_mem>> -> memref<1x!tpu.dma_semaphore, #tpu.memory_space<semaphore_mem>>
    %dma_start3A_360 = tpu.memref_squeeze %dma_start3A_359 : memref<1x!tpu.dma_semaphore, #tpu.memory_space<semaphore_mem>> -> memref<!tpu.dma_semaphore, #tpu.memory_space<semaphore_mem>>
    tpu.enqueue_indirect_dma source(%dma_start3A_352 : memref<128x64xf32, #tpu.memory_space<vmem>>) target(%dma_start3A_358 : memref<10112x64xf32, #tpu.memory_space<vmem_shared>>) offsets(%dma_start3A_355 : memref<128xi32, #tpu.memory_space<vmem>>) semaphore(%dma_start3A_360 : memref<!tpu.dma_semaphore, #tpu.memory_space<semaphore_mem>>) {add = true}
    %dma_wait3A_361 = arith.constant 3 : i32
    %dma_wait3A_362 = arith.constant 0 : i32
    %dma_wait3A_363 = arith.constant 3 : i32
    %dma_wait3A_364 = arith.constant 0 : i32
    %dma_wait3A_365 = arith.constant 0 : i32
    %dma_wait3A_366 = tpu.memref_slice %arg9[%dma_wait3A_361, %dma_wait3A_364, %dma_wait3A_365] : memref<5x128x64xf32, #tpu.memory_space<vmem>> -> memref<1x128x64xf32, #tpu.memory_space<vmem>>
    %dma_wait3A_367 = tpu.memref_squeeze %dma_wait3A_366 : memref<1x128x64xf32, #tpu.memory_space<vmem>> -> memref<128x64xf32, #tpu.memory_space<vmem>>
    %dma_wait3A_368 = arith.constant 0 : i32
    %dma_wait3A_369 = tpu.memref_slice %arg8[%dma_wait3A_362, %dma_wait3A_368] : memref<80x128xi32, #tpu.memory_space<vmem>> -> memref<1x128xi32, #tpu.memory_space<vmem>>
    %dma_wait3A_370 = tpu.memref_squeeze %dma_wait3A_369 : memref<1x128xi32, #tpu.memory_space<vmem>> -> memref<128xi32, #tpu.memory_space<vmem>>
    %dma_wait3A_371 = arith.constant 0 : i32
    %dma_wait3A_372 = arith.constant 0 : i32
    %dma_wait3A_373 = tpu.memref_slice %arg10[%dma_wait3A_371, %dma_wait3A_372] : memref<10112x64xf32, #tpu.memory_space<vmem_shared>> -> memref<10112x64xf32, #tpu.memory_space<vmem_shared>>
    %dma_wait3A_374 = tpu.memref_slice %arg12[%dma_wait3A_363] : memref<5x!tpu.dma_semaphore, #tpu.memory_space<semaphore_mem>> -> memref<1x!tpu.dma_semaphore, #tpu.memory_space<semaphore_mem>>
    %dma_wait3A_375 = tpu.memref_squeeze %dma_wait3A_374 : memref<1x!tpu.dma_semaphore, #tpu.memory_space<semaphore_mem>> -> memref<!tpu.dma_semaphore, #tpu.memory_space<semaphore_mem>>
    tpu.wait_indirect_dma semaphore(%dma_wait3A_375 : memref<!tpu.dma_semaphore, #tpu.memory_space<semaphore_mem>>) src(%dma_wait3A_367 : memref<128x64xf32, #tpu.memory_space<vmem>>) dst(%dma_wait3A_373 : memref<10112x64xf32, #tpu.memory_space<vmem_shared>>)
    %dma_start3A_376 = arith.constant 8 : i32
    %dma_start3A_377 = arith.constant 3 : i32
    %dma_start3A_378 = arith.constant 3 : i32
    %dma_start3A_379 = arith.constant 0 : i32
    %dma_start3A_380 = arith.constant 0 : i32
    %dma_start3A_381 = tpu.memref_slice %arg9[%dma_start3A_377, %dma_start3A_379, %dma_start3A_380] : memref<5x128x64xf32, #tpu.memory_space<vmem>> -> memref<1x128x64xf32, #tpu.memory_space<vmem>>
    %dma_start3A_382 = tpu.memref_squeeze %dma_start3A_381 : memref<1x128x64xf32, #tpu.memory_space<vmem>> -> memref<128x64xf32, #tpu.memory_space<vmem>>
    %dma_start3A_383 = arith.constant 0 : i32
    %dma_start3A_384 = tpu.memref_slice %arg7[%dma_start3A_376, %dma_start3A_383] : memref<80x128xi32, #tpu.memory_space<vmem>> -> memref<1x128xi32, #tpu.memory_space<vmem>>
    %dma_start3A_385 = tpu.memref_squeeze %dma_start3A_384 : memref<1x128xi32, #tpu.memory_space<vmem>> -> memref<128xi32, #tpu.memory_space<vmem>>
    %dma_start3A_386 = arith.constant 0 : i32
    %dma_start3A_387 = arith.constant 0 : i32
    %dma_start3A_388 = tpu.memref_slice %arg2[%dma_start3A_386, %dma_start3A_387] : memref<20000x64xf32, #tpu.memory_space<hbm>> -> memref<20000x64xf32, #tpu.memory_space<hbm>>
    %dma_start3A_389 = tpu.memref_slice %arg11[%dma_start3A_378] : memref<5x!tpu.dma_semaphore, #tpu.memory_space<semaphore_mem>> -> memref<1x!tpu.dma_semaphore, #tpu.memory_space<semaphore_mem>>
    %dma_start3A_390 = tpu.memref_squeeze %dma_start3A_389 : memref<1x!tpu.dma_semaphore, #tpu.memory_space<semaphore_mem>> -> memref<!tpu.dma_semaphore, #tpu.memory_space<semaphore_mem>>
    tpu.enqueue_indirect_dma source(%dma_start3A_388 : memref<20000x64xf32, #tpu.memory_space<hbm>>) target(%dma_start3A_382 : memref<128x64xf32, #tpu.memory_space<vmem>>) offsets(%dma_start3A_385 : memref<128xi32, #tpu.memory_space<vmem>>) semaphore(%dma_start3A_390 : memref<!tpu.dma_semaphore, #tpu.memory_space<semaphore_mem>>)
    %scan3A = arith.constant 0 : i32
    %scan3A_391 = arith.constant 1 : i32
    %scan3A_392 = arith.constant 14 : i32
    %scan3A_393 = arith.addi %scan3A_391, %scan3A_392 : i32
    %scan3A_394 = arith.constant 1 : i32
    scf.for %scan3A_655 = %scan3A_391 to %scan3A_393 step %scan3A_394  : i32 {
      %mul3A_656 = arith.constant 5 : i32
      %mul3A_657 = arith.muli %mul3A_656, %scan3A_655 : i32
      %add3A_658 = arith.constant 0 : i32
      %add3A_659 = arith.addi %mul3A_657, %add3A_658 : i32
      %dma_wait3A_660 = arith.constant 0 : i32
      %dma_wait3A_661 = arith.constant 0 : i32
      %dma_wait3A_662 = arith.constant 0 : i32
      %dma_wait3A_663 = arith.constant 0 : i32
      %dma_wait3A_664 = arith.constant 0 : i32
      %dma_wait3A_665 = tpu.memref_slice %arg9[%dma_wait3A_661, %dma_wait3A_663, %dma_wait3A_664] : memref<5x128x64xf32, #tpu.memory_space<vmem>> -> memref<1x128x64xf32, #tpu.memory_space<vmem>>
      %dma_wait3A_666 = tpu.memref_squeeze %dma_wait3A_665 : memref<1x128x64xf32, #tpu.memory_space<vmem>> -> memref<128x64xf32, #tpu.memory_space<vmem>>
      %dma_wait3A_667 = arith.constant 0 : i32
      %dma_wait3A_668 = tpu.memref_slice %arg7[%dma_wait3A_660, %dma_wait3A_667] : memref<80x128xi32, #tpu.memory_space<vmem>> -> memref<1x128xi32, #tpu.memory_space<vmem>>
      %dma_wait3A_669 = tpu.memref_squeeze %dma_wait3A_668 : memref<1x128xi32, #tpu.memory_space<vmem>> -> memref<128xi32, #tpu.memory_space<vmem>>
      %dma_wait3A_670 = arith.constant 0 : i32
      %dma_wait3A_671 = arith.constant 0 : i32
      %dma_wait3A_672 = tpu.memref_slice %arg2[%dma_wait3A_670, %dma_wait3A_671] : memref<20000x64xf32, #tpu.memory_space<hbm>> -> memref<20000x64xf32, #tpu.memory_space<hbm>>
      %dma_wait3A_673 = tpu.memref_slice %arg11[%dma_wait3A_662] : memref<5x!tpu.dma_semaphore, #tpu.memory_space<semaphore_mem>> -> memref<1x!tpu.dma_semaphore, #tpu.memory_space<semaphore_mem>>
      %dma_wait3A_674 = tpu.memref_squeeze %dma_wait3A_673 : memref<1x!tpu.dma_semaphore, #tpu.memory_space<semaphore_mem>> -> memref<!tpu.dma_semaphore, #tpu.memory_space<semaphore_mem>>
      tpu.wait_indirect_dma semaphore(%dma_wait3A_674 : memref<!tpu.dma_semaphore, #tpu.memory_space<semaphore_mem>>) src(%dma_wait3A_672 : memref<20000x64xf32, #tpu.memory_space<hbm>>) dst(%dma_wait3A_666 : memref<128x64xf32, #tpu.memory_space<vmem>>)
      %dma_start3A_675 = arith.constant 0 : i32
      %dma_start3A_676 = arith.constant 0 : i32
      %dma_start3A_677 = arith.constant 0 : i32
      %dma_start3A_678 = arith.constant 0 : i32
      %dma_start3A_679 = tpu.memref_slice %arg9[%dma_start3A_675, %dma_start3A_677, %dma_start3A_678] : memref<5x128x64xf32, #tpu.memory_space<vmem>> -> memref<1x128x64xf32, #tpu.memory_space<vmem>>
      %dma_start3A_680 = tpu.memref_squeeze %dma_start3A_679 : memref<1x128x64xf32, #tpu.memory_space<vmem>> -> memref<128x64xf32, #tpu.memory_space<vmem>>
      %dma_start3A_681 = arith.constant 0 : i32
      %dma_start3A_682 = tpu.memref_slice %arg8[%add3A_659, %dma_start3A_681] : memref<80x128xi32, #tpu.memory_space<vmem>> -> memref<1x128xi32, #tpu.memory_space<vmem>>
      %dma_start3A_683 = tpu.memref_squeeze %dma_start3A_682 : memref<1x128xi32, #tpu.memory_space<vmem>> -> memref<128xi32, #tpu.memory_space<vmem>>
      %dma_start3A_684 = arith.constant 0 : i32
      %dma_start3A_685 = arith.constant 0 : i32
      %dma_start3A_686 = tpu.memref_slice %arg10[%dma_start3A_684, %dma_start3A_685] : memref<10112x64xf32, #tpu.memory_space<vmem_shared>> -> memref<10112x64xf32, #tpu.memory_space<vmem_shared>>
      %dma_start3A_687 = tpu.memref_slice %arg12[%dma_start3A_676] : memref<5x!tpu.dma_semaphore, #tpu.memory_space<semaphore_mem>> -> memref<1x!tpu.dma_semaphore, #tpu.memory_space<semaphore_mem>>
      %dma_start3A_688 = tpu.memref_squeeze %dma_start3A_687 : memref<1x!tpu.dma_semaphore, #tpu.memory_space<semaphore_mem>> -> memref<!tpu.dma_semaphore, #tpu.memory_space<semaphore_mem>>
      tpu.enqueue_indirect_dma source(%dma_start3A_680 : memref<128x64xf32, #tpu.memory_space<vmem>>) target(%dma_start3A_686 : memref<10112x64xf32, #tpu.memory_space<vmem_shared>>) offsets(%dma_start3A_683 : memref<128xi32, #tpu.memory_space<vmem>>) semaphore(%dma_start3A_688 : memref<!tpu.dma_semaphore, #tpu.memory_space<semaphore_mem>>) {add = true}
      %dma_wait3A_689 = arith.constant 4 : i32
      %dma_wait3A_690 = arith.constant 0 : i32
      %dma_wait3A_691 = arith.constant 4 : i32
      %dma_wait3A_692 = arith.constant 0 : i32
      %dma_wait3A_693 = arith.constant 0 : i32
      %dma_wait3A_694 = tpu.memref_slice %arg9[%dma_wait3A_689, %dma_wait3A_692, %dma_wait3A_693] : memref<5x128x64xf32, #tpu.memory_space<vmem>> -> memref<1x128x64xf32, #tpu.memory_space<vmem>>
      %dma_wait3A_695 = tpu.memref_squeeze %dma_wait3A_694 : memref<1x128x64xf32, #tpu.memory_space<vmem>> -> memref<128x64xf32, #tpu.memory_space<vmem>>
      %dma_wait3A_696 = arith.constant 0 : i32
      %dma_wait3A_697 = tpu.memref_slice %arg8[%dma_wait3A_690, %dma_wait3A_696] : memref<80x128xi32, #tpu.memory_space<vmem>> -> memref<1x128xi32, #tpu.memory_space<vmem>>
      %dma_wait3A_698 = tpu.memref_squeeze %dma_wait3A_697 : memref<1x128xi32, #tpu.memory_space<vmem>> -> memref<128xi32, #tpu.memory_space<vmem>>
      %dma_wait3A_699 = arith.constant 0 : i32
      %dma_wait3A_700 = arith.constant 0 : i32
      %dma_wait3A_701 = tpu.memref_slice %arg10[%dma_wait3A_699, %dma_wait3A_700] : memref<10112x64xf32, #tpu.memory_space<vmem_shared>> -> memref<10112x64xf32, #tpu.memory_space<vmem_shared>>
      %dma_wait3A_702 = tpu.memref_slice %arg12[%dma_wait3A_691] : memref<5x!tpu.dma_semaphore, #tpu.memory_space<semaphore_mem>> -> memref<1x!tpu.dma_semaphore, #tpu.memory_space<semaphore_mem>>
      %dma_wait3A_703 = tpu.memref_squeeze %dma_wait3A_702 : memref<1x!tpu.dma_semaphore, #tpu.memory_space<semaphore_mem>> -> memref<!tpu.dma_semaphore, #tpu.memory_space<semaphore_mem>>
      tpu.wait_indirect_dma semaphore(%dma_wait3A_703 : memref<!tpu.dma_semaphore, #tpu.memory_space<semaphore_mem>>) src(%dma_wait3A_695 : memref<128x64xf32, #tpu.memory_space<vmem>>) dst(%dma_wait3A_701 : memref<10112x64xf32, #tpu.memory_space<vmem_shared>>)
      %add3A_704 = arith.constant 4 : i32
      %add3A_705 = arith.addi %add3A_659, %add3A_704 : i32
      %dma_start3A_706 = arith.constant 4 : i32
      %dma_start3A_707 = arith.constant 4 : i32
      %dma_start3A_708 = arith.constant 0 : i32
      %dma_start3A_709 = arith.constant 0 : i32
      %dma_start3A_710 = tpu.memref_slice %arg9[%dma_start3A_706, %dma_start3A_708, %dma_start3A_709] : memref<5x128x64xf32, #tpu.memory_space<vmem>> -> memref<1x128x64xf32, #tpu.memory_space<vmem>>
      %dma_start3A_711 = tpu.memref_squeeze %dma_start3A_710 : memref<1x128x64xf32, #tpu.memory_space<vmem>> -> memref<128x64xf32, #tpu.memory_space<vmem>>
      %dma_start3A_712 = arith.constant 0 : i32
      %dma_start3A_713 = tpu.memref_slice %arg7[%add3A_705, %dma_start3A_712] : memref<80x128xi32, #tpu.memory_space<vmem>> -> memref<1x128xi32, #tpu.memory_space<vmem>>
      %dma_start3A_714 = tpu.memref_squeeze %dma_start3A_713 : memref<1x128xi32, #tpu.memory_space<vmem>> -> memref<128xi32, #tpu.memory_space<vmem>>
      %dma_start3A_715 = arith.constant 0 : i32
      %dma_start3A_716 = arith.constant 0 : i32
      %dma_start3A_717 = tpu.memref_slice %arg2[%dma_start3A_715, %dma_start3A_716] : memref<20000x64xf32, #tpu.memory_space<hbm>> -> memref<20000x64xf32, #tpu.memory_space<hbm>>
      %dma_start3A_718 = tpu.memref_slice %arg11[%dma_start3A_707] : memref<5x!tpu.dma_semaphore, #tpu.memory_space<semaphore_mem>> -> memref<1x!tpu.dma_semaphore, #tpu.memory_space<semaphore_mem>>
      %dma_start3A_719 = tpu.memref_squeeze %dma_start3A_718 : memref<1x!tpu.dma_semaphore, #tpu.memory_space<semaphore_mem>> -> memref<!tpu.dma_semaphore, #tpu.memory_space<semaphore_mem>>
      tpu.enqueue_indirect_dma source(%dma_start3A_717 : memref<20000x64xf32, #tpu.memory_space<hbm>>) target(%dma_start3A_711 : memref<128x64xf32, #tpu.memory_space<vmem>>) offsets(%dma_start3A_714 : memref<128xi32, #tpu.memory_space<vmem>>) semaphore(%dma_start3A_719 : memref<!tpu.dma_semaphore, #tpu.memory_space<semaphore_mem>>)
      %mul3A_720 = arith.constant 5 : i32
      %mul3A_721 = arith.muli %mul3A_720, %scan3A_655 : i32
      %add3A_722 = arith.constant 1 : i32
      %add3A_723 = arith.addi %mul3A_721, %add3A_722 : i32
      %dma_wait3A_724 = arith.constant 0 : i32
      %dma_wait3A_725 = arith.constant 1 : i32
      %dma_wait3A_726 = arith.constant 1 : i32
      %dma_wait3A_727 = arith.constant 0 : i32
      %dma_wait3A_728 = arith.constant 0 : i32
      %dma_wait3A_729 = tpu.memref_slice %arg9[%dma_wait3A_725, %dma_wait3A_727, %dma_wait3A_728] : memref<5x128x64xf32, #tpu.memory_space<vmem>> -> memref<1x128x64xf32, #tpu.memory_space<vmem>>
      %dma_wait3A_730 = tpu.memref_squeeze %dma_wait3A_729 : memref<1x128x64xf32, #tpu.memory_space<vmem>> -> memref<128x64xf32, #tpu.memory_space<vmem>>
      %dma_wait3A_731 = arith.constant 0 : i32
      %dma_wait3A_732 = tpu.memref_slice %arg7[%dma_wait3A_724, %dma_wait3A_731] : memref<80x128xi32, #tpu.memory_space<vmem>> -> memref<1x128xi32, #tpu.memory_space<vmem>>
      %dma_wait3A_733 = tpu.memref_squeeze %dma_wait3A_732 : memref<1x128xi32, #tpu.memory_space<vmem>> -> memref<128xi32, #tpu.memory_space<vmem>>
      %dma_wait3A_734 = arith.constant 0 : i32
      %dma_wait3A_735 = arith.constant 0 : i32
      %dma_wait3A_736 = tpu.memref_slice %arg2[%dma_wait3A_734, %dma_wait3A_735] : memref<20000x64xf32, #tpu.memory_space<hbm>> -> memref<20000x64xf32, #tpu.memory_space<hbm>>
      %dma_wait3A_737 = tpu.memref_slice %arg11[%dma_wait3A_726] : memref<5x!tpu.dma_semaphore, #tpu.memory_space<semaphore_mem>> -> memref<1x!tpu.dma_semaphore, #tpu.memory_space<semaphore_mem>>
      %dma_wait3A_738 = tpu.memref_squeeze %dma_wait3A_737 : memref<1x!tpu.dma_semaphore, #tpu.memory_space<semaphore_mem>> -> memref<!tpu.dma_semaphore, #tpu.memory_space<semaphore_mem>>
      tpu.wait_indirect_dma semaphore(%dma_wait3A_738 : memref<!tpu.dma_semaphore, #tpu.memory_space<semaphore_mem>>) src(%dma_wait3A_736 : memref<20000x64xf32, #tpu.memory_space<hbm>>) dst(%dma_wait3A_730 : memref<128x64xf32, #tpu.memory_space<vmem>>)
      %dma_start3A_739 = arith.constant 1 : i32
      %dma_start3A_740 = arith.constant 1 : i32
      %dma_start3A_741 = arith.constant 0 : i32
      %dma_start3A_742 = arith.constant 0 : i32
      %dma_start3A_743 = tpu.memref_slice %arg9[%dma_start3A_739, %dma_start3A_741, %dma_start3A_742] : memref<5x128x64xf32, #tpu.memory_space<vmem>> -> memref<1x128x64xf32, #tpu.memory_space<vmem>>
      %dma_start3A_744 = tpu.memref_squeeze %dma_start3A_743 : memref<1x128x64xf32, #tpu.memory_space<vmem>> -> memref<128x64xf32, #tpu.memory_space<vmem>>
      %dma_start3A_745 = arith.constant 0 : i32
      %dma_start3A_746 = tpu.memref_slice %arg8[%add3A_723, %dma_start3A_745] : memref<80x128xi32, #tpu.memory_space<vmem>> -> memref<1x128xi32, #tpu.memory_space<vmem>>
      %dma_start3A_747 = tpu.memref_squeeze %dma_start3A_746 : memref<1x128xi32, #tpu.memory_space<vmem>> -> memref<128xi32, #tpu.memory_space<vmem>>
      %dma_start3A_748 = arith.constant 0 : i32
      %dma_start3A_749 = arith.constant 0 : i32
      %dma_start3A_750 = tpu.memref_slice %arg10[%dma_start3A_748, %dma_start3A_749] : memref<10112x64xf32, #tpu.memory_space<vmem_shared>> -> memref<10112x64xf32, #tpu.memory_space<vmem_shared>>
      %dma_start3A_751 = tpu.memref_slice %arg12[%dma_start3A_740] : memref<5x!tpu.dma_semaphore, #tpu.memory_space<semaphore_mem>> -> memref<1x!tpu.dma_semaphore, #tpu.memory_space<semaphore_mem>>
      %dma_start3A_752 = tpu.memref_squeeze %dma_start3A_751 : memref<1x!tpu.dma_semaphore, #tpu.memory_space<semaphore_mem>> -> memref<!tpu.dma_semaphore, #tpu.memory_space<semaphore_mem>>
      tpu.enqueue_indirect_dma source(%dma_start3A_744 : memref<128x64xf32, #tpu.memory_space<vmem>>) target(%dma_start3A_750 : memref<10112x64xf32, #tpu.memory_space<vmem_shared>>) offsets(%dma_start3A_747 : memref<128xi32, #tpu.memory_space<vmem>>) semaphore(%dma_start3A_752 : memref<!tpu.dma_semaphore, #tpu.memory_space<semaphore_mem>>) {add = true}
      %dma_wait3A_753 = arith.constant 0 : i32
      %dma_wait3A_754 = arith.constant 0 : i32
      %dma_wait3A_755 = arith.constant 0 : i32
      %dma_wait3A_756 = arith.constant 0 : i32
      %dma_wait3A_757 = arith.constant 0 : i32
      %dma_wait3A_758 = tpu.memref_slice %arg9[%dma_wait3A_753, %dma_wait3A_756, %dma_wait3A_757] : memref<5x128x64xf32, #tpu.memory_space<vmem>> -> memref<1x128x64xf32, #tpu.memory_space<vmem>>
      %dma_wait3A_759 = tpu.memref_squeeze %dma_wait3A_758 : memref<1x128x64xf32, #tpu.memory_space<vmem>> -> memref<128x64xf32, #tpu.memory_space<vmem>>
      %dma_wait3A_760 = arith.constant 0 : i32
      %dma_wait3A_761 = tpu.memref_slice %arg8[%dma_wait3A_754, %dma_wait3A_760] : memref<80x128xi32, #tpu.memory_space<vmem>> -> memref<1x128xi32, #tpu.memory_space<vmem>>
      %dma_wait3A_762 = tpu.memref_squeeze %dma_wait3A_761 : memref<1x128xi32, #tpu.memory_space<vmem>> -> memref<128xi32, #tpu.memory_space<vmem>>
      %dma_wait3A_763 = arith.constant 0 : i32
      %dma_wait3A_764 = arith.constant 0 : i32
      %dma_wait3A_765 = tpu.memref_slice %arg10[%dma_wait3A_763, %dma_wait3A_764] : memref<10112x64xf32, #tpu.memory_space<vmem_shared>> -> memref<10112x64xf32, #tpu.memory_space<vmem_shared>>
      %dma_wait3A_766 = tpu.memref_slice %arg12[%dma_wait3A_755] : memref<5x!tpu.dma_semaphore, #tpu.memory_space<semaphore_mem>> -> memref<1x!tpu.dma_semaphore, #tpu.memory_space<semaphore_mem>>
      %dma_wait3A_767 = tpu.memref_squeeze %dma_wait3A_766 : memref<1x!tpu.dma_semaphore, #tpu.memory_space<semaphore_mem>> -> memref<!tpu.dma_semaphore, #tpu.memory_space<semaphore_mem>>
      tpu.wait_indirect_dma semaphore(%dma_wait3A_767 : memref<!tpu.dma_semaphore, #tpu.memory_space<semaphore_mem>>) src(%dma_wait3A_759 : memref<128x64xf32, #tpu.memory_space<vmem>>) dst(%dma_wait3A_765 : memref<10112x64xf32, #tpu.memory_space<vmem_shared>>)
      %add3A_768 = arith.constant 4 : i32
      %add3A_769 = arith.addi %add3A_723, %add3A_768 : i32
      %dma_start3A_770 = arith.constant 0 : i32
      %dma_start3A_771 = arith.constant 0 : i32
      %dma_start3A_772 = arith.constant 0 : i32
      %dma_start3A_773 = arith.constant 0 : i32
      %dma_start3A_774 = tpu.memref_slice %arg9[%dma_start3A_770, %dma_start3A_772, %dma_start3A_773] : memref<5x128x64xf32, #tpu.memory_space<vmem>> -> memref<1x128x64xf32, #tpu.memory_space<vmem>>
      %dma_start3A_775 = tpu.memref_squeeze %dma_start3A_774 : memref<1x128x64xf32, #tpu.memory_space<vmem>> -> memref<128x64xf32, #tpu.memory_space<vmem>>
      %dma_start3A_776 = arith.constant 0 : i32
      %dma_start3A_777 = tpu.memref_slice %arg7[%add3A_769, %dma_start3A_776] : memref<80x128xi32, #tpu.memory_space<vmem>> -> memref<1x128xi32, #tpu.memory_space<vmem>>
      %dma_start3A_778 = tpu.memref_squeeze %dma_start3A_777 : memref<1x128xi32, #tpu.memory_space<vmem>> -> memref<128xi32, #tpu.memory_space<vmem>>
      %dma_start3A_779 = arith.constant 0 : i32
      %dma_start3A_780 = arith.constant 0 : i32
      %dma_start3A_781 = tpu.memref_slice %arg2[%dma_start3A_779, %dma_start3A_780] : memref<20000x64xf32, #tpu.memory_space<hbm>> -> memref<20000x64xf32, #tpu.memory_space<hbm>>
      %dma_start3A_782 = tpu.memref_slice %arg11[%dma_start3A_771] : memref<5x!tpu.dma_semaphore, #tpu.memory_space<semaphore_mem>> -> memref<1x!tpu.dma_semaphore, #tpu.memory_space<semaphore_mem>>
      %dma_start3A_783 = tpu.memref_squeeze %dma_start3A_782 : memref<1x!tpu.dma_semaphore, #tpu.memory_space<semaphore_mem>> -> memref<!tpu.dma_semaphore, #tpu.memory_space<semaphore_mem>>
      tpu.enqueue_indirect_dma source(%dma_start3A_781 : memref<20000x64xf32, #tpu.memory_space<hbm>>) target(%dma_start3A_775 : memref<128x64xf32, #tpu.memory_space<vmem>>) offsets(%dma_start3A_778 : memref<128xi32, #tpu.memory_space<vmem>>) semaphore(%dma_start3A_783 : memref<!tpu.dma_semaphore, #tpu.memory_space<semaphore_mem>>)
      %mul3A_784 = arith.constant 5 : i32
      %mul3A_785 = arith.muli %mul3A_784, %scan3A_655 : i32
      %add3A_786 = arith.constant 2 : i32
      %add3A_787 = arith.addi %mul3A_785, %add3A_786 : i32
      %dma_wait3A_788 = arith.constant 0 : i32
      %dma_wait3A_789 = arith.constant 2 : i32
      %dma_wait3A_790 = arith.constant 2 : i32
      %dma_wait3A_791 = arith.constant 0 : i32
      %dma_wait3A_792 = arith.constant 0 : i32
      %dma_wait3A_793 = tpu.memref_slice %arg9[%dma_wait3A_789, %dma_wait3A_791, %dma_wait3A_792] : memref<5x128x64xf32, #tpu.memory_space<vmem>> -> memref<1x128x64xf32, #tpu.memory_space<vmem>>
      %dma_wait3A_794 = tpu.memref_squeeze %dma_wait3A_793 : memref<1x128x64xf32, #tpu.memory_space<vmem>> -> memref<128x64xf32, #tpu.memory_space<vmem>>
      %dma_wait3A_795 = arith.constant 0 : i32
      %dma_wait3A_796 = tpu.memref_slice %arg7[%dma_wait3A_788, %dma_wait3A_795] : memref<80x128xi32, #tpu.memory_space<vmem>> -> memref<1x128xi32, #tpu.memory_space<vmem>>
      %dma_wait3A_797 = tpu.memref_squeeze %dma_wait3A_796 : memref<1x128xi32, #tpu.memory_space<vmem>> -> memref<128xi32, #tpu.memory_space<vmem>>
      %dma_wait3A_798 = arith.constant 0 : i32
      %dma_wait3A_799 = arith.constant 0 : i32
      %dma_wait3A_800 = tpu.memref_slice %arg2[%dma_wait3A_798, %dma_wait3A_799] : memref<20000x64xf32, #tpu.memory_space<hbm>> -> memref<20000x64xf32, #tpu.memory_space<hbm>>
      %dma_wait3A_801 = tpu.memref_slice %arg11[%dma_wait3A_790] : memref<5x!tpu.dma_semaphore, #tpu.memory_space<semaphore_mem>> -> memref<1x!tpu.dma_semaphore, #tpu.memory_space<semaphore_mem>>
      %dma_wait3A_802 = tpu.memref_squeeze %dma_wait3A_801 : memref<1x!tpu.dma_semaphore, #tpu.memory_space<semaphore_mem>> -> memref<!tpu.dma_semaphore, #tpu.memory_space<semaphore_mem>>
      tpu.wait_indirect_dma semaphore(%dma_wait3A_802 : memref<!tpu.dma_semaphore, #tpu.memory_space<semaphore_mem>>) src(%dma_wait3A_800 : memref<20000x64xf32, #tpu.memory_space<hbm>>) dst(%dma_wait3A_794 : memref<128x64xf32, #tpu.memory_space<vmem>>)
      %dma_start3A_803 = arith.constant 2 : i32
      %dma_start3A_804 = arith.constant 2 : i32
      %dma_start3A_805 = arith.constant 0 : i32
      %dma_start3A_806 = arith.constant 0 : i32
      %dma_start3A_807 = tpu.memref_slice %arg9[%dma_start3A_803, %dma_start3A_805, %dma_start3A_806] : memref<5x128x64xf32, #tpu.memory_space<vmem>> -> memref<1x128x64xf32, #tpu.memory_space<vmem>>
      %dma_start3A_808 = tpu.memref_squeeze %dma_start3A_807 : memref<1x128x64xf32, #tpu.memory_space<vmem>> -> memref<128x64xf32, #tpu.memory_space<vmem>>
      %dma_start3A_809 = arith.constant 0 : i32
      %dma_start3A_810 = tpu.memref_slice %arg8[%add3A_787, %dma_start3A_809] : memref<80x128xi32, #tpu.memory_space<vmem>> -> memref<1x128xi32, #tpu.memory_space<vmem>>
      %dma_start3A_811 = tpu.memref_squeeze %dma_start3A_810 : memref<1x128xi32, #tpu.memory_space<vmem>> -> memref<128xi32, #tpu.memory_space<vmem>>
      %dma_start3A_812 = arith.constant 0 : i32
      %dma_start3A_813 = arith.constant 0 : i32
      %dma_start3A_814 = tpu.memref_slice %arg10[%dma_start3A_812, %dma_start3A_813] : memref<10112x64xf32, #tpu.memory_space<vmem_shared>> -> memref<10112x64xf32, #tpu.memory_space<vmem_shared>>
      %dma_start3A_815 = tpu.memref_slice %arg12[%dma_start3A_804] : memref<5x!tpu.dma_semaphore, #tpu.memory_space<semaphore_mem>> -> memref<1x!tpu.dma_semaphore, #tpu.memory_space<semaphore_mem>>
      %dma_start3A_816 = tpu.memref_squeeze %dma_start3A_815 : memref<1x!tpu.dma_semaphore, #tpu.memory_space<semaphore_mem>> -> memref<!tpu.dma_semaphore, #tpu.memory_space<semaphore_mem>>
      tpu.enqueue_indirect_dma source(%dma_start3A_808 : memref<128x64xf32, #tpu.memory_space<vmem>>) target(%dma_start3A_814 : memref<10112x64xf32, #tpu.memory_space<vmem_shared>>) offsets(%dma_start3A_811 : memref<128xi32, #tpu.memory_space<vmem>>) semaphore(%dma_start3A_816 : memref<!tpu.dma_semaphore, #tpu.memory_space<semaphore_mem>>) {add = true}
      %dma_wait3A_817 = arith.constant 1 : i32
      %dma_wait3A_818 = arith.constant 0 : i32
      %dma_wait3A_819 = arith.constant 1 : i32
      %dma_wait3A_820 = arith.constant 0 : i32
      %dma_wait3A_821 = arith.constant 0 : i32
      %dma_wait3A_822 = tpu.memref_slice %arg9[%dma_wait3A_817, %dma_wait3A_820, %dma_wait3A_821] : memref<5x128x64xf32, #tpu.memory_space<vmem>> -> memref<1x128x64xf32, #tpu.memory_space<vmem>>
      %dma_wait3A_823 = tpu.memref_squeeze %dma_wait3A_822 : memref<1x128x64xf32, #tpu.memory_space<vmem>> -> memref<128x64xf32, #tpu.memory_space<vmem>>
      %dma_wait3A_824 = arith.constant 0 : i32
      %dma_wait3A_825 = tpu.memref_slice %arg8[%dma_wait3A_818, %dma_wait3A_824] : memref<80x128xi32, #tpu.memory_space<vmem>> -> memref<1x128xi32, #tpu.memory_space<vmem>>
      %dma_wait3A_826 = tpu.memref_squeeze %dma_wait3A_825 : memref<1x128xi32, #tpu.memory_space<vmem>> -> memref<128xi32, #tpu.memory_space<vmem>>
      %dma_wait3A_827 = arith.constant 0 : i32
      %dma_wait3A_828 = arith.constant 0 : i32
      %dma_wait3A_829 = tpu.memref_slice %arg10[%dma_wait3A_827, %dma_wait3A_828] : memref<10112x64xf32, #tpu.memory_space<vmem_shared>> -> memref<10112x64xf32, #tpu.memory_space<vmem_shared>>
      %dma_wait3A_830 = tpu.memref_slice %arg12[%dma_wait3A_819] : memref<5x!tpu.dma_semaphore, #tpu.memory_space<semaphore_mem>> -> memref<1x!tpu.dma_semaphore, #tpu.memory_space<semaphore_mem>>
      %dma_wait3A_831 = tpu.memref_squeeze %dma_wait3A_830 : memref<1x!tpu.dma_semaphore, #tpu.memory_space<semaphore_mem>> -> memref<!tpu.dma_semaphore, #tpu.memory_space<semaphore_mem>>
      tpu.wait_indirect_dma semaphore(%dma_wait3A_831 : memref<!tpu.dma_semaphore, #tpu.memory_space<semaphore_mem>>) src(%dma_wait3A_823 : memref<128x64xf32, #tpu.memory_space<vmem>>) dst(%dma_wait3A_829 : memref<10112x64xf32, #tpu.memory_space<vmem_shared>>)
      %add3A_832 = arith.constant 4 : i32
      %add3A_833 = arith.addi %add3A_787, %add3A_832 : i32
      %dma_start3A_834 = arith.constant 1 : i32
      %dma_start3A_835 = arith.constant 1 : i32
      %dma_start3A_836 = arith.constant 0 : i32
      %dma_start3A_837 = arith.constant 0 : i32
      %dma_start3A_838 = tpu.memref_slice %arg9[%dma_start3A_834, %dma_start3A_836, %dma_start3A_837] : memref<5x128x64xf32, #tpu.memory_space<vmem>> -> memref<1x128x64xf32, #tpu.memory_space<vmem>>
      %dma_start3A_839 = tpu.memref_squeeze %dma_start3A_838 : memref<1x128x64xf32, #tpu.memory_space<vmem>> -> memref<128x64xf32, #tpu.memory_space<vmem>>
      %dma_start3A_840 = arith.constant 0 : i32
      %dma_start3A_841 = tpu.memref_slice %arg7[%add3A_833, %dma_start3A_840] : memref<80x128xi32, #tpu.memory_space<vmem>> -> memref<1x128xi32, #tpu.memory_space<vmem>>
      %dma_start3A_842 = tpu.memref_squeeze %dma_start3A_841 : memref<1x128xi32, #tpu.memory_space<vmem>> -> memref<128xi32, #tpu.memory_space<vmem>>
      %dma_start3A_843 = arith.constant 0 : i32
      %dma_start3A_844 = arith.constant 0 : i32
      %dma_start3A_845 = tpu.memref_slice %arg2[%dma_start3A_843, %dma_start3A_844] : memref<20000x64xf32, #tpu.memory_space<hbm>> -> memref<20000x64xf32, #tpu.memory_space<hbm>>
      %dma_start3A_846 = tpu.memref_slice %arg11[%dma_start3A_835] : memref<5x!tpu.dma_semaphore, #tpu.memory_space<semaphore_mem>> -> memref<1x!tpu.dma_semaphore, #tpu.memory_space<semaphore_mem>>
      %dma_start3A_847 = tpu.memref_squeeze %dma_start3A_846 : memref<1x!tpu.dma_semaphore, #tpu.memory_space<semaphore_mem>> -> memref<!tpu.dma_semaphore, #tpu.memory_space<semaphore_mem>>
      tpu.enqueue_indirect_dma source(%dma_start3A_845 : memref<20000x64xf32, #tpu.memory_space<hbm>>) target(%dma_start3A_839 : memref<128x64xf32, #tpu.memory_space<vmem>>) offsets(%dma_start3A_842 : memref<128xi32, #tpu.memory_space<vmem>>) semaphore(%dma_start3A_847 : memref<!tpu.dma_semaphore, #tpu.memory_space<semaphore_mem>>)
      %mul3A_848 = arith.constant 5 : i32
      %mul3A_849 = arith.muli %mul3A_848, %scan3A_655 : i32
      %add3A_850 = arith.constant 3 : i32
      %add3A_851 = arith.addi %mul3A_849, %add3A_850 : i32
      %dma_wait3A_852 = arith.constant 0 : i32
      %dma_wait3A_853 = arith.constant 3 : i32
      %dma_wait3A_854 = arith.constant 3 : i32
      %dma_wait3A_855 = arith.constant 0 : i32
      %dma_wait3A_856 = arith.constant 0 : i32
      %dma_wait3A_857 = tpu.memref_slice %arg9[%dma_wait3A_853, %dma_wait3A_855, %dma_wait3A_856] : memref<5x128x64xf32, #tpu.memory_space<vmem>> -> memref<1x128x64xf32, #tpu.memory_space<vmem>>
      %dma_wait3A_858 = tpu.memref_squeeze %dma_wait3A_857 : memref<1x128x64xf32, #tpu.memory_space<vmem>> -> memref<128x64xf32, #tpu.memory_space<vmem>>
      %dma_wait3A_859 = arith.constant 0 : i32
      %dma_wait3A_860 = tpu.memref_slice %arg7[%dma_wait3A_852, %dma_wait3A_859] : memref<80x128xi32, #tpu.memory_space<vmem>> -> memref<1x128xi32, #tpu.memory_space<vmem>>
      %dma_wait3A_861 = tpu.memref_squeeze %dma_wait3A_860 : memref<1x128xi32, #tpu.memory_space<vmem>> -> memref<128xi32, #tpu.memory_space<vmem>>
      %dma_wait3A_862 = arith.constant 0 : i32
      %dma_wait3A_863 = arith.constant 0 : i32
      %dma_wait3A_864 = tpu.memref_slice %arg2[%dma_wait3A_862, %dma_wait3A_863] : memref<20000x64xf32, #tpu.memory_space<hbm>> -> memref<20000x64xf32, #tpu.memory_space<hbm>>
      %dma_wait3A_865 = tpu.memref_slice %arg11[%dma_wait3A_854] : memref<5x!tpu.dma_semaphore, #tpu.memory_space<semaphore_mem>> -> memref<1x!tpu.dma_semaphore, #tpu.memory_space<semaphore_mem>>
      %dma_wait3A_866 = tpu.memref_squeeze %dma_wait3A_865 : memref<1x!tpu.dma_semaphore, #tpu.memory_space<semaphore_mem>> -> memref<!tpu.dma_semaphore, #tpu.memory_space<semaphore_mem>>
      tpu.wait_indirect_dma semaphore(%dma_wait3A_866 : memref<!tpu.dma_semaphore, #tpu.memory_space<semaphore_mem>>) src(%dma_wait3A_864 : memref<20000x64xf32, #tpu.memory_space<hbm>>) dst(%dma_wait3A_858 : memref<128x64xf32, #tpu.memory_space<vmem>>)
      %dma_start3A_867 = arith.constant 3 : i32
      %dma_start3A_868 = arith.constant 3 : i32
      %dma_start3A_869 = arith.constant 0 : i32
      %dma_start3A_870 = arith.constant 0 : i32
      %dma_start3A_871 = tpu.memref_slice %arg9[%dma_start3A_867, %dma_start3A_869, %dma_start3A_870] : memref<5x128x64xf32, #tpu.memory_space<vmem>> -> memref<1x128x64xf32, #tpu.memory_space<vmem>>
      %dma_start3A_872 = tpu.memref_squeeze %dma_start3A_871 : memref<1x128x64xf32, #tpu.memory_space<vmem>> -> memref<128x64xf32, #tpu.memory_space<vmem>>
      %dma_start3A_873 = arith.constant 0 : i32
      %dma_start3A_874 = tpu.memref_slice %arg8[%add3A_851, %dma_start3A_873] : memref<80x128xi32, #tpu.memory_space<vmem>> -> memref<1x128xi32, #tpu.memory_space<vmem>>
      %dma_start3A_875 = tpu.memref_squeeze %dma_start3A_874 : memref<1x128xi32, #tpu.memory_space<vmem>> -> memref<128xi32, #tpu.memory_space<vmem>>
      %dma_start3A_876 = arith.constant 0 : i32
      %dma_start3A_877 = arith.constant 0 : i32
      %dma_start3A_878 = tpu.memref_slice %arg10[%dma_start3A_876, %dma_start3A_877] : memref<10112x64xf32, #tpu.memory_space<vmem_shared>> -> memref<10112x64xf32, #tpu.memory_space<vmem_shared>>
      %dma_start3A_879 = tpu.memref_slice %arg12[%dma_start3A_868] : memref<5x!tpu.dma_semaphore, #tpu.memory_space<semaphore_mem>> -> memref<1x!tpu.dma_semaphore, #tpu.memory_space<semaphore_mem>>
      %dma_start3A_880 = tpu.memref_squeeze %dma_start3A_879 : memref<1x!tpu.dma_semaphore, #tpu.memory_space<semaphore_mem>> -> memref<!tpu.dma_semaphore, #tpu.memory_space<semaphore_mem>>
      tpu.enqueue_indirect_dma source(%dma_start3A_872 : memref<128x64xf32, #tpu.memory_space<vmem>>) target(%dma_start3A_878 : memref<10112x64xf32, #tpu.memory_space<vmem_shared>>) offsets(%dma_start3A_875 : memref<128xi32, #tpu.memory_space<vmem>>) semaphore(%dma_start3A_880 : memref<!tpu.dma_semaphore, #tpu.memory_space<semaphore_mem>>) {add = true}
      %dma_wait3A_881 = arith.constant 2 : i32
      %dma_wait3A_882 = arith.constant 0 : i32
      %dma_wait3A_883 = arith.constant 2 : i32
      %dma_wait3A_884 = arith.constant 0 : i32
      %dma_wait3A_885 = arith.constant 0 : i32
      %dma_wait3A_886 = tpu.memref_slice %arg9[%dma_wait3A_881, %dma_wait3A_884, %dma_wait3A_885] : memref<5x128x64xf32, #tpu.memory_space<vmem>> -> memref<1x128x64xf32, #tpu.memory_space<vmem>>
      %dma_wait3A_887 = tpu.memref_squeeze %dma_wait3A_886 : memref<1x128x64xf32, #tpu.memory_space<vmem>> -> memref<128x64xf32, #tpu.memory_space<vmem>>
      %dma_wait3A_888 = arith.constant 0 : i32
      %dma_wait3A_889 = tpu.memref_slice %arg8[%dma_wait3A_882, %dma_wait3A_888] : memref<80x128xi32, #tpu.memory_space<vmem>> -> memref<1x128xi32, #tpu.memory_space<vmem>>
      %dma_wait3A_890 = tpu.memref_squeeze %dma_wait3A_889 : memref<1x128xi32, #tpu.memory_space<vmem>> -> memref<128xi32, #tpu.memory_space<vmem>>
      %dma_wait3A_891 = arith.constant 0 : i32
      %dma_wait3A_892 = arith.constant 0 : i32
      %dma_wait3A_893 = tpu.memref_slice %arg10[%dma_wait3A_891, %dma_wait3A_892] : memref<10112x64xf32, #tpu.memory_space<vmem_shared>> -> memref<10112x64xf32, #tpu.memory_space<vmem_shared>>
      %dma_wait3A_894 = tpu.memref_slice %arg12[%dma_wait3A_883] : memref<5x!tpu.dma_semaphore, #tpu.memory_space<semaphore_mem>> -> memref<1x!tpu.dma_semaphore, #tpu.memory_space<semaphore_mem>>
      %dma_wait3A_895 = tpu.memref_squeeze %dma_wait3A_894 : memref<1x!tpu.dma_semaphore, #tpu.memory_space<semaphore_mem>> -> memref<!tpu.dma_semaphore, #tpu.memory_space<semaphore_mem>>
      tpu.wait_indirect_dma semaphore(%dma_wait3A_895 : memref<!tpu.dma_semaphore, #tpu.memory_space<semaphore_mem>>) src(%dma_wait3A_887 : memref<128x64xf32, #tpu.memory_space<vmem>>) dst(%dma_wait3A_893 : memref<10112x64xf32, #tpu.memory_space<vmem_shared>>)
      %add3A_896 = arith.constant 4 : i32
      %add3A_897 = arith.addi %add3A_851, %add3A_896 : i32
      %dma_start3A_898 = arith.constant 2 : i32
      %dma_start3A_899 = arith.constant 2 : i32
      %dma_start3A_900 = arith.constant 0 : i32
      %dma_start3A_901 = arith.constant 0 : i32
      %dma_start3A_902 = tpu.memref_slice %arg9[%dma_start3A_898, %dma_start3A_900, %dma_start3A_901] : memref<5x128x64xf32, #tpu.memory_space<vmem>> -> memref<1x128x64xf32, #tpu.memory_space<vmem>>
      %dma_start3A_903 = tpu.memref_squeeze %dma_start3A_902 : memref<1x128x64xf32, #tpu.memory_space<vmem>> -> memref<128x64xf32, #tpu.memory_space<vmem>>
      %dma_start3A_904 = arith.constant 0 : i32
      %dma_start3A_905 = tpu.memref_slice %arg7[%add3A_897, %dma_start3A_904] : memref<80x128xi32, #tpu.memory_space<vmem>> -> memref<1x128xi32, #tpu.memory_space<vmem>>
      %dma_start3A_906 = tpu.memref_squeeze %dma_start3A_905 : memref<1x128xi32, #tpu.memory_space<vmem>> -> memref<128xi32, #tpu.memory_space<vmem>>
      %dma_start3A_907 = arith.constant 0 : i32
      %dma_start3A_908 = arith.constant 0 : i32
      %dma_start3A_909 = tpu.memref_slice %arg2[%dma_start3A_907, %dma_start3A_908] : memref<20000x64xf32, #tpu.memory_space<hbm>> -> memref<20000x64xf32, #tpu.memory_space<hbm>>
      %dma_start3A_910 = tpu.memref_slice %arg11[%dma_start3A_899] : memref<5x!tpu.dma_semaphore, #tpu.memory_space<semaphore_mem>> -> memref<1x!tpu.dma_semaphore, #tpu.memory_space<semaphore_mem>>
      %dma_start3A_911 = tpu.memref_squeeze %dma_start3A_910 : memref<1x!tpu.dma_semaphore, #tpu.memory_space<semaphore_mem>> -> memref<!tpu.dma_semaphore, #tpu.memory_space<semaphore_mem>>
      tpu.enqueue_indirect_dma source(%dma_start3A_909 : memref<20000x64xf32, #tpu.memory_space<hbm>>) target(%dma_start3A_903 : memref<128x64xf32, #tpu.memory_space<vmem>>) offsets(%dma_start3A_906 : memref<128xi32, #tpu.memory_space<vmem>>) semaphore(%dma_start3A_911 : memref<!tpu.dma_semaphore, #tpu.memory_space<semaphore_mem>>)
      %mul3A_912 = arith.constant 5 : i32
      %mul3A_913 = arith.muli %mul3A_912, %scan3A_655 : i32
      %add3A_914 = arith.constant 4 : i32
      %add3A_915 = arith.addi %mul3A_913, %add3A_914 : i32
      %dma_wait3A_916 = arith.constant 0 : i32
      %dma_wait3A_917 = arith.constant 4 : i32
      %dma_wait3A_918 = arith.constant 4 : i32
      %dma_wait3A_919 = arith.constant 0 : i32
      %dma_wait3A_920 = arith.constant 0 : i32
      %dma_wait3A_921 = tpu.memref_slice %arg9[%dma_wait3A_917, %dma_wait3A_919, %dma_wait3A_920] : memref<5x128x64xf32, #tpu.memory_space<vmem>> -> memref<1x128x64xf32, #tpu.memory_space<vmem>>
      %dma_wait3A_922 = tpu.memref_squeeze %dma_wait3A_921 : memref<1x128x64xf32, #tpu.memory_space<vmem>> -> memref<128x64xf32, #tpu.memory_space<vmem>>
      %dma_wait3A_923 = arith.constant 0 : i32
      %dma_wait3A_924 = tpu.memref_slice %arg7[%dma_wait3A_916, %dma_wait3A_923] : memref<80x128xi32, #tpu.memory_space<vmem>> -> memref<1x128xi32, #tpu.memory_space<vmem>>
      %dma_wait3A_925 = tpu.memref_squeeze %dma_wait3A_924 : memref<1x128xi32, #tpu.memory_space<vmem>> -> memref<128xi32, #tpu.memory_space<vmem>>
      %dma_wait3A_926 = arith.constant 0 : i32
      %dma_wait3A_927 = arith.constant 0 : i32
      %dma_wait3A_928 = tpu.memref_slice %arg2[%dma_wait3A_926, %dma_wait3A_927] : memref<20000x64xf32, #tpu.memory_space<hbm>> -> memref<20000x64xf32, #tpu.memory_space<hbm>>
      %dma_wait3A_929 = tpu.memref_slice %arg11[%dma_wait3A_918] : memref<5x!tpu.dma_semaphore, #tpu.memory_space<semaphore_mem>> -> memref<1x!tpu.dma_semaphore, #tpu.memory_space<semaphore_mem>>
      %dma_wait3A_930 = tpu.memref_squeeze %dma_wait3A_929 : memref<1x!tpu.dma_semaphore, #tpu.memory_space<semaphore_mem>> -> memref<!tpu.dma_semaphore, #tpu.memory_space<semaphore_mem>>
      tpu.wait_indirect_dma semaphore(%dma_wait3A_930 : memref<!tpu.dma_semaphore, #tpu.memory_space<semaphore_mem>>) src(%dma_wait3A_928 : memref<20000x64xf32, #tpu.memory_space<hbm>>) dst(%dma_wait3A_922 : memref<128x64xf32, #tpu.memory_space<vmem>>)
      %dma_start3A_931 = arith.constant 4 : i32
      %dma_start3A_932 = arith.constant 4 : i32
      %dma_start3A_933 = arith.constant 0 : i32
      %dma_start3A_934 = arith.constant 0 : i32
      %dma_start3A_935 = tpu.memref_slice %arg9[%dma_start3A_931, %dma_start3A_933, %dma_start3A_934] : memref<5x128x64xf32, #tpu.memory_space<vmem>> -> memref<1x128x64xf32, #tpu.memory_space<vmem>>
      %dma_start3A_936 = tpu.memref_squeeze %dma_start3A_935 : memref<1x128x64xf32, #tpu.memory_space<vmem>> -> memref<128x64xf32, #tpu.memory_space<vmem>>
      %dma_start3A_937 = arith.constant 0 : i32
      %dma_start3A_938 = tpu.memref_slice %arg8[%add3A_915, %dma_start3A_937] : memref<80x128xi32, #tpu.memory_space<vmem>> -> memref<1x128xi32, #tpu.memory_space<vmem>>
      %dma_start3A_939 = tpu.memref_squeeze %dma_start3A_938 : memref<1x128xi32, #tpu.memory_space<vmem>> -> memref<128xi32, #tpu.memory_space<vmem>>
      %dma_start3A_940 = arith.constant 0 : i32
      %dma_start3A_941 = arith.constant 0 : i32
      %dma_start3A_942 = tpu.memref_slice %arg10[%dma_start3A_940, %dma_start3A_941] : memref<10112x64xf32, #tpu.memory_space<vmem_shared>> -> memref<10112x64xf32, #tpu.memory_space<vmem_shared>>
      %dma_start3A_943 = tpu.memref_slice %arg12[%dma_start3A_932] : memref<5x!tpu.dma_semaphore, #tpu.memory_space<semaphore_mem>> -> memref<1x!tpu.dma_semaphore, #tpu.memory_space<semaphore_mem>>
      %dma_start3A_944 = tpu.memref_squeeze %dma_start3A_943 : memref<1x!tpu.dma_semaphore, #tpu.memory_space<semaphore_mem>> -> memref<!tpu.dma_semaphore, #tpu.memory_space<semaphore_mem>>
      tpu.enqueue_indirect_dma source(%dma_start3A_936 : memref<128x64xf32, #tpu.memory_space<vmem>>) target(%dma_start3A_942 : memref<10112x64xf32, #tpu.memory_space<vmem_shared>>) offsets(%dma_start3A_939 : memref<128xi32, #tpu.memory_space<vmem>>) semaphore(%dma_start3A_944 : memref<!tpu.dma_semaphore, #tpu.memory_space<semaphore_mem>>) {add = true}
      %dma_wait3A_945 = arith.constant 3 : i32
      %dma_wait3A_946 = arith.constant 0 : i32
      %dma_wait3A_947 = arith.constant 3 : i32
      %dma_wait3A_948 = arith.constant 0 : i32
      %dma_wait3A_949 = arith.constant 0 : i32
      %dma_wait3A_950 = tpu.memref_slice %arg9[%dma_wait3A_945, %dma_wait3A_948, %dma_wait3A_949] : memref<5x128x64xf32, #tpu.memory_space<vmem>> -> memref<1x128x64xf32, #tpu.memory_space<vmem>>
      %dma_wait3A_951 = tpu.memref_squeeze %dma_wait3A_950 : memref<1x128x64xf32, #tpu.memory_space<vmem>> -> memref<128x64xf32, #tpu.memory_space<vmem>>
      %dma_wait3A_952 = arith.constant 0 : i32
      %dma_wait3A_953 = tpu.memref_slice %arg8[%dma_wait3A_946, %dma_wait3A_952] : memref<80x128xi32, #tpu.memory_space<vmem>> -> memref<1x128xi32, #tpu.memory_space<vmem>>
      %dma_wait3A_954 = tpu.memref_squeeze %dma_wait3A_953 : memref<1x128xi32, #tpu.memory_space<vmem>> -> memref<128xi32, #tpu.memory_space<vmem>>
      %dma_wait3A_955 = arith.constant 0 : i32
      %dma_wait3A_956 = arith.constant 0 : i32
      %dma_wait3A_957 = tpu.memref_slice %arg10[%dma_wait3A_955, %dma_wait3A_956] : memref<10112x64xf32, #tpu.memory_space<vmem_shared>> -> memref<10112x64xf32, #tpu.memory_space<vmem_shared>>
      %dma_wait3A_958 = tpu.memref_slice %arg12[%dma_wait3A_947] : memref<5x!tpu.dma_semaphore, #tpu.memory_space<semaphore_mem>> -> memref<1x!tpu.dma_semaphore, #tpu.memory_space<semaphore_mem>>
      %dma_wait3A_959 = tpu.memref_squeeze %dma_wait3A_958 : memref<1x!tpu.dma_semaphore, #tpu.memory_space<semaphore_mem>> -> memref<!tpu.dma_semaphore, #tpu.memory_space<semaphore_mem>>
      tpu.wait_indirect_dma semaphore(%dma_wait3A_959 : memref<!tpu.dma_semaphore, #tpu.memory_space<semaphore_mem>>) src(%dma_wait3A_951 : memref<128x64xf32, #tpu.memory_space<vmem>>) dst(%dma_wait3A_957 : memref<10112x64xf32, #tpu.memory_space<vmem_shared>>)
      %add3A_960 = arith.constant 4 : i32
      %add3A_961 = arith.addi %add3A_915, %add3A_960 : i32
      %dma_start3A_962 = arith.constant 3 : i32
      %dma_start3A_963 = arith.constant 3 : i32
      %dma_start3A_964 = arith.constant 0 : i32
      %dma_start3A_965 = arith.constant 0 : i32
      %dma_start3A_966 = tpu.memref_slice %arg9[%dma_start3A_962, %dma_start3A_964, %dma_start3A_965] : memref<5x128x64xf32, #tpu.memory_space<vmem>> -> memref<1x128x64xf32, #tpu.memory_space<vmem>>
      %dma_start3A_967 = tpu.memref_squeeze %dma_start3A_966 : memref<1x128x64xf32, #tpu.memory_space<vmem>> -> memref<128x64xf32, #tpu.memory_space<vmem>>
      %dma_start3A_968 = arith.constant 0 : i32
      %dma_start3A_969 = tpu.memref_slice %arg7[%add3A_961, %dma_start3A_968] : memref<80x128xi32, #tpu.memory_space<vmem>> -> memref<1x128xi32, #tpu.memory_space<vmem>>
      %dma_start3A_970 = tpu.memref_squeeze %dma_start3A_969 : memref<1x128xi32, #tpu.memory_space<vmem>> -> memref<128xi32, #tpu.memory_space<vmem>>
      %dma_start3A_971 = arith.constant 0 : i32
      %dma_start3A_972 = arith.constant 0 : i32
      %dma_start3A_973 = tpu.memref_slice %arg2[%dma_start3A_971, %dma_start3A_972] : memref<20000x64xf32, #tpu.memory_space<hbm>> -> memref<20000x64xf32, #tpu.memory_space<hbm>>
      %dma_start3A_974 = tpu.memref_slice %arg11[%dma_start3A_963] : memref<5x!tpu.dma_semaphore, #tpu.memory_space<semaphore_mem>> -> memref<1x!tpu.dma_semaphore, #tpu.memory_space<semaphore_mem>>
      %dma_start3A_975 = tpu.memref_squeeze %dma_start3A_974 : memref<1x!tpu.dma_semaphore, #tpu.memory_space<semaphore_mem>> -> memref<!tpu.dma_semaphore, #tpu.memory_space<semaphore_mem>>
      tpu.enqueue_indirect_dma source(%dma_start3A_973 : memref<20000x64xf32, #tpu.memory_space<hbm>>) target(%dma_start3A_967 : memref<128x64xf32, #tpu.memory_space<vmem>>) offsets(%dma_start3A_970 : memref<128xi32, #tpu.memory_space<vmem>>) semaphore(%dma_start3A_975 : memref<!tpu.dma_semaphore, #tpu.memory_space<semaphore_mem>>)
    }
    %scan3A_395 = arith.constant 14 : i32
    %dma_wait3A_396 = arith.constant 0 : i32
    %dma_wait3A_397 = arith.constant 0 : i32
    %dma_wait3A_398 = arith.constant 0 : i32
    %dma_wait3A_399 = arith.constant 0 : i32
    %dma_wait3A_400 = arith.constant 0 : i32
    %dma_wait3A_401 = tpu.memref_slice %arg9[%dma_wait3A_397, %dma_wait3A_399, %dma_wait3A_400] : memref<5x128x64xf32, #tpu.memory_space<vmem>> -> memref<1x128x64xf32, #tpu.memory_space<vmem>>
    %dma_wait3A_402 = tpu.memref_squeeze %dma_wait3A_401 : memref<1x128x64xf32, #tpu.memory_space<vmem>> -> memref<128x64xf32, #tpu.memory_space<vmem>>
    %dma_wait3A_403 = arith.constant 0 : i32
    %dma_wait3A_404 = tpu.memref_slice %arg7[%dma_wait3A_396, %dma_wait3A_403] : memref<80x128xi32, #tpu.memory_space<vmem>> -> memref<1x128xi32, #tpu.memory_space<vmem>>
    %dma_wait3A_405 = tpu.memref_squeeze %dma_wait3A_404 : memref<1x128xi32, #tpu.memory_space<vmem>> -> memref<128xi32, #tpu.memory_space<vmem>>
    %dma_wait3A_406 = arith.constant 0 : i32
    %dma_wait3A_407 = arith.constant 0 : i32
    %dma_wait3A_408 = tpu.memref_slice %arg2[%dma_wait3A_406, %dma_wait3A_407] : memref<20000x64xf32, #tpu.memory_space<hbm>> -> memref<20000x64xf32, #tpu.memory_space<hbm>>
    %dma_wait3A_409 = tpu.memref_slice %arg11[%dma_wait3A_398] : memref<5x!tpu.dma_semaphore, #tpu.memory_space<semaphore_mem>> -> memref<1x!tpu.dma_semaphore, #tpu.memory_space<semaphore_mem>>
    %dma_wait3A_410 = tpu.memref_squeeze %dma_wait3A_409 : memref<1x!tpu.dma_semaphore, #tpu.memory_space<semaphore_mem>> -> memref<!tpu.dma_semaphore, #tpu.memory_space<semaphore_mem>>
    tpu.wait_indirect_dma semaphore(%dma_wait3A_410 : memref<!tpu.dma_semaphore, #tpu.memory_space<semaphore_mem>>) src(%dma_wait3A_408 : memref<20000x64xf32, #tpu.memory_space<hbm>>) dst(%dma_wait3A_402 : memref<128x64xf32, #tpu.memory_space<vmem>>)
    %dma_start3A_411 = arith.constant 0 : i32
    %dma_start3A_412 = arith.constant 75 : i32
    %dma_start3A_413 = arith.constant 0 : i32
    %dma_start3A_414 = arith.constant 0 : i32
    %dma_start3A_415 = arith.constant 0 : i32
    %dma_start3A_416 = tpu.memref_slice %arg9[%dma_start3A_411, %dma_start3A_414, %dma_start3A_415] : memref<5x128x64xf32, #tpu.memory_space<vmem>> -> memref<1x128x64xf32, #tpu.memory_space<vmem>>
    %dma_start3A_417 = tpu.memref_squeeze %dma_start3A_416 : memref<1x128x64xf32, #tpu.memory_space<vmem>> -> memref<128x64xf32, #tpu.memory_space<vmem>>
    %dma_start3A_418 = arith.constant 0 : i32
    %dma_start3A_419 = tpu.memref_slice %arg8[%dma_start3A_412, %dma_start3A_418] : memref<80x128xi32, #tpu.memory_space<vmem>> -> memref<1x128xi32, #tpu.memory_space<vmem>>
    %dma_start3A_420 = tpu.memref_squeeze %dma_start3A_419 : memref<1x128xi32, #tpu.memory_space<vmem>> -> memref<128xi32, #tpu.memory_space<vmem>>
    %dma_start3A_421 = arith.constant 0 : i32
    %dma_start3A_422 = arith.constant 0 : i32
    %dma_start3A_423 = tpu.memref_slice %arg10[%dma_start3A_421, %dma_start3A_422] : memref<10112x64xf32, #tpu.memory_space<vmem_shared>> -> memref<10112x64xf32, #tpu.memory_space<vmem_shared>>
    %dma_start3A_424 = tpu.memref_slice %arg12[%dma_start3A_413] : memref<5x!tpu.dma_semaphore, #tpu.memory_space<semaphore_mem>> -> memref<1x!tpu.dma_semaphore, #tpu.memory_space<semaphore_mem>>
    %dma_start3A_425 = tpu.memref_squeeze %dma_start3A_424 : memref<1x!tpu.dma_semaphore, #tpu.memory_space<semaphore_mem>> -> memref<!tpu.dma_semaphore, #tpu.memory_space<semaphore_mem>>
    tpu.enqueue_indirect_dma source(%dma_start3A_417 : memref<128x64xf32, #tpu.memory_space<vmem>>) target(%dma_start3A_423 : memref<10112x64xf32, #tpu.memory_space<vmem_shared>>) offsets(%dma_start3A_420 : memref<128xi32, #tpu.memory_space<vmem>>) semaphore(%dma_start3A_425 : memref<!tpu.dma_semaphore, #tpu.memory_space<semaphore_mem>>) {add = true}
    %dma_wait3A_426 = arith.constant 4 : i32
    %dma_wait3A_427 = arith.constant 0 : i32
    %dma_wait3A_428 = arith.constant 4 : i32
    %dma_wait3A_429 = arith.constant 0 : i32
    %dma_wait3A_430 = arith.constant 0 : i32
    %dma_wait3A_431 = tpu.memref_slice %arg9[%dma_wait3A_426, %dma_wait3A_429, %dma_wait3A_430] : memref<5x128x64xf32, #tpu.memory_space<vmem>> -> memref<1x128x64xf32, #tpu.memory_space<vmem>>
    %dma_wait3A_432 = tpu.memref_squeeze %dma_wait3A_431 : memref<1x128x64xf32, #tpu.memory_space<vmem>> -> memref<128x64xf32, #tpu.memory_space<vmem>>
    %dma_wait3A_433 = arith.constant 0 : i32
    %dma_wait3A_434 = tpu.memref_slice %arg8[%dma_wait3A_427, %dma_wait3A_433] : memref<80x128xi32, #tpu.memory_space<vmem>> -> memref<1x128xi32, #tpu.memory_space<vmem>>
    %dma_wait3A_435 = tpu.memref_squeeze %dma_wait3A_434 : memref<1x128xi32, #tpu.memory_space<vmem>> -> memref<128xi32, #tpu.memory_space<vmem>>
    %dma_wait3A_436 = arith.constant 0 : i32
    %dma_wait3A_437 = arith.constant 0 : i32
    %dma_wait3A_438 = tpu.memref_slice %arg10[%dma_wait3A_436, %dma_wait3A_437] : memref<10112x64xf32, #tpu.memory_space<vmem_shared>> -> memref<10112x64xf32, #tpu.memory_space<vmem_shared>>
    %dma_wait3A_439 = tpu.memref_slice %arg12[%dma_wait3A_428] : memref<5x!tpu.dma_semaphore, #tpu.memory_space<semaphore_mem>> -> memref<1x!tpu.dma_semaphore, #tpu.memory_space<semaphore_mem>>
    %dma_wait3A_440 = tpu.memref_squeeze %dma_wait3A_439 : memref<1x!tpu.dma_semaphore, #tpu.memory_space<semaphore_mem>> -> memref<!tpu.dma_semaphore, #tpu.memory_space<semaphore_mem>>
    tpu.wait_indirect_dma semaphore(%dma_wait3A_440 : memref<!tpu.dma_semaphore, #tpu.memory_space<semaphore_mem>>) src(%dma_wait3A_432 : memref<128x64xf32, #tpu.memory_space<vmem>>) dst(%dma_wait3A_438 : memref<10112x64xf32, #tpu.memory_space<vmem_shared>>)
    %dma_start3A_441 = arith.constant 79 : i32
    %dma_start3A_442 = arith.constant 4 : i32
    %dma_start3A_443 = arith.constant 4 : i32
    %dma_start3A_444 = arith.constant 0 : i32
    %dma_start3A_445 = arith.constant 0 : i32
    %dma_start3A_446 = tpu.memref_slice %arg9[%dma_start3A_442, %dma_start3A_444, %dma_start3A_445] : memref<5x128x64xf32, #tpu.memory_space<vmem>> -> memref<1x128x64xf32, #tpu.memory_space<vmem>>
    %dma_start3A_447 = tpu.memref_squeeze %dma_start3A_446 : memref<1x128x64xf32, #tpu.memory_space<vmem>> -> memref<128x64xf32, #tpu.memory_space<vmem>>
    %dma_start3A_448 = arith.constant 0 : i32
    %dma_start3A_449 = tpu.memref_slice %arg7[%dma_start3A_441, %dma_start3A_448] : memref<80x128xi32, #tpu.memory_space<vmem>> -> memref<1x128xi32, #tpu.memory_space<vmem>>
    %dma_start3A_450 = tpu.memref_squeeze %dma_start3A_449 : memref<1x128xi32, #tpu.memory_space<vmem>> -> memref<128xi32, #tpu.memory_space<vmem>>
    %dma_start3A_451 = arith.constant 0 : i32
    %dma_start3A_452 = arith.constant 0 : i32
    %dma_start3A_453 = tpu.memref_slice %arg2[%dma_start3A_451, %dma_start3A_452] : memref<20000x64xf32, #tpu.memory_space<hbm>> -> memref<20000x64xf32, #tpu.memory_space<hbm>>
    %dma_start3A_454 = tpu.memref_slice %arg11[%dma_start3A_443] : memref<5x!tpu.dma_semaphore, #tpu.memory_space<semaphore_mem>> -> memref<1x!tpu.dma_semaphore, #tpu.memory_space<semaphore_mem>>
    %dma_start3A_455 = tpu.memref_squeeze %dma_start3A_454 : memref<1x!tpu.dma_semaphore, #tpu.memory_space<semaphore_mem>> -> memref<!tpu.dma_semaphore, #tpu.memory_space<semaphore_mem>>
    tpu.enqueue_indirect_dma source(%dma_start3A_453 : memref<20000x64xf32, #tpu.memory_space<hbm>>) target(%dma_start3A_447 : memref<128x64xf32, #tpu.memory_space<vmem>>) offsets(%dma_start3A_450 : memref<128xi32, #tpu.memory_space<vmem>>) semaphore(%dma_start3A_455 : memref<!tpu.dma_semaphore, #tpu.memory_space<semaphore_mem>>)
    %dma_wait3A_456 = arith.constant 0 : i32
    %dma_wait3A_457 = arith.constant 1 : i32
    %dma_wait3A_458 = arith.constant 1 : i32
    %dma_wait3A_459 = arith.constant 0 : i32
    %dma_wait3A_460 = arith.constant 0 : i32
    %dma_wait3A_461 = tpu.memref_slice %arg9[%dma_wait3A_457, %dma_wait3A_459, %dma_wait3A_460] : memref<5x128x64xf32, #tpu.memory_space<vmem>> -> memref<1x128x64xf32, #tpu.memory_space<vmem>>
    %dma_wait3A_462 = tpu.memref_squeeze %dma_wait3A_461 : memref<1x128x64xf32, #tpu.memory_space<vmem>> -> memref<128x64xf32, #tpu.memory_space<vmem>>
    %dma_wait3A_463 = arith.constant 0 : i32
    %dma_wait3A_464 = tpu.memref_slice %arg7[%dma_wait3A_456, %dma_wait3A_463] : memref<80x128xi32, #tpu.memory_space<vmem>> -> memref<1x128xi32, #tpu.memory_space<vmem>>
    %dma_wait3A_465 = tpu.memref_squeeze %dma_wait3A_464 : memref<1x128xi32, #tpu.memory_space<vmem>> -> memref<128xi32, #tpu.memory_space<vmem>>
    %dma_wait3A_466 = arith.constant 0 : i32
    %dma_wait3A_467 = arith.constant 0 : i32
    %dma_wait3A_468 = tpu.memref_slice %arg2[%dma_wait3A_466, %dma_wait3A_467] : memref<20000x64xf32, #tpu.memory_space<hbm>> -> memref<20000x64xf32, #tpu.memory_space<hbm>>
    %dma_wait3A_469 = tpu.memref_slice %arg11[%dma_wait3A_458] : memref<5x!tpu.dma_semaphore, #tpu.memory_space<semaphore_mem>> -> memref<1x!tpu.dma_semaphore, #tpu.memory_space<semaphore_mem>>
    %dma_wait3A_470 = tpu.memref_squeeze %dma_wait3A_469 : memref<1x!tpu.dma_semaphore, #tpu.memory_space<semaphore_mem>> -> memref<!tpu.dma_semaphore, #tpu.memory_space<semaphore_mem>>
    tpu.wait_indirect_dma semaphore(%dma_wait3A_470 : memref<!tpu.dma_semaphore, #tpu.memory_space<semaphore_mem>>) src(%dma_wait3A_468 : memref<20000x64xf32, #tpu.memory_space<hbm>>) dst(%dma_wait3A_462 : memref<128x64xf32, #tpu.memory_space<vmem>>)
    %dma_start3A_471 = arith.constant 1 : i32
    %dma_start3A_472 = arith.constant 76 : i32
    %dma_start3A_473 = arith.constant 1 : i32
    %dma_start3A_474 = arith.constant 0 : i32
    %dma_start3A_475 = arith.constant 0 : i32
    %dma_start3A_476 = tpu.memref_slice %arg9[%dma_start3A_471, %dma_start3A_474, %dma_start3A_475] : memref<5x128x64xf32, #tpu.memory_space<vmem>> -> memref<1x128x64xf32, #tpu.memory_space<vmem>>
    %dma_start3A_477 = tpu.memref_squeeze %dma_start3A_476 : memref<1x128x64xf32, #tpu.memory_space<vmem>> -> memref<128x64xf32, #tpu.memory_space<vmem>>
    %dma_start3A_478 = arith.constant 0 : i32
    %dma_start3A_479 = tpu.memref_slice %arg8[%dma_start3A_472, %dma_start3A_478] : memref<80x128xi32, #tpu.memory_space<vmem>> -> memref<1x128xi32, #tpu.memory_space<vmem>>
    %dma_start3A_480 = tpu.memref_squeeze %dma_start3A_479 : memref<1x128xi32, #tpu.memory_space<vmem>> -> memref<128xi32, #tpu.memory_space<vmem>>
    %dma_start3A_481 = arith.constant 0 : i32
    %dma_start3A_482 = arith.constant 0 : i32
    %dma_start3A_483 = tpu.memref_slice %arg10[%dma_start3A_481, %dma_start3A_482] : memref<10112x64xf32, #tpu.memory_space<vmem_shared>> -> memref<10112x64xf32, #tpu.memory_space<vmem_shared>>
    %dma_start3A_484 = tpu.memref_slice %arg12[%dma_start3A_473] : memref<5x!tpu.dma_semaphore, #tpu.memory_space<semaphore_mem>> -> memref<1x!tpu.dma_semaphore, #tpu.memory_space<semaphore_mem>>
    %dma_start3A_485 = tpu.memref_squeeze %dma_start3A_484 : memref<1x!tpu.dma_semaphore, #tpu.memory_space<semaphore_mem>> -> memref<!tpu.dma_semaphore, #tpu.memory_space<semaphore_mem>>
    tpu.enqueue_indirect_dma source(%dma_start3A_477 : memref<128x64xf32, #tpu.memory_space<vmem>>) target(%dma_start3A_483 : memref<10112x64xf32, #tpu.memory_space<vmem_shared>>) offsets(%dma_start3A_480 : memref<128xi32, #tpu.memory_space<vmem>>) semaphore(%dma_start3A_485 : memref<!tpu.dma_semaphore, #tpu.memory_space<semaphore_mem>>) {add = true}
    %dma_wait3A_486 = arith.constant 0 : i32
    %dma_wait3A_487 = arith.constant 2 : i32
    %dma_wait3A_488 = arith.constant 2 : i32
    %dma_wait3A_489 = arith.constant 0 : i32
    %dma_wait3A_490 = arith.constant 0 : i32
    %dma_wait3A_491 = tpu.memref_slice %arg9[%dma_wait3A_487, %dma_wait3A_489, %dma_wait3A_490] : memref<5x128x64xf32, #tpu.memory_space<vmem>> -> memref<1x128x64xf32, #tpu.memory_space<vmem>>
    %dma_wait3A_492 = tpu.memref_squeeze %dma_wait3A_491 : memref<1x128x64xf32, #tpu.memory_space<vmem>> -> memref<128x64xf32, #tpu.memory_space<vmem>>
    %dma_wait3A_493 = arith.constant 0 : i32
    %dma_wait3A_494 = tpu.memref_slice %arg7[%dma_wait3A_486, %dma_wait3A_493] : memref<80x128xi32, #tpu.memory_space<vmem>> -> memref<1x128xi32, #tpu.memory_space<vmem>>
    %dma_wait3A_495 = tpu.memref_squeeze %dma_wait3A_494 : memref<1x128xi32, #tpu.memory_space<vmem>> -> memref<128xi32, #tpu.memory_space<vmem>>
    %dma_wait3A_496 = arith.constant 0 : i32
    %dma_wait3A_497 = arith.constant 0 : i32
    %dma_wait3A_498 = tpu.memref_slice %arg2[%dma_wait3A_496, %dma_wait3A_497] : memref<20000x64xf32, #tpu.memory_space<hbm>> -> memref<20000x64xf32, #tpu.memory_space<hbm>>
    %dma_wait3A_499 = tpu.memref_slice %arg11[%dma_wait3A_488] : memref<5x!tpu.dma_semaphore, #tpu.memory_space<semaphore_mem>> -> memref<1x!tpu.dma_semaphore, #tpu.memory_space<semaphore_mem>>
    %dma_wait3A_500 = tpu.memref_squeeze %dma_wait3A_499 : memref<1x!tpu.dma_semaphore, #tpu.memory_space<semaphore_mem>> -> memref<!tpu.dma_semaphore, #tpu.memory_space<semaphore_mem>>
    tpu.wait_indirect_dma semaphore(%dma_wait3A_500 : memref<!tpu.dma_semaphore, #tpu.memory_space<semaphore_mem>>) src(%dma_wait3A_498 : memref<20000x64xf32, #tpu.memory_space<hbm>>) dst(%dma_wait3A_492 : memref<128x64xf32, #tpu.memory_space<vmem>>)
    %dma_start3A_501 = arith.constant 2 : i32
    %dma_start3A_502 = arith.constant 77 : i32
    %dma_start3A_503 = arith.constant 2 : i32
    %dma_start3A_504 = arith.constant 0 : i32
    %dma_start3A_505 = arith.constant 0 : i32
    %dma_start3A_506 = tpu.memref_slice %arg9[%dma_start3A_501, %dma_start3A_504, %dma_start3A_505] : memref<5x128x64xf32, #tpu.memory_space<vmem>> -> memref<1x128x64xf32, #tpu.memory_space<vmem>>
    %dma_start3A_507 = tpu.memref_squeeze %dma_start3A_506 : memref<1x128x64xf32, #tpu.memory_space<vmem>> -> memref<128x64xf32, #tpu.memory_space<vmem>>
    %dma_start3A_508 = arith.constant 0 : i32
    %dma_start3A_509 = tpu.memref_slice %arg8[%dma_start3A_502, %dma_start3A_508] : memref<80x128xi32, #tpu.memory_space<vmem>> -> memref<1x128xi32, #tpu.memory_space<vmem>>
    %dma_start3A_510 = tpu.memref_squeeze %dma_start3A_509 : memref<1x128xi32, #tpu.memory_space<vmem>> -> memref<128xi32, #tpu.memory_space<vmem>>
    %dma_start3A_511 = arith.constant 0 : i32
    %dma_start3A_512 = arith.constant 0 : i32
    %dma_start3A_513 = tpu.memref_slice %arg10[%dma_start3A_511, %dma_start3A_512] : memref<10112x64xf32, #tpu.memory_space<vmem_shared>> -> memref<10112x64xf32, #tpu.memory_space<vmem_shared>>
    %dma_start3A_514 = tpu.memref_slice %arg12[%dma_start3A_503] : memref<5x!tpu.dma_semaphore, #tpu.memory_space<semaphore_mem>> -> memref<1x!tpu.dma_semaphore, #tpu.memory_space<semaphore_mem>>
    %dma_start3A_515 = tpu.memref_squeeze %dma_start3A_514 : memref<1x!tpu.dma_semaphore, #tpu.memory_space<semaphore_mem>> -> memref<!tpu.dma_semaphore, #tpu.memory_space<semaphore_mem>>
    tpu.enqueue_indirect_dma source(%dma_start3A_507 : memref<128x64xf32, #tpu.memory_space<vmem>>) target(%dma_start3A_513 : memref<10112x64xf32, #tpu.memory_space<vmem_shared>>) offsets(%dma_start3A_510 : memref<128xi32, #tpu.memory_space<vmem>>) semaphore(%dma_start3A_515 : memref<!tpu.dma_semaphore, #tpu.memory_space<semaphore_mem>>) {add = true}
    %dma_wait3A_516 = arith.constant 0 : i32
    %dma_wait3A_517 = arith.constant 3 : i32
    %dma_wait3A_518 = arith.constant 3 : i32
    %dma_wait3A_519 = arith.constant 0 : i32
    %dma_wait3A_520 = arith.constant 0 : i32
    %dma_wait3A_521 = tpu.memref_slice %arg9[%dma_wait3A_517, %dma_wait3A_519, %dma_wait3A_520] : memref<5x128x64xf32, #tpu.memory_space<vmem>> -> memref<1x128x64xf32, #tpu.memory_space<vmem>>
    %dma_wait3A_522 = tpu.memref_squeeze %dma_wait3A_521 : memref<1x128x64xf32, #tpu.memory_space<vmem>> -> memref<128x64xf32, #tpu.memory_space<vmem>>
    %dma_wait3A_523 = arith.constant 0 : i32
    %dma_wait3A_524 = tpu.memref_slice %arg7[%dma_wait3A_516, %dma_wait3A_523] : memref<80x128xi32, #tpu.memory_space<vmem>> -> memref<1x128xi32, #tpu.memory_space<vmem>>
    %dma_wait3A_525 = tpu.memref_squeeze %dma_wait3A_524 : memref<1x128xi32, #tpu.memory_space<vmem>> -> memref<128xi32, #tpu.memory_space<vmem>>
    %dma_wait3A_526 = arith.constant 0 : i32
    %dma_wait3A_527 = arith.constant 0 : i32
    %dma_wait3A_528 = tpu.memref_slice %arg2[%dma_wait3A_526, %dma_wait3A_527] : memref<20000x64xf32, #tpu.memory_space<hbm>> -> memref<20000x64xf32, #tpu.memory_space<hbm>>
    %dma_wait3A_529 = tpu.memref_slice %arg11[%dma_wait3A_518] : memref<5x!tpu.dma_semaphore, #tpu.memory_space<semaphore_mem>> -> memref<1x!tpu.dma_semaphore, #tpu.memory_space<semaphore_mem>>
    %dma_wait3A_530 = tpu.memref_squeeze %dma_wait3A_529 : memref<1x!tpu.dma_semaphore, #tpu.memory_space<semaphore_mem>> -> memref<!tpu.dma_semaphore, #tpu.memory_space<semaphore_mem>>
    tpu.wait_indirect_dma semaphore(%dma_wait3A_530 : memref<!tpu.dma_semaphore, #tpu.memory_space<semaphore_mem>>) src(%dma_wait3A_528 : memref<20000x64xf32, #tpu.memory_space<hbm>>) dst(%dma_wait3A_522 : memref<128x64xf32, #tpu.memory_space<vmem>>)
    %dma_start3A_531 = arith.constant 3 : i32
    %dma_start3A_532 = arith.constant 78 : i32
    %dma_start3A_533 = arith.constant 3 : i32
    %dma_start3A_534 = arith.constant 0 : i32
    %dma_start3A_535 = arith.constant 0 : i32
    %dma_start3A_536 = tpu.memref_slice %arg9[%dma_start3A_531, %dma_start3A_534, %dma_start3A_535] : memref<5x128x64xf32, #tpu.memory_space<vmem>> -> memref<1x128x64xf32, #tpu.memory_space<vmem>>
    %dma_start3A_537 = tpu.memref_squeeze %dma_start3A_536 : memref<1x128x64xf32, #tpu.memory_space<vmem>> -> memref<128x64xf32, #tpu.memory_space<vmem>>
    %dma_start3A_538 = arith.constant 0 : i32
    %dma_start3A_539 = tpu.memref_slice %arg8[%dma_start3A_532, %dma_start3A_538] : memref<80x128xi32, #tpu.memory_space<vmem>> -> memref<1x128xi32, #tpu.memory_space<vmem>>
    %dma_start3A_540 = tpu.memref_squeeze %dma_start3A_539 : memref<1x128xi32, #tpu.memory_space<vmem>> -> memref<128xi32, #tpu.memory_space<vmem>>
    %dma_start3A_541 = arith.constant 0 : i32
    %dma_start3A_542 = arith.constant 0 : i32
    %dma_start3A_543 = tpu.memref_slice %arg10[%dma_start3A_541, %dma_start3A_542] : memref<10112x64xf32, #tpu.memory_space<vmem_shared>> -> memref<10112x64xf32, #tpu.memory_space<vmem_shared>>
    %dma_start3A_544 = tpu.memref_slice %arg12[%dma_start3A_533] : memref<5x!tpu.dma_semaphore, #tpu.memory_space<semaphore_mem>> -> memref<1x!tpu.dma_semaphore, #tpu.memory_space<semaphore_mem>>
    %dma_start3A_545 = tpu.memref_squeeze %dma_start3A_544 : memref<1x!tpu.dma_semaphore, #tpu.memory_space<semaphore_mem>> -> memref<!tpu.dma_semaphore, #tpu.memory_space<semaphore_mem>>
    tpu.enqueue_indirect_dma source(%dma_start3A_537 : memref<128x64xf32, #tpu.memory_space<vmem>>) target(%dma_start3A_543 : memref<10112x64xf32, #tpu.memory_space<vmem_shared>>) offsets(%dma_start3A_540 : memref<128xi32, #tpu.memory_space<vmem>>) semaphore(%dma_start3A_545 : memref<!tpu.dma_semaphore, #tpu.memory_space<semaphore_mem>>) {add = true}
    %dma_wait3A_546 = arith.constant 0 : i32
    %dma_wait3A_547 = arith.constant 4 : i32
    %dma_wait3A_548 = arith.constant 4 : i32
    %dma_wait3A_549 = arith.constant 0 : i32
    %dma_wait3A_550 = arith.constant 0 : i32
    %dma_wait3A_551 = tpu.memref_slice %arg9[%dma_wait3A_547, %dma_wait3A_549, %dma_wait3A_550] : memref<5x128x64xf32, #tpu.memory_space<vmem>> -> memref<1x128x64xf32, #tpu.memory_space<vmem>>
    %dma_wait3A_552 = tpu.memref_squeeze %dma_wait3A_551 : memref<1x128x64xf32, #tpu.memory_space<vmem>> -> memref<128x64xf32, #tpu.memory_space<vmem>>
    %dma_wait3A_553 = arith.constant 0 : i32
    %dma_wait3A_554 = tpu.memref_slice %arg7[%dma_wait3A_546, %dma_wait3A_553] : memref<80x128xi32, #tpu.memory_space<vmem>> -> memref<1x128xi32, #tpu.memory_space<vmem>>
    %dma_wait3A_555 = tpu.memref_squeeze %dma_wait3A_554 : memref<1x128xi32, #tpu.memory_space<vmem>> -> memref<128xi32, #tpu.memory_space<vmem>>
    %dma_wait3A_556 = arith.constant 0 : i32
    %dma_wait3A_557 = arith.constant 0 : i32
    %dma_wait3A_558 = tpu.memref_slice %arg2[%dma_wait3A_556, %dma_wait3A_557] : memref<20000x64xf32, #tpu.memory_space<hbm>> -> memref<20000x64xf32, #tpu.memory_space<hbm>>
    %dma_wait3A_559 = tpu.memref_slice %arg11[%dma_wait3A_548] : memref<5x!tpu.dma_semaphore, #tpu.memory_space<semaphore_mem>> -> memref<1x!tpu.dma_semaphore, #tpu.memory_space<semaphore_mem>>
    %dma_wait3A_560 = tpu.memref_squeeze %dma_wait3A_559 : memref<1x!tpu.dma_semaphore, #tpu.memory_space<semaphore_mem>> -> memref<!tpu.dma_semaphore, #tpu.memory_space<semaphore_mem>>
    tpu.wait_indirect_dma semaphore(%dma_wait3A_560 : memref<!tpu.dma_semaphore, #tpu.memory_space<semaphore_mem>>) src(%dma_wait3A_558 : memref<20000x64xf32, #tpu.memory_space<hbm>>) dst(%dma_wait3A_552 : memref<128x64xf32, #tpu.memory_space<vmem>>)
    %dma_start3A_561 = arith.constant 4 : i32
    %dma_start3A_562 = arith.constant 79 : i32
    %dma_start3A_563 = arith.constant 4 : i32
    %dma_start3A_564 = arith.constant 0 : i32
    %dma_start3A_565 = arith.constant 0 : i32
    %dma_start3A_566 = tpu.memref_slice %arg9[%dma_start3A_561, %dma_start3A_564, %dma_start3A_565] : memref<5x128x64xf32, #tpu.memory_space<vmem>> -> memref<1x128x64xf32, #tpu.memory_space<vmem>>
    %dma_start3A_567 = tpu.memref_squeeze %dma_start3A_566 : memref<1x128x64xf32, #tpu.memory_space<vmem>> -> memref<128x64xf32, #tpu.memory_space<vmem>>
    %dma_start3A_568 = arith.constant 0 : i32
    %dma_start3A_569 = tpu.memref_slice %arg8[%dma_start3A_562, %dma_start3A_568] : memref<80x128xi32, #tpu.memory_space<vmem>> -> memref<1x128xi32, #tpu.memory_space<vmem>>
    %dma_start3A_570 = tpu.memref_squeeze %dma_start3A_569 : memref<1x128xi32, #tpu.memory_space<vmem>> -> memref<128xi32, #tpu.memory_space<vmem>>
    %dma_start3A_571 = arith.constant 0 : i32
    %dma_start3A_572 = arith.constant 0 : i32
    %dma_start3A_573 = tpu.memref_slice %arg10[%dma_start3A_571, %dma_start3A_572] : memref<10112x64xf32, #tpu.memory_space<vmem_shared>> -> memref<10112x64xf32, #tpu.memory_space<vmem_shared>>
    %dma_start3A_574 = tpu.memref_slice %arg12[%dma_start3A_563] : memref<5x!tpu.dma_semaphore, #tpu.memory_space<semaphore_mem>> -> memref<1x!tpu.dma_semaphore, #tpu.memory_space<semaphore_mem>>
    %dma_start3A_575 = tpu.memref_squeeze %dma_start3A_574 : memref<1x!tpu.dma_semaphore, #tpu.memory_space<semaphore_mem>> -> memref<!tpu.dma_semaphore, #tpu.memory_space<semaphore_mem>>
    tpu.enqueue_indirect_dma source(%dma_start3A_567 : memref<128x64xf32, #tpu.memory_space<vmem>>) target(%dma_start3A_573 : memref<10112x64xf32, #tpu.memory_space<vmem_shared>>) offsets(%dma_start3A_570 : memref<128xi32, #tpu.memory_space<vmem>>) semaphore(%dma_start3A_575 : memref<!tpu.dma_semaphore, #tpu.memory_space<semaphore_mem>>) {add = true}
    %dma_wait3A_576 = arith.constant 0 : i32
    %dma_wait3A_577 = arith.constant 0 : i32
    %dma_wait3A_578 = arith.constant 0 : i32
    %dma_wait3A_579 = arith.constant 0 : i32
    %dma_wait3A_580 = arith.constant 0 : i32
    %dma_wait3A_581 = tpu.memref_slice %arg9[%dma_wait3A_576, %dma_wait3A_579, %dma_wait3A_580] : memref<5x128x64xf32, #tpu.memory_space<vmem>> -> memref<1x128x64xf32, #tpu.memory_space<vmem>>
    %dma_wait3A_582 = tpu.memref_squeeze %dma_wait3A_581 : memref<1x128x64xf32, #tpu.memory_space<vmem>> -> memref<128x64xf32, #tpu.memory_space<vmem>>
    %dma_wait3A_583 = arith.constant 0 : i32
    %dma_wait3A_584 = tpu.memref_slice %arg8[%dma_wait3A_577, %dma_wait3A_583] : memref<80x128xi32, #tpu.memory_space<vmem>> -> memref<1x128xi32, #tpu.memory_space<vmem>>
    %dma_wait3A_585 = tpu.memref_squeeze %dma_wait3A_584 : memref<1x128xi32, #tpu.memory_space<vmem>> -> memref<128xi32, #tpu.memory_space<vmem>>
    %dma_wait3A_586 = arith.constant 0 : i32
    %dma_wait3A_587 = arith.constant 0 : i32
    %dma_wait3A_588 = tpu.memref_slice %arg10[%dma_wait3A_586, %dma_wait3A_587] : memref<10112x64xf32, #tpu.memory_space<vmem_shared>> -> memref<10112x64xf32, #tpu.memory_space<vmem_shared>>
    %dma_wait3A_589 = tpu.memref_slice %arg12[%dma_wait3A_578] : memref<5x!tpu.dma_semaphore, #tpu.memory_space<semaphore_mem>> -> memref<1x!tpu.dma_semaphore, #tpu.memory_space<semaphore_mem>>
    %dma_wait3A_590 = tpu.memref_squeeze %dma_wait3A_589 : memref<1x!tpu.dma_semaphore, #tpu.memory_space<semaphore_mem>> -> memref<!tpu.dma_semaphore, #tpu.memory_space<semaphore_mem>>
    tpu.wait_indirect_dma semaphore(%dma_wait3A_590 : memref<!tpu.dma_semaphore, #tpu.memory_space<semaphore_mem>>) src(%dma_wait3A_582 : memref<128x64xf32, #tpu.memory_space<vmem>>) dst(%dma_wait3A_588 : memref<10112x64xf32, #tpu.memory_space<vmem_shared>>)
    %dma_wait3A_591 = arith.constant 1 : i32
    %dma_wait3A_592 = arith.constant 0 : i32
    %dma_wait3A_593 = arith.constant 1 : i32
    %dma_wait3A_594 = arith.constant 0 : i32
    %dma_wait3A_595 = arith.constant 0 : i32
    %dma_wait3A_596 = tpu.memref_slice %arg9[%dma_wait3A_591, %dma_wait3A_594, %dma_wait3A_595] : memref<5x128x64xf32, #tpu.memory_space<vmem>> -> memref<1x128x64xf32, #tpu.memory_space<vmem>>
    %dma_wait3A_597 = tpu.memref_squeeze %dma_wait3A_596 : memref<1x128x64xf32, #tpu.memory_space<vmem>> -> memref<128x64xf32, #tpu.memory_space<vmem>>
    %dma_wait3A_598 = arith.constant 0 : i32
    %dma_wait3A_599 = tpu.memref_slice %arg8[%dma_wait3A_592, %dma_wait3A_598] : memref<80x128xi32, #tpu.memory_space<vmem>> -> memref<1x128xi32, #tpu.memory_space<vmem>>
    %dma_wait3A_600 = tpu.memref_squeeze %dma_wait3A_599 : memref<1x128xi32, #tpu.memory_space<vmem>> -> memref<128xi32, #tpu.memory_space<vmem>>
    %dma_wait3A_601 = arith.constant 0 : i32
    %dma_wait3A_602 = arith.constant 0 : i32
    %dma_wait3A_603 = tpu.memref_slice %arg10[%dma_wait3A_601, %dma_wait3A_602] : memref<10112x64xf32, #tpu.memory_space<vmem_shared>> -> memref<10112x64xf32, #tpu.memory_space<vmem_shared>>
    %dma_wait3A_604 = tpu.memref_slice %arg12[%dma_wait3A_593] : memref<5x!tpu.dma_semaphore, #tpu.memory_space<semaphore_mem>> -> memref<1x!tpu.dma_semaphore, #tpu.memory_space<semaphore_mem>>
    %dma_wait3A_605 = tpu.memref_squeeze %dma_wait3A_604 : memref<1x!tpu.dma_semaphore, #tpu.memory_space<semaphore_mem>> -> memref<!tpu.dma_semaphore, #tpu.memory_space<semaphore_mem>>
    tpu.wait_indirect_dma semaphore(%dma_wait3A_605 : memref<!tpu.dma_semaphore, #tpu.memory_space<semaphore_mem>>) src(%dma_wait3A_597 : memref<128x64xf32, #tpu.memory_space<vmem>>) dst(%dma_wait3A_603 : memref<10112x64xf32, #tpu.memory_space<vmem_shared>>)
    %dma_wait3A_606 = arith.constant 2 : i32
    %dma_wait3A_607 = arith.constant 0 : i32
    %dma_wait3A_608 = arith.constant 2 : i32
    %dma_wait3A_609 = arith.constant 0 : i32
    %dma_wait3A_610 = arith.constant 0 : i32
    %dma_wait3A_611 = tpu.memref_slice %arg9[%dma_wait3A_606, %dma_wait3A_609, %dma_wait3A_610] : memref<5x128x64xf32, #tpu.memory_space<vmem>> -> memref<1x128x64xf32, #tpu.memory_space<vmem>>
    %dma_wait3A_612 = tpu.memref_squeeze %dma_wait3A_611 : memref<1x128x64xf32, #tpu.memory_space<vmem>> -> memref<128x64xf32, #tpu.memory_space<vmem>>
    %dma_wait3A_613 = arith.constant 0 : i32
    %dma_wait3A_614 = tpu.memref_slice %arg8[%dma_wait3A_607, %dma_wait3A_613] : memref<80x128xi32, #tpu.memory_space<vmem>> -> memref<1x128xi32, #tpu.memory_space<vmem>>
    %dma_wait3A_615 = tpu.memref_squeeze %dma_wait3A_614 : memref<1x128xi32, #tpu.memory_space<vmem>> -> memref<128xi32, #tpu.memory_space<vmem>>
    %dma_wait3A_616 = arith.constant 0 : i32
    %dma_wait3A_617 = arith.constant 0 : i32
    %dma_wait3A_618 = tpu.memref_slice %arg10[%dma_wait3A_616, %dma_wait3A_617] : memref<10112x64xf32, #tpu.memory_space<vmem_shared>> -> memref<10112x64xf32, #tpu.memory_space<vmem_shared>>
    %dma_wait3A_619 = tpu.memref_slice %arg12[%dma_wait3A_608] : memref<5x!tpu.dma_semaphore, #tpu.memory_space<semaphore_mem>> -> memref<1x!tpu.dma_semaphore, #tpu.memory_space<semaphore_mem>>
    %dma_wait3A_620 = tpu.memref_squeeze %dma_wait3A_619 : memref<1x!tpu.dma_semaphore, #tpu.memory_space<semaphore_mem>> -> memref<!tpu.dma_semaphore, #tpu.memory_space<semaphore_mem>>
    tpu.wait_indirect_dma semaphore(%dma_wait3A_620 : memref<!tpu.dma_semaphore, #tpu.memory_space<semaphore_mem>>) src(%dma_wait3A_612 : memref<128x64xf32, #tpu.memory_space<vmem>>) dst(%dma_wait3A_618 : memref<10112x64xf32, #tpu.memory_space<vmem_shared>>)
    %dma_wait3A_621 = arith.constant 3 : i32
    %dma_wait3A_622 = arith.constant 0 : i32
    %dma_wait3A_623 = arith.constant 3 : i32
    %dma_wait3A_624 = arith.constant 0 : i32
    %dma_wait3A_625 = arith.constant 0 : i32
    %dma_wait3A_626 = tpu.memref_slice %arg9[%dma_wait3A_621, %dma_wait3A_624, %dma_wait3A_625] : memref<5x128x64xf32, #tpu.memory_space<vmem>> -> memref<1x128x64xf32, #tpu.memory_space<vmem>>
    %dma_wait3A_627 = tpu.memref_squeeze %dma_wait3A_626 : memref<1x128x64xf32, #tpu.memory_space<vmem>> -> memref<128x64xf32, #tpu.memory_space<vmem>>
    %dma_wait3A_628 = arith.constant 0 : i32
    %dma_wait3A_629 = tpu.memref_slice %arg8[%dma_wait3A_622, %dma_wait3A_628] : memref<80x128xi32, #tpu.memory_space<vmem>> -> memref<1x128xi32, #tpu.memory_space<vmem>>
    %dma_wait3A_630 = tpu.memref_squeeze %dma_wait3A_629 : memref<1x128xi32, #tpu.memory_space<vmem>> -> memref<128xi32, #tpu.memory_space<vmem>>
    %dma_wait3A_631 = arith.constant 0 : i32
    %dma_wait3A_632 = arith.constant 0 : i32
    %dma_wait3A_633 = tpu.memref_slice %arg10[%dma_wait3A_631, %dma_wait3A_632] : memref<10112x64xf32, #tpu.memory_space<vmem_shared>> -> memref<10112x64xf32, #tpu.memory_space<vmem_shared>>
    %dma_wait3A_634 = tpu.memref_slice %arg12[%dma_wait3A_623] : memref<5x!tpu.dma_semaphore, #tpu.memory_space<semaphore_mem>> -> memref<1x!tpu.dma_semaphore, #tpu.memory_space<semaphore_mem>>
    %dma_wait3A_635 = tpu.memref_squeeze %dma_wait3A_634 : memref<1x!tpu.dma_semaphore, #tpu.memory_space<semaphore_mem>> -> memref<!tpu.dma_semaphore, #tpu.memory_space<semaphore_mem>>
    tpu.wait_indirect_dma semaphore(%dma_wait3A_635 : memref<!tpu.dma_semaphore, #tpu.memory_space<semaphore_mem>>) src(%dma_wait3A_627 : memref<128x64xf32, #tpu.memory_space<vmem>>) dst(%dma_wait3A_633 : memref<10112x64xf32, #tpu.memory_space<vmem_shared>>)
    %dma_wait3A_636 = arith.constant 4 : i32
    %dma_wait3A_637 = arith.constant 0 : i32
    %dma_wait3A_638 = arith.constant 4 : i32
    %dma_wait3A_639 = arith.constant 0 : i32
    %dma_wait3A_640 = arith.constant 0 : i32
    %dma_wait3A_641 = tpu.memref_slice %arg9[%dma_wait3A_636, %dma_wait3A_639, %dma_wait3A_640] : memref<5x128x64xf32, #tpu.memory_space<vmem>> -> memref<1x128x64xf32, #tpu.memory_space<vmem>>
    %dma_wait3A_642 = tpu.memref_squeeze %dma_wait3A_641 : memref<1x128x64xf32, #tpu.memory_space<vmem>> -> memref<128x64xf32, #tpu.memory_space<vmem>>
    %dma_wait3A_643 = arith.constant 0 : i32
    %dma_wait3A_644 = tpu.memref_slice %arg8[%dma_wait3A_637, %dma_wait3A_643] : memref<80x128xi32, #tpu.memory_space<vmem>> -> memref<1x128xi32, #tpu.memory_space<vmem>>
    %dma_wait3A_645 = tpu.memref_squeeze %dma_wait3A_644 : memref<1x128xi32, #tpu.memory_space<vmem>> -> memref<128xi32, #tpu.memory_space<vmem>>
    %dma_wait3A_646 = arith.constant 0 : i32
    %dma_wait3A_647 = arith.constant 0 : i32
    %dma_wait3A_648 = tpu.memref_slice %arg10[%dma_wait3A_646, %dma_wait3A_647] : memref<10112x64xf32, #tpu.memory_space<vmem_shared>> -> memref<10112x64xf32, #tpu.memory_space<vmem_shared>>
    %dma_wait3A_649 = tpu.memref_slice %arg12[%dma_wait3A_638] : memref<5x!tpu.dma_semaphore, #tpu.memory_space<semaphore_mem>> -> memref<1x!tpu.dma_semaphore, #tpu.memory_space<semaphore_mem>>
    %dma_wait3A_650 = tpu.memref_squeeze %dma_wait3A_649 : memref<1x!tpu.dma_semaphore, #tpu.memory_space<semaphore_mem>> -> memref<!tpu.dma_semaphore, #tpu.memory_space<semaphore_mem>>
    tpu.wait_indirect_dma semaphore(%dma_wait3A_650 : memref<!tpu.dma_semaphore, #tpu.memory_space<semaphore_mem>>) src(%dma_wait3A_642 : memref<128x64xf32, #tpu.memory_space<vmem>>) dst(%dma_wait3A_648 : memref<10112x64xf32, #tpu.memory_space<vmem_shared>>)
    %barrier3A_651 = arith.constant 0 : index
    tpu.barrier barrier_id(%barrier3A_651)
    %mul3A_652 = arith.constant 64 : i32
    %mul3A_653 = arith.muli %arg0, %mul3A_652 : i32
    %multiple_of3A_654 = tpu.assume_multiple %mul3A_653, 32 : i32
    "tpu.region"() ({
      %run_scoped3A = tpu.sem_alloc : memref<!tpu.dma_semaphore, #tpu.memory_space<semaphore_mem>>
      %dma_start3A_655 = tpu.memref_slice %arg6[%multiple_of3A_18, %multiple_of3A_654] : memref<10112x128xf32, #tpu.memory_space<hbm>> -> memref<632x64xf32, #tpu.memory_space<hbm>>
      %dma_start3A_656 = arith.constant 0 : i32
      %dma_start3A_657 = tpu.memref_slice %arg10[%multiple_of3A_18, %dma_start3A_656] : memref<10112x64xf32, #tpu.memory_space<vmem_shared>> -> memref<632x64xf32, #tpu.memory_space<vmem_shared>>
      tpu.enqueue_dma source(%dma_start3A_657 : memref<632x64xf32, #tpu.memory_space<vmem_shared>>) target(%dma_start3A_655 : memref<632x64xf32, #tpu.memory_space<hbm>>) target_semaphore(%run_scoped3A : memref<!tpu.dma_semaphore, #tpu.memory_space<semaphore_mem>>)
      %dma_wait3A_658 = tpu.memref_slice %arg6[%multiple_of3A_18, %multiple_of3A_654] : memref<10112x128xf32, #tpu.memory_space<hbm>> -> memref<632x64xf32, #tpu.memory_space<hbm>>
      %dma_wait3A_659 = arith.constant 0 : i32
      %dma_wait3A_660 = tpu.memref_slice %arg10[%multiple_of3A_18, %dma_wait3A_659] : memref<10112x64xf32, #tpu.memory_space<vmem_shared>> -> memref<632x64xf32, #tpu.memory_space<vmem_shared>>
      tpu.wait_dma2 semaphore(%run_scoped3A : memref<!tpu.dma_semaphore, #tpu.memory_space<semaphore_mem>>) src(%dma_wait3A_660 : memref<632x64xf32, #tpu.memory_space<vmem_shared>>) dst(%dma_wait3A_658 : memref<632x64xf32, #tpu.memory_space<hbm>>)
      tpu.yield
    }) : () -> ()
    return
  }
}

#map = affine_map<(d0, d1) -> (0, 0)>
#map1 = affine_map<(d0, d1) -> (0, 0, 0)>
module attributes {stable_mosaic.version = 14 : i64} {
  func.func @gcn_edge_agg_64x2(%arg0: i32, %arg1: i32, %arg2: memref<20000x64xf32, #tpu.memory_space<hbm>>, %arg3: memref<2x2560x128xi32, #tpu.memory_space<hbm>>, %arg4: memref<2560x128xi32, #tpu.memory_space<hbm>>, %arg5: memref<10112x64xf32, #tpu.memory_space<hbm>>, %arg6: memref<10112x128xf32, #tpu.memory_space<hbm>>, %arg7: memref<160x128xi32, #tpu.memory_space<vmem>>, %arg8: memref<160x128xi32, #tpu.memory_space<vmem>>, %arg9: memref<5x128x64xf32, #tpu.memory_space<vmem>>, %arg10: memref<10112x64xf32, #tpu.memory_space<vmem_shared>>, %arg11: memref<5x!tpu.dma_semaphore, #tpu.memory_space<semaphore_mem>>, %arg12: memref<5x!tpu.dma_semaphore, #tpu.memory_space<semaphore_mem>>) attributes {dimension_semantics = [#tpu.dimension_semantics<core_parallel>, #tpu.dimension_semantics<subcore_parallel>], iteration_bounds = array<i64: 2, 16>, scalar_prefetch = 0 : i64, scratch_operands = 6 : i64, tpu.core_type = #tpu.core_type<sc_vector_subcore>, window_params = [{transform_indices = #map}, {transform_indices = #map1}, {transform_indices = #map}, {transform_indices = #map}, {transform_indices = #map}]} {
    %mul3A = arith.constant 160 : i32
    %mul3A_0 = arith.muli %arg1, %mul3A : i32
    %multiple_of3A = tpu.assume_multiple %mul3A_0, 8 : i32
    %dma_start3A = arith.constant 0 : i32
    %dma_start3A_1 = arith.constant 0 : i32
    %dma_start3A_2 = tpu.memref_slice %arg3[%arg0, %multiple_of3A, %dma_start3A_1] : memref<2x2560x128xi32, #tpu.memory_space<hbm>> -> memref<1x160x128xi32, #tpu.memory_space<hbm>>
    %dma_start3A_3 = tpu.memref_squeeze %dma_start3A_2 : memref<1x160x128xi32, #tpu.memory_space<hbm>> -> memref<160x128xi32, #tpu.memory_space<hbm>>
    %dma_start3A_4 = tpu.memref_slice %arg11[%dma_start3A] : memref<5x!tpu.dma_semaphore, #tpu.memory_space<semaphore_mem>> -> memref<1x!tpu.dma_semaphore, #tpu.memory_space<semaphore_mem>>
    %dma_start3A_5 = tpu.memref_squeeze %dma_start3A_4 : memref<1x!tpu.dma_semaphore, #tpu.memory_space<semaphore_mem>> -> memref<!tpu.dma_semaphore, #tpu.memory_space<semaphore_mem>>
    %dma_start3A_6 = arith.constant 0 : i32
    %dma_start3A_7 = tpu.memref_slice %arg3[%arg0, %multiple_of3A, %dma_start3A_6] : memref<2x2560x128xi32, #tpu.memory_space<hbm>> -> memref<1x160x128xi32, #tpu.memory_space<hbm>>
    %dma_start3A_8 = tpu.memref_squeeze %dma_start3A_7 : memref<1x160x128xi32, #tpu.memory_space<hbm>> -> memref<160x128xi32, #tpu.memory_space<hbm>>
    tpu.enqueue_dma source(%dma_start3A_8 : memref<160x128xi32, #tpu.memory_space<hbm>>) target(%arg7 : memref<160x128xi32, #tpu.memory_space<vmem>>) target_semaphore(%dma_start3A_5 : memref<!tpu.dma_semaphore, #tpu.memory_space<semaphore_mem>>)
    %dma_start3A_9 = arith.constant 1 : i32
    %dma_start3A_10 = arith.constant 0 : i32
    %dma_start3A_11 = tpu.memref_slice %arg4[%multiple_of3A, %dma_start3A_10] : memref<2560x128xi32, #tpu.memory_space<hbm>> -> memref<160x128xi32, #tpu.memory_space<hbm>>
    %dma_start3A_12 = tpu.memref_slice %arg11[%dma_start3A_9] : memref<5x!tpu.dma_semaphore, #tpu.memory_space<semaphore_mem>> -> memref<1x!tpu.dma_semaphore, #tpu.memory_space<semaphore_mem>>
    %dma_start3A_13 = tpu.memref_squeeze %dma_start3A_12 : memref<1x!tpu.dma_semaphore, #tpu.memory_space<semaphore_mem>> -> memref<!tpu.dma_semaphore, #tpu.memory_space<semaphore_mem>>
    %dma_start3A_14 = arith.constant 0 : i32
    %dma_start3A_15 = tpu.memref_slice %arg4[%multiple_of3A, %dma_start3A_14] : memref<2560x128xi32, #tpu.memory_space<hbm>> -> memref<160x128xi32, #tpu.memory_space<hbm>>
    tpu.enqueue_dma source(%dma_start3A_15 : memref<160x128xi32, #tpu.memory_space<hbm>>) target(%arg8 : memref<160x128xi32, #tpu.memory_space<vmem>>) target_semaphore(%dma_start3A_13 : memref<!tpu.dma_semaphore, #tpu.memory_space<semaphore_mem>>)
    %mul3A_16 = arith.constant 632 : i32
    %mul3A_17 = arith.muli %arg1, %mul3A_16 : i32
    %multiple_of3A_18 = tpu.assume_multiple %mul3A_17, 8 : i32
    %dma_start3A_19 = arith.constant 2 : i32
    %dma_start3A_20 = tpu.memref_slice %arg11[%dma_start3A_19] : memref<5x!tpu.dma_semaphore, #tpu.memory_space<semaphore_mem>> -> memref<1x!tpu.dma_semaphore, #tpu.memory_space<semaphore_mem>>
    %dma_start3A_21 = tpu.memref_squeeze %dma_start3A_20 : memref<1x!tpu.dma_semaphore, #tpu.memory_space<semaphore_mem>> -> memref<!tpu.dma_semaphore, #tpu.memory_space<semaphore_mem>>
    %dma_start3A_22 = arith.constant 0 : i32
    %dma_start3A_23 = tpu.memref_slice %arg10[%multiple_of3A_18, %dma_start3A_22] : memref<10112x64xf32, #tpu.memory_space<vmem_shared>> -> memref<632x64xf32, #tpu.memory_space<vmem_shared>>
    %dma_start3A_24 = arith.constant 0 : i32
    %dma_start3A_25 = tpu.memref_slice %arg5[%multiple_of3A_18, %dma_start3A_24] : memref<10112x64xf32, #tpu.memory_space<hbm>> -> memref<632x64xf32, #tpu.memory_space<hbm>>
    tpu.enqueue_dma source(%dma_start3A_25 : memref<632x64xf32, #tpu.memory_space<hbm>>) target(%dma_start3A_23 : memref<632x64xf32, #tpu.memory_space<vmem_shared>>) target_semaphore(%dma_start3A_21 : memref<!tpu.dma_semaphore, #tpu.memory_space<semaphore_mem>>)
    %dma_wait3A = arith.constant 0 : i32
    %dma_wait3A_26 = arith.constant 0 : i32
    %dma_wait3A_27 = tpu.memref_slice %arg3[%arg0, %multiple_of3A, %dma_wait3A_26] : memref<2x2560x128xi32, #tpu.memory_space<hbm>> -> memref<1x160x128xi32, #tpu.memory_space<hbm>>
    %dma_wait3A_28 = tpu.memref_squeeze %dma_wait3A_27 : memref<1x160x128xi32, #tpu.memory_space<hbm>> -> memref<160x128xi32, #tpu.memory_space<hbm>>
    %dma_wait3A_29 = tpu.memref_slice %arg11[%dma_wait3A] : memref<5x!tpu.dma_semaphore, #tpu.memory_space<semaphore_mem>> -> memref<1x!tpu.dma_semaphore, #tpu.memory_space<semaphore_mem>>
    %dma_wait3A_30 = tpu.memref_squeeze %dma_wait3A_29 : memref<1x!tpu.dma_semaphore, #tpu.memory_space<semaphore_mem>> -> memref<!tpu.dma_semaphore, #tpu.memory_space<semaphore_mem>>
    %dma_wait3A_31 = arith.constant 0 : i32
    %dma_wait3A_32 = tpu.memref_slice %arg3[%arg0, %multiple_of3A, %dma_wait3A_31] : memref<2x2560x128xi32, #tpu.memory_space<hbm>> -> memref<1x160x128xi32, #tpu.memory_space<hbm>>
    %dma_wait3A_33 = tpu.memref_squeeze %dma_wait3A_32 : memref<1x160x128xi32, #tpu.memory_space<hbm>> -> memref<160x128xi32, #tpu.memory_space<hbm>>
    tpu.wait_dma2 semaphore(%dma_wait3A_30 : memref<!tpu.dma_semaphore, #tpu.memory_space<semaphore_mem>>) src(%dma_wait3A_33 : memref<160x128xi32, #tpu.memory_space<hbm>>) dst(%arg7 : memref<160x128xi32, #tpu.memory_space<vmem>>)
    %dma_wait3A_34 = arith.constant 1 : i32
    %dma_wait3A_35 = arith.constant 0 : i32
    %dma_wait3A_36 = tpu.memref_slice %arg4[%multiple_of3A, %dma_wait3A_35] : memref<2560x128xi32, #tpu.memory_space<hbm>> -> memref<160x128xi32, #tpu.memory_space<hbm>>
    %dma_wait3A_37 = tpu.memref_slice %arg11[%dma_wait3A_34] : memref<5x!tpu.dma_semaphore, #tpu.memory_space<semaphore_mem>> -> memref<1x!tpu.dma_semaphore, #tpu.memory_space<semaphore_mem>>
    %dma_wait3A_38 = tpu.memref_squeeze %dma_wait3A_37 : memref<1x!tpu.dma_semaphore, #tpu.memory_space<semaphore_mem>> -> memref<!tpu.dma_semaphore, #tpu.memory_space<semaphore_mem>>
    %dma_wait3A_39 = arith.constant 0 : i32
    %dma_wait3A_40 = tpu.memref_slice %arg4[%multiple_of3A, %dma_wait3A_39] : memref<2560x128xi32, #tpu.memory_space<hbm>> -> memref<160x128xi32, #tpu.memory_space<hbm>>
    tpu.wait_dma2 semaphore(%dma_wait3A_38 : memref<!tpu.dma_semaphore, #tpu.memory_space<semaphore_mem>>) src(%dma_wait3A_40 : memref<160x128xi32, #tpu.memory_space<hbm>>) dst(%arg8 : memref<160x128xi32, #tpu.memory_space<vmem>>)
    %dma_wait3A_41 = arith.constant 2 : i32
    %dma_wait3A_42 = tpu.memref_slice %arg11[%dma_wait3A_41] : memref<5x!tpu.dma_semaphore, #tpu.memory_space<semaphore_mem>> -> memref<1x!tpu.dma_semaphore, #tpu.memory_space<semaphore_mem>>
    %dma_wait3A_43 = tpu.memref_squeeze %dma_wait3A_42 : memref<1x!tpu.dma_semaphore, #tpu.memory_space<semaphore_mem>> -> memref<!tpu.dma_semaphore, #tpu.memory_space<semaphore_mem>>
    %dma_wait3A_44 = arith.constant 0 : i32
    %dma_wait3A_45 = tpu.memref_slice %arg10[%multiple_of3A_18, %dma_wait3A_44] : memref<10112x64xf32, #tpu.memory_space<vmem_shared>> -> memref<632x64xf32, #tpu.memory_space<vmem_shared>>
    %dma_wait3A_46 = arith.constant 0 : i32
    %dma_wait3A_47 = tpu.memref_slice %arg5[%multiple_of3A_18, %dma_wait3A_46] : memref<10112x64xf32, #tpu.memory_space<hbm>> -> memref<632x64xf32, #tpu.memory_space<hbm>>
    tpu.wait_dma2 semaphore(%dma_wait3A_43 : memref<!tpu.dma_semaphore, #tpu.memory_space<semaphore_mem>>) src(%dma_wait3A_47 : memref<632x64xf32, #tpu.memory_space<hbm>>) dst(%dma_wait3A_45 : memref<632x64xf32, #tpu.memory_space<vmem_shared>>)
    %barrier3A = arith.constant 0 : index
    tpu.barrier barrier_id(%barrier3A)
    %dma_start3A_48 = arith.constant 0 : i32
    %dma_start3A_49 = arith.constant 0 : i32
    %dma_start3A_50 = arith.constant 0 : i32
    %dma_start3A_51 = arith.constant 0 : i32
    %dma_start3A_52 = arith.constant 0 : i32
    %dma_start3A_53 = tpu.memref_slice %arg9[%dma_start3A_49, %dma_start3A_51, %dma_start3A_52] : memref<5x128x64xf32, #tpu.memory_space<vmem>> -> memref<1x128x64xf32, #tpu.memory_space<vmem>>
    %dma_start3A_54 = tpu.memref_squeeze %dma_start3A_53 : memref<1x128x64xf32, #tpu.memory_space<vmem>> -> memref<128x64xf32, #tpu.memory_space<vmem>>
    %dma_start3A_55 = arith.constant 0 : i32
    %dma_start3A_56 = tpu.memref_slice %arg7[%dma_start3A_48, %dma_start3A_55] : memref<160x128xi32, #tpu.memory_space<vmem>> -> memref<1x128xi32, #tpu.memory_space<vmem>>
    %dma_start3A_57 = tpu.memref_squeeze %dma_start3A_56 : memref<1x128xi32, #tpu.memory_space<vmem>> -> memref<128xi32, #tpu.memory_space<vmem>>
    %dma_start3A_58 = arith.constant 0 : i32
    %dma_start3A_59 = arith.constant 0 : i32
    %dma_start3A_60 = tpu.memref_slice %arg2[%dma_start3A_58, %dma_start3A_59] : memref<20000x64xf32, #tpu.memory_space<hbm>> -> memref<20000x64xf32, #tpu.memory_space<hbm>>
    %dma_start3A_61 = tpu.memref_slice %arg11[%dma_start3A_50] : memref<5x!tpu.dma_semaphore, #tpu.memory_space<semaphore_mem>> -> memref<1x!tpu.dma_semaphore, #tpu.memory_space<semaphore_mem>>
    %dma_start3A_62 = tpu.memref_squeeze %dma_start3A_61 : memref<1x!tpu.dma_semaphore, #tpu.memory_space<semaphore_mem>> -> memref<!tpu.dma_semaphore, #tpu.memory_space<semaphore_mem>>
    tpu.enqueue_indirect_dma source(%dma_start3A_60 : memref<20000x64xf32, #tpu.memory_space<hbm>>) target(%dma_start3A_54 : memref<128x64xf32, #tpu.memory_space<vmem>>) offsets(%dma_start3A_57 : memref<128xi32, #tpu.memory_space<vmem>>) semaphore(%dma_start3A_62 : memref<!tpu.dma_semaphore, #tpu.memory_space<semaphore_mem>>)
    %dma_start3A_63 = arith.constant 1 : i32
    %dma_start3A_64 = arith.constant 1 : i32
    %dma_start3A_65 = arith.constant 1 : i32
    %dma_start3A_66 = arith.constant 0 : i32
    %dma_start3A_67 = arith.constant 0 : i32
    %dma_start3A_68 = tpu.memref_slice %arg9[%dma_start3A_64, %dma_start3A_66, %dma_start3A_67] : memref<5x128x64xf32, #tpu.memory_space<vmem>> -> memref<1x128x64xf32, #tpu.memory_space<vmem>>
    %dma_start3A_69 = tpu.memref_squeeze %dma_start3A_68 : memref<1x128x64xf32, #tpu.memory_space<vmem>> -> memref<128x64xf32, #tpu.memory_space<vmem>>
    %dma_start3A_70 = arith.constant 0 : i32
    %dma_start3A_71 = tpu.memref_slice %arg7[%dma_start3A_63, %dma_start3A_70] : memref<160x128xi32, #tpu.memory_space<vmem>> -> memref<1x128xi32, #tpu.memory_space<vmem>>
    %dma_start3A_72 = tpu.memref_squeeze %dma_start3A_71 : memref<1x128xi32, #tpu.memory_space<vmem>> -> memref<128xi32, #tpu.memory_space<vmem>>
    %dma_start3A_73 = arith.constant 0 : i32
    %dma_start3A_74 = arith.constant 0 : i32
    %dma_start3A_75 = tpu.memref_slice %arg2[%dma_start3A_73, %dma_start3A_74] : memref<20000x64xf32, #tpu.memory_space<hbm>> -> memref<20000x64xf32, #tpu.memory_space<hbm>>
    %dma_start3A_76 = tpu.memref_slice %arg11[%dma_start3A_65] : memref<5x!tpu.dma_semaphore, #tpu.memory_space<semaphore_mem>> -> memref<1x!tpu.dma_semaphore, #tpu.memory_space<semaphore_mem>>
    %dma_start3A_77 = tpu.memref_squeeze %dma_start3A_76 : memref<1x!tpu.dma_semaphore, #tpu.memory_space<semaphore_mem>> -> memref<!tpu.dma_semaphore, #tpu.memory_space<semaphore_mem>>
    tpu.enqueue_indirect_dma source(%dma_start3A_75 : memref<20000x64xf32, #tpu.memory_space<hbm>>) target(%dma_start3A_69 : memref<128x64xf32, #tpu.memory_space<vmem>>) offsets(%dma_start3A_72 : memref<128xi32, #tpu.memory_space<vmem>>) semaphore(%dma_start3A_77 : memref<!tpu.dma_semaphore, #tpu.memory_space<semaphore_mem>>)
    %dma_start3A_78 = arith.constant 2 : i32
    %dma_start3A_79 = arith.constant 2 : i32
    %dma_start3A_80 = arith.constant 2 : i32
    %dma_start3A_81 = arith.constant 0 : i32
    %dma_start3A_82 = arith.constant 0 : i32
    %dma_start3A_83 = tpu.memref_slice %arg9[%dma_start3A_79, %dma_start3A_81, %dma_start3A_82] : memref<5x128x64xf32, #tpu.memory_space<vmem>> -> memref<1x128x64xf32, #tpu.memory_space<vmem>>
    %dma_start3A_84 = tpu.memref_squeeze %dma_start3A_83 : memref<1x128x64xf32, #tpu.memory_space<vmem>> -> memref<128x64xf32, #tpu.memory_space<vmem>>
    %dma_start3A_85 = arith.constant 0 : i32
    %dma_start3A_86 = tpu.memref_slice %arg7[%dma_start3A_78, %dma_start3A_85] : memref<160x128xi32, #tpu.memory_space<vmem>> -> memref<1x128xi32, #tpu.memory_space<vmem>>
    %dma_start3A_87 = tpu.memref_squeeze %dma_start3A_86 : memref<1x128xi32, #tpu.memory_space<vmem>> -> memref<128xi32, #tpu.memory_space<vmem>>
    %dma_start3A_88 = arith.constant 0 : i32
    %dma_start3A_89 = arith.constant 0 : i32
    %dma_start3A_90 = tpu.memref_slice %arg2[%dma_start3A_88, %dma_start3A_89] : memref<20000x64xf32, #tpu.memory_space<hbm>> -> memref<20000x64xf32, #tpu.memory_space<hbm>>
    %dma_start3A_91 = tpu.memref_slice %arg11[%dma_start3A_80] : memref<5x!tpu.dma_semaphore, #tpu.memory_space<semaphore_mem>> -> memref<1x!tpu.dma_semaphore, #tpu.memory_space<semaphore_mem>>
    %dma_start3A_92 = tpu.memref_squeeze %dma_start3A_91 : memref<1x!tpu.dma_semaphore, #tpu.memory_space<semaphore_mem>> -> memref<!tpu.dma_semaphore, #tpu.memory_space<semaphore_mem>>
    tpu.enqueue_indirect_dma source(%dma_start3A_90 : memref<20000x64xf32, #tpu.memory_space<hbm>>) target(%dma_start3A_84 : memref<128x64xf32, #tpu.memory_space<vmem>>) offsets(%dma_start3A_87 : memref<128xi32, #tpu.memory_space<vmem>>) semaphore(%dma_start3A_92 : memref<!tpu.dma_semaphore, #tpu.memory_space<semaphore_mem>>)
    %dma_start3A_93 = arith.constant 3 : i32
    %dma_start3A_94 = arith.constant 3 : i32
    %dma_start3A_95 = arith.constant 3 : i32
    %dma_start3A_96 = arith.constant 0 : i32
    %dma_start3A_97 = arith.constant 0 : i32
    %dma_start3A_98 = tpu.memref_slice %arg9[%dma_start3A_94, %dma_start3A_96, %dma_start3A_97] : memref<5x128x64xf32, #tpu.memory_space<vmem>> -> memref<1x128x64xf32, #tpu.memory_space<vmem>>
    %dma_start3A_99 = tpu.memref_squeeze %dma_start3A_98 : memref<1x128x64xf32, #tpu.memory_space<vmem>> -> memref<128x64xf32, #tpu.memory_space<vmem>>
    %dma_start3A_100 = arith.constant 0 : i32
    %dma_start3A_101 = tpu.memref_slice %arg7[%dma_start3A_93, %dma_start3A_100] : memref<160x128xi32, #tpu.memory_space<vmem>> -> memref<1x128xi32, #tpu.memory_space<vmem>>
    %dma_start3A_102 = tpu.memref_squeeze %dma_start3A_101 : memref<1x128xi32, #tpu.memory_space<vmem>> -> memref<128xi32, #tpu.memory_space<vmem>>
    %dma_start3A_103 = arith.constant 0 : i32
    %dma_start3A_104 = arith.constant 0 : i32
    %dma_start3A_105 = tpu.memref_slice %arg2[%dma_start3A_103, %dma_start3A_104] : memref<20000x64xf32, #tpu.memory_space<hbm>> -> memref<20000x64xf32, #tpu.memory_space<hbm>>
    %dma_start3A_106 = tpu.memref_slice %arg11[%dma_start3A_95] : memref<5x!tpu.dma_semaphore, #tpu.memory_space<semaphore_mem>> -> memref<1x!tpu.dma_semaphore, #tpu.memory_space<semaphore_mem>>
    %dma_start3A_107 = tpu.memref_squeeze %dma_start3A_106 : memref<1x!tpu.dma_semaphore, #tpu.memory_space<semaphore_mem>> -> memref<!tpu.dma_semaphore, #tpu.memory_space<semaphore_mem>>
    tpu.enqueue_indirect_dma source(%dma_start3A_105 : memref<20000x64xf32, #tpu.memory_space<hbm>>) target(%dma_start3A_99 : memref<128x64xf32, #tpu.memory_space<vmem>>) offsets(%dma_start3A_102 : memref<128xi32, #tpu.memory_space<vmem>>) semaphore(%dma_start3A_107 : memref<!tpu.dma_semaphore, #tpu.memory_space<semaphore_mem>>)
    %dma_wait3A_108 = arith.constant 0 : i32
    %dma_wait3A_109 = arith.constant 0 : i32
    %dma_wait3A_110 = arith.constant 0 : i32
    %dma_wait3A_111 = arith.constant 0 : i32
    %dma_wait3A_112 = arith.constant 0 : i32
    %dma_wait3A_113 = tpu.memref_slice %arg9[%dma_wait3A_109, %dma_wait3A_111, %dma_wait3A_112] : memref<5x128x64xf32, #tpu.memory_space<vmem>> -> memref<1x128x64xf32, #tpu.memory_space<vmem>>
    %dma_wait3A_114 = tpu.memref_squeeze %dma_wait3A_113 : memref<1x128x64xf32, #tpu.memory_space<vmem>> -> memref<128x64xf32, #tpu.memory_space<vmem>>
    %dma_wait3A_115 = arith.constant 0 : i32
    %dma_wait3A_116 = tpu.memref_slice %arg7[%dma_wait3A_108, %dma_wait3A_115] : memref<160x128xi32, #tpu.memory_space<vmem>> -> memref<1x128xi32, #tpu.memory_space<vmem>>
    %dma_wait3A_117 = tpu.memref_squeeze %dma_wait3A_116 : memref<1x128xi32, #tpu.memory_space<vmem>> -> memref<128xi32, #tpu.memory_space<vmem>>
    %dma_wait3A_118 = arith.constant 0 : i32
    %dma_wait3A_119 = arith.constant 0 : i32
    %dma_wait3A_120 = tpu.memref_slice %arg2[%dma_wait3A_118, %dma_wait3A_119] : memref<20000x64xf32, #tpu.memory_space<hbm>> -> memref<20000x64xf32, #tpu.memory_space<hbm>>
    %dma_wait3A_121 = tpu.memref_slice %arg11[%dma_wait3A_110] : memref<5x!tpu.dma_semaphore, #tpu.memory_space<semaphore_mem>> -> memref<1x!tpu.dma_semaphore, #tpu.memory_space<semaphore_mem>>
    %dma_wait3A_122 = tpu.memref_squeeze %dma_wait3A_121 : memref<1x!tpu.dma_semaphore, #tpu.memory_space<semaphore_mem>> -> memref<!tpu.dma_semaphore, #tpu.memory_space<semaphore_mem>>
    tpu.wait_indirect_dma semaphore(%dma_wait3A_122 : memref<!tpu.dma_semaphore, #tpu.memory_space<semaphore_mem>>) src(%dma_wait3A_120 : memref<20000x64xf32, #tpu.memory_space<hbm>>) dst(%dma_wait3A_114 : memref<128x64xf32, #tpu.memory_space<vmem>>)
    %dma_start3A_123 = arith.constant 0 : i32
    %dma_start3A_124 = arith.constant 0 : i32
    %dma_start3A_125 = arith.constant 0 : i32
    %dma_start3A_126 = arith.constant 0 : i32
    %dma_start3A_127 = arith.constant 0 : i32
    %dma_start3A_128 = tpu.memref_slice %arg9[%dma_start3A_123, %dma_start3A_126, %dma_start3A_127] : memref<5x128x64xf32, #tpu.memory_space<vmem>> -> memref<1x128x64xf32, #tpu.memory_space<vmem>>
    %dma_start3A_129 = tpu.memref_squeeze %dma_start3A_128 : memref<1x128x64xf32, #tpu.memory_space<vmem>> -> memref<128x64xf32, #tpu.memory_space<vmem>>
    %dma_start3A_130 = arith.constant 0 : i32
    %dma_start3A_131 = tpu.memref_slice %arg8[%dma_start3A_124, %dma_start3A_130] : memref<160x128xi32, #tpu.memory_space<vmem>> -> memref<1x128xi32, #tpu.memory_space<vmem>>
    %dma_start3A_132 = tpu.memref_squeeze %dma_start3A_131 : memref<1x128xi32, #tpu.memory_space<vmem>> -> memref<128xi32, #tpu.memory_space<vmem>>
    %dma_start3A_133 = arith.constant 0 : i32
    %dma_start3A_134 = arith.constant 0 : i32
    %dma_start3A_135 = tpu.memref_slice %arg10[%dma_start3A_133, %dma_start3A_134] : memref<10112x64xf32, #tpu.memory_space<vmem_shared>> -> memref<10112x64xf32, #tpu.memory_space<vmem_shared>>
    %dma_start3A_136 = tpu.memref_slice %arg12[%dma_start3A_125] : memref<5x!tpu.dma_semaphore, #tpu.memory_space<semaphore_mem>> -> memref<1x!tpu.dma_semaphore, #tpu.memory_space<semaphore_mem>>
    %dma_start3A_137 = tpu.memref_squeeze %dma_start3A_136 : memref<1x!tpu.dma_semaphore, #tpu.memory_space<semaphore_mem>> -> memref<!tpu.dma_semaphore, #tpu.memory_space<semaphore_mem>>
    tpu.enqueue_indirect_dma source(%dma_start3A_129 : memref<128x64xf32, #tpu.memory_space<vmem>>) target(%dma_start3A_135 : memref<10112x64xf32, #tpu.memory_space<vmem_shared>>) offsets(%dma_start3A_132 : memref<128xi32, #tpu.memory_space<vmem>>) semaphore(%dma_start3A_137 : memref<!tpu.dma_semaphore, #tpu.memory_space<semaphore_mem>>) {add = true}
    %dma_start3A_138 = arith.constant 4 : i32
    %dma_start3A_139 = arith.constant 4 : i32
    %dma_start3A_140 = arith.constant 4 : i32
    %dma_start3A_141 = arith.constant 0 : i32
    %dma_start3A_142 = arith.constant 0 : i32
    %dma_start3A_143 = tpu.memref_slice %arg9[%dma_start3A_139, %dma_start3A_141, %dma_start3A_142] : memref<5x128x64xf32, #tpu.memory_space<vmem>> -> memref<1x128x64xf32, #tpu.memory_space<vmem>>
    %dma_start3A_144 = tpu.memref_squeeze %dma_start3A_143 : memref<1x128x64xf32, #tpu.memory_space<vmem>> -> memref<128x64xf32, #tpu.memory_space<vmem>>
    %dma_start3A_145 = arith.constant 0 : i32
    %dma_start3A_146 = tpu.memref_slice %arg7[%dma_start3A_138, %dma_start3A_145] : memref<160x128xi32, #tpu.memory_space<vmem>> -> memref<1x128xi32, #tpu.memory_space<vmem>>
    %dma_start3A_147 = tpu.memref_squeeze %dma_start3A_146 : memref<1x128xi32, #tpu.memory_space<vmem>> -> memref<128xi32, #tpu.memory_space<vmem>>
    %dma_start3A_148 = arith.constant 0 : i32
    %dma_start3A_149 = arith.constant 0 : i32
    %dma_start3A_150 = tpu.memref_slice %arg2[%dma_start3A_148, %dma_start3A_149] : memref<20000x64xf32, #tpu.memory_space<hbm>> -> memref<20000x64xf32, #tpu.memory_space<hbm>>
    %dma_start3A_151 = tpu.memref_slice %arg11[%dma_start3A_140] : memref<5x!tpu.dma_semaphore, #tpu.memory_space<semaphore_mem>> -> memref<1x!tpu.dma_semaphore, #tpu.memory_space<semaphore_mem>>
    %dma_start3A_152 = tpu.memref_squeeze %dma_start3A_151 : memref<1x!tpu.dma_semaphore, #tpu.memory_space<semaphore_mem>> -> memref<!tpu.dma_semaphore, #tpu.memory_space<semaphore_mem>>
    tpu.enqueue_indirect_dma source(%dma_start3A_150 : memref<20000x64xf32, #tpu.memory_space<hbm>>) target(%dma_start3A_144 : memref<128x64xf32, #tpu.memory_space<vmem>>) offsets(%dma_start3A_147 : memref<128xi32, #tpu.memory_space<vmem>>) semaphore(%dma_start3A_152 : memref<!tpu.dma_semaphore, #tpu.memory_space<semaphore_mem>>)
    %dma_wait3A_153 = arith.constant 0 : i32
    %dma_wait3A_154 = arith.constant 1 : i32
    %dma_wait3A_155 = arith.constant 1 : i32
    %dma_wait3A_156 = arith.constant 0 : i32
    %dma_wait3A_157 = arith.constant 0 : i32
    %dma_wait3A_158 = tpu.memref_slice %arg9[%dma_wait3A_154, %dma_wait3A_156, %dma_wait3A_157] : memref<5x128x64xf32, #tpu.memory_space<vmem>> -> memref<1x128x64xf32, #tpu.memory_space<vmem>>
    %dma_wait3A_159 = tpu.memref_squeeze %dma_wait3A_158 : memref<1x128x64xf32, #tpu.memory_space<vmem>> -> memref<128x64xf32, #tpu.memory_space<vmem>>
    %dma_wait3A_160 = arith.constant 0 : i32
    %dma_wait3A_161 = tpu.memref_slice %arg7[%dma_wait3A_153, %dma_wait3A_160] : memref<160x128xi32, #tpu.memory_space<vmem>> -> memref<1x128xi32, #tpu.memory_space<vmem>>
    %dma_wait3A_162 = tpu.memref_squeeze %dma_wait3A_161 : memref<1x128xi32, #tpu.memory_space<vmem>> -> memref<128xi32, #tpu.memory_space<vmem>>
    %dma_wait3A_163 = arith.constant 0 : i32
    %dma_wait3A_164 = arith.constant 0 : i32
    %dma_wait3A_165 = tpu.memref_slice %arg2[%dma_wait3A_163, %dma_wait3A_164] : memref<20000x64xf32, #tpu.memory_space<hbm>> -> memref<20000x64xf32, #tpu.memory_space<hbm>>
    %dma_wait3A_166 = tpu.memref_slice %arg11[%dma_wait3A_155] : memref<5x!tpu.dma_semaphore, #tpu.memory_space<semaphore_mem>> -> memref<1x!tpu.dma_semaphore, #tpu.memory_space<semaphore_mem>>
    %dma_wait3A_167 = tpu.memref_squeeze %dma_wait3A_166 : memref<1x!tpu.dma_semaphore, #tpu.memory_space<semaphore_mem>> -> memref<!tpu.dma_semaphore, #tpu.memory_space<semaphore_mem>>
    tpu.wait_indirect_dma semaphore(%dma_wait3A_167 : memref<!tpu.dma_semaphore, #tpu.memory_space<semaphore_mem>>) src(%dma_wait3A_165 : memref<20000x64xf32, #tpu.memory_space<hbm>>) dst(%dma_wait3A_159 : memref<128x64xf32, #tpu.memory_space<vmem>>)
    %dma_start3A_168 = arith.constant 1 : i32
    %dma_start3A_169 = arith.constant 1 : i32
    %dma_start3A_170 = arith.constant 1 : i32
    %dma_start3A_171 = arith.constant 0 : i32
    %dma_start3A_172 = arith.constant 0 : i32
    %dma_start3A_173 = tpu.memref_slice %arg9[%dma_start3A_168, %dma_start3A_171, %dma_start3A_172] : memref<5x128x64xf32, #tpu.memory_space<vmem>> -> memref<1x128x64xf32, #tpu.memory_space<vmem>>
    %dma_start3A_174 = tpu.memref_squeeze %dma_start3A_173 : memref<1x128x64xf32, #tpu.memory_space<vmem>> -> memref<128x64xf32, #tpu.memory_space<vmem>>
    %dma_start3A_175 = arith.constant 0 : i32
    %dma_start3A_176 = tpu.memref_slice %arg8[%dma_start3A_169, %dma_start3A_175] : memref<160x128xi32, #tpu.memory_space<vmem>> -> memref<1x128xi32, #tpu.memory_space<vmem>>
    %dma_start3A_177 = tpu.memref_squeeze %dma_start3A_176 : memref<1x128xi32, #tpu.memory_space<vmem>> -> memref<128xi32, #tpu.memory_space<vmem>>
    %dma_start3A_178 = arith.constant 0 : i32
    %dma_start3A_179 = arith.constant 0 : i32
    %dma_start3A_180 = tpu.memref_slice %arg10[%dma_start3A_178, %dma_start3A_179] : memref<10112x64xf32, #tpu.memory_space<vmem_shared>> -> memref<10112x64xf32, #tpu.memory_space<vmem_shared>>
    %dma_start3A_181 = tpu.memref_slice %arg12[%dma_start3A_170] : memref<5x!tpu.dma_semaphore, #tpu.memory_space<semaphore_mem>> -> memref<1x!tpu.dma_semaphore, #tpu.memory_space<semaphore_mem>>
    %dma_start3A_182 = tpu.memref_squeeze %dma_start3A_181 : memref<1x!tpu.dma_semaphore, #tpu.memory_space<semaphore_mem>> -> memref<!tpu.dma_semaphore, #tpu.memory_space<semaphore_mem>>
    tpu.enqueue_indirect_dma source(%dma_start3A_174 : memref<128x64xf32, #tpu.memory_space<vmem>>) target(%dma_start3A_180 : memref<10112x64xf32, #tpu.memory_space<vmem_shared>>) offsets(%dma_start3A_177 : memref<128xi32, #tpu.memory_space<vmem>>) semaphore(%dma_start3A_182 : memref<!tpu.dma_semaphore, #tpu.memory_space<semaphore_mem>>) {add = true}
    %dma_wait3A_183 = arith.constant 0 : i32
    %dma_wait3A_184 = arith.constant 0 : i32
    %dma_wait3A_185 = arith.constant 0 : i32
    %dma_wait3A_186 = arith.constant 0 : i32
    %dma_wait3A_187 = arith.constant 0 : i32
    %dma_wait3A_188 = tpu.memref_slice %arg9[%dma_wait3A_183, %dma_wait3A_186, %dma_wait3A_187] : memref<5x128x64xf32, #tpu.memory_space<vmem>> -> memref<1x128x64xf32, #tpu.memory_space<vmem>>
    %dma_wait3A_189 = tpu.memref_squeeze %dma_wait3A_188 : memref<1x128x64xf32, #tpu.memory_space<vmem>> -> memref<128x64xf32, #tpu.memory_space<vmem>>
    %dma_wait3A_190 = arith.constant 0 : i32
    %dma_wait3A_191 = tpu.memref_slice %arg8[%dma_wait3A_184, %dma_wait3A_190] : memref<160x128xi32, #tpu.memory_space<vmem>> -> memref<1x128xi32, #tpu.memory_space<vmem>>
    %dma_wait3A_192 = tpu.memref_squeeze %dma_wait3A_191 : memref<1x128xi32, #tpu.memory_space<vmem>> -> memref<128xi32, #tpu.memory_space<vmem>>
    %dma_wait3A_193 = arith.constant 0 : i32
    %dma_wait3A_194 = arith.constant 0 : i32
    %dma_wait3A_195 = tpu.memref_slice %arg10[%dma_wait3A_193, %dma_wait3A_194] : memref<10112x64xf32, #tpu.memory_space<vmem_shared>> -> memref<10112x64xf32, #tpu.memory_space<vmem_shared>>
    %dma_wait3A_196 = tpu.memref_slice %arg12[%dma_wait3A_185] : memref<5x!tpu.dma_semaphore, #tpu.memory_space<semaphore_mem>> -> memref<1x!tpu.dma_semaphore, #tpu.memory_space<semaphore_mem>>
    %dma_wait3A_197 = tpu.memref_squeeze %dma_wait3A_196 : memref<1x!tpu.dma_semaphore, #tpu.memory_space<semaphore_mem>> -> memref<!tpu.dma_semaphore, #tpu.memory_space<semaphore_mem>>
    tpu.wait_indirect_dma semaphore(%dma_wait3A_197 : memref<!tpu.dma_semaphore, #tpu.memory_space<semaphore_mem>>) src(%dma_wait3A_189 : memref<128x64xf32, #tpu.memory_space<vmem>>) dst(%dma_wait3A_195 : memref<10112x64xf32, #tpu.memory_space<vmem_shared>>)
    %dma_start3A_198 = arith.constant 5 : i32
    %dma_start3A_199 = arith.constant 0 : i32
    %dma_start3A_200 = arith.constant 0 : i32
    %dma_start3A_201 = arith.constant 0 : i32
    %dma_start3A_202 = arith.constant 0 : i32
    %dma_start3A_203 = tpu.memref_slice %arg9[%dma_start3A_199, %dma_start3A_201, %dma_start3A_202] : memref<5x128x64xf32, #tpu.memory_space<vmem>> -> memref<1x128x64xf32, #tpu.memory_space<vmem>>
    %dma_start3A_204 = tpu.memref_squeeze %dma_start3A_203 : memref<1x128x64xf32, #tpu.memory_space<vmem>> -> memref<128x64xf32, #tpu.memory_space<vmem>>
    %dma_start3A_205 = arith.constant 0 : i32
    %dma_start3A_206 = tpu.memref_slice %arg7[%dma_start3A_198, %dma_start3A_205] : memref<160x128xi32, #tpu.memory_space<vmem>> -> memref<1x128xi32, #tpu.memory_space<vmem>>
    %dma_start3A_207 = tpu.memref_squeeze %dma_start3A_206 : memref<1x128xi32, #tpu.memory_space<vmem>> -> memref<128xi32, #tpu.memory_space<vmem>>
    %dma_start3A_208 = arith.constant 0 : i32
    %dma_start3A_209 = arith.constant 0 : i32
    %dma_start3A_210 = tpu.memref_slice %arg2[%dma_start3A_208, %dma_start3A_209] : memref<20000x64xf32, #tpu.memory_space<hbm>> -> memref<20000x64xf32, #tpu.memory_space<hbm>>
    %dma_start3A_211 = tpu.memref_slice %arg11[%dma_start3A_200] : memref<5x!tpu.dma_semaphore, #tpu.memory_space<semaphore_mem>> -> memref<1x!tpu.dma_semaphore, #tpu.memory_space<semaphore_mem>>
    %dma_start3A_212 = tpu.memref_squeeze %dma_start3A_211 : memref<1x!tpu.dma_semaphore, #tpu.memory_space<semaphore_mem>> -> memref<!tpu.dma_semaphore, #tpu.memory_space<semaphore_mem>>
    tpu.enqueue_indirect_dma source(%dma_start3A_210 : memref<20000x64xf32, #tpu.memory_space<hbm>>) target(%dma_start3A_204 : memref<128x64xf32, #tpu.memory_space<vmem>>) offsets(%dma_start3A_207 : memref<128xi32, #tpu.memory_space<vmem>>) semaphore(%dma_start3A_212 : memref<!tpu.dma_semaphore, #tpu.memory_space<semaphore_mem>>)
    %dma_wait3A_213 = arith.constant 0 : i32
    %dma_wait3A_214 = arith.constant 2 : i32
    %dma_wait3A_215 = arith.constant 2 : i32
    %dma_wait3A_216 = arith.constant 0 : i32
    %dma_wait3A_217 = arith.constant 0 : i32
    %dma_wait3A_218 = tpu.memref_slice %arg9[%dma_wait3A_214, %dma_wait3A_216, %dma_wait3A_217] : memref<5x128x64xf32, #tpu.memory_space<vmem>> -> memref<1x128x64xf32, #tpu.memory_space<vmem>>
    %dma_wait3A_219 = tpu.memref_squeeze %dma_wait3A_218 : memref<1x128x64xf32, #tpu.memory_space<vmem>> -> memref<128x64xf32, #tpu.memory_space<vmem>>
    %dma_wait3A_220 = arith.constant 0 : i32
    %dma_wait3A_221 = tpu.memref_slice %arg7[%dma_wait3A_213, %dma_wait3A_220] : memref<160x128xi32, #tpu.memory_space<vmem>> -> memref<1x128xi32, #tpu.memory_space<vmem>>
    %dma_wait3A_222 = tpu.memref_squeeze %dma_wait3A_221 : memref<1x128xi32, #tpu.memory_space<vmem>> -> memref<128xi32, #tpu.memory_space<vmem>>
    %dma_wait3A_223 = arith.constant 0 : i32
    %dma_wait3A_224 = arith.constant 0 : i32
    %dma_wait3A_225 = tpu.memref_slice %arg2[%dma_wait3A_223, %dma_wait3A_224] : memref<20000x64xf32, #tpu.memory_space<hbm>> -> memref<20000x64xf32, #tpu.memory_space<hbm>>
    %dma_wait3A_226 = tpu.memref_slice %arg11[%dma_wait3A_215] : memref<5x!tpu.dma_semaphore, #tpu.memory_space<semaphore_mem>> -> memref<1x!tpu.dma_semaphore, #tpu.memory_space<semaphore_mem>>
    %dma_wait3A_227 = tpu.memref_squeeze %dma_wait3A_226 : memref<1x!tpu.dma_semaphore, #tpu.memory_space<semaphore_mem>> -> memref<!tpu.dma_semaphore, #tpu.memory_space<semaphore_mem>>
    tpu.wait_indirect_dma semaphore(%dma_wait3A_227 : memref<!tpu.dma_semaphore, #tpu.memory_space<semaphore_mem>>) src(%dma_wait3A_225 : memref<20000x64xf32, #tpu.memory_space<hbm>>) dst(%dma_wait3A_219 : memref<128x64xf32, #tpu.memory_space<vmem>>)
    %dma_start3A_228 = arith.constant 2 : i32
    %dma_start3A_229 = arith.constant 2 : i32
    %dma_start3A_230 = arith.constant 2 : i32
    %dma_start3A_231 = arith.constant 0 : i32
    %dma_start3A_232 = arith.constant 0 : i32
    %dma_start3A_233 = tpu.memref_slice %arg9[%dma_start3A_228, %dma_start3A_231, %dma_start3A_232] : memref<5x128x64xf32, #tpu.memory_space<vmem>> -> memref<1x128x64xf32, #tpu.memory_space<vmem>>
    %dma_start3A_234 = tpu.memref_squeeze %dma_start3A_233 : memref<1x128x64xf32, #tpu.memory_space<vmem>> -> memref<128x64xf32, #tpu.memory_space<vmem>>
    %dma_start3A_235 = arith.constant 0 : i32
    %dma_start3A_236 = tpu.memref_slice %arg8[%dma_start3A_229, %dma_start3A_235] : memref<160x128xi32, #tpu.memory_space<vmem>> -> memref<1x128xi32, #tpu.memory_space<vmem>>
    %dma_start3A_237 = tpu.memref_squeeze %dma_start3A_236 : memref<1x128xi32, #tpu.memory_space<vmem>> -> memref<128xi32, #tpu.memory_space<vmem>>
    %dma_start3A_238 = arith.constant 0 : i32
    %dma_start3A_239 = arith.constant 0 : i32
    %dma_start3A_240 = tpu.memref_slice %arg10[%dma_start3A_238, %dma_start3A_239] : memref<10112x64xf32, #tpu.memory_space<vmem_shared>> -> memref<10112x64xf32, #tpu.memory_space<vmem_shared>>
    %dma_start3A_241 = tpu.memref_slice %arg12[%dma_start3A_230] : memref<5x!tpu.dma_semaphore, #tpu.memory_space<semaphore_mem>> -> memref<1x!tpu.dma_semaphore, #tpu.memory_space<semaphore_mem>>
    %dma_start3A_242 = tpu.memref_squeeze %dma_start3A_241 : memref<1x!tpu.dma_semaphore, #tpu.memory_space<semaphore_mem>> -> memref<!tpu.dma_semaphore, #tpu.memory_space<semaphore_mem>>
    tpu.enqueue_indirect_dma source(%dma_start3A_234 : memref<128x64xf32, #tpu.memory_space<vmem>>) target(%dma_start3A_240 : memref<10112x64xf32, #tpu.memory_space<vmem_shared>>) offsets(%dma_start3A_237 : memref<128xi32, #tpu.memory_space<vmem>>) semaphore(%dma_start3A_242 : memref<!tpu.dma_semaphore, #tpu.memory_space<semaphore_mem>>) {add = true}
    %dma_wait3A_243 = arith.constant 1 : i32
    %dma_wait3A_244 = arith.constant 0 : i32
    %dma_wait3A_245 = arith.constant 1 : i32
    %dma_wait3A_246 = arith.constant 0 : i32
    %dma_wait3A_247 = arith.constant 0 : i32
    %dma_wait3A_248 = tpu.memref_slice %arg9[%dma_wait3A_243, %dma_wait3A_246, %dma_wait3A_247] : memref<5x128x64xf32, #tpu.memory_space<vmem>> -> memref<1x128x64xf32, #tpu.memory_space<vmem>>
    %dma_wait3A_249 = tpu.memref_squeeze %dma_wait3A_248 : memref<1x128x64xf32, #tpu.memory_space<vmem>> -> memref<128x64xf32, #tpu.memory_space<vmem>>
    %dma_wait3A_250 = arith.constant 0 : i32
    %dma_wait3A_251 = tpu.memref_slice %arg8[%dma_wait3A_244, %dma_wait3A_250] : memref<160x128xi32, #tpu.memory_space<vmem>> -> memref<1x128xi32, #tpu.memory_space<vmem>>
    %dma_wait3A_252 = tpu.memref_squeeze %dma_wait3A_251 : memref<1x128xi32, #tpu.memory_space<vmem>> -> memref<128xi32, #tpu.memory_space<vmem>>
    %dma_wait3A_253 = arith.constant 0 : i32
    %dma_wait3A_254 = arith.constant 0 : i32
    %dma_wait3A_255 = tpu.memref_slice %arg10[%dma_wait3A_253, %dma_wait3A_254] : memref<10112x64xf32, #tpu.memory_space<vmem_shared>> -> memref<10112x64xf32, #tpu.memory_space<vmem_shared>>
    %dma_wait3A_256 = tpu.memref_slice %arg12[%dma_wait3A_245] : memref<5x!tpu.dma_semaphore, #tpu.memory_space<semaphore_mem>> -> memref<1x!tpu.dma_semaphore, #tpu.memory_space<semaphore_mem>>
    %dma_wait3A_257 = tpu.memref_squeeze %dma_wait3A_256 : memref<1x!tpu.dma_semaphore, #tpu.memory_space<semaphore_mem>> -> memref<!tpu.dma_semaphore, #tpu.memory_space<semaphore_mem>>
    tpu.wait_indirect_dma semaphore(%dma_wait3A_257 : memref<!tpu.dma_semaphore, #tpu.memory_space<semaphore_mem>>) src(%dma_wait3A_249 : memref<128x64xf32, #tpu.memory_space<vmem>>) dst(%dma_wait3A_255 : memref<10112x64xf32, #tpu.memory_space<vmem_shared>>)
    %dma_start3A_258 = arith.constant 6 : i32
    %dma_start3A_259 = arith.constant 1 : i32
    %dma_start3A_260 = arith.constant 1 : i32
    %dma_start3A_261 = arith.constant 0 : i32
    %dma_start3A_262 = arith.constant 0 : i32
    %dma_start3A_263 = tpu.memref_slice %arg9[%dma_start3A_259, %dma_start3A_261, %dma_start3A_262] : memref<5x128x64xf32, #tpu.memory_space<vmem>> -> memref<1x128x64xf32, #tpu.memory_space<vmem>>
    %dma_start3A_264 = tpu.memref_squeeze %dma_start3A_263 : memref<1x128x64xf32, #tpu.memory_space<vmem>> -> memref<128x64xf32, #tpu.memory_space<vmem>>
    %dma_start3A_265 = arith.constant 0 : i32
    %dma_start3A_266 = tpu.memref_slice %arg7[%dma_start3A_258, %dma_start3A_265] : memref<160x128xi32, #tpu.memory_space<vmem>> -> memref<1x128xi32, #tpu.memory_space<vmem>>
    %dma_start3A_267 = tpu.memref_squeeze %dma_start3A_266 : memref<1x128xi32, #tpu.memory_space<vmem>> -> memref<128xi32, #tpu.memory_space<vmem>>
    %dma_start3A_268 = arith.constant 0 : i32
    %dma_start3A_269 = arith.constant 0 : i32
    %dma_start3A_270 = tpu.memref_slice %arg2[%dma_start3A_268, %dma_start3A_269] : memref<20000x64xf32, #tpu.memory_space<hbm>> -> memref<20000x64xf32, #tpu.memory_space<hbm>>
    %dma_start3A_271 = tpu.memref_slice %arg11[%dma_start3A_260] : memref<5x!tpu.dma_semaphore, #tpu.memory_space<semaphore_mem>> -> memref<1x!tpu.dma_semaphore, #tpu.memory_space<semaphore_mem>>
    %dma_start3A_272 = tpu.memref_squeeze %dma_start3A_271 : memref<1x!tpu.dma_semaphore, #tpu.memory_space<semaphore_mem>> -> memref<!tpu.dma_semaphore, #tpu.memory_space<semaphore_mem>>
    tpu.enqueue_indirect_dma source(%dma_start3A_270 : memref<20000x64xf32, #tpu.memory_space<hbm>>) target(%dma_start3A_264 : memref<128x64xf32, #tpu.memory_space<vmem>>) offsets(%dma_start3A_267 : memref<128xi32, #tpu.memory_space<vmem>>) semaphore(%dma_start3A_272 : memref<!tpu.dma_semaphore, #tpu.memory_space<semaphore_mem>>)
    %dma_wait3A_273 = arith.constant 0 : i32
    %dma_wait3A_274 = arith.constant 3 : i32
    %dma_wait3A_275 = arith.constant 3 : i32
    %dma_wait3A_276 = arith.constant 0 : i32
    %dma_wait3A_277 = arith.constant 0 : i32
    %dma_wait3A_278 = tpu.memref_slice %arg9[%dma_wait3A_274, %dma_wait3A_276, %dma_wait3A_277] : memref<5x128x64xf32, #tpu.memory_space<vmem>> -> memref<1x128x64xf32, #tpu.memory_space<vmem>>
    %dma_wait3A_279 = tpu.memref_squeeze %dma_wait3A_278 : memref<1x128x64xf32, #tpu.memory_space<vmem>> -> memref<128x64xf32, #tpu.memory_space<vmem>>
    %dma_wait3A_280 = arith.constant 0 : i32
    %dma_wait3A_281 = tpu.memref_slice %arg7[%dma_wait3A_273, %dma_wait3A_280] : memref<160x128xi32, #tpu.memory_space<vmem>> -> memref<1x128xi32, #tpu.memory_space<vmem>>
    %dma_wait3A_282 = tpu.memref_squeeze %dma_wait3A_281 : memref<1x128xi32, #tpu.memory_space<vmem>> -> memref<128xi32, #tpu.memory_space<vmem>>
    %dma_wait3A_283 = arith.constant 0 : i32
    %dma_wait3A_284 = arith.constant 0 : i32
    %dma_wait3A_285 = tpu.memref_slice %arg2[%dma_wait3A_283, %dma_wait3A_284] : memref<20000x64xf32, #tpu.memory_space<hbm>> -> memref<20000x64xf32, #tpu.memory_space<hbm>>
    %dma_wait3A_286 = tpu.memref_slice %arg11[%dma_wait3A_275] : memref<5x!tpu.dma_semaphore, #tpu.memory_space<semaphore_mem>> -> memref<1x!tpu.dma_semaphore, #tpu.memory_space<semaphore_mem>>
    %dma_wait3A_287 = tpu.memref_squeeze %dma_wait3A_286 : memref<1x!tpu.dma_semaphore, #tpu.memory_space<semaphore_mem>> -> memref<!tpu.dma_semaphore, #tpu.memory_space<semaphore_mem>>
    tpu.wait_indirect_dma semaphore(%dma_wait3A_287 : memref<!tpu.dma_semaphore, #tpu.memory_space<semaphore_mem>>) src(%dma_wait3A_285 : memref<20000x64xf32, #tpu.memory_space<hbm>>) dst(%dma_wait3A_279 : memref<128x64xf32, #tpu.memory_space<vmem>>)
    %dma_start3A_288 = arith.constant 3 : i32
    %dma_start3A_289 = arith.constant 3 : i32
    %dma_start3A_290 = arith.constant 3 : i32
    %dma_start3A_291 = arith.constant 0 : i32
    %dma_start3A_292 = arith.constant 0 : i32
    %dma_start3A_293 = tpu.memref_slice %arg9[%dma_start3A_288, %dma_start3A_291, %dma_start3A_292] : memref<5x128x64xf32, #tpu.memory_space<vmem>> -> memref<1x128x64xf32, #tpu.memory_space<vmem>>
    %dma_start3A_294 = tpu.memref_squeeze %dma_start3A_293 : memref<1x128x64xf32, #tpu.memory_space<vmem>> -> memref<128x64xf32, #tpu.memory_space<vmem>>
    %dma_start3A_295 = arith.constant 0 : i32
    %dma_start3A_296 = tpu.memref_slice %arg8[%dma_start3A_289, %dma_start3A_295] : memref<160x128xi32, #tpu.memory_space<vmem>> -> memref<1x128xi32, #tpu.memory_space<vmem>>
    %dma_start3A_297 = tpu.memref_squeeze %dma_start3A_296 : memref<1x128xi32, #tpu.memory_space<vmem>> -> memref<128xi32, #tpu.memory_space<vmem>>
    %dma_start3A_298 = arith.constant 0 : i32
    %dma_start3A_299 = arith.constant 0 : i32
    %dma_start3A_300 = tpu.memref_slice %arg10[%dma_start3A_298, %dma_start3A_299] : memref<10112x64xf32, #tpu.memory_space<vmem_shared>> -> memref<10112x64xf32, #tpu.memory_space<vmem_shared>>
    %dma_start3A_301 = tpu.memref_slice %arg12[%dma_start3A_290] : memref<5x!tpu.dma_semaphore, #tpu.memory_space<semaphore_mem>> -> memref<1x!tpu.dma_semaphore, #tpu.memory_space<semaphore_mem>>
    %dma_start3A_302 = tpu.memref_squeeze %dma_start3A_301 : memref<1x!tpu.dma_semaphore, #tpu.memory_space<semaphore_mem>> -> memref<!tpu.dma_semaphore, #tpu.memory_space<semaphore_mem>>
    tpu.enqueue_indirect_dma source(%dma_start3A_294 : memref<128x64xf32, #tpu.memory_space<vmem>>) target(%dma_start3A_300 : memref<10112x64xf32, #tpu.memory_space<vmem_shared>>) offsets(%dma_start3A_297 : memref<128xi32, #tpu.memory_space<vmem>>) semaphore(%dma_start3A_302 : memref<!tpu.dma_semaphore, #tpu.memory_space<semaphore_mem>>) {add = true}
    %dma_wait3A_303 = arith.constant 2 : i32
    %dma_wait3A_304 = arith.constant 0 : i32
    %dma_wait3A_305 = arith.constant 2 : i32
    %dma_wait3A_306 = arith.constant 0 : i32
    %dma_wait3A_307 = arith.constant 0 : i32
    %dma_wait3A_308 = tpu.memref_slice %arg9[%dma_wait3A_303, %dma_wait3A_306, %dma_wait3A_307] : memref<5x128x64xf32, #tpu.memory_space<vmem>> -> memref<1x128x64xf32, #tpu.memory_space<vmem>>
    %dma_wait3A_309 = tpu.memref_squeeze %dma_wait3A_308 : memref<1x128x64xf32, #tpu.memory_space<vmem>> -> memref<128x64xf32, #tpu.memory_space<vmem>>
    %dma_wait3A_310 = arith.constant 0 : i32
    %dma_wait3A_311 = tpu.memref_slice %arg8[%dma_wait3A_304, %dma_wait3A_310] : memref<160x128xi32, #tpu.memory_space<vmem>> -> memref<1x128xi32, #tpu.memory_space<vmem>>
    %dma_wait3A_312 = tpu.memref_squeeze %dma_wait3A_311 : memref<1x128xi32, #tpu.memory_space<vmem>> -> memref<128xi32, #tpu.memory_space<vmem>>
    %dma_wait3A_313 = arith.constant 0 : i32
    %dma_wait3A_314 = arith.constant 0 : i32
    %dma_wait3A_315 = tpu.memref_slice %arg10[%dma_wait3A_313, %dma_wait3A_314] : memref<10112x64xf32, #tpu.memory_space<vmem_shared>> -> memref<10112x64xf32, #tpu.memory_space<vmem_shared>>
    %dma_wait3A_316 = tpu.memref_slice %arg12[%dma_wait3A_305] : memref<5x!tpu.dma_semaphore, #tpu.memory_space<semaphore_mem>> -> memref<1x!tpu.dma_semaphore, #tpu.memory_space<semaphore_mem>>
    %dma_wait3A_317 = tpu.memref_squeeze %dma_wait3A_316 : memref<1x!tpu.dma_semaphore, #tpu.memory_space<semaphore_mem>> -> memref<!tpu.dma_semaphore, #tpu.memory_space<semaphore_mem>>
    tpu.wait_indirect_dma semaphore(%dma_wait3A_317 : memref<!tpu.dma_semaphore, #tpu.memory_space<semaphore_mem>>) src(%dma_wait3A_309 : memref<128x64xf32, #tpu.memory_space<vmem>>) dst(%dma_wait3A_315 : memref<10112x64xf32, #tpu.memory_space<vmem_shared>>)
    %dma_start3A_318 = arith.constant 7 : i32
    %dma_start3A_319 = arith.constant 2 : i32
    %dma_start3A_320 = arith.constant 2 : i32
    %dma_start3A_321 = arith.constant 0 : i32
    %dma_start3A_322 = arith.constant 0 : i32
    %dma_start3A_323 = tpu.memref_slice %arg9[%dma_start3A_319, %dma_start3A_321, %dma_start3A_322] : memref<5x128x64xf32, #tpu.memory_space<vmem>> -> memref<1x128x64xf32, #tpu.memory_space<vmem>>
    %dma_start3A_324 = tpu.memref_squeeze %dma_start3A_323 : memref<1x128x64xf32, #tpu.memory_space<vmem>> -> memref<128x64xf32, #tpu.memory_space<vmem>>
    %dma_start3A_325 = arith.constant 0 : i32
    %dma_start3A_326 = tpu.memref_slice %arg7[%dma_start3A_318, %dma_start3A_325] : memref<160x128xi32, #tpu.memory_space<vmem>> -> memref<1x128xi32, #tpu.memory_space<vmem>>
    %dma_start3A_327 = tpu.memref_squeeze %dma_start3A_326 : memref<1x128xi32, #tpu.memory_space<vmem>> -> memref<128xi32, #tpu.memory_space<vmem>>
    %dma_start3A_328 = arith.constant 0 : i32
    %dma_start3A_329 = arith.constant 0 : i32
    %dma_start3A_330 = tpu.memref_slice %arg2[%dma_start3A_328, %dma_start3A_329] : memref<20000x64xf32, #tpu.memory_space<hbm>> -> memref<20000x64xf32, #tpu.memory_space<hbm>>
    %dma_start3A_331 = tpu.memref_slice %arg11[%dma_start3A_320] : memref<5x!tpu.dma_semaphore, #tpu.memory_space<semaphore_mem>> -> memref<1x!tpu.dma_semaphore, #tpu.memory_space<semaphore_mem>>
    %dma_start3A_332 = tpu.memref_squeeze %dma_start3A_331 : memref<1x!tpu.dma_semaphore, #tpu.memory_space<semaphore_mem>> -> memref<!tpu.dma_semaphore, #tpu.memory_space<semaphore_mem>>
    tpu.enqueue_indirect_dma source(%dma_start3A_330 : memref<20000x64xf32, #tpu.memory_space<hbm>>) target(%dma_start3A_324 : memref<128x64xf32, #tpu.memory_space<vmem>>) offsets(%dma_start3A_327 : memref<128xi32, #tpu.memory_space<vmem>>) semaphore(%dma_start3A_332 : memref<!tpu.dma_semaphore, #tpu.memory_space<semaphore_mem>>)
    %dma_wait3A_333 = arith.constant 0 : i32
    %dma_wait3A_334 = arith.constant 4 : i32
    %dma_wait3A_335 = arith.constant 4 : i32
    %dma_wait3A_336 = arith.constant 0 : i32
    %dma_wait3A_337 = arith.constant 0 : i32
    %dma_wait3A_338 = tpu.memref_slice %arg9[%dma_wait3A_334, %dma_wait3A_336, %dma_wait3A_337] : memref<5x128x64xf32, #tpu.memory_space<vmem>> -> memref<1x128x64xf32, #tpu.memory_space<vmem>>
    %dma_wait3A_339 = tpu.memref_squeeze %dma_wait3A_338 : memref<1x128x64xf32, #tpu.memory_space<vmem>> -> memref<128x64xf32, #tpu.memory_space<vmem>>
    %dma_wait3A_340 = arith.constant 0 : i32
    %dma_wait3A_341 = tpu.memref_slice %arg7[%dma_wait3A_333, %dma_wait3A_340] : memref<160x128xi32, #tpu.memory_space<vmem>> -> memref<1x128xi32, #tpu.memory_space<vmem>>
    %dma_wait3A_342 = tpu.memref_squeeze %dma_wait3A_341 : memref<1x128xi32, #tpu.memory_space<vmem>> -> memref<128xi32, #tpu.memory_space<vmem>>
    %dma_wait3A_343 = arith.constant 0 : i32
    %dma_wait3A_344 = arith.constant 0 : i32
    %dma_wait3A_345 = tpu.memref_slice %arg2[%dma_wait3A_343, %dma_wait3A_344] : memref<20000x64xf32, #tpu.memory_space<hbm>> -> memref<20000x64xf32, #tpu.memory_space<hbm>>
    %dma_wait3A_346 = tpu.memref_slice %arg11[%dma_wait3A_335] : memref<5x!tpu.dma_semaphore, #tpu.memory_space<semaphore_mem>> -> memref<1x!tpu.dma_semaphore, #tpu.memory_space<semaphore_mem>>
    %dma_wait3A_347 = tpu.memref_squeeze %dma_wait3A_346 : memref<1x!tpu.dma_semaphore, #tpu.memory_space<semaphore_mem>> -> memref<!tpu.dma_semaphore, #tpu.memory_space<semaphore_mem>>
    tpu.wait_indirect_dma semaphore(%dma_wait3A_347 : memref<!tpu.dma_semaphore, #tpu.memory_space<semaphore_mem>>) src(%dma_wait3A_345 : memref<20000x64xf32, #tpu.memory_space<hbm>>) dst(%dma_wait3A_339 : memref<128x64xf32, #tpu.memory_space<vmem>>)
    %dma_start3A_348 = arith.constant 4 : i32
    %dma_start3A_349 = arith.constant 4 : i32
    %dma_start3A_350 = arith.constant 4 : i32
    %dma_start3A_351 = arith.constant 0 : i32
    %dma_start3A_352 = arith.constant 0 : i32
    %dma_start3A_353 = tpu.memref_slice %arg9[%dma_start3A_348, %dma_start3A_351, %dma_start3A_352] : memref<5x128x64xf32, #tpu.memory_space<vmem>> -> memref<1x128x64xf32, #tpu.memory_space<vmem>>
    %dma_start3A_354 = tpu.memref_squeeze %dma_start3A_353 : memref<1x128x64xf32, #tpu.memory_space<vmem>> -> memref<128x64xf32, #tpu.memory_space<vmem>>
    %dma_start3A_355 = arith.constant 0 : i32
    %dma_start3A_356 = tpu.memref_slice %arg8[%dma_start3A_349, %dma_start3A_355] : memref<160x128xi32, #tpu.memory_space<vmem>> -> memref<1x128xi32, #tpu.memory_space<vmem>>
    %dma_start3A_357 = tpu.memref_squeeze %dma_start3A_356 : memref<1x128xi32, #tpu.memory_space<vmem>> -> memref<128xi32, #tpu.memory_space<vmem>>
    %dma_start3A_358 = arith.constant 0 : i32
    %dma_start3A_359 = arith.constant 0 : i32
    %dma_start3A_360 = tpu.memref_slice %arg10[%dma_start3A_358, %dma_start3A_359] : memref<10112x64xf32, #tpu.memory_space<vmem_shared>> -> memref<10112x64xf32, #tpu.memory_space<vmem_shared>>
    %dma_start3A_361 = tpu.memref_slice %arg12[%dma_start3A_350] : memref<5x!tpu.dma_semaphore, #tpu.memory_space<semaphore_mem>> -> memref<1x!tpu.dma_semaphore, #tpu.memory_space<semaphore_mem>>
    %dma_start3A_362 = tpu.memref_squeeze %dma_start3A_361 : memref<1x!tpu.dma_semaphore, #tpu.memory_space<semaphore_mem>> -> memref<!tpu.dma_semaphore, #tpu.memory_space<semaphore_mem>>
    tpu.enqueue_indirect_dma source(%dma_start3A_354 : memref<128x64xf32, #tpu.memory_space<vmem>>) target(%dma_start3A_360 : memref<10112x64xf32, #tpu.memory_space<vmem_shared>>) offsets(%dma_start3A_357 : memref<128xi32, #tpu.memory_space<vmem>>) semaphore(%dma_start3A_362 : memref<!tpu.dma_semaphore, #tpu.memory_space<semaphore_mem>>) {add = true}
    %dma_wait3A_363 = arith.constant 3 : i32
    %dma_wait3A_364 = arith.constant 0 : i32
    %dma_wait3A_365 = arith.constant 3 : i32
    %dma_wait3A_366 = arith.constant 0 : i32
    %dma_wait3A_367 = arith.constant 0 : i32
    %dma_wait3A_368 = tpu.memref_slice %arg9[%dma_wait3A_363, %dma_wait3A_366, %dma_wait3A_367] : memref<5x128x64xf32, #tpu.memory_space<vmem>> -> memref<1x128x64xf32, #tpu.memory_space<vmem>>
    %dma_wait3A_369 = tpu.memref_squeeze %dma_wait3A_368 : memref<1x128x64xf32, #tpu.memory_space<vmem>> -> memref<128x64xf32, #tpu.memory_space<vmem>>
    %dma_wait3A_370 = arith.constant 0 : i32
    %dma_wait3A_371 = tpu.memref_slice %arg8[%dma_wait3A_364, %dma_wait3A_370] : memref<160x128xi32, #tpu.memory_space<vmem>> -> memref<1x128xi32, #tpu.memory_space<vmem>>
    %dma_wait3A_372 = tpu.memref_squeeze %dma_wait3A_371 : memref<1x128xi32, #tpu.memory_space<vmem>> -> memref<128xi32, #tpu.memory_space<vmem>>
    %dma_wait3A_373 = arith.constant 0 : i32
    %dma_wait3A_374 = arith.constant 0 : i32
    %dma_wait3A_375 = tpu.memref_slice %arg10[%dma_wait3A_373, %dma_wait3A_374] : memref<10112x64xf32, #tpu.memory_space<vmem_shared>> -> memref<10112x64xf32, #tpu.memory_space<vmem_shared>>
    %dma_wait3A_376 = tpu.memref_slice %arg12[%dma_wait3A_365] : memref<5x!tpu.dma_semaphore, #tpu.memory_space<semaphore_mem>> -> memref<1x!tpu.dma_semaphore, #tpu.memory_space<semaphore_mem>>
    %dma_wait3A_377 = tpu.memref_squeeze %dma_wait3A_376 : memref<1x!tpu.dma_semaphore, #tpu.memory_space<semaphore_mem>> -> memref<!tpu.dma_semaphore, #tpu.memory_space<semaphore_mem>>
    tpu.wait_indirect_dma semaphore(%dma_wait3A_377 : memref<!tpu.dma_semaphore, #tpu.memory_space<semaphore_mem>>) src(%dma_wait3A_369 : memref<128x64xf32, #tpu.memory_space<vmem>>) dst(%dma_wait3A_375 : memref<10112x64xf32, #tpu.memory_space<vmem_shared>>)
    %dma_start3A_378 = arith.constant 8 : i32
    %dma_start3A_379 = arith.constant 3 : i32
    %dma_start3A_380 = arith.constant 3 : i32
    %dma_start3A_381 = arith.constant 0 : i32
    %dma_start3A_382 = arith.constant 0 : i32
    %dma_start3A_383 = tpu.memref_slice %arg9[%dma_start3A_379, %dma_start3A_381, %dma_start3A_382] : memref<5x128x64xf32, #tpu.memory_space<vmem>> -> memref<1x128x64xf32, #tpu.memory_space<vmem>>
    %dma_start3A_384 = tpu.memref_squeeze %dma_start3A_383 : memref<1x128x64xf32, #tpu.memory_space<vmem>> -> memref<128x64xf32, #tpu.memory_space<vmem>>
    %dma_start3A_385 = arith.constant 0 : i32
    %dma_start3A_386 = tpu.memref_slice %arg7[%dma_start3A_378, %dma_start3A_385] : memref<160x128xi32, #tpu.memory_space<vmem>> -> memref<1x128xi32, #tpu.memory_space<vmem>>
    %dma_start3A_387 = tpu.memref_squeeze %dma_start3A_386 : memref<1x128xi32, #tpu.memory_space<vmem>> -> memref<128xi32, #tpu.memory_space<vmem>>
    %dma_start3A_388 = arith.constant 0 : i32
    %dma_start3A_389 = arith.constant 0 : i32
    %dma_start3A_390 = tpu.memref_slice %arg2[%dma_start3A_388, %dma_start3A_389] : memref<20000x64xf32, #tpu.memory_space<hbm>> -> memref<20000x64xf32, #tpu.memory_space<hbm>>
    %dma_start3A_391 = tpu.memref_slice %arg11[%dma_start3A_380] : memref<5x!tpu.dma_semaphore, #tpu.memory_space<semaphore_mem>> -> memref<1x!tpu.dma_semaphore, #tpu.memory_space<semaphore_mem>>
    %dma_start3A_392 = tpu.memref_squeeze %dma_start3A_391 : memref<1x!tpu.dma_semaphore, #tpu.memory_space<semaphore_mem>> -> memref<!tpu.dma_semaphore, #tpu.memory_space<semaphore_mem>>
    tpu.enqueue_indirect_dma source(%dma_start3A_390 : memref<20000x64xf32, #tpu.memory_space<hbm>>) target(%dma_start3A_384 : memref<128x64xf32, #tpu.memory_space<vmem>>) offsets(%dma_start3A_387 : memref<128xi32, #tpu.memory_space<vmem>>) semaphore(%dma_start3A_392 : memref<!tpu.dma_semaphore, #tpu.memory_space<semaphore_mem>>)
    %scan3A = arith.constant 0 : i32
    %scan3A_393 = arith.constant 1 : i32
    %scan3A_394 = arith.constant 30 : i32
    %scan3A_395 = arith.addi %scan3A_393, %scan3A_394 : i32
    %scan3A_396 = arith.constant 1 : i32
    scf.for %scan3A_657 = %scan3A_393 to %scan3A_395 step %scan3A_396  : i32 {
      %mul3A_658 = arith.constant 5 : i32
      %mul3A_659 = arith.muli %mul3A_658, %scan3A_657 : i32
      %add3A = arith.constant 0 : i32
      %add3A_660 = arith.addi %mul3A_659, %add3A : i32
      %dma_wait3A_661 = arith.constant 0 : i32
      %dma_wait3A_662 = arith.constant 0 : i32
      %dma_wait3A_663 = arith.constant 0 : i32
      %dma_wait3A_664 = arith.constant 0 : i32
      %dma_wait3A_665 = arith.constant 0 : i32
      %dma_wait3A_666 = tpu.memref_slice %arg9[%dma_wait3A_662, %dma_wait3A_664, %dma_wait3A_665] : memref<5x128x64xf32, #tpu.memory_space<vmem>> -> memref<1x128x64xf32, #tpu.memory_space<vmem>>
      %dma_wait3A_667 = tpu.memref_squeeze %dma_wait3A_666 : memref<1x128x64xf32, #tpu.memory_space<vmem>> -> memref<128x64xf32, #tpu.memory_space<vmem>>
      %dma_wait3A_668 = arith.constant 0 : i32
      %dma_wait3A_669 = tpu.memref_slice %arg7[%dma_wait3A_661, %dma_wait3A_668] : memref<160x128xi32, #tpu.memory_space<vmem>> -> memref<1x128xi32, #tpu.memory_space<vmem>>
      %dma_wait3A_670 = tpu.memref_squeeze %dma_wait3A_669 : memref<1x128xi32, #tpu.memory_space<vmem>> -> memref<128xi32, #tpu.memory_space<vmem>>
      %dma_wait3A_671 = arith.constant 0 : i32
      %dma_wait3A_672 = arith.constant 0 : i32
      %dma_wait3A_673 = tpu.memref_slice %arg2[%dma_wait3A_671, %dma_wait3A_672] : memref<20000x64xf32, #tpu.memory_space<hbm>> -> memref<20000x64xf32, #tpu.memory_space<hbm>>
      %dma_wait3A_674 = tpu.memref_slice %arg11[%dma_wait3A_663] : memref<5x!tpu.dma_semaphore, #tpu.memory_space<semaphore_mem>> -> memref<1x!tpu.dma_semaphore, #tpu.memory_space<semaphore_mem>>
      %dma_wait3A_675 = tpu.memref_squeeze %dma_wait3A_674 : memref<1x!tpu.dma_semaphore, #tpu.memory_space<semaphore_mem>> -> memref<!tpu.dma_semaphore, #tpu.memory_space<semaphore_mem>>
      tpu.wait_indirect_dma semaphore(%dma_wait3A_675 : memref<!tpu.dma_semaphore, #tpu.memory_space<semaphore_mem>>) src(%dma_wait3A_673 : memref<20000x64xf32, #tpu.memory_space<hbm>>) dst(%dma_wait3A_667 : memref<128x64xf32, #tpu.memory_space<vmem>>)
      %dma_start3A_676 = arith.constant 0 : i32
      %dma_start3A_677 = arith.constant 0 : i32
      %dma_start3A_678 = arith.constant 0 : i32
      %dma_start3A_679 = arith.constant 0 : i32
      %dma_start3A_680 = tpu.memref_slice %arg9[%dma_start3A_676, %dma_start3A_678, %dma_start3A_679] : memref<5x128x64xf32, #tpu.memory_space<vmem>> -> memref<1x128x64xf32, #tpu.memory_space<vmem>>
      %dma_start3A_681 = tpu.memref_squeeze %dma_start3A_680 : memref<1x128x64xf32, #tpu.memory_space<vmem>> -> memref<128x64xf32, #tpu.memory_space<vmem>>
      %dma_start3A_682 = arith.constant 0 : i32
      %dma_start3A_683 = tpu.memref_slice %arg8[%add3A_660, %dma_start3A_682] : memref<160x128xi32, #tpu.memory_space<vmem>> -> memref<1x128xi32, #tpu.memory_space<vmem>>
      %dma_start3A_684 = tpu.memref_squeeze %dma_start3A_683 : memref<1x128xi32, #tpu.memory_space<vmem>> -> memref<128xi32, #tpu.memory_space<vmem>>
      %dma_start3A_685 = arith.constant 0 : i32
      %dma_start3A_686 = arith.constant 0 : i32
      %dma_start3A_687 = tpu.memref_slice %arg10[%dma_start3A_685, %dma_start3A_686] : memref<10112x64xf32, #tpu.memory_space<vmem_shared>> -> memref<10112x64xf32, #tpu.memory_space<vmem_shared>>
      %dma_start3A_688 = tpu.memref_slice %arg12[%dma_start3A_677] : memref<5x!tpu.dma_semaphore, #tpu.memory_space<semaphore_mem>> -> memref<1x!tpu.dma_semaphore, #tpu.memory_space<semaphore_mem>>
      %dma_start3A_689 = tpu.memref_squeeze %dma_start3A_688 : memref<1x!tpu.dma_semaphore, #tpu.memory_space<semaphore_mem>> -> memref<!tpu.dma_semaphore, #tpu.memory_space<semaphore_mem>>
      tpu.enqueue_indirect_dma source(%dma_start3A_681 : memref<128x64xf32, #tpu.memory_space<vmem>>) target(%dma_start3A_687 : memref<10112x64xf32, #tpu.memory_space<vmem_shared>>) offsets(%dma_start3A_684 : memref<128xi32, #tpu.memory_space<vmem>>) semaphore(%dma_start3A_689 : memref<!tpu.dma_semaphore, #tpu.memory_space<semaphore_mem>>) {add = true}
      %dma_wait3A_690 = arith.constant 4 : i32
      %dma_wait3A_691 = arith.constant 0 : i32
      %dma_wait3A_692 = arith.constant 4 : i32
      %dma_wait3A_693 = arith.constant 0 : i32
      %dma_wait3A_694 = arith.constant 0 : i32
      %dma_wait3A_695 = tpu.memref_slice %arg9[%dma_wait3A_690, %dma_wait3A_693, %dma_wait3A_694] : memref<5x128x64xf32, #tpu.memory_space<vmem>> -> memref<1x128x64xf32, #tpu.memory_space<vmem>>
      %dma_wait3A_696 = tpu.memref_squeeze %dma_wait3A_695 : memref<1x128x64xf32, #tpu.memory_space<vmem>> -> memref<128x64xf32, #tpu.memory_space<vmem>>
      %dma_wait3A_697 = arith.constant 0 : i32
      %dma_wait3A_698 = tpu.memref_slice %arg8[%dma_wait3A_691, %dma_wait3A_697] : memref<160x128xi32, #tpu.memory_space<vmem>> -> memref<1x128xi32, #tpu.memory_space<vmem>>
      %dma_wait3A_699 = tpu.memref_squeeze %dma_wait3A_698 : memref<1x128xi32, #tpu.memory_space<vmem>> -> memref<128xi32, #tpu.memory_space<vmem>>
      %dma_wait3A_700 = arith.constant 0 : i32
      %dma_wait3A_701 = arith.constant 0 : i32
      %dma_wait3A_702 = tpu.memref_slice %arg10[%dma_wait3A_700, %dma_wait3A_701] : memref<10112x64xf32, #tpu.memory_space<vmem_shared>> -> memref<10112x64xf32, #tpu.memory_space<vmem_shared>>
      %dma_wait3A_703 = tpu.memref_slice %arg12[%dma_wait3A_692] : memref<5x!tpu.dma_semaphore, #tpu.memory_space<semaphore_mem>> -> memref<1x!tpu.dma_semaphore, #tpu.memory_space<semaphore_mem>>
      %dma_wait3A_704 = tpu.memref_squeeze %dma_wait3A_703 : memref<1x!tpu.dma_semaphore, #tpu.memory_space<semaphore_mem>> -> memref<!tpu.dma_semaphore, #tpu.memory_space<semaphore_mem>>
      tpu.wait_indirect_dma semaphore(%dma_wait3A_704 : memref<!tpu.dma_semaphore, #tpu.memory_space<semaphore_mem>>) src(%dma_wait3A_696 : memref<128x64xf32, #tpu.memory_space<vmem>>) dst(%dma_wait3A_702 : memref<10112x64xf32, #tpu.memory_space<vmem_shared>>)
      %add3A_705 = arith.constant 4 : i32
      %add3A_706 = arith.addi %add3A_660, %add3A_705 : i32
      %dma_start3A_707 = arith.constant 4 : i32
      %dma_start3A_708 = arith.constant 4 : i32
      %dma_start3A_709 = arith.constant 0 : i32
      %dma_start3A_710 = arith.constant 0 : i32
      %dma_start3A_711 = tpu.memref_slice %arg9[%dma_start3A_707, %dma_start3A_709, %dma_start3A_710] : memref<5x128x64xf32, #tpu.memory_space<vmem>> -> memref<1x128x64xf32, #tpu.memory_space<vmem>>
      %dma_start3A_712 = tpu.memref_squeeze %dma_start3A_711 : memref<1x128x64xf32, #tpu.memory_space<vmem>> -> memref<128x64xf32, #tpu.memory_space<vmem>>
      %dma_start3A_713 = arith.constant 0 : i32
      %dma_start3A_714 = tpu.memref_slice %arg7[%add3A_706, %dma_start3A_713] : memref<160x128xi32, #tpu.memory_space<vmem>> -> memref<1x128xi32, #tpu.memory_space<vmem>>
      %dma_start3A_715 = tpu.memref_squeeze %dma_start3A_714 : memref<1x128xi32, #tpu.memory_space<vmem>> -> memref<128xi32, #tpu.memory_space<vmem>>
      %dma_start3A_716 = arith.constant 0 : i32
      %dma_start3A_717 = arith.constant 0 : i32
      %dma_start3A_718 = tpu.memref_slice %arg2[%dma_start3A_716, %dma_start3A_717] : memref<20000x64xf32, #tpu.memory_space<hbm>> -> memref<20000x64xf32, #tpu.memory_space<hbm>>
      %dma_start3A_719 = tpu.memref_slice %arg11[%dma_start3A_708] : memref<5x!tpu.dma_semaphore, #tpu.memory_space<semaphore_mem>> -> memref<1x!tpu.dma_semaphore, #tpu.memory_space<semaphore_mem>>
      %dma_start3A_720 = tpu.memref_squeeze %dma_start3A_719 : memref<1x!tpu.dma_semaphore, #tpu.memory_space<semaphore_mem>> -> memref<!tpu.dma_semaphore, #tpu.memory_space<semaphore_mem>>
      tpu.enqueue_indirect_dma source(%dma_start3A_718 : memref<20000x64xf32, #tpu.memory_space<hbm>>) target(%dma_start3A_712 : memref<128x64xf32, #tpu.memory_space<vmem>>) offsets(%dma_start3A_715 : memref<128xi32, #tpu.memory_space<vmem>>) semaphore(%dma_start3A_720 : memref<!tpu.dma_semaphore, #tpu.memory_space<semaphore_mem>>)
      %mul3A_721 = arith.constant 5 : i32
      %mul3A_722 = arith.muli %mul3A_721, %scan3A_657 : i32
      %add3A_723 = arith.constant 1 : i32
      %add3A_724 = arith.addi %mul3A_722, %add3A_723 : i32
      %dma_wait3A_725 = arith.constant 0 : i32
      %dma_wait3A_726 = arith.constant 1 : i32
      %dma_wait3A_727 = arith.constant 1 : i32
      %dma_wait3A_728 = arith.constant 0 : i32
      %dma_wait3A_729 = arith.constant 0 : i32
      %dma_wait3A_730 = tpu.memref_slice %arg9[%dma_wait3A_726, %dma_wait3A_728, %dma_wait3A_729] : memref<5x128x64xf32, #tpu.memory_space<vmem>> -> memref<1x128x64xf32, #tpu.memory_space<vmem>>
      %dma_wait3A_731 = tpu.memref_squeeze %dma_wait3A_730 : memref<1x128x64xf32, #tpu.memory_space<vmem>> -> memref<128x64xf32, #tpu.memory_space<vmem>>
      %dma_wait3A_732 = arith.constant 0 : i32
      %dma_wait3A_733 = tpu.memref_slice %arg7[%dma_wait3A_725, %dma_wait3A_732] : memref<160x128xi32, #tpu.memory_space<vmem>> -> memref<1x128xi32, #tpu.memory_space<vmem>>
      %dma_wait3A_734 = tpu.memref_squeeze %dma_wait3A_733 : memref<1x128xi32, #tpu.memory_space<vmem>> -> memref<128xi32, #tpu.memory_space<vmem>>
      %dma_wait3A_735 = arith.constant 0 : i32
      %dma_wait3A_736 = arith.constant 0 : i32
      %dma_wait3A_737 = tpu.memref_slice %arg2[%dma_wait3A_735, %dma_wait3A_736] : memref<20000x64xf32, #tpu.memory_space<hbm>> -> memref<20000x64xf32, #tpu.memory_space<hbm>>
      %dma_wait3A_738 = tpu.memref_slice %arg11[%dma_wait3A_727] : memref<5x!tpu.dma_semaphore, #tpu.memory_space<semaphore_mem>> -> memref<1x!tpu.dma_semaphore, #tpu.memory_space<semaphore_mem>>
      %dma_wait3A_739 = tpu.memref_squeeze %dma_wait3A_738 : memref<1x!tpu.dma_semaphore, #tpu.memory_space<semaphore_mem>> -> memref<!tpu.dma_semaphore, #tpu.memory_space<semaphore_mem>>
      tpu.wait_indirect_dma semaphore(%dma_wait3A_739 : memref<!tpu.dma_semaphore, #tpu.memory_space<semaphore_mem>>) src(%dma_wait3A_737 : memref<20000x64xf32, #tpu.memory_space<hbm>>) dst(%dma_wait3A_731 : memref<128x64xf32, #tpu.memory_space<vmem>>)
      %dma_start3A_740 = arith.constant 1 : i32
      %dma_start3A_741 = arith.constant 1 : i32
      %dma_start3A_742 = arith.constant 0 : i32
      %dma_start3A_743 = arith.constant 0 : i32
      %dma_start3A_744 = tpu.memref_slice %arg9[%dma_start3A_740, %dma_start3A_742, %dma_start3A_743] : memref<5x128x64xf32, #tpu.memory_space<vmem>> -> memref<1x128x64xf32, #tpu.memory_space<vmem>>
      %dma_start3A_745 = tpu.memref_squeeze %dma_start3A_744 : memref<1x128x64xf32, #tpu.memory_space<vmem>> -> memref<128x64xf32, #tpu.memory_space<vmem>>
      %dma_start3A_746 = arith.constant 0 : i32
      %dma_start3A_747 = tpu.memref_slice %arg8[%add3A_724, %dma_start3A_746] : memref<160x128xi32, #tpu.memory_space<vmem>> -> memref<1x128xi32, #tpu.memory_space<vmem>>
      %dma_start3A_748 = tpu.memref_squeeze %dma_start3A_747 : memref<1x128xi32, #tpu.memory_space<vmem>> -> memref<128xi32, #tpu.memory_space<vmem>>
      %dma_start3A_749 = arith.constant 0 : i32
      %dma_start3A_750 = arith.constant 0 : i32
      %dma_start3A_751 = tpu.memref_slice %arg10[%dma_start3A_749, %dma_start3A_750] : memref<10112x64xf32, #tpu.memory_space<vmem_shared>> -> memref<10112x64xf32, #tpu.memory_space<vmem_shared>>
      %dma_start3A_752 = tpu.memref_slice %arg12[%dma_start3A_741] : memref<5x!tpu.dma_semaphore, #tpu.memory_space<semaphore_mem>> -> memref<1x!tpu.dma_semaphore, #tpu.memory_space<semaphore_mem>>
      %dma_start3A_753 = tpu.memref_squeeze %dma_start3A_752 : memref<1x!tpu.dma_semaphore, #tpu.memory_space<semaphore_mem>> -> memref<!tpu.dma_semaphore, #tpu.memory_space<semaphore_mem>>
      tpu.enqueue_indirect_dma source(%dma_start3A_745 : memref<128x64xf32, #tpu.memory_space<vmem>>) target(%dma_start3A_751 : memref<10112x64xf32, #tpu.memory_space<vmem_shared>>) offsets(%dma_start3A_748 : memref<128xi32, #tpu.memory_space<vmem>>) semaphore(%dma_start3A_753 : memref<!tpu.dma_semaphore, #tpu.memory_space<semaphore_mem>>) {add = true}
      %dma_wait3A_754 = arith.constant 0 : i32
      %dma_wait3A_755 = arith.constant 0 : i32
      %dma_wait3A_756 = arith.constant 0 : i32
      %dma_wait3A_757 = arith.constant 0 : i32
      %dma_wait3A_758 = arith.constant 0 : i32
      %dma_wait3A_759 = tpu.memref_slice %arg9[%dma_wait3A_754, %dma_wait3A_757, %dma_wait3A_758] : memref<5x128x64xf32, #tpu.memory_space<vmem>> -> memref<1x128x64xf32, #tpu.memory_space<vmem>>
      %dma_wait3A_760 = tpu.memref_squeeze %dma_wait3A_759 : memref<1x128x64xf32, #tpu.memory_space<vmem>> -> memref<128x64xf32, #tpu.memory_space<vmem>>
      %dma_wait3A_761 = arith.constant 0 : i32
      %dma_wait3A_762 = tpu.memref_slice %arg8[%dma_wait3A_755, %dma_wait3A_761] : memref<160x128xi32, #tpu.memory_space<vmem>> -> memref<1x128xi32, #tpu.memory_space<vmem>>
      %dma_wait3A_763 = tpu.memref_squeeze %dma_wait3A_762 : memref<1x128xi32, #tpu.memory_space<vmem>> -> memref<128xi32, #tpu.memory_space<vmem>>
      %dma_wait3A_764 = arith.constant 0 : i32
      %dma_wait3A_765 = arith.constant 0 : i32
      %dma_wait3A_766 = tpu.memref_slice %arg10[%dma_wait3A_764, %dma_wait3A_765] : memref<10112x64xf32, #tpu.memory_space<vmem_shared>> -> memref<10112x64xf32, #tpu.memory_space<vmem_shared>>
      %dma_wait3A_767 = tpu.memref_slice %arg12[%dma_wait3A_756] : memref<5x!tpu.dma_semaphore, #tpu.memory_space<semaphore_mem>> -> memref<1x!tpu.dma_semaphore, #tpu.memory_space<semaphore_mem>>
      %dma_wait3A_768 = tpu.memref_squeeze %dma_wait3A_767 : memref<1x!tpu.dma_semaphore, #tpu.memory_space<semaphore_mem>> -> memref<!tpu.dma_semaphore, #tpu.memory_space<semaphore_mem>>
      tpu.wait_indirect_dma semaphore(%dma_wait3A_768 : memref<!tpu.dma_semaphore, #tpu.memory_space<semaphore_mem>>) src(%dma_wait3A_760 : memref<128x64xf32, #tpu.memory_space<vmem>>) dst(%dma_wait3A_766 : memref<10112x64xf32, #tpu.memory_space<vmem_shared>>)
      %add3A_769 = arith.constant 4 : i32
      %add3A_770 = arith.addi %add3A_724, %add3A_769 : i32
      %dma_start3A_771 = arith.constant 0 : i32
      %dma_start3A_772 = arith.constant 0 : i32
      %dma_start3A_773 = arith.constant 0 : i32
      %dma_start3A_774 = arith.constant 0 : i32
      %dma_start3A_775 = tpu.memref_slice %arg9[%dma_start3A_771, %dma_start3A_773, %dma_start3A_774] : memref<5x128x64xf32, #tpu.memory_space<vmem>> -> memref<1x128x64xf32, #tpu.memory_space<vmem>>
      %dma_start3A_776 = tpu.memref_squeeze %dma_start3A_775 : memref<1x128x64xf32, #tpu.memory_space<vmem>> -> memref<128x64xf32, #tpu.memory_space<vmem>>
      %dma_start3A_777 = arith.constant 0 : i32
      %dma_start3A_778 = tpu.memref_slice %arg7[%add3A_770, %dma_start3A_777] : memref<160x128xi32, #tpu.memory_space<vmem>> -> memref<1x128xi32, #tpu.memory_space<vmem>>
      %dma_start3A_779 = tpu.memref_squeeze %dma_start3A_778 : memref<1x128xi32, #tpu.memory_space<vmem>> -> memref<128xi32, #tpu.memory_space<vmem>>
      %dma_start3A_780 = arith.constant 0 : i32
      %dma_start3A_781 = arith.constant 0 : i32
      %dma_start3A_782 = tpu.memref_slice %arg2[%dma_start3A_780, %dma_start3A_781] : memref<20000x64xf32, #tpu.memory_space<hbm>> -> memref<20000x64xf32, #tpu.memory_space<hbm>>
      %dma_start3A_783 = tpu.memref_slice %arg11[%dma_start3A_772] : memref<5x!tpu.dma_semaphore, #tpu.memory_space<semaphore_mem>> -> memref<1x!tpu.dma_semaphore, #tpu.memory_space<semaphore_mem>>
      %dma_start3A_784 = tpu.memref_squeeze %dma_start3A_783 : memref<1x!tpu.dma_semaphore, #tpu.memory_space<semaphore_mem>> -> memref<!tpu.dma_semaphore, #tpu.memory_space<semaphore_mem>>
      tpu.enqueue_indirect_dma source(%dma_start3A_782 : memref<20000x64xf32, #tpu.memory_space<hbm>>) target(%dma_start3A_776 : memref<128x64xf32, #tpu.memory_space<vmem>>) offsets(%dma_start3A_779 : memref<128xi32, #tpu.memory_space<vmem>>) semaphore(%dma_start3A_784 : memref<!tpu.dma_semaphore, #tpu.memory_space<semaphore_mem>>)
      %mul3A_785 = arith.constant 5 : i32
      %mul3A_786 = arith.muli %mul3A_785, %scan3A_657 : i32
      %add3A_787 = arith.constant 2 : i32
      %add3A_788 = arith.addi %mul3A_786, %add3A_787 : i32
      %dma_wait3A_789 = arith.constant 0 : i32
      %dma_wait3A_790 = arith.constant 2 : i32
      %dma_wait3A_791 = arith.constant 2 : i32
      %dma_wait3A_792 = arith.constant 0 : i32
      %dma_wait3A_793 = arith.constant 0 : i32
      %dma_wait3A_794 = tpu.memref_slice %arg9[%dma_wait3A_790, %dma_wait3A_792, %dma_wait3A_793] : memref<5x128x64xf32, #tpu.memory_space<vmem>> -> memref<1x128x64xf32, #tpu.memory_space<vmem>>
      %dma_wait3A_795 = tpu.memref_squeeze %dma_wait3A_794 : memref<1x128x64xf32, #tpu.memory_space<vmem>> -> memref<128x64xf32, #tpu.memory_space<vmem>>
      %dma_wait3A_796 = arith.constant 0 : i32
      %dma_wait3A_797 = tpu.memref_slice %arg7[%dma_wait3A_789, %dma_wait3A_796] : memref<160x128xi32, #tpu.memory_space<vmem>> -> memref<1x128xi32, #tpu.memory_space<vmem>>
      %dma_wait3A_798 = tpu.memref_squeeze %dma_wait3A_797 : memref<1x128xi32, #tpu.memory_space<vmem>> -> memref<128xi32, #tpu.memory_space<vmem>>
      %dma_wait3A_799 = arith.constant 0 : i32
      %dma_wait3A_800 = arith.constant 0 : i32
      %dma_wait3A_801 = tpu.memref_slice %arg2[%dma_wait3A_799, %dma_wait3A_800] : memref<20000x64xf32, #tpu.memory_space<hbm>> -> memref<20000x64xf32, #tpu.memory_space<hbm>>
      %dma_wait3A_802 = tpu.memref_slice %arg11[%dma_wait3A_791] : memref<5x!tpu.dma_semaphore, #tpu.memory_space<semaphore_mem>> -> memref<1x!tpu.dma_semaphore, #tpu.memory_space<semaphore_mem>>
      %dma_wait3A_803 = tpu.memref_squeeze %dma_wait3A_802 : memref<1x!tpu.dma_semaphore, #tpu.memory_space<semaphore_mem>> -> memref<!tpu.dma_semaphore, #tpu.memory_space<semaphore_mem>>
      tpu.wait_indirect_dma semaphore(%dma_wait3A_803 : memref<!tpu.dma_semaphore, #tpu.memory_space<semaphore_mem>>) src(%dma_wait3A_801 : memref<20000x64xf32, #tpu.memory_space<hbm>>) dst(%dma_wait3A_795 : memref<128x64xf32, #tpu.memory_space<vmem>>)
      %dma_start3A_804 = arith.constant 2 : i32
      %dma_start3A_805 = arith.constant 2 : i32
      %dma_start3A_806 = arith.constant 0 : i32
      %dma_start3A_807 = arith.constant 0 : i32
      %dma_start3A_808 = tpu.memref_slice %arg9[%dma_start3A_804, %dma_start3A_806, %dma_start3A_807] : memref<5x128x64xf32, #tpu.memory_space<vmem>> -> memref<1x128x64xf32, #tpu.memory_space<vmem>>
      %dma_start3A_809 = tpu.memref_squeeze %dma_start3A_808 : memref<1x128x64xf32, #tpu.memory_space<vmem>> -> memref<128x64xf32, #tpu.memory_space<vmem>>
      %dma_start3A_810 = arith.constant 0 : i32
      %dma_start3A_811 = tpu.memref_slice %arg8[%add3A_788, %dma_start3A_810] : memref<160x128xi32, #tpu.memory_space<vmem>> -> memref<1x128xi32, #tpu.memory_space<vmem>>
      %dma_start3A_812 = tpu.memref_squeeze %dma_start3A_811 : memref<1x128xi32, #tpu.memory_space<vmem>> -> memref<128xi32, #tpu.memory_space<vmem>>
      %dma_start3A_813 = arith.constant 0 : i32
      %dma_start3A_814 = arith.constant 0 : i32
      %dma_start3A_815 = tpu.memref_slice %arg10[%dma_start3A_813, %dma_start3A_814] : memref<10112x64xf32, #tpu.memory_space<vmem_shared>> -> memref<10112x64xf32, #tpu.memory_space<vmem_shared>>
      %dma_start3A_816 = tpu.memref_slice %arg12[%dma_start3A_805] : memref<5x!tpu.dma_semaphore, #tpu.memory_space<semaphore_mem>> -> memref<1x!tpu.dma_semaphore, #tpu.memory_space<semaphore_mem>>
      %dma_start3A_817 = tpu.memref_squeeze %dma_start3A_816 : memref<1x!tpu.dma_semaphore, #tpu.memory_space<semaphore_mem>> -> memref<!tpu.dma_semaphore, #tpu.memory_space<semaphore_mem>>
      tpu.enqueue_indirect_dma source(%dma_start3A_809 : memref<128x64xf32, #tpu.memory_space<vmem>>) target(%dma_start3A_815 : memref<10112x64xf32, #tpu.memory_space<vmem_shared>>) offsets(%dma_start3A_812 : memref<128xi32, #tpu.memory_space<vmem>>) semaphore(%dma_start3A_817 : memref<!tpu.dma_semaphore, #tpu.memory_space<semaphore_mem>>) {add = true}
      %dma_wait3A_818 = arith.constant 1 : i32
      %dma_wait3A_819 = arith.constant 0 : i32
      %dma_wait3A_820 = arith.constant 1 : i32
      %dma_wait3A_821 = arith.constant 0 : i32
      %dma_wait3A_822 = arith.constant 0 : i32
      %dma_wait3A_823 = tpu.memref_slice %arg9[%dma_wait3A_818, %dma_wait3A_821, %dma_wait3A_822] : memref<5x128x64xf32, #tpu.memory_space<vmem>> -> memref<1x128x64xf32, #tpu.memory_space<vmem>>
      %dma_wait3A_824 = tpu.memref_squeeze %dma_wait3A_823 : memref<1x128x64xf32, #tpu.memory_space<vmem>> -> memref<128x64xf32, #tpu.memory_space<vmem>>
      %dma_wait3A_825 = arith.constant 0 : i32
      %dma_wait3A_826 = tpu.memref_slice %arg8[%dma_wait3A_819, %dma_wait3A_825] : memref<160x128xi32, #tpu.memory_space<vmem>> -> memref<1x128xi32, #tpu.memory_space<vmem>>
      %dma_wait3A_827 = tpu.memref_squeeze %dma_wait3A_826 : memref<1x128xi32, #tpu.memory_space<vmem>> -> memref<128xi32, #tpu.memory_space<vmem>>
      %dma_wait3A_828 = arith.constant 0 : i32
      %dma_wait3A_829 = arith.constant 0 : i32
      %dma_wait3A_830 = tpu.memref_slice %arg10[%dma_wait3A_828, %dma_wait3A_829] : memref<10112x64xf32, #tpu.memory_space<vmem_shared>> -> memref<10112x64xf32, #tpu.memory_space<vmem_shared>>
      %dma_wait3A_831 = tpu.memref_slice %arg12[%dma_wait3A_820] : memref<5x!tpu.dma_semaphore, #tpu.memory_space<semaphore_mem>> -> memref<1x!tpu.dma_semaphore, #tpu.memory_space<semaphore_mem>>
      %dma_wait3A_832 = tpu.memref_squeeze %dma_wait3A_831 : memref<1x!tpu.dma_semaphore, #tpu.memory_space<semaphore_mem>> -> memref<!tpu.dma_semaphore, #tpu.memory_space<semaphore_mem>>
      tpu.wait_indirect_dma semaphore(%dma_wait3A_832 : memref<!tpu.dma_semaphore, #tpu.memory_space<semaphore_mem>>) src(%dma_wait3A_824 : memref<128x64xf32, #tpu.memory_space<vmem>>) dst(%dma_wait3A_830 : memref<10112x64xf32, #tpu.memory_space<vmem_shared>>)
      %add3A_833 = arith.constant 4 : i32
      %add3A_834 = arith.addi %add3A_788, %add3A_833 : i32
      %dma_start3A_835 = arith.constant 1 : i32
      %dma_start3A_836 = arith.constant 1 : i32
      %dma_start3A_837 = arith.constant 0 : i32
      %dma_start3A_838 = arith.constant 0 : i32
      %dma_start3A_839 = tpu.memref_slice %arg9[%dma_start3A_835, %dma_start3A_837, %dma_start3A_838] : memref<5x128x64xf32, #tpu.memory_space<vmem>> -> memref<1x128x64xf32, #tpu.memory_space<vmem>>
      %dma_start3A_840 = tpu.memref_squeeze %dma_start3A_839 : memref<1x128x64xf32, #tpu.memory_space<vmem>> -> memref<128x64xf32, #tpu.memory_space<vmem>>
      %dma_start3A_841 = arith.constant 0 : i32
      %dma_start3A_842 = tpu.memref_slice %arg7[%add3A_834, %dma_start3A_841] : memref<160x128xi32, #tpu.memory_space<vmem>> -> memref<1x128xi32, #tpu.memory_space<vmem>>
      %dma_start3A_843 = tpu.memref_squeeze %dma_start3A_842 : memref<1x128xi32, #tpu.memory_space<vmem>> -> memref<128xi32, #tpu.memory_space<vmem>>
      %dma_start3A_844 = arith.constant 0 : i32
      %dma_start3A_845 = arith.constant 0 : i32
      %dma_start3A_846 = tpu.memref_slice %arg2[%dma_start3A_844, %dma_start3A_845] : memref<20000x64xf32, #tpu.memory_space<hbm>> -> memref<20000x64xf32, #tpu.memory_space<hbm>>
      %dma_start3A_847 = tpu.memref_slice %arg11[%dma_start3A_836] : memref<5x!tpu.dma_semaphore, #tpu.memory_space<semaphore_mem>> -> memref<1x!tpu.dma_semaphore, #tpu.memory_space<semaphore_mem>>
      %dma_start3A_848 = tpu.memref_squeeze %dma_start3A_847 : memref<1x!tpu.dma_semaphore, #tpu.memory_space<semaphore_mem>> -> memref<!tpu.dma_semaphore, #tpu.memory_space<semaphore_mem>>
      tpu.enqueue_indirect_dma source(%dma_start3A_846 : memref<20000x64xf32, #tpu.memory_space<hbm>>) target(%dma_start3A_840 : memref<128x64xf32, #tpu.memory_space<vmem>>) offsets(%dma_start3A_843 : memref<128xi32, #tpu.memory_space<vmem>>) semaphore(%dma_start3A_848 : memref<!tpu.dma_semaphore, #tpu.memory_space<semaphore_mem>>)
      %mul3A_849 = arith.constant 5 : i32
      %mul3A_850 = arith.muli %mul3A_849, %scan3A_657 : i32
      %add3A_851 = arith.constant 3 : i32
      %add3A_852 = arith.addi %mul3A_850, %add3A_851 : i32
      %dma_wait3A_853 = arith.constant 0 : i32
      %dma_wait3A_854 = arith.constant 3 : i32
      %dma_wait3A_855 = arith.constant 3 : i32
      %dma_wait3A_856 = arith.constant 0 : i32
      %dma_wait3A_857 = arith.constant 0 : i32
      %dma_wait3A_858 = tpu.memref_slice %arg9[%dma_wait3A_854, %dma_wait3A_856, %dma_wait3A_857] : memref<5x128x64xf32, #tpu.memory_space<vmem>> -> memref<1x128x64xf32, #tpu.memory_space<vmem>>
      %dma_wait3A_859 = tpu.memref_squeeze %dma_wait3A_858 : memref<1x128x64xf32, #tpu.memory_space<vmem>> -> memref<128x64xf32, #tpu.memory_space<vmem>>
      %dma_wait3A_860 = arith.constant 0 : i32
      %dma_wait3A_861 = tpu.memref_slice %arg7[%dma_wait3A_853, %dma_wait3A_860] : memref<160x128xi32, #tpu.memory_space<vmem>> -> memref<1x128xi32, #tpu.memory_space<vmem>>
      %dma_wait3A_862 = tpu.memref_squeeze %dma_wait3A_861 : memref<1x128xi32, #tpu.memory_space<vmem>> -> memref<128xi32, #tpu.memory_space<vmem>>
      %dma_wait3A_863 = arith.constant 0 : i32
      %dma_wait3A_864 = arith.constant 0 : i32
      %dma_wait3A_865 = tpu.memref_slice %arg2[%dma_wait3A_863, %dma_wait3A_864] : memref<20000x64xf32, #tpu.memory_space<hbm>> -> memref<20000x64xf32, #tpu.memory_space<hbm>>
      %dma_wait3A_866 = tpu.memref_slice %arg11[%dma_wait3A_855] : memref<5x!tpu.dma_semaphore, #tpu.memory_space<semaphore_mem>> -> memref<1x!tpu.dma_semaphore, #tpu.memory_space<semaphore_mem>>
      %dma_wait3A_867 = tpu.memref_squeeze %dma_wait3A_866 : memref<1x!tpu.dma_semaphore, #tpu.memory_space<semaphore_mem>> -> memref<!tpu.dma_semaphore, #tpu.memory_space<semaphore_mem>>
      tpu.wait_indirect_dma semaphore(%dma_wait3A_867 : memref<!tpu.dma_semaphore, #tpu.memory_space<semaphore_mem>>) src(%dma_wait3A_865 : memref<20000x64xf32, #tpu.memory_space<hbm>>) dst(%dma_wait3A_859 : memref<128x64xf32, #tpu.memory_space<vmem>>)
      %dma_start3A_868 = arith.constant 3 : i32
      %dma_start3A_869 = arith.constant 3 : i32
      %dma_start3A_870 = arith.constant 0 : i32
      %dma_start3A_871 = arith.constant 0 : i32
      %dma_start3A_872 = tpu.memref_slice %arg9[%dma_start3A_868, %dma_start3A_870, %dma_start3A_871] : memref<5x128x64xf32, #tpu.memory_space<vmem>> -> memref<1x128x64xf32, #tpu.memory_space<vmem>>
      %dma_start3A_873 = tpu.memref_squeeze %dma_start3A_872 : memref<1x128x64xf32, #tpu.memory_space<vmem>> -> memref<128x64xf32, #tpu.memory_space<vmem>>
      %dma_start3A_874 = arith.constant 0 : i32
      %dma_start3A_875 = tpu.memref_slice %arg8[%add3A_852, %dma_start3A_874] : memref<160x128xi32, #tpu.memory_space<vmem>> -> memref<1x128xi32, #tpu.memory_space<vmem>>
      %dma_start3A_876 = tpu.memref_squeeze %dma_start3A_875 : memref<1x128xi32, #tpu.memory_space<vmem>> -> memref<128xi32, #tpu.memory_space<vmem>>
      %dma_start3A_877 = arith.constant 0 : i32
      %dma_start3A_878 = arith.constant 0 : i32
      %dma_start3A_879 = tpu.memref_slice %arg10[%dma_start3A_877, %dma_start3A_878] : memref<10112x64xf32, #tpu.memory_space<vmem_shared>> -> memref<10112x64xf32, #tpu.memory_space<vmem_shared>>
      %dma_start3A_880 = tpu.memref_slice %arg12[%dma_start3A_869] : memref<5x!tpu.dma_semaphore, #tpu.memory_space<semaphore_mem>> -> memref<1x!tpu.dma_semaphore, #tpu.memory_space<semaphore_mem>>
      %dma_start3A_881 = tpu.memref_squeeze %dma_start3A_880 : memref<1x!tpu.dma_semaphore, #tpu.memory_space<semaphore_mem>> -> memref<!tpu.dma_semaphore, #tpu.memory_space<semaphore_mem>>
      tpu.enqueue_indirect_dma source(%dma_start3A_873 : memref<128x64xf32, #tpu.memory_space<vmem>>) target(%dma_start3A_879 : memref<10112x64xf32, #tpu.memory_space<vmem_shared>>) offsets(%dma_start3A_876 : memref<128xi32, #tpu.memory_space<vmem>>) semaphore(%dma_start3A_881 : memref<!tpu.dma_semaphore, #tpu.memory_space<semaphore_mem>>) {add = true}
      %dma_wait3A_882 = arith.constant 2 : i32
      %dma_wait3A_883 = arith.constant 0 : i32
      %dma_wait3A_884 = arith.constant 2 : i32
      %dma_wait3A_885 = arith.constant 0 : i32
      %dma_wait3A_886 = arith.constant 0 : i32
      %dma_wait3A_887 = tpu.memref_slice %arg9[%dma_wait3A_882, %dma_wait3A_885, %dma_wait3A_886] : memref<5x128x64xf32, #tpu.memory_space<vmem>> -> memref<1x128x64xf32, #tpu.memory_space<vmem>>
      %dma_wait3A_888 = tpu.memref_squeeze %dma_wait3A_887 : memref<1x128x64xf32, #tpu.memory_space<vmem>> -> memref<128x64xf32, #tpu.memory_space<vmem>>
      %dma_wait3A_889 = arith.constant 0 : i32
      %dma_wait3A_890 = tpu.memref_slice %arg8[%dma_wait3A_883, %dma_wait3A_889] : memref<160x128xi32, #tpu.memory_space<vmem>> -> memref<1x128xi32, #tpu.memory_space<vmem>>
      %dma_wait3A_891 = tpu.memref_squeeze %dma_wait3A_890 : memref<1x128xi32, #tpu.memory_space<vmem>> -> memref<128xi32, #tpu.memory_space<vmem>>
      %dma_wait3A_892 = arith.constant 0 : i32
      %dma_wait3A_893 = arith.constant 0 : i32
      %dma_wait3A_894 = tpu.memref_slice %arg10[%dma_wait3A_892, %dma_wait3A_893] : memref<10112x64xf32, #tpu.memory_space<vmem_shared>> -> memref<10112x64xf32, #tpu.memory_space<vmem_shared>>
      %dma_wait3A_895 = tpu.memref_slice %arg12[%dma_wait3A_884] : memref<5x!tpu.dma_semaphore, #tpu.memory_space<semaphore_mem>> -> memref<1x!tpu.dma_semaphore, #tpu.memory_space<semaphore_mem>>
      %dma_wait3A_896 = tpu.memref_squeeze %dma_wait3A_895 : memref<1x!tpu.dma_semaphore, #tpu.memory_space<semaphore_mem>> -> memref<!tpu.dma_semaphore, #tpu.memory_space<semaphore_mem>>
      tpu.wait_indirect_dma semaphore(%dma_wait3A_896 : memref<!tpu.dma_semaphore, #tpu.memory_space<semaphore_mem>>) src(%dma_wait3A_888 : memref<128x64xf32, #tpu.memory_space<vmem>>) dst(%dma_wait3A_894 : memref<10112x64xf32, #tpu.memory_space<vmem_shared>>)
      %add3A_897 = arith.constant 4 : i32
      %add3A_898 = arith.addi %add3A_852, %add3A_897 : i32
      %dma_start3A_899 = arith.constant 2 : i32
      %dma_start3A_900 = arith.constant 2 : i32
      %dma_start3A_901 = arith.constant 0 : i32
      %dma_start3A_902 = arith.constant 0 : i32
      %dma_start3A_903 = tpu.memref_slice %arg9[%dma_start3A_899, %dma_start3A_901, %dma_start3A_902] : memref<5x128x64xf32, #tpu.memory_space<vmem>> -> memref<1x128x64xf32, #tpu.memory_space<vmem>>
      %dma_start3A_904 = tpu.memref_squeeze %dma_start3A_903 : memref<1x128x64xf32, #tpu.memory_space<vmem>> -> memref<128x64xf32, #tpu.memory_space<vmem>>
      %dma_start3A_905 = arith.constant 0 : i32
      %dma_start3A_906 = tpu.memref_slice %arg7[%add3A_898, %dma_start3A_905] : memref<160x128xi32, #tpu.memory_space<vmem>> -> memref<1x128xi32, #tpu.memory_space<vmem>>
      %dma_start3A_907 = tpu.memref_squeeze %dma_start3A_906 : memref<1x128xi32, #tpu.memory_space<vmem>> -> memref<128xi32, #tpu.memory_space<vmem>>
      %dma_start3A_908 = arith.constant 0 : i32
      %dma_start3A_909 = arith.constant 0 : i32
      %dma_start3A_910 = tpu.memref_slice %arg2[%dma_start3A_908, %dma_start3A_909] : memref<20000x64xf32, #tpu.memory_space<hbm>> -> memref<20000x64xf32, #tpu.memory_space<hbm>>
      %dma_start3A_911 = tpu.memref_slice %arg11[%dma_start3A_900] : memref<5x!tpu.dma_semaphore, #tpu.memory_space<semaphore_mem>> -> memref<1x!tpu.dma_semaphore, #tpu.memory_space<semaphore_mem>>
      %dma_start3A_912 = tpu.memref_squeeze %dma_start3A_911 : memref<1x!tpu.dma_semaphore, #tpu.memory_space<semaphore_mem>> -> memref<!tpu.dma_semaphore, #tpu.memory_space<semaphore_mem>>
      tpu.enqueue_indirect_dma source(%dma_start3A_910 : memref<20000x64xf32, #tpu.memory_space<hbm>>) target(%dma_start3A_904 : memref<128x64xf32, #tpu.memory_space<vmem>>) offsets(%dma_start3A_907 : memref<128xi32, #tpu.memory_space<vmem>>) semaphore(%dma_start3A_912 : memref<!tpu.dma_semaphore, #tpu.memory_space<semaphore_mem>>)
      %mul3A_913 = arith.constant 5 : i32
      %mul3A_914 = arith.muli %mul3A_913, %scan3A_657 : i32
      %add3A_915 = arith.constant 4 : i32
      %add3A_916 = arith.addi %mul3A_914, %add3A_915 : i32
      %dma_wait3A_917 = arith.constant 0 : i32
      %dma_wait3A_918 = arith.constant 4 : i32
      %dma_wait3A_919 = arith.constant 4 : i32
      %dma_wait3A_920 = arith.constant 0 : i32
      %dma_wait3A_921 = arith.constant 0 : i32
      %dma_wait3A_922 = tpu.memref_slice %arg9[%dma_wait3A_918, %dma_wait3A_920, %dma_wait3A_921] : memref<5x128x64xf32, #tpu.memory_space<vmem>> -> memref<1x128x64xf32, #tpu.memory_space<vmem>>
      %dma_wait3A_923 = tpu.memref_squeeze %dma_wait3A_922 : memref<1x128x64xf32, #tpu.memory_space<vmem>> -> memref<128x64xf32, #tpu.memory_space<vmem>>
      %dma_wait3A_924 = arith.constant 0 : i32
      %dma_wait3A_925 = tpu.memref_slice %arg7[%dma_wait3A_917, %dma_wait3A_924] : memref<160x128xi32, #tpu.memory_space<vmem>> -> memref<1x128xi32, #tpu.memory_space<vmem>>
      %dma_wait3A_926 = tpu.memref_squeeze %dma_wait3A_925 : memref<1x128xi32, #tpu.memory_space<vmem>> -> memref<128xi32, #tpu.memory_space<vmem>>
      %dma_wait3A_927 = arith.constant 0 : i32
      %dma_wait3A_928 = arith.constant 0 : i32
      %dma_wait3A_929 = tpu.memref_slice %arg2[%dma_wait3A_927, %dma_wait3A_928] : memref<20000x64xf32, #tpu.memory_space<hbm>> -> memref<20000x64xf32, #tpu.memory_space<hbm>>
      %dma_wait3A_930 = tpu.memref_slice %arg11[%dma_wait3A_919] : memref<5x!tpu.dma_semaphore, #tpu.memory_space<semaphore_mem>> -> memref<1x!tpu.dma_semaphore, #tpu.memory_space<semaphore_mem>>
      %dma_wait3A_931 = tpu.memref_squeeze %dma_wait3A_930 : memref<1x!tpu.dma_semaphore, #tpu.memory_space<semaphore_mem>> -> memref<!tpu.dma_semaphore, #tpu.memory_space<semaphore_mem>>
      tpu.wait_indirect_dma semaphore(%dma_wait3A_931 : memref<!tpu.dma_semaphore, #tpu.memory_space<semaphore_mem>>) src(%dma_wait3A_929 : memref<20000x64xf32, #tpu.memory_space<hbm>>) dst(%dma_wait3A_923 : memref<128x64xf32, #tpu.memory_space<vmem>>)
      %dma_start3A_932 = arith.constant 4 : i32
      %dma_start3A_933 = arith.constant 4 : i32
      %dma_start3A_934 = arith.constant 0 : i32
      %dma_start3A_935 = arith.constant 0 : i32
      %dma_start3A_936 = tpu.memref_slice %arg9[%dma_start3A_932, %dma_start3A_934, %dma_start3A_935] : memref<5x128x64xf32, #tpu.memory_space<vmem>> -> memref<1x128x64xf32, #tpu.memory_space<vmem>>
      %dma_start3A_937 = tpu.memref_squeeze %dma_start3A_936 : memref<1x128x64xf32, #tpu.memory_space<vmem>> -> memref<128x64xf32, #tpu.memory_space<vmem>>
      %dma_start3A_938 = arith.constant 0 : i32
      %dma_start3A_939 = tpu.memref_slice %arg8[%add3A_916, %dma_start3A_938] : memref<160x128xi32, #tpu.memory_space<vmem>> -> memref<1x128xi32, #tpu.memory_space<vmem>>
      %dma_start3A_940 = tpu.memref_squeeze %dma_start3A_939 : memref<1x128xi32, #tpu.memory_space<vmem>> -> memref<128xi32, #tpu.memory_space<vmem>>
      %dma_start3A_941 = arith.constant 0 : i32
      %dma_start3A_942 = arith.constant 0 : i32
      %dma_start3A_943 = tpu.memref_slice %arg10[%dma_start3A_941, %dma_start3A_942] : memref<10112x64xf32, #tpu.memory_space<vmem_shared>> -> memref<10112x64xf32, #tpu.memory_space<vmem_shared>>
      %dma_start3A_944 = tpu.memref_slice %arg12[%dma_start3A_933] : memref<5x!tpu.dma_semaphore, #tpu.memory_space<semaphore_mem>> -> memref<1x!tpu.dma_semaphore, #tpu.memory_space<semaphore_mem>>
      %dma_start3A_945 = tpu.memref_squeeze %dma_start3A_944 : memref<1x!tpu.dma_semaphore, #tpu.memory_space<semaphore_mem>> -> memref<!tpu.dma_semaphore, #tpu.memory_space<semaphore_mem>>
      tpu.enqueue_indirect_dma source(%dma_start3A_937 : memref<128x64xf32, #tpu.memory_space<vmem>>) target(%dma_start3A_943 : memref<10112x64xf32, #tpu.memory_space<vmem_shared>>) offsets(%dma_start3A_940 : memref<128xi32, #tpu.memory_space<vmem>>) semaphore(%dma_start3A_945 : memref<!tpu.dma_semaphore, #tpu.memory_space<semaphore_mem>>) {add = true}
      %dma_wait3A_946 = arith.constant 3 : i32
      %dma_wait3A_947 = arith.constant 0 : i32
      %dma_wait3A_948 = arith.constant 3 : i32
      %dma_wait3A_949 = arith.constant 0 : i32
      %dma_wait3A_950 = arith.constant 0 : i32
      %dma_wait3A_951 = tpu.memref_slice %arg9[%dma_wait3A_946, %dma_wait3A_949, %dma_wait3A_950] : memref<5x128x64xf32, #tpu.memory_space<vmem>> -> memref<1x128x64xf32, #tpu.memory_space<vmem>>
      %dma_wait3A_952 = tpu.memref_squeeze %dma_wait3A_951 : memref<1x128x64xf32, #tpu.memory_space<vmem>> -> memref<128x64xf32, #tpu.memory_space<vmem>>
      %dma_wait3A_953 = arith.constant 0 : i32
      %dma_wait3A_954 = tpu.memref_slice %arg8[%dma_wait3A_947, %dma_wait3A_953] : memref<160x128xi32, #tpu.memory_space<vmem>> -> memref<1x128xi32, #tpu.memory_space<vmem>>
      %dma_wait3A_955 = tpu.memref_squeeze %dma_wait3A_954 : memref<1x128xi32, #tpu.memory_space<vmem>> -> memref<128xi32, #tpu.memory_space<vmem>>
      %dma_wait3A_956 = arith.constant 0 : i32
      %dma_wait3A_957 = arith.constant 0 : i32
      %dma_wait3A_958 = tpu.memref_slice %arg10[%dma_wait3A_956, %dma_wait3A_957] : memref<10112x64xf32, #tpu.memory_space<vmem_shared>> -> memref<10112x64xf32, #tpu.memory_space<vmem_shared>>
      %dma_wait3A_959 = tpu.memref_slice %arg12[%dma_wait3A_948] : memref<5x!tpu.dma_semaphore, #tpu.memory_space<semaphore_mem>> -> memref<1x!tpu.dma_semaphore, #tpu.memory_space<semaphore_mem>>
      %dma_wait3A_960 = tpu.memref_squeeze %dma_wait3A_959 : memref<1x!tpu.dma_semaphore, #tpu.memory_space<semaphore_mem>> -> memref<!tpu.dma_semaphore, #tpu.memory_space<semaphore_mem>>
      tpu.wait_indirect_dma semaphore(%dma_wait3A_960 : memref<!tpu.dma_semaphore, #tpu.memory_space<semaphore_mem>>) src(%dma_wait3A_952 : memref<128x64xf32, #tpu.memory_space<vmem>>) dst(%dma_wait3A_958 : memref<10112x64xf32, #tpu.memory_space<vmem_shared>>)
      %add3A_961 = arith.constant 4 : i32
      %add3A_962 = arith.addi %add3A_916, %add3A_961 : i32
      %dma_start3A_963 = arith.constant 3 : i32
      %dma_start3A_964 = arith.constant 3 : i32
      %dma_start3A_965 = arith.constant 0 : i32
      %dma_start3A_966 = arith.constant 0 : i32
      %dma_start3A_967 = tpu.memref_slice %arg9[%dma_start3A_963, %dma_start3A_965, %dma_start3A_966] : memref<5x128x64xf32, #tpu.memory_space<vmem>> -> memref<1x128x64xf32, #tpu.memory_space<vmem>>
      %dma_start3A_968 = tpu.memref_squeeze %dma_start3A_967 : memref<1x128x64xf32, #tpu.memory_space<vmem>> -> memref<128x64xf32, #tpu.memory_space<vmem>>
      %dma_start3A_969 = arith.constant 0 : i32
      %dma_start3A_970 = tpu.memref_slice %arg7[%add3A_962, %dma_start3A_969] : memref<160x128xi32, #tpu.memory_space<vmem>> -> memref<1x128xi32, #tpu.memory_space<vmem>>
      %dma_start3A_971 = tpu.memref_squeeze %dma_start3A_970 : memref<1x128xi32, #tpu.memory_space<vmem>> -> memref<128xi32, #tpu.memory_space<vmem>>
      %dma_start3A_972 = arith.constant 0 : i32
      %dma_start3A_973 = arith.constant 0 : i32
      %dma_start3A_974 = tpu.memref_slice %arg2[%dma_start3A_972, %dma_start3A_973] : memref<20000x64xf32, #tpu.memory_space<hbm>> -> memref<20000x64xf32, #tpu.memory_space<hbm>>
      %dma_start3A_975 = tpu.memref_slice %arg11[%dma_start3A_964] : memref<5x!tpu.dma_semaphore, #tpu.memory_space<semaphore_mem>> -> memref<1x!tpu.dma_semaphore, #tpu.memory_space<semaphore_mem>>
      %dma_start3A_976 = tpu.memref_squeeze %dma_start3A_975 : memref<1x!tpu.dma_semaphore, #tpu.memory_space<semaphore_mem>> -> memref<!tpu.dma_semaphore, #tpu.memory_space<semaphore_mem>>
      tpu.enqueue_indirect_dma source(%dma_start3A_974 : memref<20000x64xf32, #tpu.memory_space<hbm>>) target(%dma_start3A_968 : memref<128x64xf32, #tpu.memory_space<vmem>>) offsets(%dma_start3A_971 : memref<128xi32, #tpu.memory_space<vmem>>) semaphore(%dma_start3A_976 : memref<!tpu.dma_semaphore, #tpu.memory_space<semaphore_mem>>)
    }
    %scan3A_397 = arith.constant 30 : i32
    %dma_wait3A_398 = arith.constant 0 : i32
    %dma_wait3A_399 = arith.constant 0 : i32
    %dma_wait3A_400 = arith.constant 0 : i32
    %dma_wait3A_401 = arith.constant 0 : i32
    %dma_wait3A_402 = arith.constant 0 : i32
    %dma_wait3A_403 = tpu.memref_slice %arg9[%dma_wait3A_399, %dma_wait3A_401, %dma_wait3A_402] : memref<5x128x64xf32, #tpu.memory_space<vmem>> -> memref<1x128x64xf32, #tpu.memory_space<vmem>>
    %dma_wait3A_404 = tpu.memref_squeeze %dma_wait3A_403 : memref<1x128x64xf32, #tpu.memory_space<vmem>> -> memref<128x64xf32, #tpu.memory_space<vmem>>
    %dma_wait3A_405 = arith.constant 0 : i32
    %dma_wait3A_406 = tpu.memref_slice %arg7[%dma_wait3A_398, %dma_wait3A_405] : memref<160x128xi32, #tpu.memory_space<vmem>> -> memref<1x128xi32, #tpu.memory_space<vmem>>
    %dma_wait3A_407 = tpu.memref_squeeze %dma_wait3A_406 : memref<1x128xi32, #tpu.memory_space<vmem>> -> memref<128xi32, #tpu.memory_space<vmem>>
    %dma_wait3A_408 = arith.constant 0 : i32
    %dma_wait3A_409 = arith.constant 0 : i32
    %dma_wait3A_410 = tpu.memref_slice %arg2[%dma_wait3A_408, %dma_wait3A_409] : memref<20000x64xf32, #tpu.memory_space<hbm>> -> memref<20000x64xf32, #tpu.memory_space<hbm>>
    %dma_wait3A_411 = tpu.memref_slice %arg11[%dma_wait3A_400] : memref<5x!tpu.dma_semaphore, #tpu.memory_space<semaphore_mem>> -> memref<1x!tpu.dma_semaphore, #tpu.memory_space<semaphore_mem>>
    %dma_wait3A_412 = tpu.memref_squeeze %dma_wait3A_411 : memref<1x!tpu.dma_semaphore, #tpu.memory_space<semaphore_mem>> -> memref<!tpu.dma_semaphore, #tpu.memory_space<semaphore_mem>>
    tpu.wait_indirect_dma semaphore(%dma_wait3A_412 : memref<!tpu.dma_semaphore, #tpu.memory_space<semaphore_mem>>) src(%dma_wait3A_410 : memref<20000x64xf32, #tpu.memory_space<hbm>>) dst(%dma_wait3A_404 : memref<128x64xf32, #tpu.memory_space<vmem>>)
    %dma_start3A_413 = arith.constant 0 : i32
    %dma_start3A_414 = arith.constant 155 : i32
    %dma_start3A_415 = arith.constant 0 : i32
    %dma_start3A_416 = arith.constant 0 : i32
    %dma_start3A_417 = arith.constant 0 : i32
    %dma_start3A_418 = tpu.memref_slice %arg9[%dma_start3A_413, %dma_start3A_416, %dma_start3A_417] : memref<5x128x64xf32, #tpu.memory_space<vmem>> -> memref<1x128x64xf32, #tpu.memory_space<vmem>>
    %dma_start3A_419 = tpu.memref_squeeze %dma_start3A_418 : memref<1x128x64xf32, #tpu.memory_space<vmem>> -> memref<128x64xf32, #tpu.memory_space<vmem>>
    %dma_start3A_420 = arith.constant 0 : i32
    %dma_start3A_421 = tpu.memref_slice %arg8[%dma_start3A_414, %dma_start3A_420] : memref<160x128xi32, #tpu.memory_space<vmem>> -> memref<1x128xi32, #tpu.memory_space<vmem>>
    %dma_start3A_422 = tpu.memref_squeeze %dma_start3A_421 : memref<1x128xi32, #tpu.memory_space<vmem>> -> memref<128xi32, #tpu.memory_space<vmem>>
    %dma_start3A_423 = arith.constant 0 : i32
    %dma_start3A_424 = arith.constant 0 : i32
    %dma_start3A_425 = tpu.memref_slice %arg10[%dma_start3A_423, %dma_start3A_424] : memref<10112x64xf32, #tpu.memory_space<vmem_shared>> -> memref<10112x64xf32, #tpu.memory_space<vmem_shared>>
    %dma_start3A_426 = tpu.memref_slice %arg12[%dma_start3A_415] : memref<5x!tpu.dma_semaphore, #tpu.memory_space<semaphore_mem>> -> memref<1x!tpu.dma_semaphore, #tpu.memory_space<semaphore_mem>>
    %dma_start3A_427 = tpu.memref_squeeze %dma_start3A_426 : memref<1x!tpu.dma_semaphore, #tpu.memory_space<semaphore_mem>> -> memref<!tpu.dma_semaphore, #tpu.memory_space<semaphore_mem>>
    tpu.enqueue_indirect_dma source(%dma_start3A_419 : memref<128x64xf32, #tpu.memory_space<vmem>>) target(%dma_start3A_425 : memref<10112x64xf32, #tpu.memory_space<vmem_shared>>) offsets(%dma_start3A_422 : memref<128xi32, #tpu.memory_space<vmem>>) semaphore(%dma_start3A_427 : memref<!tpu.dma_semaphore, #tpu.memory_space<semaphore_mem>>) {add = true}
    %dma_wait3A_428 = arith.constant 4 : i32
    %dma_wait3A_429 = arith.constant 0 : i32
    %dma_wait3A_430 = arith.constant 4 : i32
    %dma_wait3A_431 = arith.constant 0 : i32
    %dma_wait3A_432 = arith.constant 0 : i32
    %dma_wait3A_433 = tpu.memref_slice %arg9[%dma_wait3A_428, %dma_wait3A_431, %dma_wait3A_432] : memref<5x128x64xf32, #tpu.memory_space<vmem>> -> memref<1x128x64xf32, #tpu.memory_space<vmem>>
    %dma_wait3A_434 = tpu.memref_squeeze %dma_wait3A_433 : memref<1x128x64xf32, #tpu.memory_space<vmem>> -> memref<128x64xf32, #tpu.memory_space<vmem>>
    %dma_wait3A_435 = arith.constant 0 : i32
    %dma_wait3A_436 = tpu.memref_slice %arg8[%dma_wait3A_429, %dma_wait3A_435] : memref<160x128xi32, #tpu.memory_space<vmem>> -> memref<1x128xi32, #tpu.memory_space<vmem>>
    %dma_wait3A_437 = tpu.memref_squeeze %dma_wait3A_436 : memref<1x128xi32, #tpu.memory_space<vmem>> -> memref<128xi32, #tpu.memory_space<vmem>>
    %dma_wait3A_438 = arith.constant 0 : i32
    %dma_wait3A_439 = arith.constant 0 : i32
    %dma_wait3A_440 = tpu.memref_slice %arg10[%dma_wait3A_438, %dma_wait3A_439] : memref<10112x64xf32, #tpu.memory_space<vmem_shared>> -> memref<10112x64xf32, #tpu.memory_space<vmem_shared>>
    %dma_wait3A_441 = tpu.memref_slice %arg12[%dma_wait3A_430] : memref<5x!tpu.dma_semaphore, #tpu.memory_space<semaphore_mem>> -> memref<1x!tpu.dma_semaphore, #tpu.memory_space<semaphore_mem>>
    %dma_wait3A_442 = tpu.memref_squeeze %dma_wait3A_441 : memref<1x!tpu.dma_semaphore, #tpu.memory_space<semaphore_mem>> -> memref<!tpu.dma_semaphore, #tpu.memory_space<semaphore_mem>>
    tpu.wait_indirect_dma semaphore(%dma_wait3A_442 : memref<!tpu.dma_semaphore, #tpu.memory_space<semaphore_mem>>) src(%dma_wait3A_434 : memref<128x64xf32, #tpu.memory_space<vmem>>) dst(%dma_wait3A_440 : memref<10112x64xf32, #tpu.memory_space<vmem_shared>>)
    %dma_start3A_443 = arith.constant 159 : i32
    %dma_start3A_444 = arith.constant 4 : i32
    %dma_start3A_445 = arith.constant 4 : i32
    %dma_start3A_446 = arith.constant 0 : i32
    %dma_start3A_447 = arith.constant 0 : i32
    %dma_start3A_448 = tpu.memref_slice %arg9[%dma_start3A_444, %dma_start3A_446, %dma_start3A_447] : memref<5x128x64xf32, #tpu.memory_space<vmem>> -> memref<1x128x64xf32, #tpu.memory_space<vmem>>
    %dma_start3A_449 = tpu.memref_squeeze %dma_start3A_448 : memref<1x128x64xf32, #tpu.memory_space<vmem>> -> memref<128x64xf32, #tpu.memory_space<vmem>>
    %dma_start3A_450 = arith.constant 0 : i32
    %dma_start3A_451 = tpu.memref_slice %arg7[%dma_start3A_443, %dma_start3A_450] : memref<160x128xi32, #tpu.memory_space<vmem>> -> memref<1x128xi32, #tpu.memory_space<vmem>>
    %dma_start3A_452 = tpu.memref_squeeze %dma_start3A_451 : memref<1x128xi32, #tpu.memory_space<vmem>> -> memref<128xi32, #tpu.memory_space<vmem>>
    %dma_start3A_453 = arith.constant 0 : i32
    %dma_start3A_454 = arith.constant 0 : i32
    %dma_start3A_455 = tpu.memref_slice %arg2[%dma_start3A_453, %dma_start3A_454] : memref<20000x64xf32, #tpu.memory_space<hbm>> -> memref<20000x64xf32, #tpu.memory_space<hbm>>
    %dma_start3A_456 = tpu.memref_slice %arg11[%dma_start3A_445] : memref<5x!tpu.dma_semaphore, #tpu.memory_space<semaphore_mem>> -> memref<1x!tpu.dma_semaphore, #tpu.memory_space<semaphore_mem>>
    %dma_start3A_457 = tpu.memref_squeeze %dma_start3A_456 : memref<1x!tpu.dma_semaphore, #tpu.memory_space<semaphore_mem>> -> memref<!tpu.dma_semaphore, #tpu.memory_space<semaphore_mem>>
    tpu.enqueue_indirect_dma source(%dma_start3A_455 : memref<20000x64xf32, #tpu.memory_space<hbm>>) target(%dma_start3A_449 : memref<128x64xf32, #tpu.memory_space<vmem>>) offsets(%dma_start3A_452 : memref<128xi32, #tpu.memory_space<vmem>>) semaphore(%dma_start3A_457 : memref<!tpu.dma_semaphore, #tpu.memory_space<semaphore_mem>>)
    %dma_wait3A_458 = arith.constant 0 : i32
    %dma_wait3A_459 = arith.constant 1 : i32
    %dma_wait3A_460 = arith.constant 1 : i32
    %dma_wait3A_461 = arith.constant 0 : i32
    %dma_wait3A_462 = arith.constant 0 : i32
    %dma_wait3A_463 = tpu.memref_slice %arg9[%dma_wait3A_459, %dma_wait3A_461, %dma_wait3A_462] : memref<5x128x64xf32, #tpu.memory_space<vmem>> -> memref<1x128x64xf32, #tpu.memory_space<vmem>>
    %dma_wait3A_464 = tpu.memref_squeeze %dma_wait3A_463 : memref<1x128x64xf32, #tpu.memory_space<vmem>> -> memref<128x64xf32, #tpu.memory_space<vmem>>
    %dma_wait3A_465 = arith.constant 0 : i32
    %dma_wait3A_466 = tpu.memref_slice %arg7[%dma_wait3A_458, %dma_wait3A_465] : memref<160x128xi32, #tpu.memory_space<vmem>> -> memref<1x128xi32, #tpu.memory_space<vmem>>
    %dma_wait3A_467 = tpu.memref_squeeze %dma_wait3A_466 : memref<1x128xi32, #tpu.memory_space<vmem>> -> memref<128xi32, #tpu.memory_space<vmem>>
    %dma_wait3A_468 = arith.constant 0 : i32
    %dma_wait3A_469 = arith.constant 0 : i32
    %dma_wait3A_470 = tpu.memref_slice %arg2[%dma_wait3A_468, %dma_wait3A_469] : memref<20000x64xf32, #tpu.memory_space<hbm>> -> memref<20000x64xf32, #tpu.memory_space<hbm>>
    %dma_wait3A_471 = tpu.memref_slice %arg11[%dma_wait3A_460] : memref<5x!tpu.dma_semaphore, #tpu.memory_space<semaphore_mem>> -> memref<1x!tpu.dma_semaphore, #tpu.memory_space<semaphore_mem>>
    %dma_wait3A_472 = tpu.memref_squeeze %dma_wait3A_471 : memref<1x!tpu.dma_semaphore, #tpu.memory_space<semaphore_mem>> -> memref<!tpu.dma_semaphore, #tpu.memory_space<semaphore_mem>>
    tpu.wait_indirect_dma semaphore(%dma_wait3A_472 : memref<!tpu.dma_semaphore, #tpu.memory_space<semaphore_mem>>) src(%dma_wait3A_470 : memref<20000x64xf32, #tpu.memory_space<hbm>>) dst(%dma_wait3A_464 : memref<128x64xf32, #tpu.memory_space<vmem>>)
    %dma_start3A_473 = arith.constant 1 : i32
    %dma_start3A_474 = arith.constant 156 : i32
    %dma_start3A_475 = arith.constant 1 : i32
    %dma_start3A_476 = arith.constant 0 : i32
    %dma_start3A_477 = arith.constant 0 : i32
    %dma_start3A_478 = tpu.memref_slice %arg9[%dma_start3A_473, %dma_start3A_476, %dma_start3A_477] : memref<5x128x64xf32, #tpu.memory_space<vmem>> -> memref<1x128x64xf32, #tpu.memory_space<vmem>>
    %dma_start3A_479 = tpu.memref_squeeze %dma_start3A_478 : memref<1x128x64xf32, #tpu.memory_space<vmem>> -> memref<128x64xf32, #tpu.memory_space<vmem>>
    %dma_start3A_480 = arith.constant 0 : i32
    %dma_start3A_481 = tpu.memref_slice %arg8[%dma_start3A_474, %dma_start3A_480] : memref<160x128xi32, #tpu.memory_space<vmem>> -> memref<1x128xi32, #tpu.memory_space<vmem>>
    %dma_start3A_482 = tpu.memref_squeeze %dma_start3A_481 : memref<1x128xi32, #tpu.memory_space<vmem>> -> memref<128xi32, #tpu.memory_space<vmem>>
    %dma_start3A_483 = arith.constant 0 : i32
    %dma_start3A_484 = arith.constant 0 : i32
    %dma_start3A_485 = tpu.memref_slice %arg10[%dma_start3A_483, %dma_start3A_484] : memref<10112x64xf32, #tpu.memory_space<vmem_shared>> -> memref<10112x64xf32, #tpu.memory_space<vmem_shared>>
    %dma_start3A_486 = tpu.memref_slice %arg12[%dma_start3A_475] : memref<5x!tpu.dma_semaphore, #tpu.memory_space<semaphore_mem>> -> memref<1x!tpu.dma_semaphore, #tpu.memory_space<semaphore_mem>>
    %dma_start3A_487 = tpu.memref_squeeze %dma_start3A_486 : memref<1x!tpu.dma_semaphore, #tpu.memory_space<semaphore_mem>> -> memref<!tpu.dma_semaphore, #tpu.memory_space<semaphore_mem>>
    tpu.enqueue_indirect_dma source(%dma_start3A_479 : memref<128x64xf32, #tpu.memory_space<vmem>>) target(%dma_start3A_485 : memref<10112x64xf32, #tpu.memory_space<vmem_shared>>) offsets(%dma_start3A_482 : memref<128xi32, #tpu.memory_space<vmem>>) semaphore(%dma_start3A_487 : memref<!tpu.dma_semaphore, #tpu.memory_space<semaphore_mem>>) {add = true}
    %dma_wait3A_488 = arith.constant 0 : i32
    %dma_wait3A_489 = arith.constant 2 : i32
    %dma_wait3A_490 = arith.constant 2 : i32
    %dma_wait3A_491 = arith.constant 0 : i32
    %dma_wait3A_492 = arith.constant 0 : i32
    %dma_wait3A_493 = tpu.memref_slice %arg9[%dma_wait3A_489, %dma_wait3A_491, %dma_wait3A_492] : memref<5x128x64xf32, #tpu.memory_space<vmem>> -> memref<1x128x64xf32, #tpu.memory_space<vmem>>
    %dma_wait3A_494 = tpu.memref_squeeze %dma_wait3A_493 : memref<1x128x64xf32, #tpu.memory_space<vmem>> -> memref<128x64xf32, #tpu.memory_space<vmem>>
    %dma_wait3A_495 = arith.constant 0 : i32
    %dma_wait3A_496 = tpu.memref_slice %arg7[%dma_wait3A_488, %dma_wait3A_495] : memref<160x128xi32, #tpu.memory_space<vmem>> -> memref<1x128xi32, #tpu.memory_space<vmem>>
    %dma_wait3A_497 = tpu.memref_squeeze %dma_wait3A_496 : memref<1x128xi32, #tpu.memory_space<vmem>> -> memref<128xi32, #tpu.memory_space<vmem>>
    %dma_wait3A_498 = arith.constant 0 : i32
    %dma_wait3A_499 = arith.constant 0 : i32
    %dma_wait3A_500 = tpu.memref_slice %arg2[%dma_wait3A_498, %dma_wait3A_499] : memref<20000x64xf32, #tpu.memory_space<hbm>> -> memref<20000x64xf32, #tpu.memory_space<hbm>>
    %dma_wait3A_501 = tpu.memref_slice %arg11[%dma_wait3A_490] : memref<5x!tpu.dma_semaphore, #tpu.memory_space<semaphore_mem>> -> memref<1x!tpu.dma_semaphore, #tpu.memory_space<semaphore_mem>>
    %dma_wait3A_502 = tpu.memref_squeeze %dma_wait3A_501 : memref<1x!tpu.dma_semaphore, #tpu.memory_space<semaphore_mem>> -> memref<!tpu.dma_semaphore, #tpu.memory_space<semaphore_mem>>
    tpu.wait_indirect_dma semaphore(%dma_wait3A_502 : memref<!tpu.dma_semaphore, #tpu.memory_space<semaphore_mem>>) src(%dma_wait3A_500 : memref<20000x64xf32, #tpu.memory_space<hbm>>) dst(%dma_wait3A_494 : memref<128x64xf32, #tpu.memory_space<vmem>>)
    %dma_start3A_503 = arith.constant 2 : i32
    %dma_start3A_504 = arith.constant 157 : i32
    %dma_start3A_505 = arith.constant 2 : i32
    %dma_start3A_506 = arith.constant 0 : i32
    %dma_start3A_507 = arith.constant 0 : i32
    %dma_start3A_508 = tpu.memref_slice %arg9[%dma_start3A_503, %dma_start3A_506, %dma_start3A_507] : memref<5x128x64xf32, #tpu.memory_space<vmem>> -> memref<1x128x64xf32, #tpu.memory_space<vmem>>
    %dma_start3A_509 = tpu.memref_squeeze %dma_start3A_508 : memref<1x128x64xf32, #tpu.memory_space<vmem>> -> memref<128x64xf32, #tpu.memory_space<vmem>>
    %dma_start3A_510 = arith.constant 0 : i32
    %dma_start3A_511 = tpu.memref_slice %arg8[%dma_start3A_504, %dma_start3A_510] : memref<160x128xi32, #tpu.memory_space<vmem>> -> memref<1x128xi32, #tpu.memory_space<vmem>>
    %dma_start3A_512 = tpu.memref_squeeze %dma_start3A_511 : memref<1x128xi32, #tpu.memory_space<vmem>> -> memref<128xi32, #tpu.memory_space<vmem>>
    %dma_start3A_513 = arith.constant 0 : i32
    %dma_start3A_514 = arith.constant 0 : i32
    %dma_start3A_515 = tpu.memref_slice %arg10[%dma_start3A_513, %dma_start3A_514] : memref<10112x64xf32, #tpu.memory_space<vmem_shared>> -> memref<10112x64xf32, #tpu.memory_space<vmem_shared>>
    %dma_start3A_516 = tpu.memref_slice %arg12[%dma_start3A_505] : memref<5x!tpu.dma_semaphore, #tpu.memory_space<semaphore_mem>> -> memref<1x!tpu.dma_semaphore, #tpu.memory_space<semaphore_mem>>
    %dma_start3A_517 = tpu.memref_squeeze %dma_start3A_516 : memref<1x!tpu.dma_semaphore, #tpu.memory_space<semaphore_mem>> -> memref<!tpu.dma_semaphore, #tpu.memory_space<semaphore_mem>>
    tpu.enqueue_indirect_dma source(%dma_start3A_509 : memref<128x64xf32, #tpu.memory_space<vmem>>) target(%dma_start3A_515 : memref<10112x64xf32, #tpu.memory_space<vmem_shared>>) offsets(%dma_start3A_512 : memref<128xi32, #tpu.memory_space<vmem>>) semaphore(%dma_start3A_517 : memref<!tpu.dma_semaphore, #tpu.memory_space<semaphore_mem>>) {add = true}
    %dma_wait3A_518 = arith.constant 0 : i32
    %dma_wait3A_519 = arith.constant 3 : i32
    %dma_wait3A_520 = arith.constant 3 : i32
    %dma_wait3A_521 = arith.constant 0 : i32
    %dma_wait3A_522 = arith.constant 0 : i32
    %dma_wait3A_523 = tpu.memref_slice %arg9[%dma_wait3A_519, %dma_wait3A_521, %dma_wait3A_522] : memref<5x128x64xf32, #tpu.memory_space<vmem>> -> memref<1x128x64xf32, #tpu.memory_space<vmem>>
    %dma_wait3A_524 = tpu.memref_squeeze %dma_wait3A_523 : memref<1x128x64xf32, #tpu.memory_space<vmem>> -> memref<128x64xf32, #tpu.memory_space<vmem>>
    %dma_wait3A_525 = arith.constant 0 : i32
    %dma_wait3A_526 = tpu.memref_slice %arg7[%dma_wait3A_518, %dma_wait3A_525] : memref<160x128xi32, #tpu.memory_space<vmem>> -> memref<1x128xi32, #tpu.memory_space<vmem>>
    %dma_wait3A_527 = tpu.memref_squeeze %dma_wait3A_526 : memref<1x128xi32, #tpu.memory_space<vmem>> -> memref<128xi32, #tpu.memory_space<vmem>>
    %dma_wait3A_528 = arith.constant 0 : i32
    %dma_wait3A_529 = arith.constant 0 : i32
    %dma_wait3A_530 = tpu.memref_slice %arg2[%dma_wait3A_528, %dma_wait3A_529] : memref<20000x64xf32, #tpu.memory_space<hbm>> -> memref<20000x64xf32, #tpu.memory_space<hbm>>
    %dma_wait3A_531 = tpu.memref_slice %arg11[%dma_wait3A_520] : memref<5x!tpu.dma_semaphore, #tpu.memory_space<semaphore_mem>> -> memref<1x!tpu.dma_semaphore, #tpu.memory_space<semaphore_mem>>
    %dma_wait3A_532 = tpu.memref_squeeze %dma_wait3A_531 : memref<1x!tpu.dma_semaphore, #tpu.memory_space<semaphore_mem>> -> memref<!tpu.dma_semaphore, #tpu.memory_space<semaphore_mem>>
    tpu.wait_indirect_dma semaphore(%dma_wait3A_532 : memref<!tpu.dma_semaphore, #tpu.memory_space<semaphore_mem>>) src(%dma_wait3A_530 : memref<20000x64xf32, #tpu.memory_space<hbm>>) dst(%dma_wait3A_524 : memref<128x64xf32, #tpu.memory_space<vmem>>)
    %dma_start3A_533 = arith.constant 3 : i32
    %dma_start3A_534 = arith.constant 158 : i32
    %dma_start3A_535 = arith.constant 3 : i32
    %dma_start3A_536 = arith.constant 0 : i32
    %dma_start3A_537 = arith.constant 0 : i32
    %dma_start3A_538 = tpu.memref_slice %arg9[%dma_start3A_533, %dma_start3A_536, %dma_start3A_537] : memref<5x128x64xf32, #tpu.memory_space<vmem>> -> memref<1x128x64xf32, #tpu.memory_space<vmem>>
    %dma_start3A_539 = tpu.memref_squeeze %dma_start3A_538 : memref<1x128x64xf32, #tpu.memory_space<vmem>> -> memref<128x64xf32, #tpu.memory_space<vmem>>
    %dma_start3A_540 = arith.constant 0 : i32
    %dma_start3A_541 = tpu.memref_slice %arg8[%dma_start3A_534, %dma_start3A_540] : memref<160x128xi32, #tpu.memory_space<vmem>> -> memref<1x128xi32, #tpu.memory_space<vmem>>
    %dma_start3A_542 = tpu.memref_squeeze %dma_start3A_541 : memref<1x128xi32, #tpu.memory_space<vmem>> -> memref<128xi32, #tpu.memory_space<vmem>>
    %dma_start3A_543 = arith.constant 0 : i32
    %dma_start3A_544 = arith.constant 0 : i32
    %dma_start3A_545 = tpu.memref_slice %arg10[%dma_start3A_543, %dma_start3A_544] : memref<10112x64xf32, #tpu.memory_space<vmem_shared>> -> memref<10112x64xf32, #tpu.memory_space<vmem_shared>>
    %dma_start3A_546 = tpu.memref_slice %arg12[%dma_start3A_535] : memref<5x!tpu.dma_semaphore, #tpu.memory_space<semaphore_mem>> -> memref<1x!tpu.dma_semaphore, #tpu.memory_space<semaphore_mem>>
    %dma_start3A_547 = tpu.memref_squeeze %dma_start3A_546 : memref<1x!tpu.dma_semaphore, #tpu.memory_space<semaphore_mem>> -> memref<!tpu.dma_semaphore, #tpu.memory_space<semaphore_mem>>
    tpu.enqueue_indirect_dma source(%dma_start3A_539 : memref<128x64xf32, #tpu.memory_space<vmem>>) target(%dma_start3A_545 : memref<10112x64xf32, #tpu.memory_space<vmem_shared>>) offsets(%dma_start3A_542 : memref<128xi32, #tpu.memory_space<vmem>>) semaphore(%dma_start3A_547 : memref<!tpu.dma_semaphore, #tpu.memory_space<semaphore_mem>>) {add = true}
    %dma_wait3A_548 = arith.constant 0 : i32
    %dma_wait3A_549 = arith.constant 4 : i32
    %dma_wait3A_550 = arith.constant 4 : i32
    %dma_wait3A_551 = arith.constant 0 : i32
    %dma_wait3A_552 = arith.constant 0 : i32
    %dma_wait3A_553 = tpu.memref_slice %arg9[%dma_wait3A_549, %dma_wait3A_551, %dma_wait3A_552] : memref<5x128x64xf32, #tpu.memory_space<vmem>> -> memref<1x128x64xf32, #tpu.memory_space<vmem>>
    %dma_wait3A_554 = tpu.memref_squeeze %dma_wait3A_553 : memref<1x128x64xf32, #tpu.memory_space<vmem>> -> memref<128x64xf32, #tpu.memory_space<vmem>>
    %dma_wait3A_555 = arith.constant 0 : i32
    %dma_wait3A_556 = tpu.memref_slice %arg7[%dma_wait3A_548, %dma_wait3A_555] : memref<160x128xi32, #tpu.memory_space<vmem>> -> memref<1x128xi32, #tpu.memory_space<vmem>>
    %dma_wait3A_557 = tpu.memref_squeeze %dma_wait3A_556 : memref<1x128xi32, #tpu.memory_space<vmem>> -> memref<128xi32, #tpu.memory_space<vmem>>
    %dma_wait3A_558 = arith.constant 0 : i32
    %dma_wait3A_559 = arith.constant 0 : i32
    %dma_wait3A_560 = tpu.memref_slice %arg2[%dma_wait3A_558, %dma_wait3A_559] : memref<20000x64xf32, #tpu.memory_space<hbm>> -> memref<20000x64xf32, #tpu.memory_space<hbm>>
    %dma_wait3A_561 = tpu.memref_slice %arg11[%dma_wait3A_550] : memref<5x!tpu.dma_semaphore, #tpu.memory_space<semaphore_mem>> -> memref<1x!tpu.dma_semaphore, #tpu.memory_space<semaphore_mem>>
    %dma_wait3A_562 = tpu.memref_squeeze %dma_wait3A_561 : memref<1x!tpu.dma_semaphore, #tpu.memory_space<semaphore_mem>> -> memref<!tpu.dma_semaphore, #tpu.memory_space<semaphore_mem>>
    tpu.wait_indirect_dma semaphore(%dma_wait3A_562 : memref<!tpu.dma_semaphore, #tpu.memory_space<semaphore_mem>>) src(%dma_wait3A_560 : memref<20000x64xf32, #tpu.memory_space<hbm>>) dst(%dma_wait3A_554 : memref<128x64xf32, #tpu.memory_space<vmem>>)
    %dma_start3A_563 = arith.constant 4 : i32
    %dma_start3A_564 = arith.constant 159 : i32
    %dma_start3A_565 = arith.constant 4 : i32
    %dma_start3A_566 = arith.constant 0 : i32
    %dma_start3A_567 = arith.constant 0 : i32
    %dma_start3A_568 = tpu.memref_slice %arg9[%dma_start3A_563, %dma_start3A_566, %dma_start3A_567] : memref<5x128x64xf32, #tpu.memory_space<vmem>> -> memref<1x128x64xf32, #tpu.memory_space<vmem>>
    %dma_start3A_569 = tpu.memref_squeeze %dma_start3A_568 : memref<1x128x64xf32, #tpu.memory_space<vmem>> -> memref<128x64xf32, #tpu.memory_space<vmem>>
    %dma_start3A_570 = arith.constant 0 : i32
    %dma_start3A_571 = tpu.memref_slice %arg8[%dma_start3A_564, %dma_start3A_570] : memref<160x128xi32, #tpu.memory_space<vmem>> -> memref<1x128xi32, #tpu.memory_space<vmem>>
    %dma_start3A_572 = tpu.memref_squeeze %dma_start3A_571 : memref<1x128xi32, #tpu.memory_space<vmem>> -> memref<128xi32, #tpu.memory_space<vmem>>
    %dma_start3A_573 = arith.constant 0 : i32
    %dma_start3A_574 = arith.constant 0 : i32
    %dma_start3A_575 = tpu.memref_slice %arg10[%dma_start3A_573, %dma_start3A_574] : memref<10112x64xf32, #tpu.memory_space<vmem_shared>> -> memref<10112x64xf32, #tpu.memory_space<vmem_shared>>
    %dma_start3A_576 = tpu.memref_slice %arg12[%dma_start3A_565] : memref<5x!tpu.dma_semaphore, #tpu.memory_space<semaphore_mem>> -> memref<1x!tpu.dma_semaphore, #tpu.memory_space<semaphore_mem>>
    %dma_start3A_577 = tpu.memref_squeeze %dma_start3A_576 : memref<1x!tpu.dma_semaphore, #tpu.memory_space<semaphore_mem>> -> memref<!tpu.dma_semaphore, #tpu.memory_space<semaphore_mem>>
    tpu.enqueue_indirect_dma source(%dma_start3A_569 : memref<128x64xf32, #tpu.memory_space<vmem>>) target(%dma_start3A_575 : memref<10112x64xf32, #tpu.memory_space<vmem_shared>>) offsets(%dma_start3A_572 : memref<128xi32, #tpu.memory_space<vmem>>) semaphore(%dma_start3A_577 : memref<!tpu.dma_semaphore, #tpu.memory_space<semaphore_mem>>) {add = true}
    %dma_wait3A_578 = arith.constant 0 : i32
    %dma_wait3A_579 = arith.constant 0 : i32
    %dma_wait3A_580 = arith.constant 0 : i32
    %dma_wait3A_581 = arith.constant 0 : i32
    %dma_wait3A_582 = arith.constant 0 : i32
    %dma_wait3A_583 = tpu.memref_slice %arg9[%dma_wait3A_578, %dma_wait3A_581, %dma_wait3A_582] : memref<5x128x64xf32, #tpu.memory_space<vmem>> -> memref<1x128x64xf32, #tpu.memory_space<vmem>>
    %dma_wait3A_584 = tpu.memref_squeeze %dma_wait3A_583 : memref<1x128x64xf32, #tpu.memory_space<vmem>> -> memref<128x64xf32, #tpu.memory_space<vmem>>
    %dma_wait3A_585 = arith.constant 0 : i32
    %dma_wait3A_586 = tpu.memref_slice %arg8[%dma_wait3A_579, %dma_wait3A_585] : memref<160x128xi32, #tpu.memory_space<vmem>> -> memref<1x128xi32, #tpu.memory_space<vmem>>
    %dma_wait3A_587 = tpu.memref_squeeze %dma_wait3A_586 : memref<1x128xi32, #tpu.memory_space<vmem>> -> memref<128xi32, #tpu.memory_space<vmem>>
    %dma_wait3A_588 = arith.constant 0 : i32
    %dma_wait3A_589 = arith.constant 0 : i32
    %dma_wait3A_590 = tpu.memref_slice %arg10[%dma_wait3A_588, %dma_wait3A_589] : memref<10112x64xf32, #tpu.memory_space<vmem_shared>> -> memref<10112x64xf32, #tpu.memory_space<vmem_shared>>
    %dma_wait3A_591 = tpu.memref_slice %arg12[%dma_wait3A_580] : memref<5x!tpu.dma_semaphore, #tpu.memory_space<semaphore_mem>> -> memref<1x!tpu.dma_semaphore, #tpu.memory_space<semaphore_mem>>
    %dma_wait3A_592 = tpu.memref_squeeze %dma_wait3A_591 : memref<1x!tpu.dma_semaphore, #tpu.memory_space<semaphore_mem>> -> memref<!tpu.dma_semaphore, #tpu.memory_space<semaphore_mem>>
    tpu.wait_indirect_dma semaphore(%dma_wait3A_592 : memref<!tpu.dma_semaphore, #tpu.memory_space<semaphore_mem>>) src(%dma_wait3A_584 : memref<128x64xf32, #tpu.memory_space<vmem>>) dst(%dma_wait3A_590 : memref<10112x64xf32, #tpu.memory_space<vmem_shared>>)
    %dma_wait3A_593 = arith.constant 1 : i32
    %dma_wait3A_594 = arith.constant 0 : i32
    %dma_wait3A_595 = arith.constant 1 : i32
    %dma_wait3A_596 = arith.constant 0 : i32
    %dma_wait3A_597 = arith.constant 0 : i32
    %dma_wait3A_598 = tpu.memref_slice %arg9[%dma_wait3A_593, %dma_wait3A_596, %dma_wait3A_597] : memref<5x128x64xf32, #tpu.memory_space<vmem>> -> memref<1x128x64xf32, #tpu.memory_space<vmem>>
    %dma_wait3A_599 = tpu.memref_squeeze %dma_wait3A_598 : memref<1x128x64xf32, #tpu.memory_space<vmem>> -> memref<128x64xf32, #tpu.memory_space<vmem>>
    %dma_wait3A_600 = arith.constant 0 : i32
    %dma_wait3A_601 = tpu.memref_slice %arg8[%dma_wait3A_594, %dma_wait3A_600] : memref<160x128xi32, #tpu.memory_space<vmem>> -> memref<1x128xi32, #tpu.memory_space<vmem>>
    %dma_wait3A_602 = tpu.memref_squeeze %dma_wait3A_601 : memref<1x128xi32, #tpu.memory_space<vmem>> -> memref<128xi32, #tpu.memory_space<vmem>>
    %dma_wait3A_603 = arith.constant 0 : i32
    %dma_wait3A_604 = arith.constant 0 : i32
    %dma_wait3A_605 = tpu.memref_slice %arg10[%dma_wait3A_603, %dma_wait3A_604] : memref<10112x64xf32, #tpu.memory_space<vmem_shared>> -> memref<10112x64xf32, #tpu.memory_space<vmem_shared>>
    %dma_wait3A_606 = tpu.memref_slice %arg12[%dma_wait3A_595] : memref<5x!tpu.dma_semaphore, #tpu.memory_space<semaphore_mem>> -> memref<1x!tpu.dma_semaphore, #tpu.memory_space<semaphore_mem>>
    %dma_wait3A_607 = tpu.memref_squeeze %dma_wait3A_606 : memref<1x!tpu.dma_semaphore, #tpu.memory_space<semaphore_mem>> -> memref<!tpu.dma_semaphore, #tpu.memory_space<semaphore_mem>>
    tpu.wait_indirect_dma semaphore(%dma_wait3A_607 : memref<!tpu.dma_semaphore, #tpu.memory_space<semaphore_mem>>) src(%dma_wait3A_599 : memref<128x64xf32, #tpu.memory_space<vmem>>) dst(%dma_wait3A_605 : memref<10112x64xf32, #tpu.memory_space<vmem_shared>>)
    %dma_wait3A_608 = arith.constant 2 : i32
    %dma_wait3A_609 = arith.constant 0 : i32
    %dma_wait3A_610 = arith.constant 2 : i32
    %dma_wait3A_611 = arith.constant 0 : i32
    %dma_wait3A_612 = arith.constant 0 : i32
    %dma_wait3A_613 = tpu.memref_slice %arg9[%dma_wait3A_608, %dma_wait3A_611, %dma_wait3A_612] : memref<5x128x64xf32, #tpu.memory_space<vmem>> -> memref<1x128x64xf32, #tpu.memory_space<vmem>>
    %dma_wait3A_614 = tpu.memref_squeeze %dma_wait3A_613 : memref<1x128x64xf32, #tpu.memory_space<vmem>> -> memref<128x64xf32, #tpu.memory_space<vmem>>
    %dma_wait3A_615 = arith.constant 0 : i32
    %dma_wait3A_616 = tpu.memref_slice %arg8[%dma_wait3A_609, %dma_wait3A_615] : memref<160x128xi32, #tpu.memory_space<vmem>> -> memref<1x128xi32, #tpu.memory_space<vmem>>
    %dma_wait3A_617 = tpu.memref_squeeze %dma_wait3A_616 : memref<1x128xi32, #tpu.memory_space<vmem>> -> memref<128xi32, #tpu.memory_space<vmem>>
    %dma_wait3A_618 = arith.constant 0 : i32
    %dma_wait3A_619 = arith.constant 0 : i32
    %dma_wait3A_620 = tpu.memref_slice %arg10[%dma_wait3A_618, %dma_wait3A_619] : memref<10112x64xf32, #tpu.memory_space<vmem_shared>> -> memref<10112x64xf32, #tpu.memory_space<vmem_shared>>
    %dma_wait3A_621 = tpu.memref_slice %arg12[%dma_wait3A_610] : memref<5x!tpu.dma_semaphore, #tpu.memory_space<semaphore_mem>> -> memref<1x!tpu.dma_semaphore, #tpu.memory_space<semaphore_mem>>
    %dma_wait3A_622 = tpu.memref_squeeze %dma_wait3A_621 : memref<1x!tpu.dma_semaphore, #tpu.memory_space<semaphore_mem>> -> memref<!tpu.dma_semaphore, #tpu.memory_space<semaphore_mem>>
    tpu.wait_indirect_dma semaphore(%dma_wait3A_622 : memref<!tpu.dma_semaphore, #tpu.memory_space<semaphore_mem>>) src(%dma_wait3A_614 : memref<128x64xf32, #tpu.memory_space<vmem>>) dst(%dma_wait3A_620 : memref<10112x64xf32, #tpu.memory_space<vmem_shared>>)
    %dma_wait3A_623 = arith.constant 3 : i32
    %dma_wait3A_624 = arith.constant 0 : i32
    %dma_wait3A_625 = arith.constant 3 : i32
    %dma_wait3A_626 = arith.constant 0 : i32
    %dma_wait3A_627 = arith.constant 0 : i32
    %dma_wait3A_628 = tpu.memref_slice %arg9[%dma_wait3A_623, %dma_wait3A_626, %dma_wait3A_627] : memref<5x128x64xf32, #tpu.memory_space<vmem>> -> memref<1x128x64xf32, #tpu.memory_space<vmem>>
    %dma_wait3A_629 = tpu.memref_squeeze %dma_wait3A_628 : memref<1x128x64xf32, #tpu.memory_space<vmem>> -> memref<128x64xf32, #tpu.memory_space<vmem>>
    %dma_wait3A_630 = arith.constant 0 : i32
    %dma_wait3A_631 = tpu.memref_slice %arg8[%dma_wait3A_624, %dma_wait3A_630] : memref<160x128xi32, #tpu.memory_space<vmem>> -> memref<1x128xi32, #tpu.memory_space<vmem>>
    %dma_wait3A_632 = tpu.memref_squeeze %dma_wait3A_631 : memref<1x128xi32, #tpu.memory_space<vmem>> -> memref<128xi32, #tpu.memory_space<vmem>>
    %dma_wait3A_633 = arith.constant 0 : i32
    %dma_wait3A_634 = arith.constant 0 : i32
    %dma_wait3A_635 = tpu.memref_slice %arg10[%dma_wait3A_633, %dma_wait3A_634] : memref<10112x64xf32, #tpu.memory_space<vmem_shared>> -> memref<10112x64xf32, #tpu.memory_space<vmem_shared>>
    %dma_wait3A_636 = tpu.memref_slice %arg12[%dma_wait3A_625] : memref<5x!tpu.dma_semaphore, #tpu.memory_space<semaphore_mem>> -> memref<1x!tpu.dma_semaphore, #tpu.memory_space<semaphore_mem>>
    %dma_wait3A_637 = tpu.memref_squeeze %dma_wait3A_636 : memref<1x!tpu.dma_semaphore, #tpu.memory_space<semaphore_mem>> -> memref<!tpu.dma_semaphore, #tpu.memory_space<semaphore_mem>>
    tpu.wait_indirect_dma semaphore(%dma_wait3A_637 : memref<!tpu.dma_semaphore, #tpu.memory_space<semaphore_mem>>) src(%dma_wait3A_629 : memref<128x64xf32, #tpu.memory_space<vmem>>) dst(%dma_wait3A_635 : memref<10112x64xf32, #tpu.memory_space<vmem_shared>>)
    %dma_wait3A_638 = arith.constant 4 : i32
    %dma_wait3A_639 = arith.constant 0 : i32
    %dma_wait3A_640 = arith.constant 4 : i32
    %dma_wait3A_641 = arith.constant 0 : i32
    %dma_wait3A_642 = arith.constant 0 : i32
    %dma_wait3A_643 = tpu.memref_slice %arg9[%dma_wait3A_638, %dma_wait3A_641, %dma_wait3A_642] : memref<5x128x64xf32, #tpu.memory_space<vmem>> -> memref<1x128x64xf32, #tpu.memory_space<vmem>>
    %dma_wait3A_644 = tpu.memref_squeeze %dma_wait3A_643 : memref<1x128x64xf32, #tpu.memory_space<vmem>> -> memref<128x64xf32, #tpu.memory_space<vmem>>
    %dma_wait3A_645 = arith.constant 0 : i32
    %dma_wait3A_646 = tpu.memref_slice %arg8[%dma_wait3A_639, %dma_wait3A_645] : memref<160x128xi32, #tpu.memory_space<vmem>> -> memref<1x128xi32, #tpu.memory_space<vmem>>
    %dma_wait3A_647 = tpu.memref_squeeze %dma_wait3A_646 : memref<1x128xi32, #tpu.memory_space<vmem>> -> memref<128xi32, #tpu.memory_space<vmem>>
    %dma_wait3A_648 = arith.constant 0 : i32
    %dma_wait3A_649 = arith.constant 0 : i32
    %dma_wait3A_650 = tpu.memref_slice %arg10[%dma_wait3A_648, %dma_wait3A_649] : memref<10112x64xf32, #tpu.memory_space<vmem_shared>> -> memref<10112x64xf32, #tpu.memory_space<vmem_shared>>
    %dma_wait3A_651 = tpu.memref_slice %arg12[%dma_wait3A_640] : memref<5x!tpu.dma_semaphore, #tpu.memory_space<semaphore_mem>> -> memref<1x!tpu.dma_semaphore, #tpu.memory_space<semaphore_mem>>
    %dma_wait3A_652 = tpu.memref_squeeze %dma_wait3A_651 : memref<1x!tpu.dma_semaphore, #tpu.memory_space<semaphore_mem>> -> memref<!tpu.dma_semaphore, #tpu.memory_space<semaphore_mem>>
    tpu.wait_indirect_dma semaphore(%dma_wait3A_652 : memref<!tpu.dma_semaphore, #tpu.memory_space<semaphore_mem>>) src(%dma_wait3A_644 : memref<128x64xf32, #tpu.memory_space<vmem>>) dst(%dma_wait3A_650 : memref<10112x64xf32, #tpu.memory_space<vmem_shared>>)
    %barrier3A_653 = arith.constant 0 : index
    tpu.barrier barrier_id(%barrier3A_653)
    %mul3A_654 = arith.constant 64 : i32
    %mul3A_655 = arith.muli %arg0, %mul3A_654 : i32
    %multiple_of3A_656 = tpu.assume_multiple %mul3A_655, 32 : i32
    "tpu.region"() ({
      %run_scoped3A = tpu.sem_alloc : memref<!tpu.dma_semaphore, #tpu.memory_space<semaphore_mem>>
      %dma_start3A_657 = tpu.memref_slice %arg6[%multiple_of3A_18, %multiple_of3A_656] : memref<10112x128xf32, #tpu.memory_space<hbm>> -> memref<632x64xf32, #tpu.memory_space<hbm>>
      %dma_start3A_658 = arith.constant 0 : i32
      %dma_start3A_659 = tpu.memref_slice %arg10[%multiple_of3A_18, %dma_start3A_658] : memref<10112x64xf32, #tpu.memory_space<vmem_shared>> -> memref<632x64xf32, #tpu.memory_space<vmem_shared>>
      tpu.enqueue_dma source(%dma_start3A_659 : memref<632x64xf32, #tpu.memory_space<vmem_shared>>) target(%dma_start3A_657 : memref<632x64xf32, #tpu.memory_space<hbm>>) target_semaphore(%run_scoped3A : memref<!tpu.dma_semaphore, #tpu.memory_space<semaphore_mem>>)
      %dma_wait3A_660 = tpu.memref_slice %arg6[%multiple_of3A_18, %multiple_of3A_656] : memref<10112x128xf32, #tpu.memory_space<hbm>> -> memref<632x64xf32, #tpu.memory_space<hbm>>
      %dma_wait3A_661 = arith.constant 0 : i32
      %dma_wait3A_662 = tpu.memref_slice %arg10[%multiple_of3A_18, %dma_wait3A_661] : memref<10112x64xf32, #tpu.memory_space<vmem_shared>> -> memref<632x64xf32, #tpu.memory_space<vmem_shared>>
      tpu.wait_dma2 semaphore(%run_scoped3A : memref<!tpu.dma_semaphore, #tpu.memory_space<semaphore_mem>>) src(%dma_wait3A_662 : memref<632x64xf32, #tpu.memory_space<vmem_shared>>) dst(%dma_wait3A_660 : memref<632x64xf32, #tpu.memory_space<hbm>>)
      tpu.yield
    }) : () -> ()
    return
  }
}

#map = affine_map<(d0, d1) -> (0, 0)>
#map1 = affine_map<(d0, d1) -> (0, 0, 0)>
module attributes {stable_mosaic.version = 14 : i64} {
  func.func @gcn_edge_agg_64x2(%arg0: i32, %arg1: i32, %arg2: memref<20000x64xf32, #tpu.memory_space<hbm>>, %arg3: memref<2x2560x128xi32, #tpu.memory_space<hbm>>, %arg4: memref<2560x128xi32, #tpu.memory_space<hbm>>, %arg5: memref<10112x64xf32, #tpu.memory_space<hbm>>, %arg6: memref<10112x128xf32, #tpu.memory_space<hbm>>, %arg7: memref<160x128xi32, #tpu.memory_space<vmem>>, %arg8: memref<160x128xi32, #tpu.memory_space<vmem>>, %arg9: memref<5x128x64xf32, #tpu.memory_space<vmem>>, %arg10: memref<10112x64xf32, #tpu.memory_space<vmem_shared>>, %arg11: memref<5x!tpu.dma_semaphore, #tpu.memory_space<semaphore_mem>>, %arg12: memref<5x!tpu.dma_semaphore, #tpu.memory_space<semaphore_mem>>) attributes {dimension_semantics = [#tpu.dimension_semantics<core_parallel>, #tpu.dimension_semantics<subcore_parallel>], iteration_bounds = array<i64: 2, 16>, scalar_prefetch = 0 : i64, scratch_operands = 6 : i64, tpu.core_type = #tpu.core_type<sc_vector_subcore>, window_params = [{transform_indices = #map}, {transform_indices = #map1}, {transform_indices = #map}, {transform_indices = #map}, {transform_indices = #map}]} {
    %mul3A = arith.constant 160 : i32
    %mul3A_0 = arith.muli %arg1, %mul3A : i32
    %multiple_of3A = tpu.assume_multiple %mul3A_0, 8 : i32
    %dma_start3A = arith.constant 0 : i32
    %dma_start3A_1 = arith.constant 0 : i32
    %dma_start3A_2 = tpu.memref_slice %arg3[%arg0, %multiple_of3A, %dma_start3A_1] : memref<2x2560x128xi32, #tpu.memory_space<hbm>> -> memref<1x160x128xi32, #tpu.memory_space<hbm>>
    %dma_start3A_3 = tpu.memref_squeeze %dma_start3A_2 : memref<1x160x128xi32, #tpu.memory_space<hbm>> -> memref<160x128xi32, #tpu.memory_space<hbm>>
    %dma_start3A_4 = tpu.memref_slice %arg11[%dma_start3A] : memref<5x!tpu.dma_semaphore, #tpu.memory_space<semaphore_mem>> -> memref<1x!tpu.dma_semaphore, #tpu.memory_space<semaphore_mem>>
    %dma_start3A_5 = tpu.memref_squeeze %dma_start3A_4 : memref<1x!tpu.dma_semaphore, #tpu.memory_space<semaphore_mem>> -> memref<!tpu.dma_semaphore, #tpu.memory_space<semaphore_mem>>
    %dma_start3A_6 = arith.constant 0 : i32
    %dma_start3A_7 = tpu.memref_slice %arg3[%arg0, %multiple_of3A, %dma_start3A_6] : memref<2x2560x128xi32, #tpu.memory_space<hbm>> -> memref<1x160x128xi32, #tpu.memory_space<hbm>>
    %dma_start3A_8 = tpu.memref_squeeze %dma_start3A_7 : memref<1x160x128xi32, #tpu.memory_space<hbm>> -> memref<160x128xi32, #tpu.memory_space<hbm>>
    tpu.enqueue_dma source(%dma_start3A_8 : memref<160x128xi32, #tpu.memory_space<hbm>>) target(%arg7 : memref<160x128xi32, #tpu.memory_space<vmem>>) target_semaphore(%dma_start3A_5 : memref<!tpu.dma_semaphore, #tpu.memory_space<semaphore_mem>>)
    %dma_start3A_9 = arith.constant 1 : i32
    %dma_start3A_10 = arith.constant 0 : i32
    %dma_start3A_11 = tpu.memref_slice %arg4[%multiple_of3A, %dma_start3A_10] : memref<2560x128xi32, #tpu.memory_space<hbm>> -> memref<160x128xi32, #tpu.memory_space<hbm>>
    %dma_start3A_12 = tpu.memref_slice %arg11[%dma_start3A_9] : memref<5x!tpu.dma_semaphore, #tpu.memory_space<semaphore_mem>> -> memref<1x!tpu.dma_semaphore, #tpu.memory_space<semaphore_mem>>
    %dma_start3A_13 = tpu.memref_squeeze %dma_start3A_12 : memref<1x!tpu.dma_semaphore, #tpu.memory_space<semaphore_mem>> -> memref<!tpu.dma_semaphore, #tpu.memory_space<semaphore_mem>>
    %dma_start3A_14 = arith.constant 0 : i32
    %dma_start3A_15 = tpu.memref_slice %arg4[%multiple_of3A, %dma_start3A_14] : memref<2560x128xi32, #tpu.memory_space<hbm>> -> memref<160x128xi32, #tpu.memory_space<hbm>>
    tpu.enqueue_dma source(%dma_start3A_15 : memref<160x128xi32, #tpu.memory_space<hbm>>) target(%arg8 : memref<160x128xi32, #tpu.memory_space<vmem>>) target_semaphore(%dma_start3A_13 : memref<!tpu.dma_semaphore, #tpu.memory_space<semaphore_mem>>)
    %mul3A_16 = arith.constant 632 : i32
    %mul3A_17 = arith.muli %arg1, %mul3A_16 : i32
    %multiple_of3A_18 = tpu.assume_multiple %mul3A_17, 8 : i32
    %dma_start3A_19 = arith.constant 2 : i32
    %dma_start3A_20 = tpu.memref_slice %arg11[%dma_start3A_19] : memref<5x!tpu.dma_semaphore, #tpu.memory_space<semaphore_mem>> -> memref<1x!tpu.dma_semaphore, #tpu.memory_space<semaphore_mem>>
    %dma_start3A_21 = tpu.memref_squeeze %dma_start3A_20 : memref<1x!tpu.dma_semaphore, #tpu.memory_space<semaphore_mem>> -> memref<!tpu.dma_semaphore, #tpu.memory_space<semaphore_mem>>
    %dma_start3A_22 = arith.constant 0 : i32
    %dma_start3A_23 = tpu.memref_slice %arg10[%multiple_of3A_18, %dma_start3A_22] : memref<10112x64xf32, #tpu.memory_space<vmem_shared>> -> memref<632x64xf32, #tpu.memory_space<vmem_shared>>
    %dma_start3A_24 = arith.constant 0 : i32
    %dma_start3A_25 = tpu.memref_slice %arg5[%multiple_of3A_18, %dma_start3A_24] : memref<10112x64xf32, #tpu.memory_space<hbm>> -> memref<632x64xf32, #tpu.memory_space<hbm>>
    tpu.enqueue_dma source(%dma_start3A_25 : memref<632x64xf32, #tpu.memory_space<hbm>>) target(%dma_start3A_23 : memref<632x64xf32, #tpu.memory_space<vmem_shared>>) target_semaphore(%dma_start3A_21 : memref<!tpu.dma_semaphore, #tpu.memory_space<semaphore_mem>>)
    %dma_wait3A = arith.constant 0 : i32
    %dma_wait3A_26 = arith.constant 0 : i32
    %dma_wait3A_27 = tpu.memref_slice %arg3[%arg0, %multiple_of3A, %dma_wait3A_26] : memref<2x2560x128xi32, #tpu.memory_space<hbm>> -> memref<1x160x128xi32, #tpu.memory_space<hbm>>
    %dma_wait3A_28 = tpu.memref_squeeze %dma_wait3A_27 : memref<1x160x128xi32, #tpu.memory_space<hbm>> -> memref<160x128xi32, #tpu.memory_space<hbm>>
    %dma_wait3A_29 = tpu.memref_slice %arg11[%dma_wait3A] : memref<5x!tpu.dma_semaphore, #tpu.memory_space<semaphore_mem>> -> memref<1x!tpu.dma_semaphore, #tpu.memory_space<semaphore_mem>>
    %dma_wait3A_30 = tpu.memref_squeeze %dma_wait3A_29 : memref<1x!tpu.dma_semaphore, #tpu.memory_space<semaphore_mem>> -> memref<!tpu.dma_semaphore, #tpu.memory_space<semaphore_mem>>
    %dma_wait3A_31 = arith.constant 0 : i32
    %dma_wait3A_32 = tpu.memref_slice %arg3[%arg0, %multiple_of3A, %dma_wait3A_31] : memref<2x2560x128xi32, #tpu.memory_space<hbm>> -> memref<1x160x128xi32, #tpu.memory_space<hbm>>
    %dma_wait3A_33 = tpu.memref_squeeze %dma_wait3A_32 : memref<1x160x128xi32, #tpu.memory_space<hbm>> -> memref<160x128xi32, #tpu.memory_space<hbm>>
    tpu.wait_dma2 semaphore(%dma_wait3A_30 : memref<!tpu.dma_semaphore, #tpu.memory_space<semaphore_mem>>) src(%dma_wait3A_33 : memref<160x128xi32, #tpu.memory_space<hbm>>) dst(%arg7 : memref<160x128xi32, #tpu.memory_space<vmem>>)
    %dma_wait3A_34 = arith.constant 1 : i32
    %dma_wait3A_35 = arith.constant 0 : i32
    %dma_wait3A_36 = tpu.memref_slice %arg4[%multiple_of3A, %dma_wait3A_35] : memref<2560x128xi32, #tpu.memory_space<hbm>> -> memref<160x128xi32, #tpu.memory_space<hbm>>
    %dma_wait3A_37 = tpu.memref_slice %arg11[%dma_wait3A_34] : memref<5x!tpu.dma_semaphore, #tpu.memory_space<semaphore_mem>> -> memref<1x!tpu.dma_semaphore, #tpu.memory_space<semaphore_mem>>
    %dma_wait3A_38 = tpu.memref_squeeze %dma_wait3A_37 : memref<1x!tpu.dma_semaphore, #tpu.memory_space<semaphore_mem>> -> memref<!tpu.dma_semaphore, #tpu.memory_space<semaphore_mem>>
    %dma_wait3A_39 = arith.constant 0 : i32
    %dma_wait3A_40 = tpu.memref_slice %arg4[%multiple_of3A, %dma_wait3A_39] : memref<2560x128xi32, #tpu.memory_space<hbm>> -> memref<160x128xi32, #tpu.memory_space<hbm>>
    tpu.wait_dma2 semaphore(%dma_wait3A_38 : memref<!tpu.dma_semaphore, #tpu.memory_space<semaphore_mem>>) src(%dma_wait3A_40 : memref<160x128xi32, #tpu.memory_space<hbm>>) dst(%arg8 : memref<160x128xi32, #tpu.memory_space<vmem>>)
    %dma_wait3A_41 = arith.constant 2 : i32
    %dma_wait3A_42 = tpu.memref_slice %arg11[%dma_wait3A_41] : memref<5x!tpu.dma_semaphore, #tpu.memory_space<semaphore_mem>> -> memref<1x!tpu.dma_semaphore, #tpu.memory_space<semaphore_mem>>
    %dma_wait3A_43 = tpu.memref_squeeze %dma_wait3A_42 : memref<1x!tpu.dma_semaphore, #tpu.memory_space<semaphore_mem>> -> memref<!tpu.dma_semaphore, #tpu.memory_space<semaphore_mem>>
    %dma_wait3A_44 = arith.constant 0 : i32
    %dma_wait3A_45 = tpu.memref_slice %arg10[%multiple_of3A_18, %dma_wait3A_44] : memref<10112x64xf32, #tpu.memory_space<vmem_shared>> -> memref<632x64xf32, #tpu.memory_space<vmem_shared>>
    %dma_wait3A_46 = arith.constant 0 : i32
    %dma_wait3A_47 = tpu.memref_slice %arg5[%multiple_of3A_18, %dma_wait3A_46] : memref<10112x64xf32, #tpu.memory_space<hbm>> -> memref<632x64xf32, #tpu.memory_space<hbm>>
    tpu.wait_dma2 semaphore(%dma_wait3A_43 : memref<!tpu.dma_semaphore, #tpu.memory_space<semaphore_mem>>) src(%dma_wait3A_47 : memref<632x64xf32, #tpu.memory_space<hbm>>) dst(%dma_wait3A_45 : memref<632x64xf32, #tpu.memory_space<vmem_shared>>)
    %barrier3A = arith.constant 0 : index
    tpu.barrier barrier_id(%barrier3A)
    %dma_start3A_48 = arith.constant 0 : i32
    %dma_start3A_49 = arith.constant 0 : i32
    %dma_start3A_50 = arith.constant 0 : i32
    %dma_start3A_51 = arith.constant 0 : i32
    %dma_start3A_52 = arith.constant 0 : i32
    %dma_start3A_53 = tpu.memref_slice %arg9[%dma_start3A_49, %dma_start3A_51, %dma_start3A_52] : memref<5x128x64xf32, #tpu.memory_space<vmem>> -> memref<1x128x64xf32, #tpu.memory_space<vmem>>
    %dma_start3A_54 = tpu.memref_squeeze %dma_start3A_53 : memref<1x128x64xf32, #tpu.memory_space<vmem>> -> memref<128x64xf32, #tpu.memory_space<vmem>>
    %dma_start3A_55 = arith.constant 0 : i32
    %dma_start3A_56 = tpu.memref_slice %arg7[%dma_start3A_48, %dma_start3A_55] : memref<160x128xi32, #tpu.memory_space<vmem>> -> memref<1x128xi32, #tpu.memory_space<vmem>>
    %dma_start3A_57 = tpu.memref_squeeze %dma_start3A_56 : memref<1x128xi32, #tpu.memory_space<vmem>> -> memref<128xi32, #tpu.memory_space<vmem>>
    %dma_start3A_58 = arith.constant 0 : i32
    %dma_start3A_59 = arith.constant 0 : i32
    %dma_start3A_60 = tpu.memref_slice %arg2[%dma_start3A_58, %dma_start3A_59] : memref<20000x64xf32, #tpu.memory_space<hbm>> -> memref<20000x64xf32, #tpu.memory_space<hbm>>
    %dma_start3A_61 = tpu.memref_slice %arg11[%dma_start3A_50] : memref<5x!tpu.dma_semaphore, #tpu.memory_space<semaphore_mem>> -> memref<1x!tpu.dma_semaphore, #tpu.memory_space<semaphore_mem>>
    %dma_start3A_62 = tpu.memref_squeeze %dma_start3A_61 : memref<1x!tpu.dma_semaphore, #tpu.memory_space<semaphore_mem>> -> memref<!tpu.dma_semaphore, #tpu.memory_space<semaphore_mem>>
    tpu.enqueue_indirect_dma source(%dma_start3A_60 : memref<20000x64xf32, #tpu.memory_space<hbm>>) target(%dma_start3A_54 : memref<128x64xf32, #tpu.memory_space<vmem>>) offsets(%dma_start3A_57 : memref<128xi32, #tpu.memory_space<vmem>>) semaphore(%dma_start3A_62 : memref<!tpu.dma_semaphore, #tpu.memory_space<semaphore_mem>>)
    %dma_start3A_63 = arith.constant 1 : i32
    %dma_start3A_64 = arith.constant 1 : i32
    %dma_start3A_65 = arith.constant 1 : i32
    %dma_start3A_66 = arith.constant 0 : i32
    %dma_start3A_67 = arith.constant 0 : i32
    %dma_start3A_68 = tpu.memref_slice %arg9[%dma_start3A_64, %dma_start3A_66, %dma_start3A_67] : memref<5x128x64xf32, #tpu.memory_space<vmem>> -> memref<1x128x64xf32, #tpu.memory_space<vmem>>
    %dma_start3A_69 = tpu.memref_squeeze %dma_start3A_68 : memref<1x128x64xf32, #tpu.memory_space<vmem>> -> memref<128x64xf32, #tpu.memory_space<vmem>>
    %dma_start3A_70 = arith.constant 0 : i32
    %dma_start3A_71 = tpu.memref_slice %arg7[%dma_start3A_63, %dma_start3A_70] : memref<160x128xi32, #tpu.memory_space<vmem>> -> memref<1x128xi32, #tpu.memory_space<vmem>>
    %dma_start3A_72 = tpu.memref_squeeze %dma_start3A_71 : memref<1x128xi32, #tpu.memory_space<vmem>> -> memref<128xi32, #tpu.memory_space<vmem>>
    %dma_start3A_73 = arith.constant 0 : i32
    %dma_start3A_74 = arith.constant 0 : i32
    %dma_start3A_75 = tpu.memref_slice %arg2[%dma_start3A_73, %dma_start3A_74] : memref<20000x64xf32, #tpu.memory_space<hbm>> -> memref<20000x64xf32, #tpu.memory_space<hbm>>
    %dma_start3A_76 = tpu.memref_slice %arg11[%dma_start3A_65] : memref<5x!tpu.dma_semaphore, #tpu.memory_space<semaphore_mem>> -> memref<1x!tpu.dma_semaphore, #tpu.memory_space<semaphore_mem>>
    %dma_start3A_77 = tpu.memref_squeeze %dma_start3A_76 : memref<1x!tpu.dma_semaphore, #tpu.memory_space<semaphore_mem>> -> memref<!tpu.dma_semaphore, #tpu.memory_space<semaphore_mem>>
    tpu.enqueue_indirect_dma source(%dma_start3A_75 : memref<20000x64xf32, #tpu.memory_space<hbm>>) target(%dma_start3A_69 : memref<128x64xf32, #tpu.memory_space<vmem>>) offsets(%dma_start3A_72 : memref<128xi32, #tpu.memory_space<vmem>>) semaphore(%dma_start3A_77 : memref<!tpu.dma_semaphore, #tpu.memory_space<semaphore_mem>>)
    %dma_start3A_78 = arith.constant 2 : i32
    %dma_start3A_79 = arith.constant 2 : i32
    %dma_start3A_80 = arith.constant 2 : i32
    %dma_start3A_81 = arith.constant 0 : i32
    %dma_start3A_82 = arith.constant 0 : i32
    %dma_start3A_83 = tpu.memref_slice %arg9[%dma_start3A_79, %dma_start3A_81, %dma_start3A_82] : memref<5x128x64xf32, #tpu.memory_space<vmem>> -> memref<1x128x64xf32, #tpu.memory_space<vmem>>
    %dma_start3A_84 = tpu.memref_squeeze %dma_start3A_83 : memref<1x128x64xf32, #tpu.memory_space<vmem>> -> memref<128x64xf32, #tpu.memory_space<vmem>>
    %dma_start3A_85 = arith.constant 0 : i32
    %dma_start3A_86 = tpu.memref_slice %arg7[%dma_start3A_78, %dma_start3A_85] : memref<160x128xi32, #tpu.memory_space<vmem>> -> memref<1x128xi32, #tpu.memory_space<vmem>>
    %dma_start3A_87 = tpu.memref_squeeze %dma_start3A_86 : memref<1x128xi32, #tpu.memory_space<vmem>> -> memref<128xi32, #tpu.memory_space<vmem>>
    %dma_start3A_88 = arith.constant 0 : i32
    %dma_start3A_89 = arith.constant 0 : i32
    %dma_start3A_90 = tpu.memref_slice %arg2[%dma_start3A_88, %dma_start3A_89] : memref<20000x64xf32, #tpu.memory_space<hbm>> -> memref<20000x64xf32, #tpu.memory_space<hbm>>
    %dma_start3A_91 = tpu.memref_slice %arg11[%dma_start3A_80] : memref<5x!tpu.dma_semaphore, #tpu.memory_space<semaphore_mem>> -> memref<1x!tpu.dma_semaphore, #tpu.memory_space<semaphore_mem>>
    %dma_start3A_92 = tpu.memref_squeeze %dma_start3A_91 : memref<1x!tpu.dma_semaphore, #tpu.memory_space<semaphore_mem>> -> memref<!tpu.dma_semaphore, #tpu.memory_space<semaphore_mem>>
    tpu.enqueue_indirect_dma source(%dma_start3A_90 : memref<20000x64xf32, #tpu.memory_space<hbm>>) target(%dma_start3A_84 : memref<128x64xf32, #tpu.memory_space<vmem>>) offsets(%dma_start3A_87 : memref<128xi32, #tpu.memory_space<vmem>>) semaphore(%dma_start3A_92 : memref<!tpu.dma_semaphore, #tpu.memory_space<semaphore_mem>>)
    %dma_start3A_93 = arith.constant 3 : i32
    %dma_start3A_94 = arith.constant 3 : i32
    %dma_start3A_95 = arith.constant 3 : i32
    %dma_start3A_96 = arith.constant 0 : i32
    %dma_start3A_97 = arith.constant 0 : i32
    %dma_start3A_98 = tpu.memref_slice %arg9[%dma_start3A_94, %dma_start3A_96, %dma_start3A_97] : memref<5x128x64xf32, #tpu.memory_space<vmem>> -> memref<1x128x64xf32, #tpu.memory_space<vmem>>
    %dma_start3A_99 = tpu.memref_squeeze %dma_start3A_98 : memref<1x128x64xf32, #tpu.memory_space<vmem>> -> memref<128x64xf32, #tpu.memory_space<vmem>>
    %dma_start3A_100 = arith.constant 0 : i32
    %dma_start3A_101 = tpu.memref_slice %arg7[%dma_start3A_93, %dma_start3A_100] : memref<160x128xi32, #tpu.memory_space<vmem>> -> memref<1x128xi32, #tpu.memory_space<vmem>>
    %dma_start3A_102 = tpu.memref_squeeze %dma_start3A_101 : memref<1x128xi32, #tpu.memory_space<vmem>> -> memref<128xi32, #tpu.memory_space<vmem>>
    %dma_start3A_103 = arith.constant 0 : i32
    %dma_start3A_104 = arith.constant 0 : i32
    %dma_start3A_105 = tpu.memref_slice %arg2[%dma_start3A_103, %dma_start3A_104] : memref<20000x64xf32, #tpu.memory_space<hbm>> -> memref<20000x64xf32, #tpu.memory_space<hbm>>
    %dma_start3A_106 = tpu.memref_slice %arg11[%dma_start3A_95] : memref<5x!tpu.dma_semaphore, #tpu.memory_space<semaphore_mem>> -> memref<1x!tpu.dma_semaphore, #tpu.memory_space<semaphore_mem>>
    %dma_start3A_107 = tpu.memref_squeeze %dma_start3A_106 : memref<1x!tpu.dma_semaphore, #tpu.memory_space<semaphore_mem>> -> memref<!tpu.dma_semaphore, #tpu.memory_space<semaphore_mem>>
    tpu.enqueue_indirect_dma source(%dma_start3A_105 : memref<20000x64xf32, #tpu.memory_space<hbm>>) target(%dma_start3A_99 : memref<128x64xf32, #tpu.memory_space<vmem>>) offsets(%dma_start3A_102 : memref<128xi32, #tpu.memory_space<vmem>>) semaphore(%dma_start3A_107 : memref<!tpu.dma_semaphore, #tpu.memory_space<semaphore_mem>>)
    %dma_wait3A_108 = arith.constant 0 : i32
    %dma_wait3A_109 = arith.constant 0 : i32
    %dma_wait3A_110 = arith.constant 0 : i32
    %dma_wait3A_111 = arith.constant 0 : i32
    %dma_wait3A_112 = arith.constant 0 : i32
    %dma_wait3A_113 = tpu.memref_slice %arg9[%dma_wait3A_109, %dma_wait3A_111, %dma_wait3A_112] : memref<5x128x64xf32, #tpu.memory_space<vmem>> -> memref<1x128x64xf32, #tpu.memory_space<vmem>>
    %dma_wait3A_114 = tpu.memref_squeeze %dma_wait3A_113 : memref<1x128x64xf32, #tpu.memory_space<vmem>> -> memref<128x64xf32, #tpu.memory_space<vmem>>
    %dma_wait3A_115 = arith.constant 0 : i32
    %dma_wait3A_116 = tpu.memref_slice %arg7[%dma_wait3A_108, %dma_wait3A_115] : memref<160x128xi32, #tpu.memory_space<vmem>> -> memref<1x128xi32, #tpu.memory_space<vmem>>
    %dma_wait3A_117 = tpu.memref_squeeze %dma_wait3A_116 : memref<1x128xi32, #tpu.memory_space<vmem>> -> memref<128xi32, #tpu.memory_space<vmem>>
    %dma_wait3A_118 = arith.constant 0 : i32
    %dma_wait3A_119 = arith.constant 0 : i32
    %dma_wait3A_120 = tpu.memref_slice %arg2[%dma_wait3A_118, %dma_wait3A_119] : memref<20000x64xf32, #tpu.memory_space<hbm>> -> memref<20000x64xf32, #tpu.memory_space<hbm>>
    %dma_wait3A_121 = tpu.memref_slice %arg11[%dma_wait3A_110] : memref<5x!tpu.dma_semaphore, #tpu.memory_space<semaphore_mem>> -> memref<1x!tpu.dma_semaphore, #tpu.memory_space<semaphore_mem>>
    %dma_wait3A_122 = tpu.memref_squeeze %dma_wait3A_121 : memref<1x!tpu.dma_semaphore, #tpu.memory_space<semaphore_mem>> -> memref<!tpu.dma_semaphore, #tpu.memory_space<semaphore_mem>>
    tpu.wait_indirect_dma semaphore(%dma_wait3A_122 : memref<!tpu.dma_semaphore, #tpu.memory_space<semaphore_mem>>) src(%dma_wait3A_120 : memref<20000x64xf32, #tpu.memory_space<hbm>>) dst(%dma_wait3A_114 : memref<128x64xf32, #tpu.memory_space<vmem>>)
    %dma_start3A_123 = arith.constant 0 : i32
    %dma_start3A_124 = arith.constant 0 : i32
    %dma_start3A_125 = arith.constant 0 : i32
    %dma_start3A_126 = arith.constant 0 : i32
    %dma_start3A_127 = arith.constant 0 : i32
    %dma_start3A_128 = tpu.memref_slice %arg9[%dma_start3A_123, %dma_start3A_126, %dma_start3A_127] : memref<5x128x64xf32, #tpu.memory_space<vmem>> -> memref<1x128x64xf32, #tpu.memory_space<vmem>>
    %dma_start3A_129 = tpu.memref_squeeze %dma_start3A_128 : memref<1x128x64xf32, #tpu.memory_space<vmem>> -> memref<128x64xf32, #tpu.memory_space<vmem>>
    %dma_start3A_130 = arith.constant 0 : i32
    %dma_start3A_131 = tpu.memref_slice %arg8[%dma_start3A_124, %dma_start3A_130] : memref<160x128xi32, #tpu.memory_space<vmem>> -> memref<1x128xi32, #tpu.memory_space<vmem>>
    %dma_start3A_132 = tpu.memref_squeeze %dma_start3A_131 : memref<1x128xi32, #tpu.memory_space<vmem>> -> memref<128xi32, #tpu.memory_space<vmem>>
    %dma_start3A_133 = arith.constant 0 : i32
    %dma_start3A_134 = arith.constant 0 : i32
    %dma_start3A_135 = tpu.memref_slice %arg10[%dma_start3A_133, %dma_start3A_134] : memref<10112x64xf32, #tpu.memory_space<vmem_shared>> -> memref<10112x64xf32, #tpu.memory_space<vmem_shared>>
    %dma_start3A_136 = tpu.memref_slice %arg12[%dma_start3A_125] : memref<5x!tpu.dma_semaphore, #tpu.memory_space<semaphore_mem>> -> memref<1x!tpu.dma_semaphore, #tpu.memory_space<semaphore_mem>>
    %dma_start3A_137 = tpu.memref_squeeze %dma_start3A_136 : memref<1x!tpu.dma_semaphore, #tpu.memory_space<semaphore_mem>> -> memref<!tpu.dma_semaphore, #tpu.memory_space<semaphore_mem>>
    tpu.enqueue_indirect_dma source(%dma_start3A_129 : memref<128x64xf32, #tpu.memory_space<vmem>>) target(%dma_start3A_135 : memref<10112x64xf32, #tpu.memory_space<vmem_shared>>) offsets(%dma_start3A_132 : memref<128xi32, #tpu.memory_space<vmem>>) semaphore(%dma_start3A_137 : memref<!tpu.dma_semaphore, #tpu.memory_space<semaphore_mem>>) {add = true}
    %dma_start3A_138 = arith.constant 4 : i32
    %dma_start3A_139 = arith.constant 4 : i32
    %dma_start3A_140 = arith.constant 4 : i32
    %dma_start3A_141 = arith.constant 0 : i32
    %dma_start3A_142 = arith.constant 0 : i32
    %dma_start3A_143 = tpu.memref_slice %arg9[%dma_start3A_139, %dma_start3A_141, %dma_start3A_142] : memref<5x128x64xf32, #tpu.memory_space<vmem>> -> memref<1x128x64xf32, #tpu.memory_space<vmem>>
    %dma_start3A_144 = tpu.memref_squeeze %dma_start3A_143 : memref<1x128x64xf32, #tpu.memory_space<vmem>> -> memref<128x64xf32, #tpu.memory_space<vmem>>
    %dma_start3A_145 = arith.constant 0 : i32
    %dma_start3A_146 = tpu.memref_slice %arg7[%dma_start3A_138, %dma_start3A_145] : memref<160x128xi32, #tpu.memory_space<vmem>> -> memref<1x128xi32, #tpu.memory_space<vmem>>
    %dma_start3A_147 = tpu.memref_squeeze %dma_start3A_146 : memref<1x128xi32, #tpu.memory_space<vmem>> -> memref<128xi32, #tpu.memory_space<vmem>>
    %dma_start3A_148 = arith.constant 0 : i32
    %dma_start3A_149 = arith.constant 0 : i32
    %dma_start3A_150 = tpu.memref_slice %arg2[%dma_start3A_148, %dma_start3A_149] : memref<20000x64xf32, #tpu.memory_space<hbm>> -> memref<20000x64xf32, #tpu.memory_space<hbm>>
    %dma_start3A_151 = tpu.memref_slice %arg11[%dma_start3A_140] : memref<5x!tpu.dma_semaphore, #tpu.memory_space<semaphore_mem>> -> memref<1x!tpu.dma_semaphore, #tpu.memory_space<semaphore_mem>>
    %dma_start3A_152 = tpu.memref_squeeze %dma_start3A_151 : memref<1x!tpu.dma_semaphore, #tpu.memory_space<semaphore_mem>> -> memref<!tpu.dma_semaphore, #tpu.memory_space<semaphore_mem>>
    tpu.enqueue_indirect_dma source(%dma_start3A_150 : memref<20000x64xf32, #tpu.memory_space<hbm>>) target(%dma_start3A_144 : memref<128x64xf32, #tpu.memory_space<vmem>>) offsets(%dma_start3A_147 : memref<128xi32, #tpu.memory_space<vmem>>) semaphore(%dma_start3A_152 : memref<!tpu.dma_semaphore, #tpu.memory_space<semaphore_mem>>)
    %dma_wait3A_153 = arith.constant 0 : i32
    %dma_wait3A_154 = arith.constant 1 : i32
    %dma_wait3A_155 = arith.constant 1 : i32
    %dma_wait3A_156 = arith.constant 0 : i32
    %dma_wait3A_157 = arith.constant 0 : i32
    %dma_wait3A_158 = tpu.memref_slice %arg9[%dma_wait3A_154, %dma_wait3A_156, %dma_wait3A_157] : memref<5x128x64xf32, #tpu.memory_space<vmem>> -> memref<1x128x64xf32, #tpu.memory_space<vmem>>
    %dma_wait3A_159 = tpu.memref_squeeze %dma_wait3A_158 : memref<1x128x64xf32, #tpu.memory_space<vmem>> -> memref<128x64xf32, #tpu.memory_space<vmem>>
    %dma_wait3A_160 = arith.constant 0 : i32
    %dma_wait3A_161 = tpu.memref_slice %arg7[%dma_wait3A_153, %dma_wait3A_160] : memref<160x128xi32, #tpu.memory_space<vmem>> -> memref<1x128xi32, #tpu.memory_space<vmem>>
    %dma_wait3A_162 = tpu.memref_squeeze %dma_wait3A_161 : memref<1x128xi32, #tpu.memory_space<vmem>> -> memref<128xi32, #tpu.memory_space<vmem>>
    %dma_wait3A_163 = arith.constant 0 : i32
    %dma_wait3A_164 = arith.constant 0 : i32
    %dma_wait3A_165 = tpu.memref_slice %arg2[%dma_wait3A_163, %dma_wait3A_164] : memref<20000x64xf32, #tpu.memory_space<hbm>> -> memref<20000x64xf32, #tpu.memory_space<hbm>>
    %dma_wait3A_166 = tpu.memref_slice %arg11[%dma_wait3A_155] : memref<5x!tpu.dma_semaphore, #tpu.memory_space<semaphore_mem>> -> memref<1x!tpu.dma_semaphore, #tpu.memory_space<semaphore_mem>>
    %dma_wait3A_167 = tpu.memref_squeeze %dma_wait3A_166 : memref<1x!tpu.dma_semaphore, #tpu.memory_space<semaphore_mem>> -> memref<!tpu.dma_semaphore, #tpu.memory_space<semaphore_mem>>
    tpu.wait_indirect_dma semaphore(%dma_wait3A_167 : memref<!tpu.dma_semaphore, #tpu.memory_space<semaphore_mem>>) src(%dma_wait3A_165 : memref<20000x64xf32, #tpu.memory_space<hbm>>) dst(%dma_wait3A_159 : memref<128x64xf32, #tpu.memory_space<vmem>>)
    %dma_start3A_168 = arith.constant 1 : i32
    %dma_start3A_169 = arith.constant 1 : i32
    %dma_start3A_170 = arith.constant 1 : i32
    %dma_start3A_171 = arith.constant 0 : i32
    %dma_start3A_172 = arith.constant 0 : i32
    %dma_start3A_173 = tpu.memref_slice %arg9[%dma_start3A_168, %dma_start3A_171, %dma_start3A_172] : memref<5x128x64xf32, #tpu.memory_space<vmem>> -> memref<1x128x64xf32, #tpu.memory_space<vmem>>
    %dma_start3A_174 = tpu.memref_squeeze %dma_start3A_173 : memref<1x128x64xf32, #tpu.memory_space<vmem>> -> memref<128x64xf32, #tpu.memory_space<vmem>>
    %dma_start3A_175 = arith.constant 0 : i32
    %dma_start3A_176 = tpu.memref_slice %arg8[%dma_start3A_169, %dma_start3A_175] : memref<160x128xi32, #tpu.memory_space<vmem>> -> memref<1x128xi32, #tpu.memory_space<vmem>>
    %dma_start3A_177 = tpu.memref_squeeze %dma_start3A_176 : memref<1x128xi32, #tpu.memory_space<vmem>> -> memref<128xi32, #tpu.memory_space<vmem>>
    %dma_start3A_178 = arith.constant 0 : i32
    %dma_start3A_179 = arith.constant 0 : i32
    %dma_start3A_180 = tpu.memref_slice %arg10[%dma_start3A_178, %dma_start3A_179] : memref<10112x64xf32, #tpu.memory_space<vmem_shared>> -> memref<10112x64xf32, #tpu.memory_space<vmem_shared>>
    %dma_start3A_181 = tpu.memref_slice %arg12[%dma_start3A_170] : memref<5x!tpu.dma_semaphore, #tpu.memory_space<semaphore_mem>> -> memref<1x!tpu.dma_semaphore, #tpu.memory_space<semaphore_mem>>
    %dma_start3A_182 = tpu.memref_squeeze %dma_start3A_181 : memref<1x!tpu.dma_semaphore, #tpu.memory_space<semaphore_mem>> -> memref<!tpu.dma_semaphore, #tpu.memory_space<semaphore_mem>>
    tpu.enqueue_indirect_dma source(%dma_start3A_174 : memref<128x64xf32, #tpu.memory_space<vmem>>) target(%dma_start3A_180 : memref<10112x64xf32, #tpu.memory_space<vmem_shared>>) offsets(%dma_start3A_177 : memref<128xi32, #tpu.memory_space<vmem>>) semaphore(%dma_start3A_182 : memref<!tpu.dma_semaphore, #tpu.memory_space<semaphore_mem>>) {add = true}
    %dma_wait3A_183 = arith.constant 0 : i32
    %dma_wait3A_184 = arith.constant 0 : i32
    %dma_wait3A_185 = arith.constant 0 : i32
    %dma_wait3A_186 = arith.constant 0 : i32
    %dma_wait3A_187 = arith.constant 0 : i32
    %dma_wait3A_188 = tpu.memref_slice %arg9[%dma_wait3A_183, %dma_wait3A_186, %dma_wait3A_187] : memref<5x128x64xf32, #tpu.memory_space<vmem>> -> memref<1x128x64xf32, #tpu.memory_space<vmem>>
    %dma_wait3A_189 = tpu.memref_squeeze %dma_wait3A_188 : memref<1x128x64xf32, #tpu.memory_space<vmem>> -> memref<128x64xf32, #tpu.memory_space<vmem>>
    %dma_wait3A_190 = arith.constant 0 : i32
    %dma_wait3A_191 = tpu.memref_slice %arg8[%dma_wait3A_184, %dma_wait3A_190] : memref<160x128xi32, #tpu.memory_space<vmem>> -> memref<1x128xi32, #tpu.memory_space<vmem>>
    %dma_wait3A_192 = tpu.memref_squeeze %dma_wait3A_191 : memref<1x128xi32, #tpu.memory_space<vmem>> -> memref<128xi32, #tpu.memory_space<vmem>>
    %dma_wait3A_193 = arith.constant 0 : i32
    %dma_wait3A_194 = arith.constant 0 : i32
    %dma_wait3A_195 = tpu.memref_slice %arg10[%dma_wait3A_193, %dma_wait3A_194] : memref<10112x64xf32, #tpu.memory_space<vmem_shared>> -> memref<10112x64xf32, #tpu.memory_space<vmem_shared>>
    %dma_wait3A_196 = tpu.memref_slice %arg12[%dma_wait3A_185] : memref<5x!tpu.dma_semaphore, #tpu.memory_space<semaphore_mem>> -> memref<1x!tpu.dma_semaphore, #tpu.memory_space<semaphore_mem>>
    %dma_wait3A_197 = tpu.memref_squeeze %dma_wait3A_196 : memref<1x!tpu.dma_semaphore, #tpu.memory_space<semaphore_mem>> -> memref<!tpu.dma_semaphore, #tpu.memory_space<semaphore_mem>>
    tpu.wait_indirect_dma semaphore(%dma_wait3A_197 : memref<!tpu.dma_semaphore, #tpu.memory_space<semaphore_mem>>) src(%dma_wait3A_189 : memref<128x64xf32, #tpu.memory_space<vmem>>) dst(%dma_wait3A_195 : memref<10112x64xf32, #tpu.memory_space<vmem_shared>>)
    %dma_start3A_198 = arith.constant 5 : i32
    %dma_start3A_199 = arith.constant 0 : i32
    %dma_start3A_200 = arith.constant 0 : i32
    %dma_start3A_201 = arith.constant 0 : i32
    %dma_start3A_202 = arith.constant 0 : i32
    %dma_start3A_203 = tpu.memref_slice %arg9[%dma_start3A_199, %dma_start3A_201, %dma_start3A_202] : memref<5x128x64xf32, #tpu.memory_space<vmem>> -> memref<1x128x64xf32, #tpu.memory_space<vmem>>
    %dma_start3A_204 = tpu.memref_squeeze %dma_start3A_203 : memref<1x128x64xf32, #tpu.memory_space<vmem>> -> memref<128x64xf32, #tpu.memory_space<vmem>>
    %dma_start3A_205 = arith.constant 0 : i32
    %dma_start3A_206 = tpu.memref_slice %arg7[%dma_start3A_198, %dma_start3A_205] : memref<160x128xi32, #tpu.memory_space<vmem>> -> memref<1x128xi32, #tpu.memory_space<vmem>>
    %dma_start3A_207 = tpu.memref_squeeze %dma_start3A_206 : memref<1x128xi32, #tpu.memory_space<vmem>> -> memref<128xi32, #tpu.memory_space<vmem>>
    %dma_start3A_208 = arith.constant 0 : i32
    %dma_start3A_209 = arith.constant 0 : i32
    %dma_start3A_210 = tpu.memref_slice %arg2[%dma_start3A_208, %dma_start3A_209] : memref<20000x64xf32, #tpu.memory_space<hbm>> -> memref<20000x64xf32, #tpu.memory_space<hbm>>
    %dma_start3A_211 = tpu.memref_slice %arg11[%dma_start3A_200] : memref<5x!tpu.dma_semaphore, #tpu.memory_space<semaphore_mem>> -> memref<1x!tpu.dma_semaphore, #tpu.memory_space<semaphore_mem>>
    %dma_start3A_212 = tpu.memref_squeeze %dma_start3A_211 : memref<1x!tpu.dma_semaphore, #tpu.memory_space<semaphore_mem>> -> memref<!tpu.dma_semaphore, #tpu.memory_space<semaphore_mem>>
    tpu.enqueue_indirect_dma source(%dma_start3A_210 : memref<20000x64xf32, #tpu.memory_space<hbm>>) target(%dma_start3A_204 : memref<128x64xf32, #tpu.memory_space<vmem>>) offsets(%dma_start3A_207 : memref<128xi32, #tpu.memory_space<vmem>>) semaphore(%dma_start3A_212 : memref<!tpu.dma_semaphore, #tpu.memory_space<semaphore_mem>>)
    %dma_wait3A_213 = arith.constant 0 : i32
    %dma_wait3A_214 = arith.constant 2 : i32
    %dma_wait3A_215 = arith.constant 2 : i32
    %dma_wait3A_216 = arith.constant 0 : i32
    %dma_wait3A_217 = arith.constant 0 : i32
    %dma_wait3A_218 = tpu.memref_slice %arg9[%dma_wait3A_214, %dma_wait3A_216, %dma_wait3A_217] : memref<5x128x64xf32, #tpu.memory_space<vmem>> -> memref<1x128x64xf32, #tpu.memory_space<vmem>>
    %dma_wait3A_219 = tpu.memref_squeeze %dma_wait3A_218 : memref<1x128x64xf32, #tpu.memory_space<vmem>> -> memref<128x64xf32, #tpu.memory_space<vmem>>
    %dma_wait3A_220 = arith.constant 0 : i32
    %dma_wait3A_221 = tpu.memref_slice %arg7[%dma_wait3A_213, %dma_wait3A_220] : memref<160x128xi32, #tpu.memory_space<vmem>> -> memref<1x128xi32, #tpu.memory_space<vmem>>
    %dma_wait3A_222 = tpu.memref_squeeze %dma_wait3A_221 : memref<1x128xi32, #tpu.memory_space<vmem>> -> memref<128xi32, #tpu.memory_space<vmem>>
    %dma_wait3A_223 = arith.constant 0 : i32
    %dma_wait3A_224 = arith.constant 0 : i32
    %dma_wait3A_225 = tpu.memref_slice %arg2[%dma_wait3A_223, %dma_wait3A_224] : memref<20000x64xf32, #tpu.memory_space<hbm>> -> memref<20000x64xf32, #tpu.memory_space<hbm>>
    %dma_wait3A_226 = tpu.memref_slice %arg11[%dma_wait3A_215] : memref<5x!tpu.dma_semaphore, #tpu.memory_space<semaphore_mem>> -> memref<1x!tpu.dma_semaphore, #tpu.memory_space<semaphore_mem>>
    %dma_wait3A_227 = tpu.memref_squeeze %dma_wait3A_226 : memref<1x!tpu.dma_semaphore, #tpu.memory_space<semaphore_mem>> -> memref<!tpu.dma_semaphore, #tpu.memory_space<semaphore_mem>>
    tpu.wait_indirect_dma semaphore(%dma_wait3A_227 : memref<!tpu.dma_semaphore, #tpu.memory_space<semaphore_mem>>) src(%dma_wait3A_225 : memref<20000x64xf32, #tpu.memory_space<hbm>>) dst(%dma_wait3A_219 : memref<128x64xf32, #tpu.memory_space<vmem>>)
    %dma_start3A_228 = arith.constant 2 : i32
    %dma_start3A_229 = arith.constant 2 : i32
    %dma_start3A_230 = arith.constant 2 : i32
    %dma_start3A_231 = arith.constant 0 : i32
    %dma_start3A_232 = arith.constant 0 : i32
    %dma_start3A_233 = tpu.memref_slice %arg9[%dma_start3A_228, %dma_start3A_231, %dma_start3A_232] : memref<5x128x64xf32, #tpu.memory_space<vmem>> -> memref<1x128x64xf32, #tpu.memory_space<vmem>>
    %dma_start3A_234 = tpu.memref_squeeze %dma_start3A_233 : memref<1x128x64xf32, #tpu.memory_space<vmem>> -> memref<128x64xf32, #tpu.memory_space<vmem>>
    %dma_start3A_235 = arith.constant 0 : i32
    %dma_start3A_236 = tpu.memref_slice %arg8[%dma_start3A_229, %dma_start3A_235] : memref<160x128xi32, #tpu.memory_space<vmem>> -> memref<1x128xi32, #tpu.memory_space<vmem>>
    %dma_start3A_237 = tpu.memref_squeeze %dma_start3A_236 : memref<1x128xi32, #tpu.memory_space<vmem>> -> memref<128xi32, #tpu.memory_space<vmem>>
    %dma_start3A_238 = arith.constant 0 : i32
    %dma_start3A_239 = arith.constant 0 : i32
    %dma_start3A_240 = tpu.memref_slice %arg10[%dma_start3A_238, %dma_start3A_239] : memref<10112x64xf32, #tpu.memory_space<vmem_shared>> -> memref<10112x64xf32, #tpu.memory_space<vmem_shared>>
    %dma_start3A_241 = tpu.memref_slice %arg12[%dma_start3A_230] : memref<5x!tpu.dma_semaphore, #tpu.memory_space<semaphore_mem>> -> memref<1x!tpu.dma_semaphore, #tpu.memory_space<semaphore_mem>>
    %dma_start3A_242 = tpu.memref_squeeze %dma_start3A_241 : memref<1x!tpu.dma_semaphore, #tpu.memory_space<semaphore_mem>> -> memref<!tpu.dma_semaphore, #tpu.memory_space<semaphore_mem>>
    tpu.enqueue_indirect_dma source(%dma_start3A_234 : memref<128x64xf32, #tpu.memory_space<vmem>>) target(%dma_start3A_240 : memref<10112x64xf32, #tpu.memory_space<vmem_shared>>) offsets(%dma_start3A_237 : memref<128xi32, #tpu.memory_space<vmem>>) semaphore(%dma_start3A_242 : memref<!tpu.dma_semaphore, #tpu.memory_space<semaphore_mem>>) {add = true}
    %dma_wait3A_243 = arith.constant 1 : i32
    %dma_wait3A_244 = arith.constant 0 : i32
    %dma_wait3A_245 = arith.constant 1 : i32
    %dma_wait3A_246 = arith.constant 0 : i32
    %dma_wait3A_247 = arith.constant 0 : i32
    %dma_wait3A_248 = tpu.memref_slice %arg9[%dma_wait3A_243, %dma_wait3A_246, %dma_wait3A_247] : memref<5x128x64xf32, #tpu.memory_space<vmem>> -> memref<1x128x64xf32, #tpu.memory_space<vmem>>
    %dma_wait3A_249 = tpu.memref_squeeze %dma_wait3A_248 : memref<1x128x64xf32, #tpu.memory_space<vmem>> -> memref<128x64xf32, #tpu.memory_space<vmem>>
    %dma_wait3A_250 = arith.constant 0 : i32
    %dma_wait3A_251 = tpu.memref_slice %arg8[%dma_wait3A_244, %dma_wait3A_250] : memref<160x128xi32, #tpu.memory_space<vmem>> -> memref<1x128xi32, #tpu.memory_space<vmem>>
    %dma_wait3A_252 = tpu.memref_squeeze %dma_wait3A_251 : memref<1x128xi32, #tpu.memory_space<vmem>> -> memref<128xi32, #tpu.memory_space<vmem>>
    %dma_wait3A_253 = arith.constant 0 : i32
    %dma_wait3A_254 = arith.constant 0 : i32
    %dma_wait3A_255 = tpu.memref_slice %arg10[%dma_wait3A_253, %dma_wait3A_254] : memref<10112x64xf32, #tpu.memory_space<vmem_shared>> -> memref<10112x64xf32, #tpu.memory_space<vmem_shared>>
    %dma_wait3A_256 = tpu.memref_slice %arg12[%dma_wait3A_245] : memref<5x!tpu.dma_semaphore, #tpu.memory_space<semaphore_mem>> -> memref<1x!tpu.dma_semaphore, #tpu.memory_space<semaphore_mem>>
    %dma_wait3A_257 = tpu.memref_squeeze %dma_wait3A_256 : memref<1x!tpu.dma_semaphore, #tpu.memory_space<semaphore_mem>> -> memref<!tpu.dma_semaphore, #tpu.memory_space<semaphore_mem>>
    tpu.wait_indirect_dma semaphore(%dma_wait3A_257 : memref<!tpu.dma_semaphore, #tpu.memory_space<semaphore_mem>>) src(%dma_wait3A_249 : memref<128x64xf32, #tpu.memory_space<vmem>>) dst(%dma_wait3A_255 : memref<10112x64xf32, #tpu.memory_space<vmem_shared>>)
    %dma_start3A_258 = arith.constant 6 : i32
    %dma_start3A_259 = arith.constant 1 : i32
    %dma_start3A_260 = arith.constant 1 : i32
    %dma_start3A_261 = arith.constant 0 : i32
    %dma_start3A_262 = arith.constant 0 : i32
    %dma_start3A_263 = tpu.memref_slice %arg9[%dma_start3A_259, %dma_start3A_261, %dma_start3A_262] : memref<5x128x64xf32, #tpu.memory_space<vmem>> -> memref<1x128x64xf32, #tpu.memory_space<vmem>>
    %dma_start3A_264 = tpu.memref_squeeze %dma_start3A_263 : memref<1x128x64xf32, #tpu.memory_space<vmem>> -> memref<128x64xf32, #tpu.memory_space<vmem>>
    %dma_start3A_265 = arith.constant 0 : i32
    %dma_start3A_266 = tpu.memref_slice %arg7[%dma_start3A_258, %dma_start3A_265] : memref<160x128xi32, #tpu.memory_space<vmem>> -> memref<1x128xi32, #tpu.memory_space<vmem>>
    %dma_start3A_267 = tpu.memref_squeeze %dma_start3A_266 : memref<1x128xi32, #tpu.memory_space<vmem>> -> memref<128xi32, #tpu.memory_space<vmem>>
    %dma_start3A_268 = arith.constant 0 : i32
    %dma_start3A_269 = arith.constant 0 : i32
    %dma_start3A_270 = tpu.memref_slice %arg2[%dma_start3A_268, %dma_start3A_269] : memref<20000x64xf32, #tpu.memory_space<hbm>> -> memref<20000x64xf32, #tpu.memory_space<hbm>>
    %dma_start3A_271 = tpu.memref_slice %arg11[%dma_start3A_260] : memref<5x!tpu.dma_semaphore, #tpu.memory_space<semaphore_mem>> -> memref<1x!tpu.dma_semaphore, #tpu.memory_space<semaphore_mem>>
    %dma_start3A_272 = tpu.memref_squeeze %dma_start3A_271 : memref<1x!tpu.dma_semaphore, #tpu.memory_space<semaphore_mem>> -> memref<!tpu.dma_semaphore, #tpu.memory_space<semaphore_mem>>
    tpu.enqueue_indirect_dma source(%dma_start3A_270 : memref<20000x64xf32, #tpu.memory_space<hbm>>) target(%dma_start3A_264 : memref<128x64xf32, #tpu.memory_space<vmem>>) offsets(%dma_start3A_267 : memref<128xi32, #tpu.memory_space<vmem>>) semaphore(%dma_start3A_272 : memref<!tpu.dma_semaphore, #tpu.memory_space<semaphore_mem>>)
    %dma_wait3A_273 = arith.constant 0 : i32
    %dma_wait3A_274 = arith.constant 3 : i32
    %dma_wait3A_275 = arith.constant 3 : i32
    %dma_wait3A_276 = arith.constant 0 : i32
    %dma_wait3A_277 = arith.constant 0 : i32
    %dma_wait3A_278 = tpu.memref_slice %arg9[%dma_wait3A_274, %dma_wait3A_276, %dma_wait3A_277] : memref<5x128x64xf32, #tpu.memory_space<vmem>> -> memref<1x128x64xf32, #tpu.memory_space<vmem>>
    %dma_wait3A_279 = tpu.memref_squeeze %dma_wait3A_278 : memref<1x128x64xf32, #tpu.memory_space<vmem>> -> memref<128x64xf32, #tpu.memory_space<vmem>>
    %dma_wait3A_280 = arith.constant 0 : i32
    %dma_wait3A_281 = tpu.memref_slice %arg7[%dma_wait3A_273, %dma_wait3A_280] : memref<160x128xi32, #tpu.memory_space<vmem>> -> memref<1x128xi32, #tpu.memory_space<vmem>>
    %dma_wait3A_282 = tpu.memref_squeeze %dma_wait3A_281 : memref<1x128xi32, #tpu.memory_space<vmem>> -> memref<128xi32, #tpu.memory_space<vmem>>
    %dma_wait3A_283 = arith.constant 0 : i32
    %dma_wait3A_284 = arith.constant 0 : i32
    %dma_wait3A_285 = tpu.memref_slice %arg2[%dma_wait3A_283, %dma_wait3A_284] : memref<20000x64xf32, #tpu.memory_space<hbm>> -> memref<20000x64xf32, #tpu.memory_space<hbm>>
    %dma_wait3A_286 = tpu.memref_slice %arg11[%dma_wait3A_275] : memref<5x!tpu.dma_semaphore, #tpu.memory_space<semaphore_mem>> -> memref<1x!tpu.dma_semaphore, #tpu.memory_space<semaphore_mem>>
    %dma_wait3A_287 = tpu.memref_squeeze %dma_wait3A_286 : memref<1x!tpu.dma_semaphore, #tpu.memory_space<semaphore_mem>> -> memref<!tpu.dma_semaphore, #tpu.memory_space<semaphore_mem>>
    tpu.wait_indirect_dma semaphore(%dma_wait3A_287 : memref<!tpu.dma_semaphore, #tpu.memory_space<semaphore_mem>>) src(%dma_wait3A_285 : memref<20000x64xf32, #tpu.memory_space<hbm>>) dst(%dma_wait3A_279 : memref<128x64xf32, #tpu.memory_space<vmem>>)
    %dma_start3A_288 = arith.constant 3 : i32
    %dma_start3A_289 = arith.constant 3 : i32
    %dma_start3A_290 = arith.constant 3 : i32
    %dma_start3A_291 = arith.constant 0 : i32
    %dma_start3A_292 = arith.constant 0 : i32
    %dma_start3A_293 = tpu.memref_slice %arg9[%dma_start3A_288, %dma_start3A_291, %dma_start3A_292] : memref<5x128x64xf32, #tpu.memory_space<vmem>> -> memref<1x128x64xf32, #tpu.memory_space<vmem>>
    %dma_start3A_294 = tpu.memref_squeeze %dma_start3A_293 : memref<1x128x64xf32, #tpu.memory_space<vmem>> -> memref<128x64xf32, #tpu.memory_space<vmem>>
    %dma_start3A_295 = arith.constant 0 : i32
    %dma_start3A_296 = tpu.memref_slice %arg8[%dma_start3A_289, %dma_start3A_295] : memref<160x128xi32, #tpu.memory_space<vmem>> -> memref<1x128xi32, #tpu.memory_space<vmem>>
    %dma_start3A_297 = tpu.memref_squeeze %dma_start3A_296 : memref<1x128xi32, #tpu.memory_space<vmem>> -> memref<128xi32, #tpu.memory_space<vmem>>
    %dma_start3A_298 = arith.constant 0 : i32
    %dma_start3A_299 = arith.constant 0 : i32
    %dma_start3A_300 = tpu.memref_slice %arg10[%dma_start3A_298, %dma_start3A_299] : memref<10112x64xf32, #tpu.memory_space<vmem_shared>> -> memref<10112x64xf32, #tpu.memory_space<vmem_shared>>
    %dma_start3A_301 = tpu.memref_slice %arg12[%dma_start3A_290] : memref<5x!tpu.dma_semaphore, #tpu.memory_space<semaphore_mem>> -> memref<1x!tpu.dma_semaphore, #tpu.memory_space<semaphore_mem>>
    %dma_start3A_302 = tpu.memref_squeeze %dma_start3A_301 : memref<1x!tpu.dma_semaphore, #tpu.memory_space<semaphore_mem>> -> memref<!tpu.dma_semaphore, #tpu.memory_space<semaphore_mem>>
    tpu.enqueue_indirect_dma source(%dma_start3A_294 : memref<128x64xf32, #tpu.memory_space<vmem>>) target(%dma_start3A_300 : memref<10112x64xf32, #tpu.memory_space<vmem_shared>>) offsets(%dma_start3A_297 : memref<128xi32, #tpu.memory_space<vmem>>) semaphore(%dma_start3A_302 : memref<!tpu.dma_semaphore, #tpu.memory_space<semaphore_mem>>) {add = true}
    %dma_wait3A_303 = arith.constant 2 : i32
    %dma_wait3A_304 = arith.constant 0 : i32
    %dma_wait3A_305 = arith.constant 2 : i32
    %dma_wait3A_306 = arith.constant 0 : i32
    %dma_wait3A_307 = arith.constant 0 : i32
    %dma_wait3A_308 = tpu.memref_slice %arg9[%dma_wait3A_303, %dma_wait3A_306, %dma_wait3A_307] : memref<5x128x64xf32, #tpu.memory_space<vmem>> -> memref<1x128x64xf32, #tpu.memory_space<vmem>>
    %dma_wait3A_309 = tpu.memref_squeeze %dma_wait3A_308 : memref<1x128x64xf32, #tpu.memory_space<vmem>> -> memref<128x64xf32, #tpu.memory_space<vmem>>
    %dma_wait3A_310 = arith.constant 0 : i32
    %dma_wait3A_311 = tpu.memref_slice %arg8[%dma_wait3A_304, %dma_wait3A_310] : memref<160x128xi32, #tpu.memory_space<vmem>> -> memref<1x128xi32, #tpu.memory_space<vmem>>
    %dma_wait3A_312 = tpu.memref_squeeze %dma_wait3A_311 : memref<1x128xi32, #tpu.memory_space<vmem>> -> memref<128xi32, #tpu.memory_space<vmem>>
    %dma_wait3A_313 = arith.constant 0 : i32
    %dma_wait3A_314 = arith.constant 0 : i32
    %dma_wait3A_315 = tpu.memref_slice %arg10[%dma_wait3A_313, %dma_wait3A_314] : memref<10112x64xf32, #tpu.memory_space<vmem_shared>> -> memref<10112x64xf32, #tpu.memory_space<vmem_shared>>
    %dma_wait3A_316 = tpu.memref_slice %arg12[%dma_wait3A_305] : memref<5x!tpu.dma_semaphore, #tpu.memory_space<semaphore_mem>> -> memref<1x!tpu.dma_semaphore, #tpu.memory_space<semaphore_mem>>
    %dma_wait3A_317 = tpu.memref_squeeze %dma_wait3A_316 : memref<1x!tpu.dma_semaphore, #tpu.memory_space<semaphore_mem>> -> memref<!tpu.dma_semaphore, #tpu.memory_space<semaphore_mem>>
    tpu.wait_indirect_dma semaphore(%dma_wait3A_317 : memref<!tpu.dma_semaphore, #tpu.memory_space<semaphore_mem>>) src(%dma_wait3A_309 : memref<128x64xf32, #tpu.memory_space<vmem>>) dst(%dma_wait3A_315 : memref<10112x64xf32, #tpu.memory_space<vmem_shared>>)
    %dma_start3A_318 = arith.constant 7 : i32
    %dma_start3A_319 = arith.constant 2 : i32
    %dma_start3A_320 = arith.constant 2 : i32
    %dma_start3A_321 = arith.constant 0 : i32
    %dma_start3A_322 = arith.constant 0 : i32
    %dma_start3A_323 = tpu.memref_slice %arg9[%dma_start3A_319, %dma_start3A_321, %dma_start3A_322] : memref<5x128x64xf32, #tpu.memory_space<vmem>> -> memref<1x128x64xf32, #tpu.memory_space<vmem>>
    %dma_start3A_324 = tpu.memref_squeeze %dma_start3A_323 : memref<1x128x64xf32, #tpu.memory_space<vmem>> -> memref<128x64xf32, #tpu.memory_space<vmem>>
    %dma_start3A_325 = arith.constant 0 : i32
    %dma_start3A_326 = tpu.memref_slice %arg7[%dma_start3A_318, %dma_start3A_325] : memref<160x128xi32, #tpu.memory_space<vmem>> -> memref<1x128xi32, #tpu.memory_space<vmem>>
    %dma_start3A_327 = tpu.memref_squeeze %dma_start3A_326 : memref<1x128xi32, #tpu.memory_space<vmem>> -> memref<128xi32, #tpu.memory_space<vmem>>
    %dma_start3A_328 = arith.constant 0 : i32
    %dma_start3A_329 = arith.constant 0 : i32
    %dma_start3A_330 = tpu.memref_slice %arg2[%dma_start3A_328, %dma_start3A_329] : memref<20000x64xf32, #tpu.memory_space<hbm>> -> memref<20000x64xf32, #tpu.memory_space<hbm>>
    %dma_start3A_331 = tpu.memref_slice %arg11[%dma_start3A_320] : memref<5x!tpu.dma_semaphore, #tpu.memory_space<semaphore_mem>> -> memref<1x!tpu.dma_semaphore, #tpu.memory_space<semaphore_mem>>
    %dma_start3A_332 = tpu.memref_squeeze %dma_start3A_331 : memref<1x!tpu.dma_semaphore, #tpu.memory_space<semaphore_mem>> -> memref<!tpu.dma_semaphore, #tpu.memory_space<semaphore_mem>>
    tpu.enqueue_indirect_dma source(%dma_start3A_330 : memref<20000x64xf32, #tpu.memory_space<hbm>>) target(%dma_start3A_324 : memref<128x64xf32, #tpu.memory_space<vmem>>) offsets(%dma_start3A_327 : memref<128xi32, #tpu.memory_space<vmem>>) semaphore(%dma_start3A_332 : memref<!tpu.dma_semaphore, #tpu.memory_space<semaphore_mem>>)
    %dma_wait3A_333 = arith.constant 0 : i32
    %dma_wait3A_334 = arith.constant 4 : i32
    %dma_wait3A_335 = arith.constant 4 : i32
    %dma_wait3A_336 = arith.constant 0 : i32
    %dma_wait3A_337 = arith.constant 0 : i32
    %dma_wait3A_338 = tpu.memref_slice %arg9[%dma_wait3A_334, %dma_wait3A_336, %dma_wait3A_337] : memref<5x128x64xf32, #tpu.memory_space<vmem>> -> memref<1x128x64xf32, #tpu.memory_space<vmem>>
    %dma_wait3A_339 = tpu.memref_squeeze %dma_wait3A_338 : memref<1x128x64xf32, #tpu.memory_space<vmem>> -> memref<128x64xf32, #tpu.memory_space<vmem>>
    %dma_wait3A_340 = arith.constant 0 : i32
    %dma_wait3A_341 = tpu.memref_slice %arg7[%dma_wait3A_333, %dma_wait3A_340] : memref<160x128xi32, #tpu.memory_space<vmem>> -> memref<1x128xi32, #tpu.memory_space<vmem>>
    %dma_wait3A_342 = tpu.memref_squeeze %dma_wait3A_341 : memref<1x128xi32, #tpu.memory_space<vmem>> -> memref<128xi32, #tpu.memory_space<vmem>>
    %dma_wait3A_343 = arith.constant 0 : i32
    %dma_wait3A_344 = arith.constant 0 : i32
    %dma_wait3A_345 = tpu.memref_slice %arg2[%dma_wait3A_343, %dma_wait3A_344] : memref<20000x64xf32, #tpu.memory_space<hbm>> -> memref<20000x64xf32, #tpu.memory_space<hbm>>
    %dma_wait3A_346 = tpu.memref_slice %arg11[%dma_wait3A_335] : memref<5x!tpu.dma_semaphore, #tpu.memory_space<semaphore_mem>> -> memref<1x!tpu.dma_semaphore, #tpu.memory_space<semaphore_mem>>
    %dma_wait3A_347 = tpu.memref_squeeze %dma_wait3A_346 : memref<1x!tpu.dma_semaphore, #tpu.memory_space<semaphore_mem>> -> memref<!tpu.dma_semaphore, #tpu.memory_space<semaphore_mem>>
    tpu.wait_indirect_dma semaphore(%dma_wait3A_347 : memref<!tpu.dma_semaphore, #tpu.memory_space<semaphore_mem>>) src(%dma_wait3A_345 : memref<20000x64xf32, #tpu.memory_space<hbm>>) dst(%dma_wait3A_339 : memref<128x64xf32, #tpu.memory_space<vmem>>)
    %dma_start3A_348 = arith.constant 4 : i32
    %dma_start3A_349 = arith.constant 4 : i32
    %dma_start3A_350 = arith.constant 4 : i32
    %dma_start3A_351 = arith.constant 0 : i32
    %dma_start3A_352 = arith.constant 0 : i32
    %dma_start3A_353 = tpu.memref_slice %arg9[%dma_start3A_348, %dma_start3A_351, %dma_start3A_352] : memref<5x128x64xf32, #tpu.memory_space<vmem>> -> memref<1x128x64xf32, #tpu.memory_space<vmem>>
    %dma_start3A_354 = tpu.memref_squeeze %dma_start3A_353 : memref<1x128x64xf32, #tpu.memory_space<vmem>> -> memref<128x64xf32, #tpu.memory_space<vmem>>
    %dma_start3A_355 = arith.constant 0 : i32
    %dma_start3A_356 = tpu.memref_slice %arg8[%dma_start3A_349, %dma_start3A_355] : memref<160x128xi32, #tpu.memory_space<vmem>> -> memref<1x128xi32, #tpu.memory_space<vmem>>
    %dma_start3A_357 = tpu.memref_squeeze %dma_start3A_356 : memref<1x128xi32, #tpu.memory_space<vmem>> -> memref<128xi32, #tpu.memory_space<vmem>>
    %dma_start3A_358 = arith.constant 0 : i32
    %dma_start3A_359 = arith.constant 0 : i32
    %dma_start3A_360 = tpu.memref_slice %arg10[%dma_start3A_358, %dma_start3A_359] : memref<10112x64xf32, #tpu.memory_space<vmem_shared>> -> memref<10112x64xf32, #tpu.memory_space<vmem_shared>>
    %dma_start3A_361 = tpu.memref_slice %arg12[%dma_start3A_350] : memref<5x!tpu.dma_semaphore, #tpu.memory_space<semaphore_mem>> -> memref<1x!tpu.dma_semaphore, #tpu.memory_space<semaphore_mem>>
    %dma_start3A_362 = tpu.memref_squeeze %dma_start3A_361 : memref<1x!tpu.dma_semaphore, #tpu.memory_space<semaphore_mem>> -> memref<!tpu.dma_semaphore, #tpu.memory_space<semaphore_mem>>
    tpu.enqueue_indirect_dma source(%dma_start3A_354 : memref<128x64xf32, #tpu.memory_space<vmem>>) target(%dma_start3A_360 : memref<10112x64xf32, #tpu.memory_space<vmem_shared>>) offsets(%dma_start3A_357 : memref<128xi32, #tpu.memory_space<vmem>>) semaphore(%dma_start3A_362 : memref<!tpu.dma_semaphore, #tpu.memory_space<semaphore_mem>>) {add = true}
    %dma_wait3A_363 = arith.constant 3 : i32
    %dma_wait3A_364 = arith.constant 0 : i32
    %dma_wait3A_365 = arith.constant 3 : i32
    %dma_wait3A_366 = arith.constant 0 : i32
    %dma_wait3A_367 = arith.constant 0 : i32
    %dma_wait3A_368 = tpu.memref_slice %arg9[%dma_wait3A_363, %dma_wait3A_366, %dma_wait3A_367] : memref<5x128x64xf32, #tpu.memory_space<vmem>> -> memref<1x128x64xf32, #tpu.memory_space<vmem>>
    %dma_wait3A_369 = tpu.memref_squeeze %dma_wait3A_368 : memref<1x128x64xf32, #tpu.memory_space<vmem>> -> memref<128x64xf32, #tpu.memory_space<vmem>>
    %dma_wait3A_370 = arith.constant 0 : i32
    %dma_wait3A_371 = tpu.memref_slice %arg8[%dma_wait3A_364, %dma_wait3A_370] : memref<160x128xi32, #tpu.memory_space<vmem>> -> memref<1x128xi32, #tpu.memory_space<vmem>>
    %dma_wait3A_372 = tpu.memref_squeeze %dma_wait3A_371 : memref<1x128xi32, #tpu.memory_space<vmem>> -> memref<128xi32, #tpu.memory_space<vmem>>
    %dma_wait3A_373 = arith.constant 0 : i32
    %dma_wait3A_374 = arith.constant 0 : i32
    %dma_wait3A_375 = tpu.memref_slice %arg10[%dma_wait3A_373, %dma_wait3A_374] : memref<10112x64xf32, #tpu.memory_space<vmem_shared>> -> memref<10112x64xf32, #tpu.memory_space<vmem_shared>>
    %dma_wait3A_376 = tpu.memref_slice %arg12[%dma_wait3A_365] : memref<5x!tpu.dma_semaphore, #tpu.memory_space<semaphore_mem>> -> memref<1x!tpu.dma_semaphore, #tpu.memory_space<semaphore_mem>>
    %dma_wait3A_377 = tpu.memref_squeeze %dma_wait3A_376 : memref<1x!tpu.dma_semaphore, #tpu.memory_space<semaphore_mem>> -> memref<!tpu.dma_semaphore, #tpu.memory_space<semaphore_mem>>
    tpu.wait_indirect_dma semaphore(%dma_wait3A_377 : memref<!tpu.dma_semaphore, #tpu.memory_space<semaphore_mem>>) src(%dma_wait3A_369 : memref<128x64xf32, #tpu.memory_space<vmem>>) dst(%dma_wait3A_375 : memref<10112x64xf32, #tpu.memory_space<vmem_shared>>)
    %dma_start3A_378 = arith.constant 8 : i32
    %dma_start3A_379 = arith.constant 3 : i32
    %dma_start3A_380 = arith.constant 3 : i32
    %dma_start3A_381 = arith.constant 0 : i32
    %dma_start3A_382 = arith.constant 0 : i32
    %dma_start3A_383 = tpu.memref_slice %arg9[%dma_start3A_379, %dma_start3A_381, %dma_start3A_382] : memref<5x128x64xf32, #tpu.memory_space<vmem>> -> memref<1x128x64xf32, #tpu.memory_space<vmem>>
    %dma_start3A_384 = tpu.memref_squeeze %dma_start3A_383 : memref<1x128x64xf32, #tpu.memory_space<vmem>> -> memref<128x64xf32, #tpu.memory_space<vmem>>
    %dma_start3A_385 = arith.constant 0 : i32
    %dma_start3A_386 = tpu.memref_slice %arg7[%dma_start3A_378, %dma_start3A_385] : memref<160x128xi32, #tpu.memory_space<vmem>> -> memref<1x128xi32, #tpu.memory_space<vmem>>
    %dma_start3A_387 = tpu.memref_squeeze %dma_start3A_386 : memref<1x128xi32, #tpu.memory_space<vmem>> -> memref<128xi32, #tpu.memory_space<vmem>>
    %dma_start3A_388 = arith.constant 0 : i32
    %dma_start3A_389 = arith.constant 0 : i32
    %dma_start3A_390 = tpu.memref_slice %arg2[%dma_start3A_388, %dma_start3A_389] : memref<20000x64xf32, #tpu.memory_space<hbm>> -> memref<20000x64xf32, #tpu.memory_space<hbm>>
    %dma_start3A_391 = tpu.memref_slice %arg11[%dma_start3A_380] : memref<5x!tpu.dma_semaphore, #tpu.memory_space<semaphore_mem>> -> memref<1x!tpu.dma_semaphore, #tpu.memory_space<semaphore_mem>>
    %dma_start3A_392 = tpu.memref_squeeze %dma_start3A_391 : memref<1x!tpu.dma_semaphore, #tpu.memory_space<semaphore_mem>> -> memref<!tpu.dma_semaphore, #tpu.memory_space<semaphore_mem>>
    tpu.enqueue_indirect_dma source(%dma_start3A_390 : memref<20000x64xf32, #tpu.memory_space<hbm>>) target(%dma_start3A_384 : memref<128x64xf32, #tpu.memory_space<vmem>>) offsets(%dma_start3A_387 : memref<128xi32, #tpu.memory_space<vmem>>) semaphore(%dma_start3A_392 : memref<!tpu.dma_semaphore, #tpu.memory_space<semaphore_mem>>)
    %scan3A = arith.constant 0 : i32
    %scan3A_393 = arith.constant 1 : i32
    %scan3A_394 = arith.constant 30 : i32
    %scan3A_395 = arith.addi %scan3A_393, %scan3A_394 : i32
    %scan3A_396 = arith.constant 1 : i32
    scf.for %scan3A_657 = %scan3A_393 to %scan3A_395 step %scan3A_396  : i32 {
      %mul3A_658 = arith.constant 5 : i32
      %mul3A_659 = arith.muli %mul3A_658, %scan3A_657 : i32
      %add3A = arith.constant 0 : i32
      %add3A_660 = arith.addi %mul3A_659, %add3A : i32
      %dma_wait3A_661 = arith.constant 0 : i32
      %dma_wait3A_662 = arith.constant 0 : i32
      %dma_wait3A_663 = arith.constant 0 : i32
      %dma_wait3A_664 = arith.constant 0 : i32
      %dma_wait3A_665 = arith.constant 0 : i32
      %dma_wait3A_666 = tpu.memref_slice %arg9[%dma_wait3A_662, %dma_wait3A_664, %dma_wait3A_665] : memref<5x128x64xf32, #tpu.memory_space<vmem>> -> memref<1x128x64xf32, #tpu.memory_space<vmem>>
      %dma_wait3A_667 = tpu.memref_squeeze %dma_wait3A_666 : memref<1x128x64xf32, #tpu.memory_space<vmem>> -> memref<128x64xf32, #tpu.memory_space<vmem>>
      %dma_wait3A_668 = arith.constant 0 : i32
      %dma_wait3A_669 = tpu.memref_slice %arg7[%dma_wait3A_661, %dma_wait3A_668] : memref<160x128xi32, #tpu.memory_space<vmem>> -> memref<1x128xi32, #tpu.memory_space<vmem>>
      %dma_wait3A_670 = tpu.memref_squeeze %dma_wait3A_669 : memref<1x128xi32, #tpu.memory_space<vmem>> -> memref<128xi32, #tpu.memory_space<vmem>>
      %dma_wait3A_671 = arith.constant 0 : i32
      %dma_wait3A_672 = arith.constant 0 : i32
      %dma_wait3A_673 = tpu.memref_slice %arg2[%dma_wait3A_671, %dma_wait3A_672] : memref<20000x64xf32, #tpu.memory_space<hbm>> -> memref<20000x64xf32, #tpu.memory_space<hbm>>
      %dma_wait3A_674 = tpu.memref_slice %arg11[%dma_wait3A_663] : memref<5x!tpu.dma_semaphore, #tpu.memory_space<semaphore_mem>> -> memref<1x!tpu.dma_semaphore, #tpu.memory_space<semaphore_mem>>
      %dma_wait3A_675 = tpu.memref_squeeze %dma_wait3A_674 : memref<1x!tpu.dma_semaphore, #tpu.memory_space<semaphore_mem>> -> memref<!tpu.dma_semaphore, #tpu.memory_space<semaphore_mem>>
      tpu.wait_indirect_dma semaphore(%dma_wait3A_675 : memref<!tpu.dma_semaphore, #tpu.memory_space<semaphore_mem>>) src(%dma_wait3A_673 : memref<20000x64xf32, #tpu.memory_space<hbm>>) dst(%dma_wait3A_667 : memref<128x64xf32, #tpu.memory_space<vmem>>)
      %dma_start3A_676 = arith.constant 0 : i32
      %dma_start3A_677 = arith.constant 0 : i32
      %dma_start3A_678 = arith.constant 0 : i32
      %dma_start3A_679 = arith.constant 0 : i32
      %dma_start3A_680 = tpu.memref_slice %arg9[%dma_start3A_676, %dma_start3A_678, %dma_start3A_679] : memref<5x128x64xf32, #tpu.memory_space<vmem>> -> memref<1x128x64xf32, #tpu.memory_space<vmem>>
      %dma_start3A_681 = tpu.memref_squeeze %dma_start3A_680 : memref<1x128x64xf32, #tpu.memory_space<vmem>> -> memref<128x64xf32, #tpu.memory_space<vmem>>
      %dma_start3A_682 = arith.constant 0 : i32
      %dma_start3A_683 = tpu.memref_slice %arg8[%add3A_660, %dma_start3A_682] : memref<160x128xi32, #tpu.memory_space<vmem>> -> memref<1x128xi32, #tpu.memory_space<vmem>>
      %dma_start3A_684 = tpu.memref_squeeze %dma_start3A_683 : memref<1x128xi32, #tpu.memory_space<vmem>> -> memref<128xi32, #tpu.memory_space<vmem>>
      %dma_start3A_685 = arith.constant 0 : i32
      %dma_start3A_686 = arith.constant 0 : i32
      %dma_start3A_687 = tpu.memref_slice %arg10[%dma_start3A_685, %dma_start3A_686] : memref<10112x64xf32, #tpu.memory_space<vmem_shared>> -> memref<10112x64xf32, #tpu.memory_space<vmem_shared>>
      %dma_start3A_688 = tpu.memref_slice %arg12[%dma_start3A_677] : memref<5x!tpu.dma_semaphore, #tpu.memory_space<semaphore_mem>> -> memref<1x!tpu.dma_semaphore, #tpu.memory_space<semaphore_mem>>
      %dma_start3A_689 = tpu.memref_squeeze %dma_start3A_688 : memref<1x!tpu.dma_semaphore, #tpu.memory_space<semaphore_mem>> -> memref<!tpu.dma_semaphore, #tpu.memory_space<semaphore_mem>>
      tpu.enqueue_indirect_dma source(%dma_start3A_681 : memref<128x64xf32, #tpu.memory_space<vmem>>) target(%dma_start3A_687 : memref<10112x64xf32, #tpu.memory_space<vmem_shared>>) offsets(%dma_start3A_684 : memref<128xi32, #tpu.memory_space<vmem>>) semaphore(%dma_start3A_689 : memref<!tpu.dma_semaphore, #tpu.memory_space<semaphore_mem>>) {add = true}
      %dma_wait3A_690 = arith.constant 4 : i32
      %dma_wait3A_691 = arith.constant 0 : i32
      %dma_wait3A_692 = arith.constant 4 : i32
      %dma_wait3A_693 = arith.constant 0 : i32
      %dma_wait3A_694 = arith.constant 0 : i32
      %dma_wait3A_695 = tpu.memref_slice %arg9[%dma_wait3A_690, %dma_wait3A_693, %dma_wait3A_694] : memref<5x128x64xf32, #tpu.memory_space<vmem>> -> memref<1x128x64xf32, #tpu.memory_space<vmem>>
      %dma_wait3A_696 = tpu.memref_squeeze %dma_wait3A_695 : memref<1x128x64xf32, #tpu.memory_space<vmem>> -> memref<128x64xf32, #tpu.memory_space<vmem>>
      %dma_wait3A_697 = arith.constant 0 : i32
      %dma_wait3A_698 = tpu.memref_slice %arg8[%dma_wait3A_691, %dma_wait3A_697] : memref<160x128xi32, #tpu.memory_space<vmem>> -> memref<1x128xi32, #tpu.memory_space<vmem>>
      %dma_wait3A_699 = tpu.memref_squeeze %dma_wait3A_698 : memref<1x128xi32, #tpu.memory_space<vmem>> -> memref<128xi32, #tpu.memory_space<vmem>>
      %dma_wait3A_700 = arith.constant 0 : i32
      %dma_wait3A_701 = arith.constant 0 : i32
      %dma_wait3A_702 = tpu.memref_slice %arg10[%dma_wait3A_700, %dma_wait3A_701] : memref<10112x64xf32, #tpu.memory_space<vmem_shared>> -> memref<10112x64xf32, #tpu.memory_space<vmem_shared>>
      %dma_wait3A_703 = tpu.memref_slice %arg12[%dma_wait3A_692] : memref<5x!tpu.dma_semaphore, #tpu.memory_space<semaphore_mem>> -> memref<1x!tpu.dma_semaphore, #tpu.memory_space<semaphore_mem>>
      %dma_wait3A_704 = tpu.memref_squeeze %dma_wait3A_703 : memref<1x!tpu.dma_semaphore, #tpu.memory_space<semaphore_mem>> -> memref<!tpu.dma_semaphore, #tpu.memory_space<semaphore_mem>>
      tpu.wait_indirect_dma semaphore(%dma_wait3A_704 : memref<!tpu.dma_semaphore, #tpu.memory_space<semaphore_mem>>) src(%dma_wait3A_696 : memref<128x64xf32, #tpu.memory_space<vmem>>) dst(%dma_wait3A_702 : memref<10112x64xf32, #tpu.memory_space<vmem_shared>>)
      %add3A_705 = arith.constant 4 : i32
      %add3A_706 = arith.addi %add3A_660, %add3A_705 : i32
      %dma_start3A_707 = arith.constant 4 : i32
      %dma_start3A_708 = arith.constant 4 : i32
      %dma_start3A_709 = arith.constant 0 : i32
      %dma_start3A_710 = arith.constant 0 : i32
      %dma_start3A_711 = tpu.memref_slice %arg9[%dma_start3A_707, %dma_start3A_709, %dma_start3A_710] : memref<5x128x64xf32, #tpu.memory_space<vmem>> -> memref<1x128x64xf32, #tpu.memory_space<vmem>>
      %dma_start3A_712 = tpu.memref_squeeze %dma_start3A_711 : memref<1x128x64xf32, #tpu.memory_space<vmem>> -> memref<128x64xf32, #tpu.memory_space<vmem>>
      %dma_start3A_713 = arith.constant 0 : i32
      %dma_start3A_714 = tpu.memref_slice %arg7[%add3A_706, %dma_start3A_713] : memref<160x128xi32, #tpu.memory_space<vmem>> -> memref<1x128xi32, #tpu.memory_space<vmem>>
      %dma_start3A_715 = tpu.memref_squeeze %dma_start3A_714 : memref<1x128xi32, #tpu.memory_space<vmem>> -> memref<128xi32, #tpu.memory_space<vmem>>
      %dma_start3A_716 = arith.constant 0 : i32
      %dma_start3A_717 = arith.constant 0 : i32
      %dma_start3A_718 = tpu.memref_slice %arg2[%dma_start3A_716, %dma_start3A_717] : memref<20000x64xf32, #tpu.memory_space<hbm>> -> memref<20000x64xf32, #tpu.memory_space<hbm>>
      %dma_start3A_719 = tpu.memref_slice %arg11[%dma_start3A_708] : memref<5x!tpu.dma_semaphore, #tpu.memory_space<semaphore_mem>> -> memref<1x!tpu.dma_semaphore, #tpu.memory_space<semaphore_mem>>
      %dma_start3A_720 = tpu.memref_squeeze %dma_start3A_719 : memref<1x!tpu.dma_semaphore, #tpu.memory_space<semaphore_mem>> -> memref<!tpu.dma_semaphore, #tpu.memory_space<semaphore_mem>>
      tpu.enqueue_indirect_dma source(%dma_start3A_718 : memref<20000x64xf32, #tpu.memory_space<hbm>>) target(%dma_start3A_712 : memref<128x64xf32, #tpu.memory_space<vmem>>) offsets(%dma_start3A_715 : memref<128xi32, #tpu.memory_space<vmem>>) semaphore(%dma_start3A_720 : memref<!tpu.dma_semaphore, #tpu.memory_space<semaphore_mem>>)
      %mul3A_721 = arith.constant 5 : i32
      %mul3A_722 = arith.muli %mul3A_721, %scan3A_657 : i32
      %add3A_723 = arith.constant 1 : i32
      %add3A_724 = arith.addi %mul3A_722, %add3A_723 : i32
      %dma_wait3A_725 = arith.constant 0 : i32
      %dma_wait3A_726 = arith.constant 1 : i32
      %dma_wait3A_727 = arith.constant 1 : i32
      %dma_wait3A_728 = arith.constant 0 : i32
      %dma_wait3A_729 = arith.constant 0 : i32
      %dma_wait3A_730 = tpu.memref_slice %arg9[%dma_wait3A_726, %dma_wait3A_728, %dma_wait3A_729] : memref<5x128x64xf32, #tpu.memory_space<vmem>> -> memref<1x128x64xf32, #tpu.memory_space<vmem>>
      %dma_wait3A_731 = tpu.memref_squeeze %dma_wait3A_730 : memref<1x128x64xf32, #tpu.memory_space<vmem>> -> memref<128x64xf32, #tpu.memory_space<vmem>>
      %dma_wait3A_732 = arith.constant 0 : i32
      %dma_wait3A_733 = tpu.memref_slice %arg7[%dma_wait3A_725, %dma_wait3A_732] : memref<160x128xi32, #tpu.memory_space<vmem>> -> memref<1x128xi32, #tpu.memory_space<vmem>>
      %dma_wait3A_734 = tpu.memref_squeeze %dma_wait3A_733 : memref<1x128xi32, #tpu.memory_space<vmem>> -> memref<128xi32, #tpu.memory_space<vmem>>
      %dma_wait3A_735 = arith.constant 0 : i32
      %dma_wait3A_736 = arith.constant 0 : i32
      %dma_wait3A_737 = tpu.memref_slice %arg2[%dma_wait3A_735, %dma_wait3A_736] : memref<20000x64xf32, #tpu.memory_space<hbm>> -> memref<20000x64xf32, #tpu.memory_space<hbm>>
      %dma_wait3A_738 = tpu.memref_slice %arg11[%dma_wait3A_727] : memref<5x!tpu.dma_semaphore, #tpu.memory_space<semaphore_mem>> -> memref<1x!tpu.dma_semaphore, #tpu.memory_space<semaphore_mem>>
      %dma_wait3A_739 = tpu.memref_squeeze %dma_wait3A_738 : memref<1x!tpu.dma_semaphore, #tpu.memory_space<semaphore_mem>> -> memref<!tpu.dma_semaphore, #tpu.memory_space<semaphore_mem>>
      tpu.wait_indirect_dma semaphore(%dma_wait3A_739 : memref<!tpu.dma_semaphore, #tpu.memory_space<semaphore_mem>>) src(%dma_wait3A_737 : memref<20000x64xf32, #tpu.memory_space<hbm>>) dst(%dma_wait3A_731 : memref<128x64xf32, #tpu.memory_space<vmem>>)
      %dma_start3A_740 = arith.constant 1 : i32
      %dma_start3A_741 = arith.constant 1 : i32
      %dma_start3A_742 = arith.constant 0 : i32
      %dma_start3A_743 = arith.constant 0 : i32
      %dma_start3A_744 = tpu.memref_slice %arg9[%dma_start3A_740, %dma_start3A_742, %dma_start3A_743] : memref<5x128x64xf32, #tpu.memory_space<vmem>> -> memref<1x128x64xf32, #tpu.memory_space<vmem>>
      %dma_start3A_745 = tpu.memref_squeeze %dma_start3A_744 : memref<1x128x64xf32, #tpu.memory_space<vmem>> -> memref<128x64xf32, #tpu.memory_space<vmem>>
      %dma_start3A_746 = arith.constant 0 : i32
      %dma_start3A_747 = tpu.memref_slice %arg8[%add3A_724, %dma_start3A_746] : memref<160x128xi32, #tpu.memory_space<vmem>> -> memref<1x128xi32, #tpu.memory_space<vmem>>
      %dma_start3A_748 = tpu.memref_squeeze %dma_start3A_747 : memref<1x128xi32, #tpu.memory_space<vmem>> -> memref<128xi32, #tpu.memory_space<vmem>>
      %dma_start3A_749 = arith.constant 0 : i32
      %dma_start3A_750 = arith.constant 0 : i32
      %dma_start3A_751 = tpu.memref_slice %arg10[%dma_start3A_749, %dma_start3A_750] : memref<10112x64xf32, #tpu.memory_space<vmem_shared>> -> memref<10112x64xf32, #tpu.memory_space<vmem_shared>>
      %dma_start3A_752 = tpu.memref_slice %arg12[%dma_start3A_741] : memref<5x!tpu.dma_semaphore, #tpu.memory_space<semaphore_mem>> -> memref<1x!tpu.dma_semaphore, #tpu.memory_space<semaphore_mem>>
      %dma_start3A_753 = tpu.memref_squeeze %dma_start3A_752 : memref<1x!tpu.dma_semaphore, #tpu.memory_space<semaphore_mem>> -> memref<!tpu.dma_semaphore, #tpu.memory_space<semaphore_mem>>
      tpu.enqueue_indirect_dma source(%dma_start3A_745 : memref<128x64xf32, #tpu.memory_space<vmem>>) target(%dma_start3A_751 : memref<10112x64xf32, #tpu.memory_space<vmem_shared>>) offsets(%dma_start3A_748 : memref<128xi32, #tpu.memory_space<vmem>>) semaphore(%dma_start3A_753 : memref<!tpu.dma_semaphore, #tpu.memory_space<semaphore_mem>>) {add = true}
      %dma_wait3A_754 = arith.constant 0 : i32
      %dma_wait3A_755 = arith.constant 0 : i32
      %dma_wait3A_756 = arith.constant 0 : i32
      %dma_wait3A_757 = arith.constant 0 : i32
      %dma_wait3A_758 = arith.constant 0 : i32
      %dma_wait3A_759 = tpu.memref_slice %arg9[%dma_wait3A_754, %dma_wait3A_757, %dma_wait3A_758] : memref<5x128x64xf32, #tpu.memory_space<vmem>> -> memref<1x128x64xf32, #tpu.memory_space<vmem>>
      %dma_wait3A_760 = tpu.memref_squeeze %dma_wait3A_759 : memref<1x128x64xf32, #tpu.memory_space<vmem>> -> memref<128x64xf32, #tpu.memory_space<vmem>>
      %dma_wait3A_761 = arith.constant 0 : i32
      %dma_wait3A_762 = tpu.memref_slice %arg8[%dma_wait3A_755, %dma_wait3A_761] : memref<160x128xi32, #tpu.memory_space<vmem>> -> memref<1x128xi32, #tpu.memory_space<vmem>>
      %dma_wait3A_763 = tpu.memref_squeeze %dma_wait3A_762 : memref<1x128xi32, #tpu.memory_space<vmem>> -> memref<128xi32, #tpu.memory_space<vmem>>
      %dma_wait3A_764 = arith.constant 0 : i32
      %dma_wait3A_765 = arith.constant 0 : i32
      %dma_wait3A_766 = tpu.memref_slice %arg10[%dma_wait3A_764, %dma_wait3A_765] : memref<10112x64xf32, #tpu.memory_space<vmem_shared>> -> memref<10112x64xf32, #tpu.memory_space<vmem_shared>>
      %dma_wait3A_767 = tpu.memref_slice %arg12[%dma_wait3A_756] : memref<5x!tpu.dma_semaphore, #tpu.memory_space<semaphore_mem>> -> memref<1x!tpu.dma_semaphore, #tpu.memory_space<semaphore_mem>>
      %dma_wait3A_768 = tpu.memref_squeeze %dma_wait3A_767 : memref<1x!tpu.dma_semaphore, #tpu.memory_space<semaphore_mem>> -> memref<!tpu.dma_semaphore, #tpu.memory_space<semaphore_mem>>
      tpu.wait_indirect_dma semaphore(%dma_wait3A_768 : memref<!tpu.dma_semaphore, #tpu.memory_space<semaphore_mem>>) src(%dma_wait3A_760 : memref<128x64xf32, #tpu.memory_space<vmem>>) dst(%dma_wait3A_766 : memref<10112x64xf32, #tpu.memory_space<vmem_shared>>)
      %add3A_769 = arith.constant 4 : i32
      %add3A_770 = arith.addi %add3A_724, %add3A_769 : i32
      %dma_start3A_771 = arith.constant 0 : i32
      %dma_start3A_772 = arith.constant 0 : i32
      %dma_start3A_773 = arith.constant 0 : i32
      %dma_start3A_774 = arith.constant 0 : i32
      %dma_start3A_775 = tpu.memref_slice %arg9[%dma_start3A_771, %dma_start3A_773, %dma_start3A_774] : memref<5x128x64xf32, #tpu.memory_space<vmem>> -> memref<1x128x64xf32, #tpu.memory_space<vmem>>
      %dma_start3A_776 = tpu.memref_squeeze %dma_start3A_775 : memref<1x128x64xf32, #tpu.memory_space<vmem>> -> memref<128x64xf32, #tpu.memory_space<vmem>>
      %dma_start3A_777 = arith.constant 0 : i32
      %dma_start3A_778 = tpu.memref_slice %arg7[%add3A_770, %dma_start3A_777] : memref<160x128xi32, #tpu.memory_space<vmem>> -> memref<1x128xi32, #tpu.memory_space<vmem>>
      %dma_start3A_779 = tpu.memref_squeeze %dma_start3A_778 : memref<1x128xi32, #tpu.memory_space<vmem>> -> memref<128xi32, #tpu.memory_space<vmem>>
      %dma_start3A_780 = arith.constant 0 : i32
      %dma_start3A_781 = arith.constant 0 : i32
      %dma_start3A_782 = tpu.memref_slice %arg2[%dma_start3A_780, %dma_start3A_781] : memref<20000x64xf32, #tpu.memory_space<hbm>> -> memref<20000x64xf32, #tpu.memory_space<hbm>>
      %dma_start3A_783 = tpu.memref_slice %arg11[%dma_start3A_772] : memref<5x!tpu.dma_semaphore, #tpu.memory_space<semaphore_mem>> -> memref<1x!tpu.dma_semaphore, #tpu.memory_space<semaphore_mem>>
      %dma_start3A_784 = tpu.memref_squeeze %dma_start3A_783 : memref<1x!tpu.dma_semaphore, #tpu.memory_space<semaphore_mem>> -> memref<!tpu.dma_semaphore, #tpu.memory_space<semaphore_mem>>
      tpu.enqueue_indirect_dma source(%dma_start3A_782 : memref<20000x64xf32, #tpu.memory_space<hbm>>) target(%dma_start3A_776 : memref<128x64xf32, #tpu.memory_space<vmem>>) offsets(%dma_start3A_779 : memref<128xi32, #tpu.memory_space<vmem>>) semaphore(%dma_start3A_784 : memref<!tpu.dma_semaphore, #tpu.memory_space<semaphore_mem>>)
      %mul3A_785 = arith.constant 5 : i32
      %mul3A_786 = arith.muli %mul3A_785, %scan3A_657 : i32
      %add3A_787 = arith.constant 2 : i32
      %add3A_788 = arith.addi %mul3A_786, %add3A_787 : i32
      %dma_wait3A_789 = arith.constant 0 : i32
      %dma_wait3A_790 = arith.constant 2 : i32
      %dma_wait3A_791 = arith.constant 2 : i32
      %dma_wait3A_792 = arith.constant 0 : i32
      %dma_wait3A_793 = arith.constant 0 : i32
      %dma_wait3A_794 = tpu.memref_slice %arg9[%dma_wait3A_790, %dma_wait3A_792, %dma_wait3A_793] : memref<5x128x64xf32, #tpu.memory_space<vmem>> -> memref<1x128x64xf32, #tpu.memory_space<vmem>>
      %dma_wait3A_795 = tpu.memref_squeeze %dma_wait3A_794 : memref<1x128x64xf32, #tpu.memory_space<vmem>> -> memref<128x64xf32, #tpu.memory_space<vmem>>
      %dma_wait3A_796 = arith.constant 0 : i32
      %dma_wait3A_797 = tpu.memref_slice %arg7[%dma_wait3A_789, %dma_wait3A_796] : memref<160x128xi32, #tpu.memory_space<vmem>> -> memref<1x128xi32, #tpu.memory_space<vmem>>
      %dma_wait3A_798 = tpu.memref_squeeze %dma_wait3A_797 : memref<1x128xi32, #tpu.memory_space<vmem>> -> memref<128xi32, #tpu.memory_space<vmem>>
      %dma_wait3A_799 = arith.constant 0 : i32
      %dma_wait3A_800 = arith.constant 0 : i32
      %dma_wait3A_801 = tpu.memref_slice %arg2[%dma_wait3A_799, %dma_wait3A_800] : memref<20000x64xf32, #tpu.memory_space<hbm>> -> memref<20000x64xf32, #tpu.memory_space<hbm>>
      %dma_wait3A_802 = tpu.memref_slice %arg11[%dma_wait3A_791] : memref<5x!tpu.dma_semaphore, #tpu.memory_space<semaphore_mem>> -> memref<1x!tpu.dma_semaphore, #tpu.memory_space<semaphore_mem>>
      %dma_wait3A_803 = tpu.memref_squeeze %dma_wait3A_802 : memref<1x!tpu.dma_semaphore, #tpu.memory_space<semaphore_mem>> -> memref<!tpu.dma_semaphore, #tpu.memory_space<semaphore_mem>>
      tpu.wait_indirect_dma semaphore(%dma_wait3A_803 : memref<!tpu.dma_semaphore, #tpu.memory_space<semaphore_mem>>) src(%dma_wait3A_801 : memref<20000x64xf32, #tpu.memory_space<hbm>>) dst(%dma_wait3A_795 : memref<128x64xf32, #tpu.memory_space<vmem>>)
      %dma_start3A_804 = arith.constant 2 : i32
      %dma_start3A_805 = arith.constant 2 : i32
      %dma_start3A_806 = arith.constant 0 : i32
      %dma_start3A_807 = arith.constant 0 : i32
      %dma_start3A_808 = tpu.memref_slice %arg9[%dma_start3A_804, %dma_start3A_806, %dma_start3A_807] : memref<5x128x64xf32, #tpu.memory_space<vmem>> -> memref<1x128x64xf32, #tpu.memory_space<vmem>>
      %dma_start3A_809 = tpu.memref_squeeze %dma_start3A_808 : memref<1x128x64xf32, #tpu.memory_space<vmem>> -> memref<128x64xf32, #tpu.memory_space<vmem>>
      %dma_start3A_810 = arith.constant 0 : i32
      %dma_start3A_811 = tpu.memref_slice %arg8[%add3A_788, %dma_start3A_810] : memref<160x128xi32, #tpu.memory_space<vmem>> -> memref<1x128xi32, #tpu.memory_space<vmem>>
      %dma_start3A_812 = tpu.memref_squeeze %dma_start3A_811 : memref<1x128xi32, #tpu.memory_space<vmem>> -> memref<128xi32, #tpu.memory_space<vmem>>
      %dma_start3A_813 = arith.constant 0 : i32
      %dma_start3A_814 = arith.constant 0 : i32
      %dma_start3A_815 = tpu.memref_slice %arg10[%dma_start3A_813, %dma_start3A_814] : memref<10112x64xf32, #tpu.memory_space<vmem_shared>> -> memref<10112x64xf32, #tpu.memory_space<vmem_shared>>
      %dma_start3A_816 = tpu.memref_slice %arg12[%dma_start3A_805] : memref<5x!tpu.dma_semaphore, #tpu.memory_space<semaphore_mem>> -> memref<1x!tpu.dma_semaphore, #tpu.memory_space<semaphore_mem>>
      %dma_start3A_817 = tpu.memref_squeeze %dma_start3A_816 : memref<1x!tpu.dma_semaphore, #tpu.memory_space<semaphore_mem>> -> memref<!tpu.dma_semaphore, #tpu.memory_space<semaphore_mem>>
      tpu.enqueue_indirect_dma source(%dma_start3A_809 : memref<128x64xf32, #tpu.memory_space<vmem>>) target(%dma_start3A_815 : memref<10112x64xf32, #tpu.memory_space<vmem_shared>>) offsets(%dma_start3A_812 : memref<128xi32, #tpu.memory_space<vmem>>) semaphore(%dma_start3A_817 : memref<!tpu.dma_semaphore, #tpu.memory_space<semaphore_mem>>) {add = true}
      %dma_wait3A_818 = arith.constant 1 : i32
      %dma_wait3A_819 = arith.constant 0 : i32
      %dma_wait3A_820 = arith.constant 1 : i32
      %dma_wait3A_821 = arith.constant 0 : i32
      %dma_wait3A_822 = arith.constant 0 : i32
      %dma_wait3A_823 = tpu.memref_slice %arg9[%dma_wait3A_818, %dma_wait3A_821, %dma_wait3A_822] : memref<5x128x64xf32, #tpu.memory_space<vmem>> -> memref<1x128x64xf32, #tpu.memory_space<vmem>>
      %dma_wait3A_824 = tpu.memref_squeeze %dma_wait3A_823 : memref<1x128x64xf32, #tpu.memory_space<vmem>> -> memref<128x64xf32, #tpu.memory_space<vmem>>
      %dma_wait3A_825 = arith.constant 0 : i32
      %dma_wait3A_826 = tpu.memref_slice %arg8[%dma_wait3A_819, %dma_wait3A_825] : memref<160x128xi32, #tpu.memory_space<vmem>> -> memref<1x128xi32, #tpu.memory_space<vmem>>
      %dma_wait3A_827 = tpu.memref_squeeze %dma_wait3A_826 : memref<1x128xi32, #tpu.memory_space<vmem>> -> memref<128xi32, #tpu.memory_space<vmem>>
      %dma_wait3A_828 = arith.constant 0 : i32
      %dma_wait3A_829 = arith.constant 0 : i32
      %dma_wait3A_830 = tpu.memref_slice %arg10[%dma_wait3A_828, %dma_wait3A_829] : memref<10112x64xf32, #tpu.memory_space<vmem_shared>> -> memref<10112x64xf32, #tpu.memory_space<vmem_shared>>
      %dma_wait3A_831 = tpu.memref_slice %arg12[%dma_wait3A_820] : memref<5x!tpu.dma_semaphore, #tpu.memory_space<semaphore_mem>> -> memref<1x!tpu.dma_semaphore, #tpu.memory_space<semaphore_mem>>
      %dma_wait3A_832 = tpu.memref_squeeze %dma_wait3A_831 : memref<1x!tpu.dma_semaphore, #tpu.memory_space<semaphore_mem>> -> memref<!tpu.dma_semaphore, #tpu.memory_space<semaphore_mem>>
      tpu.wait_indirect_dma semaphore(%dma_wait3A_832 : memref<!tpu.dma_semaphore, #tpu.memory_space<semaphore_mem>>) src(%dma_wait3A_824 : memref<128x64xf32, #tpu.memory_space<vmem>>) dst(%dma_wait3A_830 : memref<10112x64xf32, #tpu.memory_space<vmem_shared>>)
      %add3A_833 = arith.constant 4 : i32
      %add3A_834 = arith.addi %add3A_788, %add3A_833 : i32
      %dma_start3A_835 = arith.constant 1 : i32
      %dma_start3A_836 = arith.constant 1 : i32
      %dma_start3A_837 = arith.constant 0 : i32
      %dma_start3A_838 = arith.constant 0 : i32
      %dma_start3A_839 = tpu.memref_slice %arg9[%dma_start3A_835, %dma_start3A_837, %dma_start3A_838] : memref<5x128x64xf32, #tpu.memory_space<vmem>> -> memref<1x128x64xf32, #tpu.memory_space<vmem>>
      %dma_start3A_840 = tpu.memref_squeeze %dma_start3A_839 : memref<1x128x64xf32, #tpu.memory_space<vmem>> -> memref<128x64xf32, #tpu.memory_space<vmem>>
      %dma_start3A_841 = arith.constant 0 : i32
      %dma_start3A_842 = tpu.memref_slice %arg7[%add3A_834, %dma_start3A_841] : memref<160x128xi32, #tpu.memory_space<vmem>> -> memref<1x128xi32, #tpu.memory_space<vmem>>
      %dma_start3A_843 = tpu.memref_squeeze %dma_start3A_842 : memref<1x128xi32, #tpu.memory_space<vmem>> -> memref<128xi32, #tpu.memory_space<vmem>>
      %dma_start3A_844 = arith.constant 0 : i32
      %dma_start3A_845 = arith.constant 0 : i32
      %dma_start3A_846 = tpu.memref_slice %arg2[%dma_start3A_844, %dma_start3A_845] : memref<20000x64xf32, #tpu.memory_space<hbm>> -> memref<20000x64xf32, #tpu.memory_space<hbm>>
      %dma_start3A_847 = tpu.memref_slice %arg11[%dma_start3A_836] : memref<5x!tpu.dma_semaphore, #tpu.memory_space<semaphore_mem>> -> memref<1x!tpu.dma_semaphore, #tpu.memory_space<semaphore_mem>>
      %dma_start3A_848 = tpu.memref_squeeze %dma_start3A_847 : memref<1x!tpu.dma_semaphore, #tpu.memory_space<semaphore_mem>> -> memref<!tpu.dma_semaphore, #tpu.memory_space<semaphore_mem>>
      tpu.enqueue_indirect_dma source(%dma_start3A_846 : memref<20000x64xf32, #tpu.memory_space<hbm>>) target(%dma_start3A_840 : memref<128x64xf32, #tpu.memory_space<vmem>>) offsets(%dma_start3A_843 : memref<128xi32, #tpu.memory_space<vmem>>) semaphore(%dma_start3A_848 : memref<!tpu.dma_semaphore, #tpu.memory_space<semaphore_mem>>)
      %mul3A_849 = arith.constant 5 : i32
      %mul3A_850 = arith.muli %mul3A_849, %scan3A_657 : i32
      %add3A_851 = arith.constant 3 : i32
      %add3A_852 = arith.addi %mul3A_850, %add3A_851 : i32
      %dma_wait3A_853 = arith.constant 0 : i32
      %dma_wait3A_854 = arith.constant 3 : i32
      %dma_wait3A_855 = arith.constant 3 : i32
      %dma_wait3A_856 = arith.constant 0 : i32
      %dma_wait3A_857 = arith.constant 0 : i32
      %dma_wait3A_858 = tpu.memref_slice %arg9[%dma_wait3A_854, %dma_wait3A_856, %dma_wait3A_857] : memref<5x128x64xf32, #tpu.memory_space<vmem>> -> memref<1x128x64xf32, #tpu.memory_space<vmem>>
      %dma_wait3A_859 = tpu.memref_squeeze %dma_wait3A_858 : memref<1x128x64xf32, #tpu.memory_space<vmem>> -> memref<128x64xf32, #tpu.memory_space<vmem>>
      %dma_wait3A_860 = arith.constant 0 : i32
      %dma_wait3A_861 = tpu.memref_slice %arg7[%dma_wait3A_853, %dma_wait3A_860] : memref<160x128xi32, #tpu.memory_space<vmem>> -> memref<1x128xi32, #tpu.memory_space<vmem>>
      %dma_wait3A_862 = tpu.memref_squeeze %dma_wait3A_861 : memref<1x128xi32, #tpu.memory_space<vmem>> -> memref<128xi32, #tpu.memory_space<vmem>>
      %dma_wait3A_863 = arith.constant 0 : i32
      %dma_wait3A_864 = arith.constant 0 : i32
      %dma_wait3A_865 = tpu.memref_slice %arg2[%dma_wait3A_863, %dma_wait3A_864] : memref<20000x64xf32, #tpu.memory_space<hbm>> -> memref<20000x64xf32, #tpu.memory_space<hbm>>
      %dma_wait3A_866 = tpu.memref_slice %arg11[%dma_wait3A_855] : memref<5x!tpu.dma_semaphore, #tpu.memory_space<semaphore_mem>> -> memref<1x!tpu.dma_semaphore, #tpu.memory_space<semaphore_mem>>
      %dma_wait3A_867 = tpu.memref_squeeze %dma_wait3A_866 : memref<1x!tpu.dma_semaphore, #tpu.memory_space<semaphore_mem>> -> memref<!tpu.dma_semaphore, #tpu.memory_space<semaphore_mem>>
      tpu.wait_indirect_dma semaphore(%dma_wait3A_867 : memref<!tpu.dma_semaphore, #tpu.memory_space<semaphore_mem>>) src(%dma_wait3A_865 : memref<20000x64xf32, #tpu.memory_space<hbm>>) dst(%dma_wait3A_859 : memref<128x64xf32, #tpu.memory_space<vmem>>)
      %dma_start3A_868 = arith.constant 3 : i32
      %dma_start3A_869 = arith.constant 3 : i32
      %dma_start3A_870 = arith.constant 0 : i32
      %dma_start3A_871 = arith.constant 0 : i32
      %dma_start3A_872 = tpu.memref_slice %arg9[%dma_start3A_868, %dma_start3A_870, %dma_start3A_871] : memref<5x128x64xf32, #tpu.memory_space<vmem>> -> memref<1x128x64xf32, #tpu.memory_space<vmem>>
      %dma_start3A_873 = tpu.memref_squeeze %dma_start3A_872 : memref<1x128x64xf32, #tpu.memory_space<vmem>> -> memref<128x64xf32, #tpu.memory_space<vmem>>
      %dma_start3A_874 = arith.constant 0 : i32
      %dma_start3A_875 = tpu.memref_slice %arg8[%add3A_852, %dma_start3A_874] : memref<160x128xi32, #tpu.memory_space<vmem>> -> memref<1x128xi32, #tpu.memory_space<vmem>>
      %dma_start3A_876 = tpu.memref_squeeze %dma_start3A_875 : memref<1x128xi32, #tpu.memory_space<vmem>> -> memref<128xi32, #tpu.memory_space<vmem>>
      %dma_start3A_877 = arith.constant 0 : i32
      %dma_start3A_878 = arith.constant 0 : i32
      %dma_start3A_879 = tpu.memref_slice %arg10[%dma_start3A_877, %dma_start3A_878] : memref<10112x64xf32, #tpu.memory_space<vmem_shared>> -> memref<10112x64xf32, #tpu.memory_space<vmem_shared>>
      %dma_start3A_880 = tpu.memref_slice %arg12[%dma_start3A_869] : memref<5x!tpu.dma_semaphore, #tpu.memory_space<semaphore_mem>> -> memref<1x!tpu.dma_semaphore, #tpu.memory_space<semaphore_mem>>
      %dma_start3A_881 = tpu.memref_squeeze %dma_start3A_880 : memref<1x!tpu.dma_semaphore, #tpu.memory_space<semaphore_mem>> -> memref<!tpu.dma_semaphore, #tpu.memory_space<semaphore_mem>>
      tpu.enqueue_indirect_dma source(%dma_start3A_873 : memref<128x64xf32, #tpu.memory_space<vmem>>) target(%dma_start3A_879 : memref<10112x64xf32, #tpu.memory_space<vmem_shared>>) offsets(%dma_start3A_876 : memref<128xi32, #tpu.memory_space<vmem>>) semaphore(%dma_start3A_881 : memref<!tpu.dma_semaphore, #tpu.memory_space<semaphore_mem>>) {add = true}
      %dma_wait3A_882 = arith.constant 2 : i32
      %dma_wait3A_883 = arith.constant 0 : i32
      %dma_wait3A_884 = arith.constant 2 : i32
      %dma_wait3A_885 = arith.constant 0 : i32
      %dma_wait3A_886 = arith.constant 0 : i32
      %dma_wait3A_887 = tpu.memref_slice %arg9[%dma_wait3A_882, %dma_wait3A_885, %dma_wait3A_886] : memref<5x128x64xf32, #tpu.memory_space<vmem>> -> memref<1x128x64xf32, #tpu.memory_space<vmem>>
      %dma_wait3A_888 = tpu.memref_squeeze %dma_wait3A_887 : memref<1x128x64xf32, #tpu.memory_space<vmem>> -> memref<128x64xf32, #tpu.memory_space<vmem>>
      %dma_wait3A_889 = arith.constant 0 : i32
      %dma_wait3A_890 = tpu.memref_slice %arg8[%dma_wait3A_883, %dma_wait3A_889] : memref<160x128xi32, #tpu.memory_space<vmem>> -> memref<1x128xi32, #tpu.memory_space<vmem>>
      %dma_wait3A_891 = tpu.memref_squeeze %dma_wait3A_890 : memref<1x128xi32, #tpu.memory_space<vmem>> -> memref<128xi32, #tpu.memory_space<vmem>>
      %dma_wait3A_892 = arith.constant 0 : i32
      %dma_wait3A_893 = arith.constant 0 : i32
      %dma_wait3A_894 = tpu.memref_slice %arg10[%dma_wait3A_892, %dma_wait3A_893] : memref<10112x64xf32, #tpu.memory_space<vmem_shared>> -> memref<10112x64xf32, #tpu.memory_space<vmem_shared>>
      %dma_wait3A_895 = tpu.memref_slice %arg12[%dma_wait3A_884] : memref<5x!tpu.dma_semaphore, #tpu.memory_space<semaphore_mem>> -> memref<1x!tpu.dma_semaphore, #tpu.memory_space<semaphore_mem>>
      %dma_wait3A_896 = tpu.memref_squeeze %dma_wait3A_895 : memref<1x!tpu.dma_semaphore, #tpu.memory_space<semaphore_mem>> -> memref<!tpu.dma_semaphore, #tpu.memory_space<semaphore_mem>>
      tpu.wait_indirect_dma semaphore(%dma_wait3A_896 : memref<!tpu.dma_semaphore, #tpu.memory_space<semaphore_mem>>) src(%dma_wait3A_888 : memref<128x64xf32, #tpu.memory_space<vmem>>) dst(%dma_wait3A_894 : memref<10112x64xf32, #tpu.memory_space<vmem_shared>>)
      %add3A_897 = arith.constant 4 : i32
      %add3A_898 = arith.addi %add3A_852, %add3A_897 : i32
      %dma_start3A_899 = arith.constant 2 : i32
      %dma_start3A_900 = arith.constant 2 : i32
      %dma_start3A_901 = arith.constant 0 : i32
      %dma_start3A_902 = arith.constant 0 : i32
      %dma_start3A_903 = tpu.memref_slice %arg9[%dma_start3A_899, %dma_start3A_901, %dma_start3A_902] : memref<5x128x64xf32, #tpu.memory_space<vmem>> -> memref<1x128x64xf32, #tpu.memory_space<vmem>>
      %dma_start3A_904 = tpu.memref_squeeze %dma_start3A_903 : memref<1x128x64xf32, #tpu.memory_space<vmem>> -> memref<128x64xf32, #tpu.memory_space<vmem>>
      %dma_start3A_905 = arith.constant 0 : i32
      %dma_start3A_906 = tpu.memref_slice %arg7[%add3A_898, %dma_start3A_905] : memref<160x128xi32, #tpu.memory_space<vmem>> -> memref<1x128xi32, #tpu.memory_space<vmem>>
      %dma_start3A_907 = tpu.memref_squeeze %dma_start3A_906 : memref<1x128xi32, #tpu.memory_space<vmem>> -> memref<128xi32, #tpu.memory_space<vmem>>
      %dma_start3A_908 = arith.constant 0 : i32
      %dma_start3A_909 = arith.constant 0 : i32
      %dma_start3A_910 = tpu.memref_slice %arg2[%dma_start3A_908, %dma_start3A_909] : memref<20000x64xf32, #tpu.memory_space<hbm>> -> memref<20000x64xf32, #tpu.memory_space<hbm>>
      %dma_start3A_911 = tpu.memref_slice %arg11[%dma_start3A_900] : memref<5x!tpu.dma_semaphore, #tpu.memory_space<semaphore_mem>> -> memref<1x!tpu.dma_semaphore, #tpu.memory_space<semaphore_mem>>
      %dma_start3A_912 = tpu.memref_squeeze %dma_start3A_911 : memref<1x!tpu.dma_semaphore, #tpu.memory_space<semaphore_mem>> -> memref<!tpu.dma_semaphore, #tpu.memory_space<semaphore_mem>>
      tpu.enqueue_indirect_dma source(%dma_start3A_910 : memref<20000x64xf32, #tpu.memory_space<hbm>>) target(%dma_start3A_904 : memref<128x64xf32, #tpu.memory_space<vmem>>) offsets(%dma_start3A_907 : memref<128xi32, #tpu.memory_space<vmem>>) semaphore(%dma_start3A_912 : memref<!tpu.dma_semaphore, #tpu.memory_space<semaphore_mem>>)
      %mul3A_913 = arith.constant 5 : i32
      %mul3A_914 = arith.muli %mul3A_913, %scan3A_657 : i32
      %add3A_915 = arith.constant 4 : i32
      %add3A_916 = arith.addi %mul3A_914, %add3A_915 : i32
      %dma_wait3A_917 = arith.constant 0 : i32
      %dma_wait3A_918 = arith.constant 4 : i32
      %dma_wait3A_919 = arith.constant 4 : i32
      %dma_wait3A_920 = arith.constant 0 : i32
      %dma_wait3A_921 = arith.constant 0 : i32
      %dma_wait3A_922 = tpu.memref_slice %arg9[%dma_wait3A_918, %dma_wait3A_920, %dma_wait3A_921] : memref<5x128x64xf32, #tpu.memory_space<vmem>> -> memref<1x128x64xf32, #tpu.memory_space<vmem>>
      %dma_wait3A_923 = tpu.memref_squeeze %dma_wait3A_922 : memref<1x128x64xf32, #tpu.memory_space<vmem>> -> memref<128x64xf32, #tpu.memory_space<vmem>>
      %dma_wait3A_924 = arith.constant 0 : i32
      %dma_wait3A_925 = tpu.memref_slice %arg7[%dma_wait3A_917, %dma_wait3A_924] : memref<160x128xi32, #tpu.memory_space<vmem>> -> memref<1x128xi32, #tpu.memory_space<vmem>>
      %dma_wait3A_926 = tpu.memref_squeeze %dma_wait3A_925 : memref<1x128xi32, #tpu.memory_space<vmem>> -> memref<128xi32, #tpu.memory_space<vmem>>
      %dma_wait3A_927 = arith.constant 0 : i32
      %dma_wait3A_928 = arith.constant 0 : i32
      %dma_wait3A_929 = tpu.memref_slice %arg2[%dma_wait3A_927, %dma_wait3A_928] : memref<20000x64xf32, #tpu.memory_space<hbm>> -> memref<20000x64xf32, #tpu.memory_space<hbm>>
      %dma_wait3A_930 = tpu.memref_slice %arg11[%dma_wait3A_919] : memref<5x!tpu.dma_semaphore, #tpu.memory_space<semaphore_mem>> -> memref<1x!tpu.dma_semaphore, #tpu.memory_space<semaphore_mem>>
      %dma_wait3A_931 = tpu.memref_squeeze %dma_wait3A_930 : memref<1x!tpu.dma_semaphore, #tpu.memory_space<semaphore_mem>> -> memref<!tpu.dma_semaphore, #tpu.memory_space<semaphore_mem>>
      tpu.wait_indirect_dma semaphore(%dma_wait3A_931 : memref<!tpu.dma_semaphore, #tpu.memory_space<semaphore_mem>>) src(%dma_wait3A_929 : memref<20000x64xf32, #tpu.memory_space<hbm>>) dst(%dma_wait3A_923 : memref<128x64xf32, #tpu.memory_space<vmem>>)
      %dma_start3A_932 = arith.constant 4 : i32
      %dma_start3A_933 = arith.constant 4 : i32
      %dma_start3A_934 = arith.constant 0 : i32
      %dma_start3A_935 = arith.constant 0 : i32
      %dma_start3A_936 = tpu.memref_slice %arg9[%dma_start3A_932, %dma_start3A_934, %dma_start3A_935] : memref<5x128x64xf32, #tpu.memory_space<vmem>> -> memref<1x128x64xf32, #tpu.memory_space<vmem>>
      %dma_start3A_937 = tpu.memref_squeeze %dma_start3A_936 : memref<1x128x64xf32, #tpu.memory_space<vmem>> -> memref<128x64xf32, #tpu.memory_space<vmem>>
      %dma_start3A_938 = arith.constant 0 : i32
      %dma_start3A_939 = tpu.memref_slice %arg8[%add3A_916, %dma_start3A_938] : memref<160x128xi32, #tpu.memory_space<vmem>> -> memref<1x128xi32, #tpu.memory_space<vmem>>
      %dma_start3A_940 = tpu.memref_squeeze %dma_start3A_939 : memref<1x128xi32, #tpu.memory_space<vmem>> -> memref<128xi32, #tpu.memory_space<vmem>>
      %dma_start3A_941 = arith.constant 0 : i32
      %dma_start3A_942 = arith.constant 0 : i32
      %dma_start3A_943 = tpu.memref_slice %arg10[%dma_start3A_941, %dma_start3A_942] : memref<10112x64xf32, #tpu.memory_space<vmem_shared>> -> memref<10112x64xf32, #tpu.memory_space<vmem_shared>>
      %dma_start3A_944 = tpu.memref_slice %arg12[%dma_start3A_933] : memref<5x!tpu.dma_semaphore, #tpu.memory_space<semaphore_mem>> -> memref<1x!tpu.dma_semaphore, #tpu.memory_space<semaphore_mem>>
      %dma_start3A_945 = tpu.memref_squeeze %dma_start3A_944 : memref<1x!tpu.dma_semaphore, #tpu.memory_space<semaphore_mem>> -> memref<!tpu.dma_semaphore, #tpu.memory_space<semaphore_mem>>
      tpu.enqueue_indirect_dma source(%dma_start3A_937 : memref<128x64xf32, #tpu.memory_space<vmem>>) target(%dma_start3A_943 : memref<10112x64xf32, #tpu.memory_space<vmem_shared>>) offsets(%dma_start3A_940 : memref<128xi32, #tpu.memory_space<vmem>>) semaphore(%dma_start3A_945 : memref<!tpu.dma_semaphore, #tpu.memory_space<semaphore_mem>>) {add = true}
      %dma_wait3A_946 = arith.constant 3 : i32
      %dma_wait3A_947 = arith.constant 0 : i32
      %dma_wait3A_948 = arith.constant 3 : i32
      %dma_wait3A_949 = arith.constant 0 : i32
      %dma_wait3A_950 = arith.constant 0 : i32
      %dma_wait3A_951 = tpu.memref_slice %arg9[%dma_wait3A_946, %dma_wait3A_949, %dma_wait3A_950] : memref<5x128x64xf32, #tpu.memory_space<vmem>> -> memref<1x128x64xf32, #tpu.memory_space<vmem>>
      %dma_wait3A_952 = tpu.memref_squeeze %dma_wait3A_951 : memref<1x128x64xf32, #tpu.memory_space<vmem>> -> memref<128x64xf32, #tpu.memory_space<vmem>>
      %dma_wait3A_953 = arith.constant 0 : i32
      %dma_wait3A_954 = tpu.memref_slice %arg8[%dma_wait3A_947, %dma_wait3A_953] : memref<160x128xi32, #tpu.memory_space<vmem>> -> memref<1x128xi32, #tpu.memory_space<vmem>>
      %dma_wait3A_955 = tpu.memref_squeeze %dma_wait3A_954 : memref<1x128xi32, #tpu.memory_space<vmem>> -> memref<128xi32, #tpu.memory_space<vmem>>
      %dma_wait3A_956 = arith.constant 0 : i32
      %dma_wait3A_957 = arith.constant 0 : i32
      %dma_wait3A_958 = tpu.memref_slice %arg10[%dma_wait3A_956, %dma_wait3A_957] : memref<10112x64xf32, #tpu.memory_space<vmem_shared>> -> memref<10112x64xf32, #tpu.memory_space<vmem_shared>>
      %dma_wait3A_959 = tpu.memref_slice %arg12[%dma_wait3A_948] : memref<5x!tpu.dma_semaphore, #tpu.memory_space<semaphore_mem>> -> memref<1x!tpu.dma_semaphore, #tpu.memory_space<semaphore_mem>>
      %dma_wait3A_960 = tpu.memref_squeeze %dma_wait3A_959 : memref<1x!tpu.dma_semaphore, #tpu.memory_space<semaphore_mem>> -> memref<!tpu.dma_semaphore, #tpu.memory_space<semaphore_mem>>
      tpu.wait_indirect_dma semaphore(%dma_wait3A_960 : memref<!tpu.dma_semaphore, #tpu.memory_space<semaphore_mem>>) src(%dma_wait3A_952 : memref<128x64xf32, #tpu.memory_space<vmem>>) dst(%dma_wait3A_958 : memref<10112x64xf32, #tpu.memory_space<vmem_shared>>)
      %add3A_961 = arith.constant 4 : i32
      %add3A_962 = arith.addi %add3A_916, %add3A_961 : i32
      %dma_start3A_963 = arith.constant 3 : i32
      %dma_start3A_964 = arith.constant 3 : i32
      %dma_start3A_965 = arith.constant 0 : i32
      %dma_start3A_966 = arith.constant 0 : i32
      %dma_start3A_967 = tpu.memref_slice %arg9[%dma_start3A_963, %dma_start3A_965, %dma_start3A_966] : memref<5x128x64xf32, #tpu.memory_space<vmem>> -> memref<1x128x64xf32, #tpu.memory_space<vmem>>
      %dma_start3A_968 = tpu.memref_squeeze %dma_start3A_967 : memref<1x128x64xf32, #tpu.memory_space<vmem>> -> memref<128x64xf32, #tpu.memory_space<vmem>>
      %dma_start3A_969 = arith.constant 0 : i32
      %dma_start3A_970 = tpu.memref_slice %arg7[%add3A_962, %dma_start3A_969] : memref<160x128xi32, #tpu.memory_space<vmem>> -> memref<1x128xi32, #tpu.memory_space<vmem>>
      %dma_start3A_971 = tpu.memref_squeeze %dma_start3A_970 : memref<1x128xi32, #tpu.memory_space<vmem>> -> memref<128xi32, #tpu.memory_space<vmem>>
      %dma_start3A_972 = arith.constant 0 : i32
      %dma_start3A_973 = arith.constant 0 : i32
      %dma_start3A_974 = tpu.memref_slice %arg2[%dma_start3A_972, %dma_start3A_973] : memref<20000x64xf32, #tpu.memory_space<hbm>> -> memref<20000x64xf32, #tpu.memory_space<hbm>>
      %dma_start3A_975 = tpu.memref_slice %arg11[%dma_start3A_964] : memref<5x!tpu.dma_semaphore, #tpu.memory_space<semaphore_mem>> -> memref<1x!tpu.dma_semaphore, #tpu.memory_space<semaphore_mem>>
      %dma_start3A_976 = tpu.memref_squeeze %dma_start3A_975 : memref<1x!tpu.dma_semaphore, #tpu.memory_space<semaphore_mem>> -> memref<!tpu.dma_semaphore, #tpu.memory_space<semaphore_mem>>
      tpu.enqueue_indirect_dma source(%dma_start3A_974 : memref<20000x64xf32, #tpu.memory_space<hbm>>) target(%dma_start3A_968 : memref<128x64xf32, #tpu.memory_space<vmem>>) offsets(%dma_start3A_971 : memref<128xi32, #tpu.memory_space<vmem>>) semaphore(%dma_start3A_976 : memref<!tpu.dma_semaphore, #tpu.memory_space<semaphore_mem>>)
    }
    %scan3A_397 = arith.constant 30 : i32
    %dma_wait3A_398 = arith.constant 0 : i32
    %dma_wait3A_399 = arith.constant 0 : i32
    %dma_wait3A_400 = arith.constant 0 : i32
    %dma_wait3A_401 = arith.constant 0 : i32
    %dma_wait3A_402 = arith.constant 0 : i32
    %dma_wait3A_403 = tpu.memref_slice %arg9[%dma_wait3A_399, %dma_wait3A_401, %dma_wait3A_402] : memref<5x128x64xf32, #tpu.memory_space<vmem>> -> memref<1x128x64xf32, #tpu.memory_space<vmem>>
    %dma_wait3A_404 = tpu.memref_squeeze %dma_wait3A_403 : memref<1x128x64xf32, #tpu.memory_space<vmem>> -> memref<128x64xf32, #tpu.memory_space<vmem>>
    %dma_wait3A_405 = arith.constant 0 : i32
    %dma_wait3A_406 = tpu.memref_slice %arg7[%dma_wait3A_398, %dma_wait3A_405] : memref<160x128xi32, #tpu.memory_space<vmem>> -> memref<1x128xi32, #tpu.memory_space<vmem>>
    %dma_wait3A_407 = tpu.memref_squeeze %dma_wait3A_406 : memref<1x128xi32, #tpu.memory_space<vmem>> -> memref<128xi32, #tpu.memory_space<vmem>>
    %dma_wait3A_408 = arith.constant 0 : i32
    %dma_wait3A_409 = arith.constant 0 : i32
    %dma_wait3A_410 = tpu.memref_slice %arg2[%dma_wait3A_408, %dma_wait3A_409] : memref<20000x64xf32, #tpu.memory_space<hbm>> -> memref<20000x64xf32, #tpu.memory_space<hbm>>
    %dma_wait3A_411 = tpu.memref_slice %arg11[%dma_wait3A_400] : memref<5x!tpu.dma_semaphore, #tpu.memory_space<semaphore_mem>> -> memref<1x!tpu.dma_semaphore, #tpu.memory_space<semaphore_mem>>
    %dma_wait3A_412 = tpu.memref_squeeze %dma_wait3A_411 : memref<1x!tpu.dma_semaphore, #tpu.memory_space<semaphore_mem>> -> memref<!tpu.dma_semaphore, #tpu.memory_space<semaphore_mem>>
    tpu.wait_indirect_dma semaphore(%dma_wait3A_412 : memref<!tpu.dma_semaphore, #tpu.memory_space<semaphore_mem>>) src(%dma_wait3A_410 : memref<20000x64xf32, #tpu.memory_space<hbm>>) dst(%dma_wait3A_404 : memref<128x64xf32, #tpu.memory_space<vmem>>)
    %dma_start3A_413 = arith.constant 0 : i32
    %dma_start3A_414 = arith.constant 155 : i32
    %dma_start3A_415 = arith.constant 0 : i32
    %dma_start3A_416 = arith.constant 0 : i32
    %dma_start3A_417 = arith.constant 0 : i32
    %dma_start3A_418 = tpu.memref_slice %arg9[%dma_start3A_413, %dma_start3A_416, %dma_start3A_417] : memref<5x128x64xf32, #tpu.memory_space<vmem>> -> memref<1x128x64xf32, #tpu.memory_space<vmem>>
    %dma_start3A_419 = tpu.memref_squeeze %dma_start3A_418 : memref<1x128x64xf32, #tpu.memory_space<vmem>> -> memref<128x64xf32, #tpu.memory_space<vmem>>
    %dma_start3A_420 = arith.constant 0 : i32
    %dma_start3A_421 = tpu.memref_slice %arg8[%dma_start3A_414, %dma_start3A_420] : memref<160x128xi32, #tpu.memory_space<vmem>> -> memref<1x128xi32, #tpu.memory_space<vmem>>
    %dma_start3A_422 = tpu.memref_squeeze %dma_start3A_421 : memref<1x128xi32, #tpu.memory_space<vmem>> -> memref<128xi32, #tpu.memory_space<vmem>>
    %dma_start3A_423 = arith.constant 0 : i32
    %dma_start3A_424 = arith.constant 0 : i32
    %dma_start3A_425 = tpu.memref_slice %arg10[%dma_start3A_423, %dma_start3A_424] : memref<10112x64xf32, #tpu.memory_space<vmem_shared>> -> memref<10112x64xf32, #tpu.memory_space<vmem_shared>>
    %dma_start3A_426 = tpu.memref_slice %arg12[%dma_start3A_415] : memref<5x!tpu.dma_semaphore, #tpu.memory_space<semaphore_mem>> -> memref<1x!tpu.dma_semaphore, #tpu.memory_space<semaphore_mem>>
    %dma_start3A_427 = tpu.memref_squeeze %dma_start3A_426 : memref<1x!tpu.dma_semaphore, #tpu.memory_space<semaphore_mem>> -> memref<!tpu.dma_semaphore, #tpu.memory_space<semaphore_mem>>
    tpu.enqueue_indirect_dma source(%dma_start3A_419 : memref<128x64xf32, #tpu.memory_space<vmem>>) target(%dma_start3A_425 : memref<10112x64xf32, #tpu.memory_space<vmem_shared>>) offsets(%dma_start3A_422 : memref<128xi32, #tpu.memory_space<vmem>>) semaphore(%dma_start3A_427 : memref<!tpu.dma_semaphore, #tpu.memory_space<semaphore_mem>>) {add = true}
    %dma_wait3A_428 = arith.constant 4 : i32
    %dma_wait3A_429 = arith.constant 0 : i32
    %dma_wait3A_430 = arith.constant 4 : i32
    %dma_wait3A_431 = arith.constant 0 : i32
    %dma_wait3A_432 = arith.constant 0 : i32
    %dma_wait3A_433 = tpu.memref_slice %arg9[%dma_wait3A_428, %dma_wait3A_431, %dma_wait3A_432] : memref<5x128x64xf32, #tpu.memory_space<vmem>> -> memref<1x128x64xf32, #tpu.memory_space<vmem>>
    %dma_wait3A_434 = tpu.memref_squeeze %dma_wait3A_433 : memref<1x128x64xf32, #tpu.memory_space<vmem>> -> memref<128x64xf32, #tpu.memory_space<vmem>>
    %dma_wait3A_435 = arith.constant 0 : i32
    %dma_wait3A_436 = tpu.memref_slice %arg8[%dma_wait3A_429, %dma_wait3A_435] : memref<160x128xi32, #tpu.memory_space<vmem>> -> memref<1x128xi32, #tpu.memory_space<vmem>>
    %dma_wait3A_437 = tpu.memref_squeeze %dma_wait3A_436 : memref<1x128xi32, #tpu.memory_space<vmem>> -> memref<128xi32, #tpu.memory_space<vmem>>
    %dma_wait3A_438 = arith.constant 0 : i32
    %dma_wait3A_439 = arith.constant 0 : i32
    %dma_wait3A_440 = tpu.memref_slice %arg10[%dma_wait3A_438, %dma_wait3A_439] : memref<10112x64xf32, #tpu.memory_space<vmem_shared>> -> memref<10112x64xf32, #tpu.memory_space<vmem_shared>>
    %dma_wait3A_441 = tpu.memref_slice %arg12[%dma_wait3A_430] : memref<5x!tpu.dma_semaphore, #tpu.memory_space<semaphore_mem>> -> memref<1x!tpu.dma_semaphore, #tpu.memory_space<semaphore_mem>>
    %dma_wait3A_442 = tpu.memref_squeeze %dma_wait3A_441 : memref<1x!tpu.dma_semaphore, #tpu.memory_space<semaphore_mem>> -> memref<!tpu.dma_semaphore, #tpu.memory_space<semaphore_mem>>
    tpu.wait_indirect_dma semaphore(%dma_wait3A_442 : memref<!tpu.dma_semaphore, #tpu.memory_space<semaphore_mem>>) src(%dma_wait3A_434 : memref<128x64xf32, #tpu.memory_space<vmem>>) dst(%dma_wait3A_440 : memref<10112x64xf32, #tpu.memory_space<vmem_shared>>)
    %dma_start3A_443 = arith.constant 159 : i32
    %dma_start3A_444 = arith.constant 4 : i32
    %dma_start3A_445 = arith.constant 4 : i32
    %dma_start3A_446 = arith.constant 0 : i32
    %dma_start3A_447 = arith.constant 0 : i32
    %dma_start3A_448 = tpu.memref_slice %arg9[%dma_start3A_444, %dma_start3A_446, %dma_start3A_447] : memref<5x128x64xf32, #tpu.memory_space<vmem>> -> memref<1x128x64xf32, #tpu.memory_space<vmem>>
    %dma_start3A_449 = tpu.memref_squeeze %dma_start3A_448 : memref<1x128x64xf32, #tpu.memory_space<vmem>> -> memref<128x64xf32, #tpu.memory_space<vmem>>
    %dma_start3A_450 = arith.constant 0 : i32
    %dma_start3A_451 = tpu.memref_slice %arg7[%dma_start3A_443, %dma_start3A_450] : memref<160x128xi32, #tpu.memory_space<vmem>> -> memref<1x128xi32, #tpu.memory_space<vmem>>
    %dma_start3A_452 = tpu.memref_squeeze %dma_start3A_451 : memref<1x128xi32, #tpu.memory_space<vmem>> -> memref<128xi32, #tpu.memory_space<vmem>>
    %dma_start3A_453 = arith.constant 0 : i32
    %dma_start3A_454 = arith.constant 0 : i32
    %dma_start3A_455 = tpu.memref_slice %arg2[%dma_start3A_453, %dma_start3A_454] : memref<20000x64xf32, #tpu.memory_space<hbm>> -> memref<20000x64xf32, #tpu.memory_space<hbm>>
    %dma_start3A_456 = tpu.memref_slice %arg11[%dma_start3A_445] : memref<5x!tpu.dma_semaphore, #tpu.memory_space<semaphore_mem>> -> memref<1x!tpu.dma_semaphore, #tpu.memory_space<semaphore_mem>>
    %dma_start3A_457 = tpu.memref_squeeze %dma_start3A_456 : memref<1x!tpu.dma_semaphore, #tpu.memory_space<semaphore_mem>> -> memref<!tpu.dma_semaphore, #tpu.memory_space<semaphore_mem>>
    tpu.enqueue_indirect_dma source(%dma_start3A_455 : memref<20000x64xf32, #tpu.memory_space<hbm>>) target(%dma_start3A_449 : memref<128x64xf32, #tpu.memory_space<vmem>>) offsets(%dma_start3A_452 : memref<128xi32, #tpu.memory_space<vmem>>) semaphore(%dma_start3A_457 : memref<!tpu.dma_semaphore, #tpu.memory_space<semaphore_mem>>)
    %dma_wait3A_458 = arith.constant 0 : i32
    %dma_wait3A_459 = arith.constant 1 : i32
    %dma_wait3A_460 = arith.constant 1 : i32
    %dma_wait3A_461 = arith.constant 0 : i32
    %dma_wait3A_462 = arith.constant 0 : i32
    %dma_wait3A_463 = tpu.memref_slice %arg9[%dma_wait3A_459, %dma_wait3A_461, %dma_wait3A_462] : memref<5x128x64xf32, #tpu.memory_space<vmem>> -> memref<1x128x64xf32, #tpu.memory_space<vmem>>
    %dma_wait3A_464 = tpu.memref_squeeze %dma_wait3A_463 : memref<1x128x64xf32, #tpu.memory_space<vmem>> -> memref<128x64xf32, #tpu.memory_space<vmem>>
    %dma_wait3A_465 = arith.constant 0 : i32
    %dma_wait3A_466 = tpu.memref_slice %arg7[%dma_wait3A_458, %dma_wait3A_465] : memref<160x128xi32, #tpu.memory_space<vmem>> -> memref<1x128xi32, #tpu.memory_space<vmem>>
    %dma_wait3A_467 = tpu.memref_squeeze %dma_wait3A_466 : memref<1x128xi32, #tpu.memory_space<vmem>> -> memref<128xi32, #tpu.memory_space<vmem>>
    %dma_wait3A_468 = arith.constant 0 : i32
    %dma_wait3A_469 = arith.constant 0 : i32
    %dma_wait3A_470 = tpu.memref_slice %arg2[%dma_wait3A_468, %dma_wait3A_469] : memref<20000x64xf32, #tpu.memory_space<hbm>> -> memref<20000x64xf32, #tpu.memory_space<hbm>>
    %dma_wait3A_471 = tpu.memref_slice %arg11[%dma_wait3A_460] : memref<5x!tpu.dma_semaphore, #tpu.memory_space<semaphore_mem>> -> memref<1x!tpu.dma_semaphore, #tpu.memory_space<semaphore_mem>>
    %dma_wait3A_472 = tpu.memref_squeeze %dma_wait3A_471 : memref<1x!tpu.dma_semaphore, #tpu.memory_space<semaphore_mem>> -> memref<!tpu.dma_semaphore, #tpu.memory_space<semaphore_mem>>
    tpu.wait_indirect_dma semaphore(%dma_wait3A_472 : memref<!tpu.dma_semaphore, #tpu.memory_space<semaphore_mem>>) src(%dma_wait3A_470 : memref<20000x64xf32, #tpu.memory_space<hbm>>) dst(%dma_wait3A_464 : memref<128x64xf32, #tpu.memory_space<vmem>>)
    %dma_start3A_473 = arith.constant 1 : i32
    %dma_start3A_474 = arith.constant 156 : i32
    %dma_start3A_475 = arith.constant 1 : i32
    %dma_start3A_476 = arith.constant 0 : i32
    %dma_start3A_477 = arith.constant 0 : i32
    %dma_start3A_478 = tpu.memref_slice %arg9[%dma_start3A_473, %dma_start3A_476, %dma_start3A_477] : memref<5x128x64xf32, #tpu.memory_space<vmem>> -> memref<1x128x64xf32, #tpu.memory_space<vmem>>
    %dma_start3A_479 = tpu.memref_squeeze %dma_start3A_478 : memref<1x128x64xf32, #tpu.memory_space<vmem>> -> memref<128x64xf32, #tpu.memory_space<vmem>>
    %dma_start3A_480 = arith.constant 0 : i32
    %dma_start3A_481 = tpu.memref_slice %arg8[%dma_start3A_474, %dma_start3A_480] : memref<160x128xi32, #tpu.memory_space<vmem>> -> memref<1x128xi32, #tpu.memory_space<vmem>>
    %dma_start3A_482 = tpu.memref_squeeze %dma_start3A_481 : memref<1x128xi32, #tpu.memory_space<vmem>> -> memref<128xi32, #tpu.memory_space<vmem>>
    %dma_start3A_483 = arith.constant 0 : i32
    %dma_start3A_484 = arith.constant 0 : i32
    %dma_start3A_485 = tpu.memref_slice %arg10[%dma_start3A_483, %dma_start3A_484] : memref<10112x64xf32, #tpu.memory_space<vmem_shared>> -> memref<10112x64xf32, #tpu.memory_space<vmem_shared>>
    %dma_start3A_486 = tpu.memref_slice %arg12[%dma_start3A_475] : memref<5x!tpu.dma_semaphore, #tpu.memory_space<semaphore_mem>> -> memref<1x!tpu.dma_semaphore, #tpu.memory_space<semaphore_mem>>
    %dma_start3A_487 = tpu.memref_squeeze %dma_start3A_486 : memref<1x!tpu.dma_semaphore, #tpu.memory_space<semaphore_mem>> -> memref<!tpu.dma_semaphore, #tpu.memory_space<semaphore_mem>>
    tpu.enqueue_indirect_dma source(%dma_start3A_479 : memref<128x64xf32, #tpu.memory_space<vmem>>) target(%dma_start3A_485 : memref<10112x64xf32, #tpu.memory_space<vmem_shared>>) offsets(%dma_start3A_482 : memref<128xi32, #tpu.memory_space<vmem>>) semaphore(%dma_start3A_487 : memref<!tpu.dma_semaphore, #tpu.memory_space<semaphore_mem>>) {add = true}
    %dma_wait3A_488 = arith.constant 0 : i32
    %dma_wait3A_489 = arith.constant 2 : i32
    %dma_wait3A_490 = arith.constant 2 : i32
    %dma_wait3A_491 = arith.constant 0 : i32
    %dma_wait3A_492 = arith.constant 0 : i32
    %dma_wait3A_493 = tpu.memref_slice %arg9[%dma_wait3A_489, %dma_wait3A_491, %dma_wait3A_492] : memref<5x128x64xf32, #tpu.memory_space<vmem>> -> memref<1x128x64xf32, #tpu.memory_space<vmem>>
    %dma_wait3A_494 = tpu.memref_squeeze %dma_wait3A_493 : memref<1x128x64xf32, #tpu.memory_space<vmem>> -> memref<128x64xf32, #tpu.memory_space<vmem>>
    %dma_wait3A_495 = arith.constant 0 : i32
    %dma_wait3A_496 = tpu.memref_slice %arg7[%dma_wait3A_488, %dma_wait3A_495] : memref<160x128xi32, #tpu.memory_space<vmem>> -> memref<1x128xi32, #tpu.memory_space<vmem>>
    %dma_wait3A_497 = tpu.memref_squeeze %dma_wait3A_496 : memref<1x128xi32, #tpu.memory_space<vmem>> -> memref<128xi32, #tpu.memory_space<vmem>>
    %dma_wait3A_498 = arith.constant 0 : i32
    %dma_wait3A_499 = arith.constant 0 : i32
    %dma_wait3A_500 = tpu.memref_slice %arg2[%dma_wait3A_498, %dma_wait3A_499] : memref<20000x64xf32, #tpu.memory_space<hbm>> -> memref<20000x64xf32, #tpu.memory_space<hbm>>
    %dma_wait3A_501 = tpu.memref_slice %arg11[%dma_wait3A_490] : memref<5x!tpu.dma_semaphore, #tpu.memory_space<semaphore_mem>> -> memref<1x!tpu.dma_semaphore, #tpu.memory_space<semaphore_mem>>
    %dma_wait3A_502 = tpu.memref_squeeze %dma_wait3A_501 : memref<1x!tpu.dma_semaphore, #tpu.memory_space<semaphore_mem>> -> memref<!tpu.dma_semaphore, #tpu.memory_space<semaphore_mem>>
    tpu.wait_indirect_dma semaphore(%dma_wait3A_502 : memref<!tpu.dma_semaphore, #tpu.memory_space<semaphore_mem>>) src(%dma_wait3A_500 : memref<20000x64xf32, #tpu.memory_space<hbm>>) dst(%dma_wait3A_494 : memref<128x64xf32, #tpu.memory_space<vmem>>)
    %dma_start3A_503 = arith.constant 2 : i32
    %dma_start3A_504 = arith.constant 157 : i32
    %dma_start3A_505 = arith.constant 2 : i32
    %dma_start3A_506 = arith.constant 0 : i32
    %dma_start3A_507 = arith.constant 0 : i32
    %dma_start3A_508 = tpu.memref_slice %arg9[%dma_start3A_503, %dma_start3A_506, %dma_start3A_507] : memref<5x128x64xf32, #tpu.memory_space<vmem>> -> memref<1x128x64xf32, #tpu.memory_space<vmem>>
    %dma_start3A_509 = tpu.memref_squeeze %dma_start3A_508 : memref<1x128x64xf32, #tpu.memory_space<vmem>> -> memref<128x64xf32, #tpu.memory_space<vmem>>
    %dma_start3A_510 = arith.constant 0 : i32
    %dma_start3A_511 = tpu.memref_slice %arg8[%dma_start3A_504, %dma_start3A_510] : memref<160x128xi32, #tpu.memory_space<vmem>> -> memref<1x128xi32, #tpu.memory_space<vmem>>
    %dma_start3A_512 = tpu.memref_squeeze %dma_start3A_511 : memref<1x128xi32, #tpu.memory_space<vmem>> -> memref<128xi32, #tpu.memory_space<vmem>>
    %dma_start3A_513 = arith.constant 0 : i32
    %dma_start3A_514 = arith.constant 0 : i32
    %dma_start3A_515 = tpu.memref_slice %arg10[%dma_start3A_513, %dma_start3A_514] : memref<10112x64xf32, #tpu.memory_space<vmem_shared>> -> memref<10112x64xf32, #tpu.memory_space<vmem_shared>>
    %dma_start3A_516 = tpu.memref_slice %arg12[%dma_start3A_505] : memref<5x!tpu.dma_semaphore, #tpu.memory_space<semaphore_mem>> -> memref<1x!tpu.dma_semaphore, #tpu.memory_space<semaphore_mem>>
    %dma_start3A_517 = tpu.memref_squeeze %dma_start3A_516 : memref<1x!tpu.dma_semaphore, #tpu.memory_space<semaphore_mem>> -> memref<!tpu.dma_semaphore, #tpu.memory_space<semaphore_mem>>
    tpu.enqueue_indirect_dma source(%dma_start3A_509 : memref<128x64xf32, #tpu.memory_space<vmem>>) target(%dma_start3A_515 : memref<10112x64xf32, #tpu.memory_space<vmem_shared>>) offsets(%dma_start3A_512 : memref<128xi32, #tpu.memory_space<vmem>>) semaphore(%dma_start3A_517 : memref<!tpu.dma_semaphore, #tpu.memory_space<semaphore_mem>>) {add = true}
    %dma_wait3A_518 = arith.constant 0 : i32
    %dma_wait3A_519 = arith.constant 3 : i32
    %dma_wait3A_520 = arith.constant 3 : i32
    %dma_wait3A_521 = arith.constant 0 : i32
    %dma_wait3A_522 = arith.constant 0 : i32
    %dma_wait3A_523 = tpu.memref_slice %arg9[%dma_wait3A_519, %dma_wait3A_521, %dma_wait3A_522] : memref<5x128x64xf32, #tpu.memory_space<vmem>> -> memref<1x128x64xf32, #tpu.memory_space<vmem>>
    %dma_wait3A_524 = tpu.memref_squeeze %dma_wait3A_523 : memref<1x128x64xf32, #tpu.memory_space<vmem>> -> memref<128x64xf32, #tpu.memory_space<vmem>>
    %dma_wait3A_525 = arith.constant 0 : i32
    %dma_wait3A_526 = tpu.memref_slice %arg7[%dma_wait3A_518, %dma_wait3A_525] : memref<160x128xi32, #tpu.memory_space<vmem>> -> memref<1x128xi32, #tpu.memory_space<vmem>>
    %dma_wait3A_527 = tpu.memref_squeeze %dma_wait3A_526 : memref<1x128xi32, #tpu.memory_space<vmem>> -> memref<128xi32, #tpu.memory_space<vmem>>
    %dma_wait3A_528 = arith.constant 0 : i32
    %dma_wait3A_529 = arith.constant 0 : i32
    %dma_wait3A_530 = tpu.memref_slice %arg2[%dma_wait3A_528, %dma_wait3A_529] : memref<20000x64xf32, #tpu.memory_space<hbm>> -> memref<20000x64xf32, #tpu.memory_space<hbm>>
    %dma_wait3A_531 = tpu.memref_slice %arg11[%dma_wait3A_520] : memref<5x!tpu.dma_semaphore, #tpu.memory_space<semaphore_mem>> -> memref<1x!tpu.dma_semaphore, #tpu.memory_space<semaphore_mem>>
    %dma_wait3A_532 = tpu.memref_squeeze %dma_wait3A_531 : memref<1x!tpu.dma_semaphore, #tpu.memory_space<semaphore_mem>> -> memref<!tpu.dma_semaphore, #tpu.memory_space<semaphore_mem>>
    tpu.wait_indirect_dma semaphore(%dma_wait3A_532 : memref<!tpu.dma_semaphore, #tpu.memory_space<semaphore_mem>>) src(%dma_wait3A_530 : memref<20000x64xf32, #tpu.memory_space<hbm>>) dst(%dma_wait3A_524 : memref<128x64xf32, #tpu.memory_space<vmem>>)
    %dma_start3A_533 = arith.constant 3 : i32
    %dma_start3A_534 = arith.constant 158 : i32
    %dma_start3A_535 = arith.constant 3 : i32
    %dma_start3A_536 = arith.constant 0 : i32
    %dma_start3A_537 = arith.constant 0 : i32
    %dma_start3A_538 = tpu.memref_slice %arg9[%dma_start3A_533, %dma_start3A_536, %dma_start3A_537] : memref<5x128x64xf32, #tpu.memory_space<vmem>> -> memref<1x128x64xf32, #tpu.memory_space<vmem>>
    %dma_start3A_539 = tpu.memref_squeeze %dma_start3A_538 : memref<1x128x64xf32, #tpu.memory_space<vmem>> -> memref<128x64xf32, #tpu.memory_space<vmem>>
    %dma_start3A_540 = arith.constant 0 : i32
    %dma_start3A_541 = tpu.memref_slice %arg8[%dma_start3A_534, %dma_start3A_540] : memref<160x128xi32, #tpu.memory_space<vmem>> -> memref<1x128xi32, #tpu.memory_space<vmem>>
    %dma_start3A_542 = tpu.memref_squeeze %dma_start3A_541 : memref<1x128xi32, #tpu.memory_space<vmem>> -> memref<128xi32, #tpu.memory_space<vmem>>
    %dma_start3A_543 = arith.constant 0 : i32
    %dma_start3A_544 = arith.constant 0 : i32
    %dma_start3A_545 = tpu.memref_slice %arg10[%dma_start3A_543, %dma_start3A_544] : memref<10112x64xf32, #tpu.memory_space<vmem_shared>> -> memref<10112x64xf32, #tpu.memory_space<vmem_shared>>
    %dma_start3A_546 = tpu.memref_slice %arg12[%dma_start3A_535] : memref<5x!tpu.dma_semaphore, #tpu.memory_space<semaphore_mem>> -> memref<1x!tpu.dma_semaphore, #tpu.memory_space<semaphore_mem>>
    %dma_start3A_547 = tpu.memref_squeeze %dma_start3A_546 : memref<1x!tpu.dma_semaphore, #tpu.memory_space<semaphore_mem>> -> memref<!tpu.dma_semaphore, #tpu.memory_space<semaphore_mem>>
    tpu.enqueue_indirect_dma source(%dma_start3A_539 : memref<128x64xf32, #tpu.memory_space<vmem>>) target(%dma_start3A_545 : memref<10112x64xf32, #tpu.memory_space<vmem_shared>>) offsets(%dma_start3A_542 : memref<128xi32, #tpu.memory_space<vmem>>) semaphore(%dma_start3A_547 : memref<!tpu.dma_semaphore, #tpu.memory_space<semaphore_mem>>) {add = true}
    %dma_wait3A_548 = arith.constant 0 : i32
    %dma_wait3A_549 = arith.constant 4 : i32
    %dma_wait3A_550 = arith.constant 4 : i32
    %dma_wait3A_551 = arith.constant 0 : i32
    %dma_wait3A_552 = arith.constant 0 : i32
    %dma_wait3A_553 = tpu.memref_slice %arg9[%dma_wait3A_549, %dma_wait3A_551, %dma_wait3A_552] : memref<5x128x64xf32, #tpu.memory_space<vmem>> -> memref<1x128x64xf32, #tpu.memory_space<vmem>>
    %dma_wait3A_554 = tpu.memref_squeeze %dma_wait3A_553 : memref<1x128x64xf32, #tpu.memory_space<vmem>> -> memref<128x64xf32, #tpu.memory_space<vmem>>
    %dma_wait3A_555 = arith.constant 0 : i32
    %dma_wait3A_556 = tpu.memref_slice %arg7[%dma_wait3A_548, %dma_wait3A_555] : memref<160x128xi32, #tpu.memory_space<vmem>> -> memref<1x128xi32, #tpu.memory_space<vmem>>
    %dma_wait3A_557 = tpu.memref_squeeze %dma_wait3A_556 : memref<1x128xi32, #tpu.memory_space<vmem>> -> memref<128xi32, #tpu.memory_space<vmem>>
    %dma_wait3A_558 = arith.constant 0 : i32
    %dma_wait3A_559 = arith.constant 0 : i32
    %dma_wait3A_560 = tpu.memref_slice %arg2[%dma_wait3A_558, %dma_wait3A_559] : memref<20000x64xf32, #tpu.memory_space<hbm>> -> memref<20000x64xf32, #tpu.memory_space<hbm>>
    %dma_wait3A_561 = tpu.memref_slice %arg11[%dma_wait3A_550] : memref<5x!tpu.dma_semaphore, #tpu.memory_space<semaphore_mem>> -> memref<1x!tpu.dma_semaphore, #tpu.memory_space<semaphore_mem>>
    %dma_wait3A_562 = tpu.memref_squeeze %dma_wait3A_561 : memref<1x!tpu.dma_semaphore, #tpu.memory_space<semaphore_mem>> -> memref<!tpu.dma_semaphore, #tpu.memory_space<semaphore_mem>>
    tpu.wait_indirect_dma semaphore(%dma_wait3A_562 : memref<!tpu.dma_semaphore, #tpu.memory_space<semaphore_mem>>) src(%dma_wait3A_560 : memref<20000x64xf32, #tpu.memory_space<hbm>>) dst(%dma_wait3A_554 : memref<128x64xf32, #tpu.memory_space<vmem>>)
    %dma_start3A_563 = arith.constant 4 : i32
    %dma_start3A_564 = arith.constant 159 : i32
    %dma_start3A_565 = arith.constant 4 : i32
    %dma_start3A_566 = arith.constant 0 : i32
    %dma_start3A_567 = arith.constant 0 : i32
    %dma_start3A_568 = tpu.memref_slice %arg9[%dma_start3A_563, %dma_start3A_566, %dma_start3A_567] : memref<5x128x64xf32, #tpu.memory_space<vmem>> -> memref<1x128x64xf32, #tpu.memory_space<vmem>>
    %dma_start3A_569 = tpu.memref_squeeze %dma_start3A_568 : memref<1x128x64xf32, #tpu.memory_space<vmem>> -> memref<128x64xf32, #tpu.memory_space<vmem>>
    %dma_start3A_570 = arith.constant 0 : i32
    %dma_start3A_571 = tpu.memref_slice %arg8[%dma_start3A_564, %dma_start3A_570] : memref<160x128xi32, #tpu.memory_space<vmem>> -> memref<1x128xi32, #tpu.memory_space<vmem>>
    %dma_start3A_572 = tpu.memref_squeeze %dma_start3A_571 : memref<1x128xi32, #tpu.memory_space<vmem>> -> memref<128xi32, #tpu.memory_space<vmem>>
    %dma_start3A_573 = arith.constant 0 : i32
    %dma_start3A_574 = arith.constant 0 : i32
    %dma_start3A_575 = tpu.memref_slice %arg10[%dma_start3A_573, %dma_start3A_574] : memref<10112x64xf32, #tpu.memory_space<vmem_shared>> -> memref<10112x64xf32, #tpu.memory_space<vmem_shared>>
    %dma_start3A_576 = tpu.memref_slice %arg12[%dma_start3A_565] : memref<5x!tpu.dma_semaphore, #tpu.memory_space<semaphore_mem>> -> memref<1x!tpu.dma_semaphore, #tpu.memory_space<semaphore_mem>>
    %dma_start3A_577 = tpu.memref_squeeze %dma_start3A_576 : memref<1x!tpu.dma_semaphore, #tpu.memory_space<semaphore_mem>> -> memref<!tpu.dma_semaphore, #tpu.memory_space<semaphore_mem>>
    tpu.enqueue_indirect_dma source(%dma_start3A_569 : memref<128x64xf32, #tpu.memory_space<vmem>>) target(%dma_start3A_575 : memref<10112x64xf32, #tpu.memory_space<vmem_shared>>) offsets(%dma_start3A_572 : memref<128xi32, #tpu.memory_space<vmem>>) semaphore(%dma_start3A_577 : memref<!tpu.dma_semaphore, #tpu.memory_space<semaphore_mem>>) {add = true}
    %dma_wait3A_578 = arith.constant 0 : i32
    %dma_wait3A_579 = arith.constant 0 : i32
    %dma_wait3A_580 = arith.constant 0 : i32
    %dma_wait3A_581 = arith.constant 0 : i32
    %dma_wait3A_582 = arith.constant 0 : i32
    %dma_wait3A_583 = tpu.memref_slice %arg9[%dma_wait3A_578, %dma_wait3A_581, %dma_wait3A_582] : memref<5x128x64xf32, #tpu.memory_space<vmem>> -> memref<1x128x64xf32, #tpu.memory_space<vmem>>
    %dma_wait3A_584 = tpu.memref_squeeze %dma_wait3A_583 : memref<1x128x64xf32, #tpu.memory_space<vmem>> -> memref<128x64xf32, #tpu.memory_space<vmem>>
    %dma_wait3A_585 = arith.constant 0 : i32
    %dma_wait3A_586 = tpu.memref_slice %arg8[%dma_wait3A_579, %dma_wait3A_585] : memref<160x128xi32, #tpu.memory_space<vmem>> -> memref<1x128xi32, #tpu.memory_space<vmem>>
    %dma_wait3A_587 = tpu.memref_squeeze %dma_wait3A_586 : memref<1x128xi32, #tpu.memory_space<vmem>> -> memref<128xi32, #tpu.memory_space<vmem>>
    %dma_wait3A_588 = arith.constant 0 : i32
    %dma_wait3A_589 = arith.constant 0 : i32
    %dma_wait3A_590 = tpu.memref_slice %arg10[%dma_wait3A_588, %dma_wait3A_589] : memref<10112x64xf32, #tpu.memory_space<vmem_shared>> -> memref<10112x64xf32, #tpu.memory_space<vmem_shared>>
    %dma_wait3A_591 = tpu.memref_slice %arg12[%dma_wait3A_580] : memref<5x!tpu.dma_semaphore, #tpu.memory_space<semaphore_mem>> -> memref<1x!tpu.dma_semaphore, #tpu.memory_space<semaphore_mem>>
    %dma_wait3A_592 = tpu.memref_squeeze %dma_wait3A_591 : memref<1x!tpu.dma_semaphore, #tpu.memory_space<semaphore_mem>> -> memref<!tpu.dma_semaphore, #tpu.memory_space<semaphore_mem>>
    tpu.wait_indirect_dma semaphore(%dma_wait3A_592 : memref<!tpu.dma_semaphore, #tpu.memory_space<semaphore_mem>>) src(%dma_wait3A_584 : memref<128x64xf32, #tpu.memory_space<vmem>>) dst(%dma_wait3A_590 : memref<10112x64xf32, #tpu.memory_space<vmem_shared>>)
    %dma_wait3A_593 = arith.constant 1 : i32
    %dma_wait3A_594 = arith.constant 0 : i32
    %dma_wait3A_595 = arith.constant 1 : i32
    %dma_wait3A_596 = arith.constant 0 : i32
    %dma_wait3A_597 = arith.constant 0 : i32
    %dma_wait3A_598 = tpu.memref_slice %arg9[%dma_wait3A_593, %dma_wait3A_596, %dma_wait3A_597] : memref<5x128x64xf32, #tpu.memory_space<vmem>> -> memref<1x128x64xf32, #tpu.memory_space<vmem>>
    %dma_wait3A_599 = tpu.memref_squeeze %dma_wait3A_598 : memref<1x128x64xf32, #tpu.memory_space<vmem>> -> memref<128x64xf32, #tpu.memory_space<vmem>>
    %dma_wait3A_600 = arith.constant 0 : i32
    %dma_wait3A_601 = tpu.memref_slice %arg8[%dma_wait3A_594, %dma_wait3A_600] : memref<160x128xi32, #tpu.memory_space<vmem>> -> memref<1x128xi32, #tpu.memory_space<vmem>>
    %dma_wait3A_602 = tpu.memref_squeeze %dma_wait3A_601 : memref<1x128xi32, #tpu.memory_space<vmem>> -> memref<128xi32, #tpu.memory_space<vmem>>
    %dma_wait3A_603 = arith.constant 0 : i32
    %dma_wait3A_604 = arith.constant 0 : i32
    %dma_wait3A_605 = tpu.memref_slice %arg10[%dma_wait3A_603, %dma_wait3A_604] : memref<10112x64xf32, #tpu.memory_space<vmem_shared>> -> memref<10112x64xf32, #tpu.memory_space<vmem_shared>>
    %dma_wait3A_606 = tpu.memref_slice %arg12[%dma_wait3A_595] : memref<5x!tpu.dma_semaphore, #tpu.memory_space<semaphore_mem>> -> memref<1x!tpu.dma_semaphore, #tpu.memory_space<semaphore_mem>>
    %dma_wait3A_607 = tpu.memref_squeeze %dma_wait3A_606 : memref<1x!tpu.dma_semaphore, #tpu.memory_space<semaphore_mem>> -> memref<!tpu.dma_semaphore, #tpu.memory_space<semaphore_mem>>
    tpu.wait_indirect_dma semaphore(%dma_wait3A_607 : memref<!tpu.dma_semaphore, #tpu.memory_space<semaphore_mem>>) src(%dma_wait3A_599 : memref<128x64xf32, #tpu.memory_space<vmem>>) dst(%dma_wait3A_605 : memref<10112x64xf32, #tpu.memory_space<vmem_shared>>)
    %dma_wait3A_608 = arith.constant 2 : i32
    %dma_wait3A_609 = arith.constant 0 : i32
    %dma_wait3A_610 = arith.constant 2 : i32
    %dma_wait3A_611 = arith.constant 0 : i32
    %dma_wait3A_612 = arith.constant 0 : i32
    %dma_wait3A_613 = tpu.memref_slice %arg9[%dma_wait3A_608, %dma_wait3A_611, %dma_wait3A_612] : memref<5x128x64xf32, #tpu.memory_space<vmem>> -> memref<1x128x64xf32, #tpu.memory_space<vmem>>
    %dma_wait3A_614 = tpu.memref_squeeze %dma_wait3A_613 : memref<1x128x64xf32, #tpu.memory_space<vmem>> -> memref<128x64xf32, #tpu.memory_space<vmem>>
    %dma_wait3A_615 = arith.constant 0 : i32
    %dma_wait3A_616 = tpu.memref_slice %arg8[%dma_wait3A_609, %dma_wait3A_615] : memref<160x128xi32, #tpu.memory_space<vmem>> -> memref<1x128xi32, #tpu.memory_space<vmem>>
    %dma_wait3A_617 = tpu.memref_squeeze %dma_wait3A_616 : memref<1x128xi32, #tpu.memory_space<vmem>> -> memref<128xi32, #tpu.memory_space<vmem>>
    %dma_wait3A_618 = arith.constant 0 : i32
    %dma_wait3A_619 = arith.constant 0 : i32
    %dma_wait3A_620 = tpu.memref_slice %arg10[%dma_wait3A_618, %dma_wait3A_619] : memref<10112x64xf32, #tpu.memory_space<vmem_shared>> -> memref<10112x64xf32, #tpu.memory_space<vmem_shared>>
    %dma_wait3A_621 = tpu.memref_slice %arg12[%dma_wait3A_610] : memref<5x!tpu.dma_semaphore, #tpu.memory_space<semaphore_mem>> -> memref<1x!tpu.dma_semaphore, #tpu.memory_space<semaphore_mem>>
    %dma_wait3A_622 = tpu.memref_squeeze %dma_wait3A_621 : memref<1x!tpu.dma_semaphore, #tpu.memory_space<semaphore_mem>> -> memref<!tpu.dma_semaphore, #tpu.memory_space<semaphore_mem>>
    tpu.wait_indirect_dma semaphore(%dma_wait3A_622 : memref<!tpu.dma_semaphore, #tpu.memory_space<semaphore_mem>>) src(%dma_wait3A_614 : memref<128x64xf32, #tpu.memory_space<vmem>>) dst(%dma_wait3A_620 : memref<10112x64xf32, #tpu.memory_space<vmem_shared>>)
    %dma_wait3A_623 = arith.constant 3 : i32
    %dma_wait3A_624 = arith.constant 0 : i32
    %dma_wait3A_625 = arith.constant 3 : i32
    %dma_wait3A_626 = arith.constant 0 : i32
    %dma_wait3A_627 = arith.constant 0 : i32
    %dma_wait3A_628 = tpu.memref_slice %arg9[%dma_wait3A_623, %dma_wait3A_626, %dma_wait3A_627] : memref<5x128x64xf32, #tpu.memory_space<vmem>> -> memref<1x128x64xf32, #tpu.memory_space<vmem>>
    %dma_wait3A_629 = tpu.memref_squeeze %dma_wait3A_628 : memref<1x128x64xf32, #tpu.memory_space<vmem>> -> memref<128x64xf32, #tpu.memory_space<vmem>>
    %dma_wait3A_630 = arith.constant 0 : i32
    %dma_wait3A_631 = tpu.memref_slice %arg8[%dma_wait3A_624, %dma_wait3A_630] : memref<160x128xi32, #tpu.memory_space<vmem>> -> memref<1x128xi32, #tpu.memory_space<vmem>>
    %dma_wait3A_632 = tpu.memref_squeeze %dma_wait3A_631 : memref<1x128xi32, #tpu.memory_space<vmem>> -> memref<128xi32, #tpu.memory_space<vmem>>
    %dma_wait3A_633 = arith.constant 0 : i32
    %dma_wait3A_634 = arith.constant 0 : i32
    %dma_wait3A_635 = tpu.memref_slice %arg10[%dma_wait3A_633, %dma_wait3A_634] : memref<10112x64xf32, #tpu.memory_space<vmem_shared>> -> memref<10112x64xf32, #tpu.memory_space<vmem_shared>>
    %dma_wait3A_636 = tpu.memref_slice %arg12[%dma_wait3A_625] : memref<5x!tpu.dma_semaphore, #tpu.memory_space<semaphore_mem>> -> memref<1x!tpu.dma_semaphore, #tpu.memory_space<semaphore_mem>>
    %dma_wait3A_637 = tpu.memref_squeeze %dma_wait3A_636 : memref<1x!tpu.dma_semaphore, #tpu.memory_space<semaphore_mem>> -> memref<!tpu.dma_semaphore, #tpu.memory_space<semaphore_mem>>
    tpu.wait_indirect_dma semaphore(%dma_wait3A_637 : memref<!tpu.dma_semaphore, #tpu.memory_space<semaphore_mem>>) src(%dma_wait3A_629 : memref<128x64xf32, #tpu.memory_space<vmem>>) dst(%dma_wait3A_635 : memref<10112x64xf32, #tpu.memory_space<vmem_shared>>)
    %dma_wait3A_638 = arith.constant 4 : i32
    %dma_wait3A_639 = arith.constant 0 : i32
    %dma_wait3A_640 = arith.constant 4 : i32
    %dma_wait3A_641 = arith.constant 0 : i32
    %dma_wait3A_642 = arith.constant 0 : i32
    %dma_wait3A_643 = tpu.memref_slice %arg9[%dma_wait3A_638, %dma_wait3A_641, %dma_wait3A_642] : memref<5x128x64xf32, #tpu.memory_space<vmem>> -> memref<1x128x64xf32, #tpu.memory_space<vmem>>
    %dma_wait3A_644 = tpu.memref_squeeze %dma_wait3A_643 : memref<1x128x64xf32, #tpu.memory_space<vmem>> -> memref<128x64xf32, #tpu.memory_space<vmem>>
    %dma_wait3A_645 = arith.constant 0 : i32
    %dma_wait3A_646 = tpu.memref_slice %arg8[%dma_wait3A_639, %dma_wait3A_645] : memref<160x128xi32, #tpu.memory_space<vmem>> -> memref<1x128xi32, #tpu.memory_space<vmem>>
    %dma_wait3A_647 = tpu.memref_squeeze %dma_wait3A_646 : memref<1x128xi32, #tpu.memory_space<vmem>> -> memref<128xi32, #tpu.memory_space<vmem>>
    %dma_wait3A_648 = arith.constant 0 : i32
    %dma_wait3A_649 = arith.constant 0 : i32
    %dma_wait3A_650 = tpu.memref_slice %arg10[%dma_wait3A_648, %dma_wait3A_649] : memref<10112x64xf32, #tpu.memory_space<vmem_shared>> -> memref<10112x64xf32, #tpu.memory_space<vmem_shared>>
    %dma_wait3A_651 = tpu.memref_slice %arg12[%dma_wait3A_640] : memref<5x!tpu.dma_semaphore, #tpu.memory_space<semaphore_mem>> -> memref<1x!tpu.dma_semaphore, #tpu.memory_space<semaphore_mem>>
    %dma_wait3A_652 = tpu.memref_squeeze %dma_wait3A_651 : memref<1x!tpu.dma_semaphore, #tpu.memory_space<semaphore_mem>> -> memref<!tpu.dma_semaphore, #tpu.memory_space<semaphore_mem>>
    tpu.wait_indirect_dma semaphore(%dma_wait3A_652 : memref<!tpu.dma_semaphore, #tpu.memory_space<semaphore_mem>>) src(%dma_wait3A_644 : memref<128x64xf32, #tpu.memory_space<vmem>>) dst(%dma_wait3A_650 : memref<10112x64xf32, #tpu.memory_space<vmem_shared>>)
    %barrier3A_653 = arith.constant 0 : index
    tpu.barrier barrier_id(%barrier3A_653)
    %mul3A_654 = arith.constant 64 : i32
    %mul3A_655 = arith.muli %arg0, %mul3A_654 : i32
    %multiple_of3A_656 = tpu.assume_multiple %mul3A_655, 32 : i32
    "tpu.region"() ({
      %run_scoped3A = tpu.sem_alloc : memref<!tpu.dma_semaphore, #tpu.memory_space<semaphore_mem>>
      %dma_start3A_657 = tpu.memref_slice %arg6[%multiple_of3A_18, %multiple_of3A_656] : memref<10112x128xf32, #tpu.memory_space<hbm>> -> memref<632x64xf32, #tpu.memory_space<hbm>>
      %dma_start3A_658 = arith.constant 0 : i32
      %dma_start3A_659 = tpu.memref_slice %arg10[%multiple_of3A_18, %dma_start3A_658] : memref<10112x64xf32, #tpu.memory_space<vmem_shared>> -> memref<632x64xf32, #tpu.memory_space<vmem_shared>>
      tpu.enqueue_dma source(%dma_start3A_659 : memref<632x64xf32, #tpu.memory_space<vmem_shared>>) target(%dma_start3A_657 : memref<632x64xf32, #tpu.memory_space<hbm>>) target_semaphore(%run_scoped3A : memref<!tpu.dma_semaphore, #tpu.memory_space<semaphore_mem>>)
      %dma_wait3A_660 = tpu.memref_slice %arg6[%multiple_of3A_18, %multiple_of3A_656] : memref<10112x128xf32, #tpu.memory_space<hbm>> -> memref<632x64xf32, #tpu.memory_space<hbm>>
      %dma_wait3A_661 = arith.constant 0 : i32
      %dma_wait3A_662 = tpu.memref_slice %arg10[%multiple_of3A_18, %dma_wait3A_661] : memref<10112x64xf32, #tpu.memory_space<vmem_shared>> -> memref<632x64xf32, #tpu.memory_space<vmem_shared>>
      tpu.wait_dma2 semaphore(%run_scoped3A : memref<!tpu.dma_semaphore, #tpu.memory_space<semaphore_mem>>) src(%dma_wait3A_662 : memref<632x64xf32, #tpu.memory_space<vmem_shared>>) dst(%dma_wait3A_660 : memref<632x64xf32, #tpu.memory_space<hbm>>)
      tpu.yield
    }) : () -> ()
    return
  }
}

module attributes {stable_mosaic.version = 14 : i64} {
  func.func @_mm_body(%arg0: i32, %arg1: memref<2000x128xf32, #tpu.memory_space<vmem>>, %arg2: memref<128x128xf32, #tpu.memory_space<vmem>>, %arg3: memref<1x128xf32, #tpu.memory_space<vmem>>, %arg4: memref<2000x128xf32, #tpu.memory_space<vmem>>) attributes {dimension_semantics = [#tpu.dimension_semantics<arbitrary>], iteration_bounds = array<i64: 5>, scalar_prefetch = 0 : i64, scratch_operands = 0 : i64, tpu.core_type = #tpu.core_type<tc>, window_params = [{transform_indices = @transform_0, window_bounds = array<i64: 2000, 128>}, {pipeline_mode = #tpu.pipeline_mode<synchronous>, transform_indices = @transform_1, window_bounds = array<i64: 128, 128>}, {pipeline_mode = #tpu.pipeline_mode<synchronous>, transform_indices = @transform_2, window_bounds = array<i64: 1, 128>}, {transform_indices = @transform_3, window_bounds = array<i64: 2000, 128>}]} {
    %get3A = arith.constant 0 : index
    %get3A_0 = arith.constant 0 : index
    %get3A_1 = vector.load %arg1[%get3A, %get3A_0] : memref<2000x128xf32, #tpu.memory_space<vmem>>, vector<2000x128xf32>
    %get3A_2 = arith.constant 0 : index
    %get3A_3 = arith.constant 0 : index
    %get3A_4 = vector.load %arg2[%get3A_2, %get3A_3] : memref<128x128xf32, #tpu.memory_space<vmem>>, vector<128x128xf32>
    %dot_general3A = arith.constant dense<0.000000e+00> : vector<2000x128xf32>
    %dot_general3A_5 = tpu.matmul %get3A_1, %get3A_4, %dot_general3A {dimension_numbers = #tpu.dot_dimension_numbers<[1], [0], [0], [1], [0, 0, 1, 1], [], []>, transpose_lhs_hint = false} : vector<2000x128xf32>, vector<128x128xf32>, vector<2000x128xf32> -> vector<2000x128xf32>
    %get3A_6 = arith.constant 0 : index
    %get3A_7 = arith.constant 0 : index
    %get3A_8 = vector.load %arg3[%get3A_6, %get3A_7] : memref<1x128xf32, #tpu.memory_space<vmem>>, vector<1x128xf32>
    %add3A = vector.broadcast %get3A_8 : vector<1x128xf32> to vector<2000x128xf32>
    %add3A_9 = arith.addf %dot_general3A_5, %add3A : vector<2000x128xf32>
    %swap3A = arith.constant 0 : index
    %swap3A_10 = arith.constant 0 : index
    %swap3A_11 = vector.load %arg4[%swap3A, %swap3A_10] : memref<2000x128xf32, #tpu.memory_space<vmem>>, vector<2000x128xf32>
    tpu.vector_store %arg4[%swap3A, %swap3A_10], %add3A_9 {strides = array<i32>} : memref<2000x128xf32, #tpu.memory_space<vmem>>, vector<2000x128xf32>,
    return
  }
  func.func @transform_0(%arg0: i32) -> (i32, i32) {
    %c0_i32 = arith.constant 0 : i32
    %c0_i32_0 = arith.constant 0 : i32
    return %arg0, %c0_i32 : i32, i32
  }
  func.func @transform_1(%arg0: i32) -> (i32, i32) {
    %c0_i32 = arith.constant 0 : i32
    %c0_i32_0 = arith.constant 0 : i32
    %c0_i32_1 = arith.constant 0 : i32
    return %c0_i32, %c0_i32_0 : i32, i32
  }
  func.func @transform_2(%arg0: i32) -> (i32, i32) {
    %c0_i32 = arith.constant 0 : i32
    %c0_i32_0 = arith.constant 0 : i32
    %c0_i32_1 = arith.constant 0 : i32
    return %c0_i32, %c0_i32_0 : i32, i32
  }
  func.func @transform_3(%arg0: i32) -> (i32, i32) {
    %c0_i32 = arith.constant 0 : i32
    %c0_i32_0 = arith.constant 0 : i32
    return %arg0, %c0_i32 : i32, i32
  }
}

module attributes {stable_mosaic.version = 14 : i64} {
  func.func @_combine_mm_body(%arg0: i32, %arg1: memref<2000x128xf32, #tpu.memory_space<vmem>>, %arg2: memref<2000x1xf32, #tpu.memory_space<vmem>>, %arg3: memref<128x128xf32, #tpu.memory_space<vmem>>, %arg4: memref<1x128xf32, #tpu.memory_space<vmem>>, %arg5: memref<2000x128xf32, #tpu.memory_space<vmem>>, %arg6: memref<2000x128xf32, #tpu.memory_space<vmem>>) attributes {dimension_semantics = [#tpu.dimension_semantics<arbitrary>], iteration_bounds = array<i64: 5>, scalar_prefetch = 0 : i64, scratch_operands = 0 : i64, tpu.core_type = #tpu.core_type<tc>, window_params = [{transform_indices = @transform_0, window_bounds = array<i64: 2000, 128>}, {transform_indices = @transform_1, window_bounds = array<i64: 2000, 1>}, {pipeline_mode = #tpu.pipeline_mode<synchronous>, transform_indices = @transform_2, window_bounds = array<i64: 128, 128>}, {pipeline_mode = #tpu.pipeline_mode<synchronous>, transform_indices = @transform_3, window_bounds = array<i64: 1, 128>}, {transform_indices = @transform_4, window_bounds = array<i64: 2000, 128>}, {transform_indices = @transform_5, window_bounds = array<i64: 2000, 128>}]} {
    %get3A = arith.constant 0 : index
    %get3A_0 = arith.constant 0 : index
    %get3A_1 = vector.load %arg2[%get3A, %get3A_0] : memref<2000x1xf32, #tpu.memory_space<vmem>>, vector<2000x1xf32>
    %get3A_2 = arith.constant 0 : index
    %get3A_3 = arith.constant 0 : index
    %get3A_4 = vector.load %arg1[%get3A_2, %get3A_3] : memref<2000x128xf32, #tpu.memory_space<vmem>>, vector<2000x128xf32>
    %mul3A = vector.broadcast %get3A_1 : vector<2000x1xf32> to vector<2000x128xf32>
    %mul3A_5 = arith.mulf %mul3A, %get3A_4 : vector<2000x128xf32>
    %max3A = arith.constant 0.000000e+00 : f32
    %max3A_6 = vector.broadcast %max3A : f32 to vector<2000x128xf32>
    %max3A_7 = arith.maximumf %mul3A_5, %max3A_6 : vector<2000x128xf32>
    %swap3A = arith.constant 0 : index
    %swap3A_8 = arith.constant 0 : index
    %swap3A_9 = vector.load %arg5[%swap3A, %swap3A_8] : memref<2000x128xf32, #tpu.memory_space<vmem>>, vector<2000x128xf32>
    tpu.vector_store %arg5[%swap3A, %swap3A_8], %max3A_7 {strides = array<i32>} : memref<2000x128xf32, #tpu.memory_space<vmem>>, vector<2000x128xf32>,
    %get3A_10 = arith.constant 0 : index
    %get3A_11 = arith.constant 0 : index
    %get3A_12 = vector.load %arg3[%get3A_10, %get3A_11] : memref<128x128xf32, #tpu.memory_space<vmem>>, vector<128x128xf32>
    %dot_general3A = arith.constant dense<0.000000e+00> : vector<2000x128xf32>
    %dot_general3A_13 = tpu.matmul %max3A_7, %get3A_12, %dot_general3A {dimension_numbers = #tpu.dot_dimension_numbers<[1], [0], [0], [1], [0, 0, 1, 1], [], []>, transpose_lhs_hint = false} : vector<2000x128xf32>, vector<128x128xf32>, vector<2000x128xf32> -> vector<2000x128xf32>
    %get3A_14 = arith.constant 0 : index
    %get3A_15 = arith.constant 0 : index
    %get3A_16 = vector.load %arg4[%get3A_14, %get3A_15] : memref<1x128xf32, #tpu.memory_space<vmem>>, vector<1x128xf32>
    %add3A = vector.broadcast %get3A_16 : vector<1x128xf32> to vector<2000x128xf32>
    %add3A_17 = arith.addf %dot_general3A_13, %add3A : vector<2000x128xf32>
    %swap3A_18 = arith.constant 0 : index
    %swap3A_19 = arith.constant 0 : index
    %swap3A_20 = vector.load %arg6[%swap3A_18, %swap3A_19] : memref<2000x128xf32, #tpu.memory_space<vmem>>, vector<2000x128xf32>
    tpu.vector_store %arg6[%swap3A_18, %swap3A_19], %add3A_17 {strides = array<i32>} : memref<2000x128xf32, #tpu.memory_space<vmem>>, vector<2000x128xf32>,
    return
  }
  func.func @transform_0(%arg0: i32) -> (i32, i32) {
    %c0_i32 = arith.constant 0 : i32
    %c0_i32_0 = arith.constant 0 : i32
    return %arg0, %c0_i32 : i32, i32
  }
  func.func @transform_1(%arg0: i32) -> (i32, i32) {
    %c0_i32 = arith.constant 0 : i32
    %c0_i32_0 = arith.constant 0 : i32
    return %arg0, %c0_i32 : i32, i32
  }
  func.func @transform_2(%arg0: i32) -> (i32, i32) {
    %c0_i32 = arith.constant 0 : i32
    %c0_i32_0 = arith.constant 0 : i32
    %c0_i32_1 = arith.constant 0 : i32
    return %c0_i32, %c0_i32_0 : i32, i32
  }
  func.func @transform_3(%arg0: i32) -> (i32, i32) {
    %c0_i32 = arith.constant 0 : i32
    %c0_i32_0 = arith.constant 0 : i32
    %c0_i32_1 = arith.constant 0 : i32
    return %c0_i32, %c0_i32_0 : i32, i32
  }
  func.func @transform_4(%arg0: i32) -> (i32, i32) {
    %c0_i32 = arith.constant 0 : i32
    %c0_i32_0 = arith.constant 0 : i32
    return %arg0, %c0_i32 : i32, i32
  }
  func.func @transform_5(%arg0: i32) -> (i32, i32) {
    %c0_i32 = arith.constant 0 : i32
    %c0_i32_0 = arith.constant 0 : i32
    return %arg0, %c0_i32 : i32, i32
  }
}

module attributes {stable_mosaic.version = 14 : i64} {
  func.func @_combine_res_mm_body(%arg0: i32, %arg1: memref<2000x128xf32, #tpu.memory_space<vmem>>, %arg2: memref<2000x1xf32, #tpu.memory_space<vmem>>, %arg3: memref<2000x128xf32, #tpu.memory_space<vmem>>, %arg4: memref<128x128xf32, #tpu.memory_space<vmem>>, %arg5: memref<1x128xf32, #tpu.memory_space<vmem>>, %arg6: memref<2000x128xf32, #tpu.memory_space<vmem>>) attributes {dimension_semantics = [#tpu.dimension_semantics<arbitrary>], iteration_bounds = array<i64: 5>, scalar_prefetch = 0 : i64, scratch_operands = 0 : i64, tpu.core_type = #tpu.core_type<tc>, window_params = [{transform_indices = @transform_0, window_bounds = array<i64: 2000, 128>}, {transform_indices = @transform_1, window_bounds = array<i64: 2000, 1>}, {transform_indices = @transform_2, window_bounds = array<i64: 2000, 128>}, {pipeline_mode = #tpu.pipeline_mode<synchronous>, transform_indices = @transform_3, window_bounds = array<i64: 128, 128>}, {pipeline_mode = #tpu.pipeline_mode<synchronous>, transform_indices = @transform_4, window_bounds = array<i64: 1, 128>}, {transform_indices = @transform_5, window_bounds = array<i64: 2000, 128>}]} {
    %get3A = arith.constant 0 : index
    %get3A_0 = arith.constant 0 : index
    %get3A_1 = vector.load %arg2[%get3A, %get3A_0] : memref<2000x1xf32, #tpu.memory_space<vmem>>, vector<2000x1xf32>
    %get3A_2 = arith.constant 0 : index
    %get3A_3 = arith.constant 0 : index
    %get3A_4 = vector.load %arg1[%get3A_2, %get3A_3] : memref<2000x128xf32, #tpu.memory_space<vmem>>, vector<2000x128xf32>
    %mul3A = vector.broadcast %get3A_1 : vector<2000x1xf32> to vector<2000x128xf32>
    %mul3A_5 = arith.mulf %mul3A, %get3A_4 : vector<2000x128xf32>
    %max3A = arith.constant 0.000000e+00 : f32
    %max3A_6 = vector.broadcast %max3A : f32 to vector<2000x128xf32>
    %max3A_7 = arith.maximumf %mul3A_5, %max3A_6 : vector<2000x128xf32>
    %get3A_8 = arith.constant 0 : index
    %get3A_9 = arith.constant 0 : index
    %get3A_10 = vector.load %arg3[%get3A_8, %get3A_9] : memref<2000x128xf32, #tpu.memory_space<vmem>>, vector<2000x128xf32>
    %add3A = arith.addf %max3A_7, %get3A_10 : vector<2000x128xf32>
    %get3A_11 = arith.constant 0 : index
    %get3A_12 = arith.constant 0 : index
    %get3A_13 = vector.load %arg4[%get3A_11, %get3A_12] : memref<128x128xf32, #tpu.memory_space<vmem>>, vector<128x128xf32>
    %dot_general3A = arith.constant dense<0.000000e+00> : vector<2000x128xf32>
    %dot_general3A_14 = tpu.matmul %add3A, %get3A_13, %dot_general3A {dimension_numbers = #tpu.dot_dimension_numbers<[1], [0], [0], [1], [0, 0, 1, 1], [], []>, transpose_lhs_hint = false} : vector<2000x128xf32>, vector<128x128xf32>, vector<2000x128xf32> -> vector<2000x128xf32>
    %get3A_15 = arith.constant 0 : index
    %get3A_16 = arith.constant 0 : index
    %get3A_17 = vector.load %arg5[%get3A_15, %get3A_16] : memref<1x128xf32, #tpu.memory_space<vmem>>, vector<1x128xf32>
    %add3A_18 = vector.broadcast %get3A_17 : vector<1x128xf32> to vector<2000x128xf32>
    %add3A_19 = arith.addf %dot_general3A_14, %add3A_18 : vector<2000x128xf32>
    %swap3A = arith.constant 0 : index
    %swap3A_20 = arith.constant 0 : index
    %swap3A_21 = vector.load %arg6[%swap3A, %swap3A_20] : memref<2000x128xf32, #tpu.memory_space<vmem>>, vector<2000x128xf32>
    tpu.vector_store %arg6[%swap3A, %swap3A_20], %add3A_19 {strides = array<i32>} : memref<2000x128xf32, #tpu.memory_space<vmem>>, vector<2000x128xf32>,
    return
  }
  func.func @transform_0(%arg0: i32) -> (i32, i32) {
    %c0_i32 = arith.constant 0 : i32
    %c0_i32_0 = arith.constant 0 : i32
    return %arg0, %c0_i32 : i32, i32
  }
  func.func @transform_1(%arg0: i32) -> (i32, i32) {
    %c0_i32 = arith.constant 0 : i32
    %c0_i32_0 = arith.constant 0 : i32
    return %arg0, %c0_i32 : i32, i32
  }
  func.func @transform_2(%arg0: i32) -> (i32, i32) {
    %c0_i32 = arith.constant 0 : i32
    %c0_i32_0 = arith.constant 0 : i32
    return %arg0, %c0_i32 : i32, i32
  }
  func.func @transform_3(%arg0: i32) -> (i32, i32) {
    %c0_i32 = arith.constant 0 : i32
    %c0_i32_0 = arith.constant 0 : i32
    %c0_i32_1 = arith.constant 0 : i32
    return %c0_i32, %c0_i32_0 : i32, i32
  }
  func.func @transform_4(%arg0: i32) -> (i32, i32) {
    %c0_i32 = arith.constant 0 : i32
    %c0_i32_0 = arith.constant 0 : i32
    %c0_i32_1 = arith.constant 0 : i32
    return %c0_i32, %c0_i32_0 : i32, i32
  }
  func.func @transform_5(%arg0: i32) -> (i32, i32) {
    %c0_i32 = arith.constant 0 : i32
    %c0_i32_0 = arith.constant 0 : i32
    return %arg0, %c0_i32 : i32, i32
  }
}

module attributes {stable_mosaic.version = 14 : i64} {
  func.func @_final_body(%arg0: i32, %arg1: memref<10000x128xf32, #tpu.memory_space<vmem>>, %arg2: memref<10000x1xf32, #tpu.memory_space<vmem>>, %arg3: memref<64x10000xf32, #tpu.memory_space<vmem>>) attributes {dimension_semantics = [#tpu.dimension_semantics<arbitrary>], iteration_bounds = array<i64: 1>, scalar_prefetch = 0 : i64, scratch_operands = 0 : i64, tpu.core_type = #tpu.core_type<tc>, window_params = [{transform_indices = @transform_0, window_bounds = array<i64: 10000, 128>}, {pipeline_mode = #tpu.pipeline_mode<synchronous>, transform_indices = @transform_1, window_bounds = array<i64: 10000, 1>}, {pipeline_mode = #tpu.pipeline_mode<synchronous>, transform_indices = @transform_2, window_bounds = array<i64: 64, 10000>}]} {
    %get3A = arith.constant 0 : index
    %get3A_0 = arith.constant 0 : index
    %get3A_1 = vector.load %arg2[%get3A, %get3A_0] : memref<10000x1xf32, #tpu.memory_space<vmem>>, vector<10000x1xf32>
    %get3A_2 = arith.constant 0 : index
    %get3A_3 = arith.constant 0 : index
    %get3A_4 = vector.load %arg1[%get3A_2, %get3A_3] : memref<10000x128xf32, #tpu.memory_space<vmem>>, vector<10000x64xf32>
    %get3A_5 = arith.constant 0 : index
    %get3A_6 = arith.constant 64 : index
    %get3A_7 = vector.load %arg1[%get3A_5, %get3A_6] : memref<10000x128xf32, #tpu.memory_space<vmem>>, vector<10000x64xf32>
    %add3A = arith.addf %get3A_4, %get3A_7 : vector<10000x64xf32>
    %mul3A = vector.broadcast %get3A_1 : vector<10000x1xf32> to vector<10000x64xf32>
    %mul3A_8 = arith.mulf %mul3A, %add3A : vector<10000x64xf32>
    %reduce_max3A = arith.constant dense<0xFF800000> : vector<10000xf32>
    %reduce_max3A_9 = vector.multi_reduction <maximumf>, %mul3A_8, %reduce_max3A [1] : vector<10000x64xf32> to vector<10000xf32>
    %broadcast_in_dim3A = vector.shape_cast %reduce_max3A_9 : vector<10000xf32> to vector<10000x1xf32>
    %sub3A = vector.broadcast %broadcast_in_dim3A : vector<10000x1xf32> to vector<10000x64xf32>
    %sub3A_10 = arith.subf %mul3A_8, %sub3A : vector<10000x64xf32>
    %exp3A = math.exp %sub3A_10 : vector<10000x64xf32>
    %reduce_sum3A = arith.constant dense<0.000000e+00> : vector<10000xf32>
    %reduce_sum3A_11 = vector.multi_reduction <add>, %exp3A, %reduce_sum3A [1] : vector<10000x64xf32> to vector<10000xf32>
    %broadcast_in_dim3A_12 = vector.shape_cast %reduce_sum3A_11 : vector<10000xf32> to vector<10000x1xf32>
    %log3A = math.log %broadcast_in_dim3A_12 : vector<10000x1xf32>
    %add3A_13 = arith.addf %broadcast_in_dim3A, %log3A : vector<10000x1xf32>
    %sub3A_14 = vector.broadcast %add3A_13 : vector<10000x1xf32> to vector<10000x64xf32>
    %sub3A_15 = arith.subf %mul3A_8, %sub3A_14 : vector<10000x64xf32>
    %transpose3A = tpu.transpose %sub3A_15, [1, 0] : vector<10000x64xf32> -> vector<64x10000xf32>
    %swap3A = arith.constant 0 : index
    %swap3A_16 = arith.constant 0 : index
    %swap3A_17 = vector.load %arg3[%swap3A, %swap3A_16] : memref<64x10000xf32, #tpu.memory_space<vmem>>, vector<64x10000xf32>
    tpu.vector_store %arg3[%swap3A, %swap3A_16], %transpose3A {strides = array<i32>} : memref<64x10000xf32, #tpu.memory_space<vmem>>, vector<64x10000xf32>,
    return
  }
  func.func @transform_0(%arg0: i32) -> (i32, i32) {
    %c0_i32 = arith.constant 0 : i32
    %c0_i32_0 = arith.constant 0 : i32
    %c0_i32_1 = arith.constant 0 : i32
    return %c0_i32, %c0_i32_0 : i32, i32
  }
  func.func @transform_1(%arg0: i32) -> (i32, i32) {
    %c0_i32 = arith.constant 0 : i32
    %c0_i32_0 = arith.constant 0 : i32
    %c0_i32_1 = arith.constant 0 : i32
    return %c0_i32, %c0_i32_0 : i32, i32
  }
  func.func @transform_2(%arg0: i32) -> (i32, i32) {
    %c0_i32 = arith.constant 0 : i32
    %c0_i32_0 = arith.constant 0 : i32
    %c0_i32_1 = arith.constant 0 : i32
    return %c0_i32, %c0_i32_0 : i32, i32
  }
}

</mosaic_0001>

<sc_bundles>
// kernel: gcn_edge_agg_64x2.11.cloned.1.call-start
scs
__scs_entry_jumppad:
0x0: {  	(pc) =	sbr.rel $0x88, $3  }
0x1: {  	(tag) =	ssettag $0x0;
	lr =	simm.s32 $0x1  }
0x2: {  	[smem:$0x3F97] =	sst lr;
	_ =	strace $0xD0000000  }
0x3: {  	_ = 	snop  }
0x4: {  	_ = 	snop  }
0x5: {  	_ = 	snop  }
0x6: {  	_ = 	snop  }
0x7: {  	_ = 	snop  }
__scs_overlays_trampoline_lowered:
0x8: {  	[smem:$0x3FA6] =	sst s0  }
0x9: {  	[smem:$0x3FA7] =	sst s1  }
0xa: {  	[smem:$0x3FA8] =	sst s2  }
0xb: {  	[smem:$0x3FA9] =	sst s3  }
0xc: {  	[smem:$0x3FAA] =	sst s4  }
0xd: {  	[smem:$0x3FAB] =	sst s5  }
0xe: {  	[smem:$0x3FAC] =	sst s6  }
0xf: {  	[smem:$0x3FAD] =	sst s7  }
0x10: {  	[smem:$0x3FAE] =	sst s8  }
0x11: {  	[smem:$0x3FAF] =	sst s9;
	s0 =	simm.s32 @!p0 $0x0  }
0x12: {  	s1 =	sld [smem:$0x3F95];
	s0 =	simm.s32 @p0 $0x1  }
0x13: {  	[smem:$0x3FB0] =	sst s0;
	s0 =	simm.s32 @!p1 $0x0  }
0x14: {  	s2 =	sld [smem:$0x3F94];
	s0 =	simm.s32 @p1 $0x1  }
0x15: {  	[smem:$0x3FB1] =	sst s0;
	s0 =	simm.s32 @!p2 $0x0  }
0x16: {  	s3 =	sld [smem:$0x3FDB];
	s0 =	simm.s32 @p2 $0x1  }
0x17: {  	s4 =	simm.s32 $0x1BF5;
	[smem:$0x3FB3] =	sst s0  }
0x18: {  	s0 =	sld [smem:$0x3F96];
	_ =	swait.ge [sflag:s4], $0x0  }
0x19: {  	s7 =	sld [smem:$0x3F97]  }
0x1a: {  	s8 =	sadd.s32 $0xFFFFE003, lr  }
0x1b: {  	s9 =	sadd.s32 $0xFFFFFEF7, lr;
	s5 =	simm.s32 $0xFFFFFFFF;
	p2 =	slt.u32 s8, $0xFFFFF086  }
0x1c: {  	p1 =	slt.u32 s9, $0xF7A;
	s5 =	simm.s32 @!p2 $0x0  }
0x1d: {  	s5 =	simm.s32 @p1 $0x1;
	p0 =	seq.s32 s7, s2  }
0x1e: {  	s7 =	smul.u32 @!p0 $0xF7A, s2;
	p2 =	seq.s32 @!p0 s5, $0x0  }
0x1f: {  	s9 =	smul.u32 $0xF7A, s1;
	s8 =	simm.s32 @!p0 $0x1BF5;
	p2 =	por !p2, p0  }
0x20: {  	[sflag:s8] =	ssyncset.s32 @!p0 $0xFFFFF086;
	s6 =	sadd.s32 @!p0 s3, s7;
	s7 =	simm.s32 @!p0 $0x108  }
0x21: {  	s3 =	sadd.s32 s3, s9;
	s6 =	sadd.s32 @!p0 $0x88, s6;
	s7 =	simm.s32 @p2 $0x1082  }
0x22: {  	[simem:s7], [sflag:s8] =	dma.local @!p0 [hbm:s6], $0xF7A  }
0x23: {  	s9 =	sor.u32 $0xD0000000, s2;
	s6 =	simm.s32 $0x108;
	_ =	swait.ge @!p0 [sflag:s8], $0x0  }
0x24: {  	s3 =	sadd.s32 $0x88, s3;
	s6 =	simm.s32 @!p1 $0x1082;
	[sflag:s4] =	ssyncset.s32 $0xFFFFF086  }
0x25: {  	[simem:s6], [sflag:s4] =	dma.local [hbm:s3], $0xF7A  }
0x26: {  	[smem:$0x3F97] =	sst s1;
	(tag) =	ssettag s2;
	_ =	strace s9  }
0x27: {  	s1 =	sld [smem:$0x3FA7]  }
0x28: {  	s2 =	sld [smem:$0x3FA8]  }
0x29: {  	s4 =	sld [smem:$0x3FAA]  }
0x2a: {  	p0 =	seq.s32 s5, $0x0;
	s5 =	sld [smem:$0x3FAB]  }
0x2b: {  	s6 =	sld [smem:$0x3FAC]  }
0x2c: {  	s7 =	sld [smem:$0x3FAD]  }
0x2d: {  	s3 =	simm.s32 $0x108;
	s8 =	sld [smem:$0x3FAE]  }
0x2e: {  	s3 =	simm.s32 @!p0 $0x1082;
	s9 =	sld [smem:$0x3FAF]  }
0x2f: {  	lr =	sadd.s32 s0, s3;
	s0 =	sld [smem:$0x3FA6]  }
0x30: {  	s3 =	sld [smem:$0x3FA9]  }
0x31: {  	[smem:$0x3FB2] =	sst s10  }
0x32: {  	s10 =	sld [smem:$0x3FB0];
	_ =	sdelay $0x3  }
0x33: {  	p0 =	seq.s32 s10, $0x1;
	s10 =	sld [smem:$0x3FB2];
	_ =	sdelay $0x3  }
0x34: {  	[smem:$0x3FB2] =	sst s10  }
0x35: {  	s10 =	sld [smem:$0x3FB1];
	_ =	sdelay $0x3  }
0x36: {  	p1 =	seq.s32 s10, $0x1;
	s10 =	sld [smem:$0x3FB2];
	_ =	sdelay $0x3  }
0x37: {  	[smem:$0x3FB2] =	sst s10  }
0x38: {  	s10 =	sld [smem:$0x3FB3]  }
0x39: {  	_ = 	snop;
	(pc) =	sbr.ind lr, $3  }
0x3a: {  	_ = 	snop  }
0x3b: {  	_ = 	snop  }
0x3c: {  	p2 =	seq.s32 s10, $0x1;
	s10 =	sld [smem:$0x3FB2]  }
0x3d: {  	_ =	shalt  }
0x3e: {  	_ =	shalt  }
0x3f: {  	_ =	shalt  }
0x40: {  	_ =	shalt  }
0x41: {  	_ =	shalt  }
0x42: {  	_ =	shalt  }
0x43: {  	_ =	shalt  }
0x44: {  	_ =	shalt  }
0x45: {  	_ =	shalt  }
0x46: {  	_ =	shalt  }
0x47: {  	_ =	shalt  }
0x48: {  	_ =	shalt  }
0x49: {  	_ =	shalt  }
0x4a: {  	_ =	shalt  }
0x4b: {  	_ =	shalt  }
0x4c: {  	_ =	shalt  }
0x4d: {  	_ =	shalt  }
0x4e: {  	_ =	shalt  }
0x4f: {  	_ =	shalt  }
0x50: {  	_ =	shalt  }
0x51: {  	_ =	shalt  }
0x52: {  	_ =	shalt  }
0x53: {  	_ =	shalt  }
0x54: {  	_ =	shalt  }
0x55: {  	_ =	shalt  }
0x56: {  	_ =	shalt  }
0x57: {  	_ =	shalt  }
0x58: {  	_ =	shalt  }
0x59: {  	_ =	shalt  }
0x5a: {  	_ =	shalt  }
0x5b: {  	_ =	shalt  }
0x5c: {  	_ =	shalt  }
0x5d: {  	_ =	shalt  }
0x5e: {  	_ =	shalt  }
0x5f: {  	_ =	shalt  }
0x60: {  	_ =	shalt  }
0x61: {  	_ =	shalt  }
0x62: {  	_ =	shalt  }
0x63: {  	_ =	shalt  }
0x64: {  	_ =	shalt  }
0x65: {  	_ =	shalt  }
0x66: {  	_ =	shalt  }
0x67: {  	_ =	shalt  }
0x68: {  	_ =	shalt  }
0x69: {  	_ =	shalt  }
0x6a: {  	_ =	shalt  }
0x6b: {  	_ =	shalt  }
0x6c: {  	_ =	shalt  }
0x6d: {  	_ =	shalt  }
0x6e: {  	_ =	shalt  }
0x6f: {  	_ =	shalt  }
0x70: {  	_ =	shalt  }
0x71: {  	_ =	shalt  }
0x72: {  	_ =	shalt  }
0x73: {  	_ =	shalt  }
0x74: {  	_ =	shalt  }
0x75: {  	_ =	shalt  }
0x76: {  	_ =	shalt  }
0x77: {  	_ =	shalt  }
0x78: {  	_ =	shalt  }
0x79: {  	_ =	shalt  }
0x7a: {  	_ =	shalt  }
0x7b: {  	_ =	shalt  }
0x7c: {  	_ =	shalt  }
0x7d: {  	_ =	shalt  }
0x7e: {  	_ =	shalt  }
0x7f: {  	_ =	shalt  }
0x80: {  	_ =	shalt  }
0x81: {  	_ =	shalt  }
0x82: {  	_ =	shalt  }
0x83: {  	_ =	shalt  }
0x84: {  	_ =	shalt  }
0x85: {  	_ =	shalt  }
0x86: {  	_ =	shalt  }
0x87: {  	_ =	shalt  }
.Lfunc_end0:
.L_simem_size_0:
called_computation.2_lowered:
.L_overlay_start_0:
0x88: {  	s2 =	sld [smem:$0x3FD9]  }
0x89: {  	s3 =	sld [smem:$0x3FFE];
	_ =	sdelay $0x1  }
0x8a: {  	s1 =	srdreg.scid  }
0x8b: {  	s0 =	sand.u32 $0x1, s1  }
0x8c: {  	s17 =	sshll.u32 s0, $0xA;
	s2 =	sadd.s32 s3, s2  }
0x8d: {  	s2 =	sadd.s32 s2, s17  }
0x8e: {  	[smem:$0x3FBE] =	sst s2  }
0x8f: {  	_ = 	snop  }
0x90: {  	s2 =	sld [smem:$0x3FD0];
	(tm) =	ssettm $0x1  }
0x91: {  	s18 =	sld [smem:$0x3FFB];
	_ =	sdelay $0x3  }
0x92: {  	_ =	strace s18  }
0x93: {  	s3 =	sld [smem:$0x3FFC];
	_ =	sdelay $0x3  }
0x94: {  	_ =	strace s3  }
0x95: {  	s3 =	sld [smem:$0x3FFD];
	_ =	sdelay $0x3  }
0x96: {  	_ =	strace s3  }
0x97: {  	_ =	strace $0x8FFFFFFF  }
0x98: {  	s19 =	sld [smem:$0x3FDB];
	_ =	sdelay $0x1  }
0x99: {  	s4 =	simm.s32 $_scs_section_size  }
0x9a: {  	s5 =	simm.s32 $_size__tile_overlayer_lowered;
	s6 =	simm.s32 $_tile_overlayer_lowered  }
0x9b: {  	s22 =	simm.s32 $0x1BFF;
	s21 =	sshll.u32 s6, $0x1;
	s3 =	sadd.s32 s4, s19  }
0x9c: {  	s7 =	simm.s32 $0x0;
	s20 =	sshll.u32 s5, $0x1;
	s5 =	sadd.s32 s21, s3  }
0x9d: {  	[timem:s7], [sflag:s22] =	dma.local [hbm:s5], s20  }
0x9e: {  	_ =	swait.ge [sflag:s22], s20  }
0x9f: {  	s4 =	ssub.s32 $0x0, s20;
	[sflag:s22] =	ssyncset.done $0x0  }
0xa0: {  	[sflag:s22] =	ssyncadd.s32 s4;
	_ =	sdelay $0x1  }
0xa1: {  	s23 =	simm.s32 $0x1B8B  }
0xa2: {  	_ =	swait.ge [sflag:s23], $0x1  }
0xa3: {  	[sflag:s23] =	ssyncset.done $0x0  }
0xa4: {  	s25 =	simm.s32 $0x1B8E;
	s24 =	sld [smem:$0x3FFE];
	[sflag:s23] =	ssyncadd.s32 $0xFFFFFFFF  }
0xa5: {  	s26 =	simm.s32 $execute0_lowered;
	[smem:$0x3FD2] =	sst s25  }
0xa6: {  	s5 =	sshll.u32 s26, $0x1;
	_ =	strace $0x8000004C;
	[dreg:$0x1] =	wrdreg $0xFFFFFFFF  }
0xa7: {  	s28 =	simm.s32 $_size_execute0_lowered;
	s3 =	sadd.s32 s3, s5;
	[dreg:$0x0] =	wrdreg $0x0  }
0xa8: {  	s5 =	sshll.u32 s28, $0x1;
	[dreg:$0x2] =	wrdreg s3  }
0xa9: {  	[dreg:$0x3] =	wrdreg s5  }
0xaa: {  	[dreg:$0x4] =	wrdreg $0xC0  }
0xab: {  	_ =	task [dreg:s7], $0x5FFFF  }
0xac: {  	[dreg:$0x1] =	wrdreg $0xFFFFFFFF  }
0xad: {  	[dreg:$0x0] =	wrdreg $0x60  }
0xae: {  	[dreg:$0x2] =	wrdreg s24  }
0xaf: {  	[dreg:$0x3] =	wrdreg s2  }
0xb0: {  	[dreg:$0x4] =	wrdreg $0xF0000  }
0xb1: {  	[dreg:$0x5] =	wrdreg $0x9  }
0xb2: {  	_ =	task.clear_ibuf [dreg:s7], $0x6FFFF;
	_ =	strace $0x9000004C  }
0xb3: {  	s29 =	simm.s32 $0x9;
	_ =	strace $0x8000004E  }
0xb4: {  	_ =	swait.ge [sflag:s29], $0x1  }
0xb5: {  	[sflag:s29] =	ssyncadd.s32 $0xFFFFFFFF  }
0xb6: {  	_ =	strace $0x9000004E  }
0xb7: {  	_ =	sfence  }
0xb8: {  	s30 =	sld [smem:$0x0];
	_ =	sdelay $0x2  }
0xb9: {  	s31 =	sshll.u32 s1, $0xD;
	s1 =	sshrl.u32 s1, $0x2  }
0xba: {  	s3 =	sand.u32 $0x4000, s31;
	s1 =	sadd.s32 s1, s30  }
0xbb: {  	s0 =	sor.u32 s3, s0;
	s1 =	sshll.u32 s1, $0x11  }
0xbc: {  	s0 =	sor.u32 s1, s0  }
0xbd: {  	s0 =	sadd.s32 $0x8F2B, s0  }
0xbe: {  	[sflag:s0] =	ssyncadd.remote.s32 $0x1  }
0xbf: {  	_ =	sfence.sel $0xFFFF  }
0xc0: {  	[dreg:$0x0] =	wrdreg $0xFFFFFFFF;
	(pc) =	sbr.abs _section_cstart, $3  }
0xc1: {  	[dreg:$0x1] =	wrdreg $0xFFFFFFFF  }
0xc2: {  	_ =	task.clear_ibuf [dreg:s7], $0x2FFFF;
	_ =	strace $0x9FFFFFFF  }
0xc3: {  	(tm) =	ssettm $0x7FFFFFFF  }
tec
execute0_lowered:
.L_overlay_start_1:
0x0: {  	(tag) =	ssettag $0x1  }
0x1: {  	s0 =	rddreg [dreg:$0x0]  }
0x2: {  	s1 =	rddreg [dreg:$0x1];
	s3 =	srdreg.scid  }
0x3: {  	s2 =	rddreg [dreg:$0x2];
	s9 =	stileid.u32;
	s12 =	simm.s32 $0x2800  }
0x4: {  	s14 =	simm.s32 $0x1;
	s15 =	simm.s32 $0x2;
	s16 =	simm.s32 $0x3  }
0x5: {  	s17 =	simm.s32 $0x80;
	s18 =	simm.s32 $0x5000;
	s19 =	simm.s32 $0x7000  }
0x6: {  	s21 =	simm.s32 $0x9000;
	s28 =	simm.s32 $0x6;
	s31 =	simm.s32 $0x7  }
0x7: {  	s22 =	simm.s32 $0x8;
	s30 =	simm.s32 $0x9;
	s20 =	simm.s32 $0xA  }
0x8: {  	s29 =	simm.s32 $0xB;
	s5 =	sand.u32 $0x1, s3;
	s6 =	smul.u32 $0x13C00, s9  }
0x9: {  	s3 =	simm.s32 $0x0;
	s24 =	smul.u32 $0x9E00, s9;
	s4 =	sshll.u32 s5, $0x4  }
0xa: {  	[smem:$0x7FF] =	sst s3;
	s8 =	sshll.u32 s5, $0x6;
	s5 =	ssub.s32 $0x2, s5  }
0xb: {  	s4 =	sor.u32 s9, s4;
	_ =	strace $0x8000004D;
	s6 =	sor.u32 s8, s6  }
0xc: {  	s23 =	sshrl.u32 s5, $0x1;
	s13 =	sadd.s32 s24, s2;
	s8 =	sshrl.u32 s24, $0x3  }
0xd: {  	s7 =	smul.u32 $0x500, s4;
	s4 =	sadd.s32 $0x2B600, s0;
	s6 =	sshrl.u32 s6, $0x3  }
0xe: {  	s5 =	ssub.s32 s5, s23;
	s8 =	sadd.s32 s1, s8;
	s13 =	sshrl.u32 s13, $0x3  }
0xf: {  	s23 =	simm.s32 $0xB000;
	s1 =	simm.s32 $0x4;
	s7 =	sadd.s32 s7, s0  }
0x10: {  	s11 =	smax.u32 s5, $0x1;
	s0 =	sadd.s32 s6, s0;
	s25 =	sadd.s32 $0x3600, s7  }
0x11: {  	s26 =	sadd.s32 $0x21600, s7;
	s7 =	sshll.u32 s9, $0x6;
	[dreg:$0x4] =	wrdreg s25  }
0x12: {  	s10 =	sadd.s32 $0x52800, s0;
	s0 =	simm.s32 $0x0;
	[dreg:$0x5] =	wrdreg s26  }
0x13: {  	s9 =	sor.u32 $0x1C03, s7;
	s25 =	simm.s32 $0xD000;
	s26 =	simm.s32 $0x5  }
.LBB2_1:
0x14: {  	s5 =	rddreg [dreg:$0x4]  }
0x15: {  	[tilespmem:s3], [sflag:$0x1] =	stream.linear.gather [hbm4b:s5+s3], $0x2800, $0x38;
	[tilespmem:$0x18E00] =	vst v63  }
0x16: {  	s24 =	rddreg [dreg:$0x5]  }
0x17: {  	[tilespmem:s12], [sflag:$0x2] =	stream.linear.gather [hbm4b:s24+s3], $0x2800, $0x38;
	[tilespmem:$0x18E00] =	vst v63  }
0x18: {  	[spmem:s13], [sflag:s9] =	dma.local [hbm:s8], $0x13C0  }
0x19: {  	_ =	swait.ge [sflag:s14], $0x2800  }
0x1a: {  	[sflag:s14] =	ssyncset.done $0x0  }
0x1b: {  	[sflag:s14] =	ssyncadd.s32 $0xFFFFD800  }
0x1c: {  	_ =	swait.ge [sflag:s15], $0x2800  }
0x1d: {  	[sflag:s15] =	ssyncset.done $0x0  }
0x1e: {  	[sflag:s15] =	ssyncadd.s32 $0xFFFFD800  }
0x1f: {  	_ =	swait.ge [sflag:s16], $0x13C0  }
0x20: {  	[sflag:s16] =	ssyncset.done $0x0  }
0x21: {  	[sflag:s16] =	ssyncadd.s32 $0xFFFFEC40  }
0x22: {  	[bflag:$0x0] =	sbarrier.arrive $0xFFFF  }
0x23: {  	[tilespmem:s18], [sflag:$0x1] =	stream.indirect.gather [hbm4b:s4+s17], $0x40, s3, s17, $0xb8;
	[tilespmem:$0x18E00] =	vst v63  }
0x24: {  	_ = 	snop  }
0x25: {  	[tilespmem:s19], [sflag:$0x2] =	stream.indirect.gather [hbm4b:s4+s17], $0x40, s17, s17, $0xb8;
	[tilespmem:$0x18E00] =	vst v63  }
0x26: {  	s6 =	simm.s32 $0x100  }
0x27: {  	[tilespmem:s21], [sflag:$0x3] =	stream.indirect.gather [hbm4b:s4+s17], $0x40, s6, s17, $0xb8;
	[tilespmem:$0x18E00] =	vst v63  }
0x28: {  	s24 =	simm.s32 $0x180  }
0x29: {  	[tilespmem:s23], [sflag:$0x4] =	stream.indirect.gather [hbm4b:s4+s17], $0x40, s24, s17, $0xb8;
	[tilespmem:$0x18E00] =	vst v63  }
0x2a: {  	_ =	swait.ge [sflag:s14], $0x2000  }
0x2b: {  	[sflag:s14] =	ssyncset.done $0x0  }
0x2c: {  	[sflag:s14] =	ssyncadd.s32 $0xFFFFE000  }
0x2d: {  	[spmem:s2] =	stream.indirect.scatter.add.f32 [tilespmem:s18], [sflag:$0x6], $0x40, s12, s17, $0xb8;
	[tilespmem:$0x18E00] =	vst v63  }
0x2e: {  	s6 =	simm.s32 $0x200  }
0x2f: {  	[tilespmem:s25], [sflag:$0x5] =	stream.indirect.gather [hbm4b:s4+s17], $0x40, s6, s17, $0xb8;
	[tilespmem:$0x18E00] =	vst v63  }
0x30: {  	_ =	swait.ge [sflag:s15], $0x2000  }
0x31: {  	[sflag:s15] =	ssyncset.done $0x0  }
0x32: {  	s24 =	simm.s32 $0x2880;
	[sflag:s15] =	ssyncadd.s32 $0xFFFFE000  }
0x33: {  	[spmem:s2] =	stream.indirect.scatter.add.f32 [tilespmem:s19], [sflag:$0x7], $0x40, s24, s17, $0xb8;
	[tilespmem:$0x18E00] =	vst v63  }
0x34: {  	_ =	swait.ge [sflag:s28], $0x2000  }
0x35: {  	[sflag:s28] =	ssyncset.done $0x0  }
0x36: {  	s6 =	simm.s32 $0x280;
	[sflag:s28] =	ssyncadd.s32 $0xFFFFE000  }
0x37: {  	[tilespmem:s18], [sflag:$0x1] =	stream.indirect.gather [hbm4b:s4+s17], $0x40, s6, s17, $0xb8;
	[tilespmem:$0x18E00] =	vst v63  }
0x38: {  	_ =	swait.ge [sflag:s16], $0x2000  }
0x39: {  	[sflag:s16] =	ssyncset.done $0x0  }
0x3a: {  	s24 =	simm.s32 $0x2900;
	[sflag:s16] =	ssyncadd.s32 $0xFFFFE000  }
0x3b: {  	[spmem:s2] =	stream.indirect.scatter.add.f32 [tilespmem:s21], [sflag:$0x8], $0x40, s24, s17, $0xb8;
	[tilespmem:$0x18E00] =	vst v63  }
0x3c: {  	_ =	swait.ge [sflag:s31], $0x2000  }
0x3d: {  	[sflag:s31] =	ssyncset.done $0x0  }
0x3e: {  	s6 =	simm.s32 $0x300;
	[sflag:s31] =	ssyncadd.s32 $0xFFFFE000  }
0x3f: {  	[tilespmem:s19], [sflag:$0x2] =	stream.indirect.gather [hbm4b:s4+s17], $0x40, s6, s17, $0xb8;
	[tilespmem:$0x18E00] =	vst v63  }
0x40: {  	_ =	swait.ge [sflag:s1], $0x2000  }
0x41: {  	[sflag:s1] =	ssyncset.done $0x0  }
0x42: {  	s24 =	simm.s32 $0x2980;
	[sflag:s1] =	ssyncadd.s32 $0xFFFFE000  }
0x43: {  	[spmem:s2] =	stream.indirect.scatter.add.f32 [tilespmem:s23], [sflag:$0x9], $0x40, s24, s17, $0xb8;
	[tilespmem:$0x18E00] =	vst v63  }
0x44: {  	_ =	swait.ge [sflag:s22], $0x2000  }
0x45: {  	[sflag:s22] =	ssyncset.done $0x0  }
0x46: {  	s6 =	simm.s32 $0x380;
	[sflag:s22] =	ssyncadd.s32 $0xFFFFE000  }
0x47: {  	[tilespmem:s21], [sflag:$0x3] =	stream.indirect.gather [hbm4b:s4+s17], $0x40, s6, s17, $0xb8;
	[tilespmem:$0x18E00] =	vst v63  }
0x48: {  	_ =	swait.ge [sflag:s26], $0x2000  }
0x49: {  	[sflag:s26] =	ssyncset.done $0x0  }
0x4a: {  	s24 =	simm.s32 $0x2A00;
	[sflag:s26] =	ssyncadd.s32 $0xFFFFE000  }
0x4b: {  	[spmem:s2] =	stream.indirect.scatter.add.f32 [tilespmem:s25], [sflag:$0xA], $0x40, s24, s17, $0xb8;
	[tilespmem:$0x18E00] =	vst v63  }
0x4c: {  	_ =	swait.ge [sflag:s30], $0x2000  }
0x4d: {  	[sflag:s30] =	ssyncset.done $0x0  }
0x4e: {  	s6 =	simm.s32 $0x400;
	[sflag:s30] =	ssyncadd.s32 $0xFFFFE000  }
0x4f: {  	[tilespmem:s23], [sflag:$0x4] =	stream.indirect.gather [hbm4b:s4+s17], $0x40, s6, s17, $0xb8;
	[tilespmem:$0x18E00] =	vst v63  }
0x50: {  	_ =	swait.ge [sflag:s14], $0x2000  }
0x51: {  	[sflag:s14] =	ssyncset.done $0x0  }
0x52: {  	s24 =	simm.s32 $0x2A80;
	[sflag:s14] =	ssyncadd.s32 $0xFFFFE000  }
0x53: {  	[spmem:s2] =	stream.indirect.scatter.add.f32 [tilespmem:s18], [sflag:$0x6], $0x40, s24, s17, $0xb8;
	[tilespmem:$0x18E00] =	vst v63  }
0x54: {  	_ =	swait.ge [sflag:s20], $0x2000  }
0x55: {  	[sflag:s20] =	ssyncset.done $0x0  }
0x56: {  	s6 =	simm.s32 $0x480;
	[sflag:s20] =	ssyncadd.s32 $0xFFFFE000  }
0x57: {  	[tilespmem:s25], [sflag:$0x5] =	stream.indirect.gather [hbm4b:s4+s17], $0x40, s6, s17, $0xb8;
	[tilespmem:$0x18E00] =	vst v63  }
0x58: {  	_ =	swait.ge [sflag:s15], $0x2000  }
0x59: {  	[sflag:s15] =	ssyncset.done $0x0  }
0x5a: {  	s24 =	simm.s32 $0x2B00;
	[sflag:s15] =	ssyncadd.s32 $0xFFFFE000  }
0x5b: {  	[spmem:s2] =	stream.indirect.scatter.add.f32 [tilespmem:s19], [sflag:$0x7], $0x40, s24, s17, $0xb8;
	[tilespmem:$0x18E00] =	vst v63  }
0x5c: {  	_ =	swait.ge [sflag:s28], $0x2000  }
0x5d: {  	[sflag:s28] =	ssyncset.done $0x0  }
0x5e: {  	s6 =	simm.s32 $0x500;
	[sflag:s28] =	ssyncadd.s32 $0xFFFFE000  }
0x5f: {  	[tilespmem:s18], [sflag:$0x1] =	stream.indirect.gather [hbm4b:s4+s17], $0x40, s6, s17, $0xb8;
	[tilespmem:$0x18E00] =	vst v63  }
0x60: {  	_ =	swait.ge [sflag:s16], $0x2000  }
0x61: {  	[sflag:s16] =	ssyncset.done $0x0  }
0x62: {  	s24 =	simm.s32 $0x2B80;
	[sflag:s16] =	ssyncadd.s32 $0xFFFFE000  }
0x63: {  	[spmem:s2] =	stream.indirect.scatter.add.f32 [tilespmem:s21], [sflag:$0x8], $0x40, s24, s17, $0xb8;
	[tilespmem:$0x18E00] =	vst v63  }
0x64: {  	_ =	swait.ge [sflag:s31], $0x2000  }
0x65: {  	[sflag:s31] =	ssyncset.done $0x0  }
0x66: {  	s6 =	simm.s32 $0x580;
	[sflag:s31] =	ssyncadd.s32 $0xFFFFE000  }
0x67: {  	[tilespmem:s19], [sflag:$0x2] =	stream.indirect.gather [hbm4b:s4+s17], $0x40, s6, s17, $0xb8;
	[tilespmem:$0x18E00] =	vst v63  }
0x68: {  	_ =	swait.ge [sflag:s1], $0x2000  }
0x69: {  	[sflag:s1] =	ssyncset.done $0x0  }
0x6a: {  	s24 =	simm.s32 $0x2C00;
	[sflag:s1] =	ssyncadd.s32 $0xFFFFE000  }
0x6b: {  	[spmem:s2] =	stream.indirect.scatter.add.f32 [tilespmem:s23], [sflag:$0x9], $0x40, s24, s17, $0xb8;
	[tilespmem:$0x18E00] =	vst v63  }
0x6c: {  	_ =	swait.ge [sflag:s22], $0x2000  }
0x6d: {  	[sflag:s22] =	ssyncset.done $0x0  }
0x6e: {  	s6 =	simm.s32 $0x600;
	[sflag:s22] =	ssyncadd.s32 $0xFFFFE000  }
0x6f: {  	[tilespmem:s21], [sflag:$0x3] =	stream.indirect.gather [hbm4b:s4+s17], $0x40, s6, s17, $0xb8;
	[tilespmem:$0x18E00] =	vst v63  }
0x70: {  	_ =	swait.ge [sflag:s26], $0x2000  }
0x71: {  	[sflag:s26] =	ssyncset.done $0x0  }
0x72: {  	s24 =	simm.s32 $0x2C80;
	[sflag:s26] =	ssyncadd.s32 $0xFFFFE000  }
0x73: {  	[spmem:s2] =	stream.indirect.scatter.add.f32 [tilespmem:s25], [sflag:$0xA], $0x40, s24, s17, $0xb8;
	[tilespmem:$0x18E00] =	vst v63  }
0x74: {  	_ =	swait.ge [sflag:s30], $0x2000  }
0x75: {  	[sflag:s30] =	ssyncset.done $0x0  }
0x76: {  	s5 =	simm.s32 $0x680;
	s24 =	simm.s32 $0xA00;
	[sflag:s30] =	ssyncadd.s32 $0xFFFFE000  }
.LBB2_2:
0x77: {  	[tilespmem:s23], [sflag:$0x4] =	stream.indirect.gather [hbm4b:s4+s17], $0x40, s5, s17, $0xb8;
	[tilespmem:$0x18E00] =	vst v63  }
0x78: {  	s5 =	smov.u32 s24  }
0x79: {  	p0 =	sne.s32 s24, $0x8200;
	s24 =	sadd.s32 $0xA00, s24;
	_ =	swait.ge [sflag:s14], $0x2000  }
0x7a: {  	s5 =	sshra.s32 s5, $0x2;
	[sflag:s14] =	ssyncset.done $0x0  }
0x7b: {  	s6 =	sadd.s32 $0x2A80, s5;
	[sflag:s14] =	ssyncadd.s32 $0xFFFFE000  }
0x7c: {  	[spmem:s2] =	stream.indirect.scatter.add.f32 [tilespmem:s18], [sflag:$0x6], $0x40, s6, s17, $0xb8;
	[tilespmem:$0x18E00] =	vst v63  }
0x7d: {  	_ =	swait.ge [sflag:s20], $0x2000  }
0x7e: {  	[sflag:s20] =	ssyncset.done $0x0  }
0x7f: {  	s6 =	sadd.s32 $0x480, s5;
	[sflag:s20] =	ssyncadd.s32 $0xFFFFE000  }
0x80: {  	[tilespmem:s25], [sflag:$0x5] =	stream.indirect.gather [hbm4b:s4+s17], $0x40, s6, s17, $0xb8;
	[tilespmem:$0x18E00] =	vst v63  }
0x81: {  	_ =	swait.ge [sflag:s15], $0x2000  }
0x82: {  	[sflag:s15] =	ssyncset.done $0x0  }
0x83: {  	s6 =	sadd.s32 $0x2B00, s5;
	[sflag:s15] =	ssyncadd.s32 $0xFFFFE000  }
0x84: {  	[spmem:s2] =	stream.indirect.scatter.add.f32 [tilespmem:s19], [sflag:$0x7], $0x40, s6, s17, $0xb8;
	[tilespmem:$0x18E00] =	vst v63  }
0x85: {  	_ =	swait.ge [sflag:s28], $0x2000  }
0x86: {  	[sflag:s28] =	ssyncset.done $0x0  }
0x87: {  	s6 =	sadd.s32 $0x500, s5;
	[sflag:s28] =	ssyncadd.s32 $0xFFFFE000  }
0x88: {  	[tilespmem:s18], [sflag:$0x1] =	stream.indirect.gather [hbm4b:s4+s17], $0x40, s6, s17, $0xb8;
	[tilespmem:$0x18E00] =	vst v63  }
0x89: {  	_ =	swait.ge [sflag:s16], $0x2000  }
0x8a: {  	[sflag:s16] =	ssyncset.done $0x0  }
0x8b: {  	s6 =	sadd.s32 $0x2B80, s5;
	[sflag:s16] =	ssyncadd.s32 $0xFFFFE000  }
0x8c: {  	[spmem:s2] =	stream.indirect.scatter.add.f32 [tilespmem:s21], [sflag:$0x8], $0x40, s6, s17, $0xb8;
	[tilespmem:$0x18E00] =	vst v63  }
0x8d: {  	_ =	swait.ge [sflag:s31], $0x2000  }
0x8e: {  	[sflag:s31] =	ssyncset.done $0x0  }
0x8f: {  	s6 =	sadd.s32 $0x580, s5;
	[sflag:s31] =	ssyncadd.s32 $0xFFFFE000  }
0x90: {  	[tilespmem:s19], [sflag:$0x2] =	stream.indirect.gather [hbm4b:s4+s17], $0x40, s6, s17, $0xb8;
	[tilespmem:$0x18E00] =	vst v63  }
0x91: {  	_ =	swait.ge [sflag:s1], $0x2000  }
0x92: {  	[sflag:s1] =	ssyncset.done $0x0  }
0x93: {  	s6 =	sadd.s32 $0x2C00, s5;
	[sflag:s1] =	ssyncadd.s32 $0xFFFFE000  }
0x94: {  	[spmem:s2] =	stream.indirect.scatter.add.f32 [tilespmem:s23], [sflag:$0x9], $0x40, s6, s17, $0xb8;
	[tilespmem:$0x18E00] =	vst v63  }
0x95: {  	_ =	swait.ge [sflag:s22], $0x2000  }
0x96: {  	[sflag:s22] =	ssyncset.done $0x0  }
0x97: {  	s6 =	sadd.s32 $0x600, s5;
	[sflag:s22] =	ssyncadd.s32 $0xFFFFE000  }
0x98: {  	[tilespmem:s21], [sflag:$0x3] =	stream.indirect.gather [hbm4b:s4+s17], $0x40, s6, s17, $0xb8;
	[tilespmem:$0x18E00] =	vst v63  }
0x99: {  	_ =	swait.ge [sflag:s26], $0x2000  }
0x9a: {  	[sflag:s26] =	ssyncset.done $0x0  }
.Ltmp0:
0x9b: {  	s6 =	sadd.s32 $0x2C80, s5;
	[sflag:s26] =	ssyncadd.s32 $0xFFFFE000;
	(pc) =	sbr.rel @p0 .LBB2_2-.Ltmp0, $4  }
0x9c: {  	[spmem:s2] =	stream.indirect.scatter.add.f32 [tilespmem:s25], [sflag:$0xA], $0x40, s6, s17, $0xb8;
	[tilespmem:$0x18E00] =	vst v63  }
0x9d: {  	_ =	swait.ge [sflag:s30], $0x2000  }
0x9e: {  	[sflag:s30] =	ssyncset.done $0x0  }
0x9f: {  	s5 =	sadd.s32 $0x680, s5;
	[sflag:s30] =	ssyncadd.s32 $0xFFFFE000  }
0xa0: {  	[tilespmem:s23], [sflag:$0x4] =	stream.indirect.gather [hbm4b:s4+s17], $0x40, s5, s17, $0xb8;
	[tilespmem:$0x18E00] =	vst v63  }
0xa1: {  	_ =	swait.ge [sflag:s14], $0x2000  }
0xa2: {  	[sflag:s14] =	ssyncset.done $0x0  }
0xa3: {  	s24 =	simm.s32 $0x4D80;
	[sflag:s14] =	ssyncadd.s32 $0xFFFFE000  }
0xa4: {  	[spmem:s2] =	stream.indirect.scatter.add.f32 [tilespmem:s18], [sflag:$0x6], $0x40, s24, s17, $0xb8;
	[tilespmem:$0x18E00] =	vst v63  }
0xa5: {  	_ =	swait.ge [sflag:s20], $0x2000  }
0xa6: {  	[sflag:s20] =	ssyncset.done $0x0  }
0xa7: {  	s6 =	simm.s32 $0x2780;
	[sflag:s20] =	ssyncadd.s32 $0xFFFFE000  }
0xa8: {  	[tilespmem:s25], [sflag:$0x5] =	stream.indirect.gather [hbm4b:s4+s17], $0x40, s6, s17, $0xb8;
	[tilespmem:$0x18E00] =	vst v63  }
0xa9: {  	_ =	swait.ge [sflag:s15], $0x2000  }
0xaa: {  	[sflag:s15] =	ssyncset.done $0x0  }
0xab: {  	s24 =	simm.s32 $0x4E00;
	[sflag:s15] =	ssyncadd.s32 $0xFFFFE000  }
0xac: {  	[spmem:s2] =	stream.indirect.scatter.add.f32 [tilespmem:s19], [sflag:$0x7], $0x40, s24, s17, $0xb8;
	[tilespmem:$0x18E00] =	vst v63  }
0xad: {  	_ =	swait.ge [sflag:s16], $0x2000  }
0xae: {  	[sflag:s16] =	ssyncset.done $0x0  }
0xaf: {  	s6 =	simm.s32 $0x4E80;
	[sflag:s16] =	ssyncadd.s32 $0xFFFFE000  }
0xb0: {  	[spmem:s2] =	stream.indirect.scatter.add.f32 [tilespmem:s21], [sflag:$0x8], $0x40, s6, s17, $0xb8;
	[tilespmem:$0x18E00] =	vst v63  }
0xb1: {  	_ =	swait.ge [sflag:s1], $0x2000  }
0xb2: {  	[sflag:s1] =	ssyncset.done $0x0  }
0xb3: {  	s24 =	simm.s32 $0x4F00;
	[sflag:s1] =	ssyncadd.s32 $0xFFFFE000  }
0xb4: {  	[spmem:s2] =	stream.indirect.scatter.add.f32 [tilespmem:s23], [sflag:$0x9], $0x40, s24, s17, $0xb8;
	[tilespmem:$0x18E00] =	vst v63  }
0xb5: {  	_ =	swait.ge [sflag:s26], $0x2000  }
0xb6: {  	[sflag:s26] =	ssyncset.done $0x0  }
0xb7: {  	s6 =	simm.s32 $0x4F80;
	[sflag:s26] =	ssyncadd.s32 $0xFFFFE000  }
0xb8: {  	[spmem:s2] =	stream.indirect.scatter.add.f32 [tilespmem:s25], [sflag:$0xA], $0x40, s6, s17, $0xb8;
	[tilespmem:$0x18E00] =	vst v63  }
0xb9: {  	_ =	swait.ge [sflag:s28], $0x2000  }
0xba: {  	[sflag:s28] =	ssyncset.done $0x0  }
0xbb: {  	[sflag:s28] =	ssyncadd.s32 $0xFFFFE000  }
0xbc: {  	_ =	swait.ge [sflag:s31], $0x2000  }
0xbd: {  	[sflag:s31] =	ssyncset.done $0x0  }
0xbe: {  	[sflag:s31] =	ssyncadd.s32 $0xFFFFE000  }
0xbf: {  	_ =	swait.ge [sflag:s22], $0x2000  }
0xc0: {  	[sflag:s22] =	ssyncset.done $0x0  }
0xc1: {  	[sflag:s22] =	ssyncadd.s32 $0xFFFFE000  }
0xc2: {  	_ =	swait.ge [sflag:s30], $0x2000  }
0xc3: {  	[sflag:s30] =	ssyncset.done $0x0  }
0xc4: {  	[sflag:s30] =	ssyncadd.s32 $0xFFFFE000  }
0xc5: {  	_ =	swait.ge [sflag:s20], $0x2000  }
0xc6: {  	s0 =	sadd.s32 $0x1, s0;
	[sflag:s20] =	ssyncset.done $0x0  }
0xc7: {  	p0 =	sne.s32 s0, s11;
	s24 =	sor.u32 $0x1C0B, s7;
	[sflag:s20] =	ssyncadd.s32 $0xFFFFE000  }
.Ltmp1:
0xc8: {  	s6 =	simm.s32 $0x10;
	[bflag:$0x0] =	sbarrier.arrive $0xFFFF;
	(pc) =	sbr.rel @p0 .LBB2_1-.Ltmp1, $4  }
0xc9: {  	[hbm:s10@s6], [sflag:s24] =	dma.strided [spmem:s13@s22], $0x13C0, s14, $0x8   }
0xca: {  	_ =	swait.ge [sflag:s29], $0x13C0  }
0xcb: {  	[sflag:s29] =	ssyncset.done $0x0  }
0xcc: {  	[sflag:s29] =	ssyncadd.s32 $0xFFFFEC40  }
0xcd: {  	_ =	sfence.sel $0x180000  }
0xce: {  	[bflag:$0x0] =	sbarrier.arrive $0xFFFF  }
0xcf: {  	_ =	strace $0x9000004D  }
0xd0: {  	s0 =	stileid.u32;
	[bflag:$0x2] =	sbarrier.arrive $0xFFFF  }
0xd1: {  	p0 =	sne.s32 s0, $0x0;
	s0 =	rddreg [dreg:$0x3]  }
0xd2: {  	s0 =	sadd.s32 @!p0 $0x100000, s0  }
0xd3: {  	[sflag:s0] =	ssyncadd.tile.s32 @!p0 $0x1;
	_ =	shalt  }
.Lfunc_end2:
_tile_overlayer_lowered:
.L_overlay_start_2:
0xd4: {  	(tag) =	ssettag $0x2  }
0xd5: {  	s0 =	rddreg [dreg:$0x0];
	s2 =	stileid.u32  }
0xd6: {  	s1 =	rddreg [dreg:$0x1];
	p0 =	sne.s32 s2, $0x0  }
0xd7: {  	s3 =	rddreg [dreg:$0x2];
	[bflag:$0x3] =	sbarrier.arrive $0xFFFF;
	s2 =	simm.s32 @!p0 $0x1C0B  }
0xd8: {  	[timem:s3], [sflag:s2] =	dma.local @!p0 [hbm:s0], s1  }
0xd9: {  	s0 =	simm.s32 @!p0 $0xB  }
0xda: {  	_ =	swait.ge @!p0 [sflag:s0], s1  }
0xdb: {  	s1 =	ssub.s32 @!p0 $0x0, s1;
	[sflag:s0] =	ssyncset.done @!p0 $0x0  }
0xdc: {  	[sflag:s0] =	ssyncadd.s32 @!p0 s1  }
0xdd: {  	[bflag:$0x3] =	sbarrier.arrive $0xFFFF  }
0xde: {  	_ =	shalt  }

// kernel: gcn_edge_agg_64x2.5.cloned.1.call-start
scs
__scs_entry_jumppad:
0x0: {  	(pc) =	sbr.rel $0x88, $3  }
0x1: {  	(tag) =	ssettag $0x0;
	lr =	simm.s32 $0x1  }
0x2: {  	[smem:$0x3F97] =	sst lr;
	_ =	strace $0xD0000000  }
0x3: {  	_ = 	snop  }
0x4: {  	_ = 	snop  }
0x5: {  	_ = 	snop  }
0x6: {  	_ = 	snop  }
0x7: {  	_ = 	snop  }
__scs_overlays_trampoline_lowered:
0x8: {  	[smem:$0x3FA6] =	sst s0  }
0x9: {  	[smem:$0x3FA7] =	sst s1  }
0xa: {  	[smem:$0x3FA8] =	sst s2  }
0xb: {  	[smem:$0x3FA9] =	sst s3  }
0xc: {  	[smem:$0x3FAA] =	sst s4  }
0xd: {  	[smem:$0x3FAB] =	sst s5  }
0xe: {  	[smem:$0x3FAC] =	sst s6  }
0xf: {  	[smem:$0x3FAD] =	sst s7  }
0x10: {  	[smem:$0x3FAE] =	sst s8  }
0x11: {  	[smem:$0x3FAF] =	sst s9;
	s0 =	simm.s32 @!p0 $0x0  }
0x12: {  	s1 =	sld [smem:$0x3F95];
	s0 =	simm.s32 @p0 $0x1  }
0x13: {  	[smem:$0x3FB0] =	sst s0;
	s0 =	simm.s32 @!p1 $0x0  }
0x14: {  	s2 =	sld [smem:$0x3F94];
	s0 =	simm.s32 @p1 $0x1  }
0x15: {  	[smem:$0x3FB1] =	sst s0;
	s0 =	simm.s32 @!p2 $0x0  }
0x16: {  	s3 =	sld [smem:$0x3FDB];
	s0 =	simm.s32 @p2 $0x1  }
0x17: {  	s4 =	simm.s32 $0x1BF5;
	[smem:$0x3FB3] =	sst s0  }
0x18: {  	s0 =	sld [smem:$0x3F96];
	_ =	swait.ge [sflag:s4], $0x0  }
0x19: {  	s7 =	sld [smem:$0x3F97]  }
0x1a: {  	s8 =	sadd.s32 $0xFFFFE003, lr  }
0x1b: {  	s9 =	sadd.s32 $0xFFFFFEF7, lr;
	s5 =	simm.s32 $0xFFFFFFFF;
	p2 =	slt.u32 s8, $0xFFFFF086  }
0x1c: {  	p1 =	slt.u32 s9, $0xF7A;
	s5 =	simm.s32 @!p2 $0x0  }
0x1d: {  	s5 =	simm.s32 @p1 $0x1;
	p0 =	seq.s32 s7, s2  }
0x1e: {  	s7 =	smul.u32 @!p0 $0xF7A, s2;
	p2 =	seq.s32 @!p0 s5, $0x0  }
0x1f: {  	s9 =	smul.u32 $0xF7A, s1;
	s8 =	simm.s32 @!p0 $0x1BF5;
	p2 =	por !p2, p0  }
0x20: {  	[sflag:s8] =	ssyncset.s32 @!p0 $0xFFFFF086;
	s6 =	sadd.s32 @!p0 s3, s7;
	s7 =	simm.s32 @!p0 $0x108  }
0x21: {  	s3 =	sadd.s32 s3, s9;
	s6 =	sadd.s32 @!p0 $0x88, s6;
	s7 =	simm.s32 @p2 $0x1082  }
0x22: {  	[simem:s7], [sflag:s8] =	dma.local @!p0 [hbm:s6], $0xF7A  }
0x23: {  	s9 =	sor.u32 $0xD0000000, s2;
	s6 =	simm.s32 $0x108;
	_ =	swait.ge @!p0 [sflag:s8], $0x0  }
0x24: {  	s3 =	sadd.s32 $0x88, s3;
	s6 =	simm.s32 @!p1 $0x1082;
	[sflag:s4] =	ssyncset.s32 $0xFFFFF086  }
0x25: {  	[simem:s6], [sflag:s4] =	dma.local [hbm:s3], $0xF7A  }
0x26: {  	[smem:$0x3F97] =	sst s1;
	(tag) =	ssettag s2;
	_ =	strace s9  }
0x27: {  	s1 =	sld [smem:$0x3FA7]  }
0x28: {  	s2 =	sld [smem:$0x3FA8]  }
0x29: {  	s4 =	sld [smem:$0x3FAA]  }
0x2a: {  	p0 =	seq.s32 s5, $0x0;
	s5 =	sld [smem:$0x3FAB]  }
0x2b: {  	s6 =	sld [smem:$0x3FAC]  }
0x2c: {  	s7 =	sld [smem:$0x3FAD]  }
0x2d: {  	s3 =	simm.s32 $0x108;
	s8 =	sld [smem:$0x3FAE]  }
0x2e: {  	s3 =	simm.s32 @!p0 $0x1082;
	s9 =	sld [smem:$0x3FAF]  }
0x2f: {  	lr =	sadd.s32 s0, s3;
	s0 =	sld [smem:$0x3FA6]  }
0x30: {  	s3 =	sld [smem:$0x3FA9]  }
0x31: {  	[smem:$0x3FB2] =	sst s10  }
0x32: {  	s10 =	sld [smem:$0x3FB0];
	_ =	sdelay $0x3  }
0x33: {  	p0 =	seq.s32 s10, $0x1;
	s10 =	sld [smem:$0x3FB2];
	_ =	sdelay $0x3  }
0x34: {  	[smem:$0x3FB2] =	sst s10  }
0x35: {  	s10 =	sld [smem:$0x3FB1];
	_ =	sdelay $0x3  }
0x36: {  	p1 =	seq.s32 s10, $0x1;
	s10 =	sld [smem:$0x3FB2];
	_ =	sdelay $0x3  }
0x37: {  	[smem:$0x3FB2] =	sst s10  }
0x38: {  	s10 =	sld [smem:$0x3FB3]  }
0x39: {  	_ = 	snop;
	(pc) =	sbr.ind lr, $3  }
0x3a: {  	_ = 	snop  }
0x3b: {  	_ = 	snop  }
0x3c: {  	p2 =	seq.s32 s10, $0x1;
	s10 =	sld [smem:$0x3FB2]  }
0x3d: {  	_ =	shalt  }
0x3e: {  	_ =	shalt  }
0x3f: {  	_ =	shalt  }
0x40: {  	_ =	shalt  }
0x41: {  	_ =	shalt  }
0x42: {  	_ =	shalt  }
0x43: {  	_ =	shalt  }
0x44: {  	_ =	shalt  }
0x45: {  	_ =	shalt  }
0x46: {  	_ =	shalt  }
0x47: {  	_ =	shalt  }
0x48: {  	_ =	shalt  }
0x49: {  	_ =	shalt  }
0x4a: {  	_ =	shalt  }
0x4b: {  	_ =	shalt  }
0x4c: {  	_ =	shalt  }
0x4d: {  	_ =	shalt  }
0x4e: {  	_ =	shalt  }
0x4f: {  	_ =	shalt  }
0x50: {  	_ =	shalt  }
0x51: {  	_ =	shalt  }
0x52: {  	_ =	shalt  }
0x53: {  	_ =	shalt  }
0x54: {  	_ =	shalt  }
0x55: {  	_ =	shalt  }
0x56: {  	_ =	shalt  }
0x57: {  	_ =	shalt  }
0x58: {  	_ =	shalt  }
0x59: {  	_ =	shalt  }
0x5a: {  	_ =	shalt  }
0x5b: {  	_ =	shalt  }
0x5c: {  	_ =	shalt  }
0x5d: {  	_ =	shalt  }
0x5e: {  	_ =	shalt  }
0x5f: {  	_ =	shalt  }
0x60: {  	_ =	shalt  }
0x61: {  	_ =	shalt  }
0x62: {  	_ =	shalt  }
0x63: {  	_ =	shalt  }
0x64: {  	_ =	shalt  }
0x65: {  	_ =	shalt  }
0x66: {  	_ =	shalt  }
0x67: {  	_ =	shalt  }
0x68: {  	_ =	shalt  }
0x69: {  	_ =	shalt  }
0x6a: {  	_ =	shalt  }
0x6b: {  	_ =	shalt  }
0x6c: {  	_ =	shalt  }
0x6d: {  	_ =	shalt  }
0x6e: {  	_ =	shalt  }
0x6f: {  	_ =	shalt  }
0x70: {  	_ =	shalt  }
0x71: {  	_ =	shalt  }
0x72: {  	_ =	shalt  }
0x73: {  	_ =	shalt  }
0x74: {  	_ =	shalt  }
0x75: {  	_ =	shalt  }
0x76: {  	_ =	shalt  }
0x77: {  	_ =	shalt  }
0x78: {  	_ =	shalt  }
0x79: {  	_ =	shalt  }
0x7a: {  	_ =	shalt  }
0x7b: {  	_ =	shalt  }
0x7c: {  	_ =	shalt  }
0x7d: {  	_ =	shalt  }
0x7e: {  	_ =	shalt  }
0x7f: {  	_ =	shalt  }
0x80: {  	_ =	shalt  }
0x81: {  	_ =	shalt  }
0x82: {  	_ =	shalt  }
0x83: {  	_ =	shalt  }
0x84: {  	_ =	shalt  }
0x85: {  	_ =	shalt  }
0x86: {  	_ =	shalt  }
0x87: {  	_ =	shalt  }
.Lfunc_end0:
.L_simem_size_0:
called_computation_lowered:
.L_overlay_start_0:
0x88: {  	s2 =	sld [smem:$0x3FD9]  }
0x89: {  	s3 =	sld [smem:$0x3FFE];
	_ =	sdelay $0x1  }
0x8a: {  	s1 =	srdreg.scid  }
0x8b: {  	s0 =	sand.u32 $0x1, s1  }
0x8c: {  	s17 =	sshll.u32 s0, $0xA;
	s2 =	sadd.s32 s3, s2  }
0x8d: {  	s2 =	sadd.s32 s2, s17  }
0x8e: {  	[smem:$0x3FBE] =	sst s2  }
0x8f: {  	_ = 	snop  }
0x90: {  	s2 =	sld [smem:$0x3FD0];
	(tm) =	ssettm $0x1  }
0x91: {  	s18 =	sld [smem:$0x3FFB];
	_ =	sdelay $0x3  }
0x92: {  	_ =	strace s18  }
0x93: {  	s3 =	sld [smem:$0x3FFC];
	_ =	sdelay $0x3  }
0x94: {  	_ =	strace s3  }
0x95: {  	s3 =	sld [smem:$0x3FFD];
	_ =	sdelay $0x3  }
0x96: {  	_ =	strace s3  }
0x97: {  	_ =	strace $0x8FFFFFFF  }
0x98: {  	s19 =	sld [smem:$0x3FDB];
	_ =	sdelay $0x1  }
0x99: {  	s4 =	simm.s32 $_scs_section_size  }
0x9a: {  	s5 =	simm.s32 $_size__tile_overlayer_lowered;
	s6 =	simm.s32 $_tile_overlayer_lowered  }
0x9b: {  	s22 =	simm.s32 $0x1BFF;
	s21 =	sshll.u32 s6, $0x1;
	s3 =	sadd.s32 s4, s19  }
0x9c: {  	s7 =	simm.s32 $0x0;
	s20 =	sshll.u32 s5, $0x1;
	s5 =	sadd.s32 s21, s3  }
0x9d: {  	[timem:s7], [sflag:s22] =	dma.local [hbm:s5], s20  }
0x9e: {  	_ =	swait.ge [sflag:s22], s20  }
0x9f: {  	s4 =	ssub.s32 $0x0, s20;
	[sflag:s22] =	ssyncset.done $0x0  }
0xa0: {  	[sflag:s22] =	ssyncadd.s32 s4;
	_ =	sdelay $0x1  }
0xa1: {  	s23 =	simm.s32 $0x1B8B  }
0xa2: {  	_ =	swait.ge [sflag:s23], $0x1  }
0xa3: {  	[sflag:s23] =	ssyncset.done $0x0  }
0xa4: {  	s25 =	simm.s32 $0x1B8E;
	s24 =	sld [smem:$0x3FFE];
	[sflag:s23] =	ssyncadd.s32 $0xFFFFFFFF  }
0xa5: {  	s26 =	simm.s32 $execute0_lowered;
	[smem:$0x3FD2] =	sst s25  }
0xa6: {  	s5 =	sshll.u32 s26, $0x1;
	_ =	strace $0x80000046;
	[dreg:$0x1] =	wrdreg $0xFFFFFFFF  }
0xa7: {  	s28 =	simm.s32 $_size_execute0_lowered;
	s3 =	sadd.s32 s3, s5;
	[dreg:$0x0] =	wrdreg $0x0  }
0xa8: {  	s5 =	sshll.u32 s28, $0x1;
	[dreg:$0x2] =	wrdreg s3  }
0xa9: {  	[dreg:$0x3] =	wrdreg s5  }
0xaa: {  	[dreg:$0x4] =	wrdreg $0xC0  }
0xab: {  	_ =	task [dreg:s7], $0x5FFFF  }
0xac: {  	[dreg:$0x1] =	wrdreg $0xFFFFFFFF  }
0xad: {  	[dreg:$0x0] =	wrdreg $0x60  }
0xae: {  	[dreg:$0x2] =	wrdreg s24  }
0xaf: {  	[dreg:$0x3] =	wrdreg s2  }
0xb0: {  	[dreg:$0x4] =	wrdreg $0x140000  }
0xb1: {  	[dreg:$0x5] =	wrdreg $0x9  }
0xb2: {  	_ =	task.clear_ibuf [dreg:s7], $0x6FFFF;
	_ =	strace $0x90000046  }
0xb3: {  	s29 =	simm.s32 $0x9;
	_ =	strace $0x80000048  }
0xb4: {  	_ =	swait.ge [sflag:s29], $0x1  }
0xb5: {  	[sflag:s29] =	ssyncadd.s32 $0xFFFFFFFF  }
0xb6: {  	_ =	strace $0x90000048  }
0xb7: {  	_ =	sfence  }
0xb8: {  	s30 =	sld [smem:$0x0];
	_ =	sdelay $0x2  }
0xb9: {  	s31 =	sshll.u32 s1, $0xD;
	s1 =	sshrl.u32 s1, $0x2  }
0xba: {  	s3 =	sand.u32 $0x4000, s31;
	s1 =	sadd.s32 s1, s30  }
0xbb: {  	s0 =	sor.u32 s3, s0;
	s1 =	sshll.u32 s1, $0x11  }
0xbc: {  	s0 =	sor.u32 s1, s0  }
0xbd: {  	s0 =	sadd.s32 $0x8F2B, s0  }
0xbe: {  	[sflag:s0] =	ssyncadd.remote.s32 $0x1  }
0xbf: {  	_ =	sfence.sel $0xFFFF  }
0xc0: {  	[dreg:$0x0] =	wrdreg $0xFFFFFFFF;
	(pc) =	sbr.abs _section_cstart, $3  }
0xc1: {  	[dreg:$0x1] =	wrdreg $0xFFFFFFFF  }
0xc2: {  	_ =	task.clear_ibuf [dreg:s7], $0x2FFFF;
	_ =	strace $0x9FFFFFFF  }
0xc3: {  	(tm) =	ssettm $0x7FFFFFFF  }
tec
execute0_lowered:
.L_overlay_start_1:
0x0: {  	(tag) =	ssettag $0x1  }
0x1: {  	s0 =	rddreg [dreg:$0x0]  }
0x2: {  	s1 =	rddreg [dreg:$0x1];
	s3 =	srdreg.scid  }
0x3: {  	s10 =	stileid.u32;
	s2 =	rddreg [dreg:$0x2];
	s12 =	simm.s32 $0x5000  }
0x4: {  	s14 =	simm.s32 $0x1;
	s15 =	simm.s32 $0x2;
	s16 =	simm.s32 $0x3  }
0x5: {  	s17 =	simm.s32 $0x80;
	s18 =	simm.s32 $0xA000;
	s19 =	simm.s32 $0xC000  }
0x6: {  	s21 =	simm.s32 $0xE000;
	s23 =	simm.s32 $0x10000;
	s28 =	simm.s32 $0x6  }
0x7: {  	s31 =	simm.s32 $0x7;
	s22 =	simm.s32 $0x8;
	s6 =	smul.u32 $0x5000, s10  }
0x8: {  	s30 =	simm.s32 $0x9;
	s20 =	simm.s32 $0xA;
	s8 =	smul.u32 $0x13C00, s10  }
0x9: {  	s5 =	sand.u32 $0x1, s3;
	s3 =	simm.s32 $0x0;
	s25 =	smul.u32 $0x9E00, s10  }
0xa: {  	s29 =	simm.s32 $0xB;
	s4 =	smul.u32 $0x50000, s5;
	[smem:$0x7FF] =	sst s3  }
0xb: {  	s9 =	sshll.u32 s5, $0x6;
	s5 =	ssub.s32 $0x2, s5;
	_ =	strace $0x80000047  }
0xc: {  	s8 =	sor.u32 s9, s8;
	s24 =	sshrl.u32 s5, $0x1;
	s13 =	sadd.s32 s25, s2  }
0xd: {  	s26 =	sshrl.u32 s25, $0x3;
	s25 =	simm.s32 $0x12000;
	s7 =	sadd.s32 s6, s4  }
0xe: {  	s4 =	sadd.s32 $0x2B600, s0;
	s6 =	sshrl.u32 s6, $0x3;
	s8 =	sshrl.u32 s8, $0x3  }
0xf: {  	s5 =	ssub.s32 s5, s24;
	s13 =	sshrl.u32 s13, $0x3;
	s7 =	sshrl.u32 s7, $0x3  }
0x10: {  	s6 =	sadd.s32 s6, s0;
	s11 =	smax.u32 s5, $0x1;
	s7 =	sadd.s32 s7, s0  }
0x11: {  	s0 =	sadd.s32 s8, s0;
	s6 =	sadd.s32 $0x21600, s6;
	s8 =	sadd.s32 s1, s26  }
0x12: {  	s26 =	simm.s32 $0x5;
	s7 =	sadd.s32 $0xD600, s7;
	[dreg:$0x5] =	wrdreg s6  }
0x13: {  	s1 =	simm.s32 $0x0;
	[dreg:$0x4] =	wrdreg s7;
	s7 =	sshll.u32 s10, $0x6  }
0x14: {  	s10 =	sadd.s32 $0x52800, s0;
	s0 =	simm.s32 $0x4;
	s9 =	sor.u32 $0x1C03, s7  }
.LBB2_1:
0x15: {  	s5 =	rddreg [dreg:$0x4]  }
0x16: {  	[tilespmem:s3], [sflag:$0x1] =	stream.linear.gather [hbm4b:s5+s3], $0x5000, $0x38;
	[tilespmem:$0x1DE00] =	vst v63  }
0x17: {  	s24 =	rddreg [dreg:$0x5]  }
0x18: {  	[tilespmem:s12], [sflag:$0x2] =	stream.linear.gather [hbm4b:s24+s3], $0x5000, $0x38;
	[tilespmem:$0x1DE00] =	vst v63  }
0x19: {  	[spmem:s13], [sflag:s9] =	dma.local [hbm:s8], $0x13C0  }
0x1a: {  	_ =	swait.ge [sflag:s14], $0x5000  }
0x1b: {  	[sflag:s14] =	ssyncset.done $0x0  }
0x1c: {  	[sflag:s14] =	ssyncadd.s32 $0xFFFFB000  }
0x1d: {  	_ =	swait.ge [sflag:s15], $0x5000  }
0x1e: {  	[sflag:s15] =	ssyncset.done $0x0  }
0x1f: {  	[sflag:s15] =	ssyncadd.s32 $0xFFFFB000  }
0x20: {  	_ =	swait.ge [sflag:s16], $0x13C0  }
0x21: {  	[sflag:s16] =	ssyncset.done $0x0  }
0x22: {  	[sflag:s16] =	ssyncadd.s32 $0xFFFFEC40  }
0x23: {  	[bflag:$0x0] =	sbarrier.arrive $0xFFFF  }
0x24: {  	[tilespmem:s18], [sflag:$0x1] =	stream.indirect.gather [hbm4b:s4+s17], $0x40, s3, s17, $0xb8;
	[tilespmem:$0x1DE00] =	vst v63  }
0x25: {  	_ = 	snop  }
0x26: {  	[tilespmem:s19], [sflag:$0x2] =	stream.indirect.gather [hbm4b:s4+s17], $0x40, s17, s17, $0xb8;
	[tilespmem:$0x1DE00] =	vst v63  }
0x27: {  	s6 =	simm.s32 $0x100  }
0x28: {  	[tilespmem:s21], [sflag:$0x3] =	stream.indirect.gather [hbm4b:s4+s17], $0x40, s6, s17, $0xb8;
	[tilespmem:$0x1DE00] =	vst v63  }
0x29: {  	s24 =	simm.s32 $0x180  }
0x2a: {  	[tilespmem:s23], [sflag:$0x4] =	stream.indirect.gather [hbm4b:s4+s17], $0x40, s24, s17, $0xb8;
	[tilespmem:$0x1DE00] =	vst v63  }
0x2b: {  	_ =	swait.ge [sflag:s14], $0x2000  }
0x2c: {  	[sflag:s14] =	ssyncset.done $0x0  }
0x2d: {  	[sflag:s14] =	ssyncadd.s32 $0xFFFFE000  }
0x2e: {  	[spmem:s2] =	stream.indirect.scatter.add.f32 [tilespmem:s18], [sflag:$0x6], $0x40, s12, s17, $0xb8;
	[tilespmem:$0x1DE00] =	vst v63  }
0x2f: {  	s6 =	simm.s32 $0x200  }
0x30: {  	[tilespmem:s25], [sflag:$0x5] =	stream.indirect.gather [hbm4b:s4+s17], $0x40, s6, s17, $0xb8;
	[tilespmem:$0x1DE00] =	vst v63  }
0x31: {  	_ =	swait.ge [sflag:s15], $0x2000  }
0x32: {  	[sflag:s15] =	ssyncset.done $0x0  }
0x33: {  	s24 =	simm.s32 $0x5080;
	[sflag:s15] =	ssyncadd.s32 $0xFFFFE000  }
0x34: {  	[spmem:s2] =	stream.indirect.scatter.add.f32 [tilespmem:s19], [sflag:$0x7], $0x40, s24, s17, $0xb8;
	[tilespmem:$0x1DE00] =	vst v63  }
0x35: {  	_ =	swait.ge [sflag:s28], $0x2000  }
0x36: {  	[sflag:s28] =	ssyncset.done $0x0  }
0x37: {  	s6 =	simm.s32 $0x280;
	[sflag:s28] =	ssyncadd.s32 $0xFFFFE000  }
0x38: {  	[tilespmem:s18], [sflag:$0x1] =	stream.indirect.gather [hbm4b:s4+s17], $0x40, s6, s17, $0xb8;
	[tilespmem:$0x1DE00] =	vst v63  }
0x39: {  	_ =	swait.ge [sflag:s16], $0x2000  }
0x3a: {  	[sflag:s16] =	ssyncset.done $0x0  }
0x3b: {  	s24 =	simm.s32 $0x5100;
	[sflag:s16] =	ssyncadd.s32 $0xFFFFE000  }
0x3c: {  	[spmem:s2] =	stream.indirect.scatter.add.f32 [tilespmem:s21], [sflag:$0x8], $0x40, s24, s17, $0xb8;
	[tilespmem:$0x1DE00] =	vst v63  }
0x3d: {  	_ =	swait.ge [sflag:s31], $0x2000  }
0x3e: {  	[sflag:s31] =	ssyncset.done $0x0  }
0x3f: {  	s6 =	simm.s32 $0x300;
	[sflag:s31] =	ssyncadd.s32 $0xFFFFE000  }
0x40: {  	[tilespmem:s19], [sflag:$0x2] =	stream.indirect.gather [hbm4b:s4+s17], $0x40, s6, s17, $0xb8;
	[tilespmem:$0x1DE00] =	vst v63  }
0x41: {  	_ =	swait.ge [sflag:s0], $0x2000  }
0x42: {  	[sflag:s0] =	ssyncset.done $0x0  }
0x43: {  	s24 =	simm.s32 $0x5180;
	[sflag:s0] =	ssyncadd.s32 $0xFFFFE000  }
0x44: {  	[spmem:s2] =	stream.indirect.scatter.add.f32 [tilespmem:s23], [sflag:$0x9], $0x40, s24, s17, $0xb8;
	[tilespmem:$0x1DE00] =	vst v63  }
0x45: {  	_ =	swait.ge [sflag:s22], $0x2000  }
0x46: {  	[sflag:s22] =	ssyncset.done $0x0  }
0x47: {  	s6 =	simm.s32 $0x380;
	[sflag:s22] =	ssyncadd.s32 $0xFFFFE000  }
0x48: {  	[tilespmem:s21], [sflag:$0x3] =	stream.indirect.gather [hbm4b:s4+s17], $0x40, s6, s17, $0xb8;
	[tilespmem:$0x1DE00] =	vst v63  }
0x49: {  	_ =	swait.ge [sflag:s26], $0x2000  }
0x4a: {  	[sflag:s26] =	ssyncset.done $0x0  }
0x4b: {  	s24 =	simm.s32 $0x5200;
	[sflag:s26] =	ssyncadd.s32 $0xFFFFE000  }
0x4c: {  	[spmem:s2] =	stream.indirect.scatter.add.f32 [tilespmem:s25], [sflag:$0xA], $0x40, s24, s17, $0xb8;
	[tilespmem:$0x1DE00] =	vst v63  }
0x4d: {  	_ =	swait.ge [sflag:s30], $0x2000  }
0x4e: {  	[sflag:s30] =	ssyncset.done $0x0  }
0x4f: {  	s6 =	simm.s32 $0x400;
	[sflag:s30] =	ssyncadd.s32 $0xFFFFE000  }
0x50: {  	[tilespmem:s23], [sflag:$0x4] =	stream.indirect.gather [hbm4b:s4+s17], $0x40, s6, s17, $0xb8;
	[tilespmem:$0x1DE00] =	vst v63  }
0x51: {  	_ =	swait.ge [sflag:s14], $0x2000  }
0x52: {  	[sflag:s14] =	ssyncset.done $0x0  }
0x53: {  	s24 =	simm.s32 $0x5280;
	[sflag:s14] =	ssyncadd.s32 $0xFFFFE000  }
0x54: {  	[spmem:s2] =	stream.indirect.scatter.add.f32 [tilespmem:s18], [sflag:$0x6], $0x40, s24, s17, $0xb8;
	[tilespmem:$0x1DE00] =	vst v63  }
0x55: {  	_ =	swait.ge [sflag:s20], $0x2000  }
0x56: {  	[sflag:s20] =	ssyncset.done $0x0  }
0x57: {  	s6 =	simm.s32 $0x480;
	[sflag:s20] =	ssyncadd.s32 $0xFFFFE000  }
0x58: {  	[tilespmem:s25], [sflag:$0x5] =	stream.indirect.gather [hbm4b:s4+s17], $0x40, s6, s17, $0xb8;
	[tilespmem:$0x1DE00] =	vst v63  }
0x59: {  	_ =	swait.ge [sflag:s15], $0x2000  }
0x5a: {  	[sflag:s15] =	ssyncset.done $0x0  }
0x5b: {  	s24 =	simm.s32 $0x5300;
	[sflag:s15] =	ssyncadd.s32 $0xFFFFE000  }
0x5c: {  	[spmem:s2] =	stream.indirect.scatter.add.f32 [tilespmem:s19], [sflag:$0x7], $0x40, s24, s17, $0xb8;
	[tilespmem:$0x1DE00] =	vst v63  }
0x5d: {  	_ =	swait.ge [sflag:s28], $0x2000  }
0x5e: {  	[sflag:s28] =	ssyncset.done $0x0  }
0x5f: {  	s6 =	simm.s32 $0x500;
	[sflag:s28] =	ssyncadd.s32 $0xFFFFE000  }
0x60: {  	[tilespmem:s18], [sflag:$0x1] =	stream.indirect.gather [hbm4b:s4+s17], $0x40, s6, s17, $0xb8;
	[tilespmem:$0x1DE00] =	vst v63  }
0x61: {  	_ =	swait.ge [sflag:s16], $0x2000  }
0x62: {  	[sflag:s16] =	ssyncset.done $0x0  }
0x63: {  	s24 =	simm.s32 $0x5380;
	[sflag:s16] =	ssyncadd.s32 $0xFFFFE000  }
0x64: {  	[spmem:s2] =	stream.indirect.scatter.add.f32 [tilespmem:s21], [sflag:$0x8], $0x40, s24, s17, $0xb8;
	[tilespmem:$0x1DE00] =	vst v63  }
0x65: {  	_ =	swait.ge [sflag:s31], $0x2000  }
0x66: {  	[sflag:s31] =	ssyncset.done $0x0  }
0x67: {  	s6 =	simm.s32 $0x580;
	[sflag:s31] =	ssyncadd.s32 $0xFFFFE000  }
0x68: {  	[tilespmem:s19], [sflag:$0x2] =	stream.indirect.gather [hbm4b:s4+s17], $0x40, s6, s17, $0xb8;
	[tilespmem:$0x1DE00] =	vst v63  }
0x69: {  	_ =	swait.ge [sflag:s0], $0x2000  }
0x6a: {  	[sflag:s0] =	ssyncset.done $0x0  }
0x6b: {  	s24 =	simm.s32 $0x5400;
	[sflag:s0] =	ssyncadd.s32 $0xFFFFE000  }
0x6c: {  	[spmem:s2] =	stream.indirect.scatter.add.f32 [tilespmem:s23], [sflag:$0x9], $0x40, s24, s17, $0xb8;
	[tilespmem:$0x1DE00] =	vst v63  }
0x6d: {  	_ =	swait.ge [sflag:s22], $0x2000  }
0x6e: {  	[sflag:s22] =	ssyncset.done $0x0  }
0x6f: {  	s6 =	simm.s32 $0x600;
	[sflag:s22] =	ssyncadd.s32 $0xFFFFE000  }
0x70: {  	[tilespmem:s21], [sflag:$0x3] =	stream.indirect.gather [hbm4b:s4+s17], $0x40, s6, s17, $0xb8;
	[tilespmem:$0x1DE00] =	vst v63  }
0x71: {  	_ =	swait.ge [sflag:s26], $0x2000  }
0x72: {  	[sflag:s26] =	ssyncset.done $0x0  }
0x73: {  	s24 =	simm.s32 $0x5480;
	[sflag:s26] =	ssyncadd.s32 $0xFFFFE000  }
0x74: {  	[spmem:s2] =	stream.indirect.scatter.add.f32 [tilespmem:s25], [sflag:$0xA], $0x40, s24, s17, $0xb8;
	[tilespmem:$0x1DE00] =	vst v63  }
0x75: {  	_ =	swait.ge [sflag:s30], $0x2000  }
0x76: {  	[sflag:s30] =	ssyncset.done $0x0  }
0x77: {  	s5 =	simm.s32 $0x680;
	s24 =	simm.s32 $0xA00;
	[sflag:s30] =	ssyncadd.s32 $0xFFFFE000  }
.LBB2_2:
0x78: {  	[tilespmem:s23], [sflag:$0x4] =	stream.indirect.gather [hbm4b:s4+s17], $0x40, s5, s17, $0xb8;
	[tilespmem:$0x1DE00] =	vst v63  }
0x79: {  	s5 =	smov.u32 s24  }
0x7a: {  	p0 =	sne.s32 s24, $0x12200;
	s24 =	sadd.s32 $0xA00, s24;
	_ =	swait.ge [sflag:s14], $0x2000  }
0x7b: {  	s5 =	sshra.s32 s5, $0x2;
	[sflag:s14] =	ssyncset.done $0x0  }
0x7c: {  	s6 =	sadd.s32 $0x5280, s5;
	[sflag:s14] =	ssyncadd.s32 $0xFFFFE000  }
0x7d: {  	[spmem:s2] =	stream.indirect.scatter.add.f32 [tilespmem:s18], [sflag:$0x6], $0x40, s6, s17, $0xb8;
	[tilespmem:$0x1DE00] =	vst v63  }
0x7e: {  	_ =	swait.ge [sflag:s20], $0x2000  }
0x7f: {  	[sflag:s20] =	ssyncset.done $0x0  }
0x80: {  	s6 =	sadd.s32 $0x480, s5;
	[sflag:s20] =	ssyncadd.s32 $0xFFFFE000  }
0x81: {  	[tilespmem:s25], [sflag:$0x5] =	stream.indirect.gather [hbm4b:s4+s17], $0x40, s6, s17, $0xb8;
	[tilespmem:$0x1DE00] =	vst v63  }
0x82: {  	_ =	swait.ge [sflag:s15], $0x2000  }
0x83: {  	[sflag:s15] =	ssyncset.done $0x0  }
0x84: {  	s6 =	sadd.s32 $0x5300, s5;
	[sflag:s15] =	ssyncadd.s32 $0xFFFFE000  }
0x85: {  	[spmem:s2] =	stream.indirect.scatter.add.f32 [tilespmem:s19], [sflag:$0x7], $0x40, s6, s17, $0xb8;
	[tilespmem:$0x1DE00] =	vst v63  }
0x86: {  	_ =	swait.ge [sflag:s28], $0x2000  }
0x87: {  	[sflag:s28] =	ssyncset.done $0x0  }
0x88: {  	s6 =	sadd.s32 $0x500, s5;
	[sflag:s28] =	ssyncadd.s32 $0xFFFFE000  }
0x89: {  	[tilespmem:s18], [sflag:$0x1] =	stream.indirect.gather [hbm4b:s4+s17], $0x40, s6, s17, $0xb8;
	[tilespmem:$0x1DE00] =	vst v63  }
0x8a: {  	_ =	swait.ge [sflag:s16], $0x2000  }
0x8b: {  	[sflag:s16] =	ssyncset.done $0x0  }
0x8c: {  	s6 =	sadd.s32 $0x5380, s5;
	[sflag:s16] =	ssyncadd.s32 $0xFFFFE000  }
0x8d: {  	[spmem:s2] =	stream.indirect.scatter.add.f32 [tilespmem:s21], [sflag:$0x8], $0x40, s6, s17, $0xb8;
	[tilespmem:$0x1DE00] =	vst v63  }
0x8e: {  	_ =	swait.ge [sflag:s31], $0x2000  }
0x8f: {  	[sflag:s31] =	ssyncset.done $0x0  }
0x90: {  	s6 =	sadd.s32 $0x580, s5;
	[sflag:s31] =	ssyncadd.s32 $0xFFFFE000  }
0x91: {  	[tilespmem:s19], [sflag:$0x2] =	stream.indirect.gather [hbm4b:s4+s17], $0x40, s6, s17, $0xb8;
	[tilespmem:$0x1DE00] =	vst v63  }
0x92: {  	_ =	swait.ge [sflag:s0], $0x2000  }
0x93: {  	[sflag:s0] =	ssyncset.done $0x0  }
0x94: {  	s6 =	sadd.s32 $0x5400, s5;
	[sflag:s0] =	ssyncadd.s32 $0xFFFFE000  }
0x95: {  	[spmem:s2] =	stream.indirect.scatter.add.f32 [tilespmem:s23], [sflag:$0x9], $0x40, s6, s17, $0xb8;
	[tilespmem:$0x1DE00] =	vst v63  }
0x96: {  	_ =	swait.ge [sflag:s22], $0x2000  }
0x97: {  	[sflag:s22] =	ssyncset.done $0x0  }
0x98: {  	s6 =	sadd.s32 $0x600, s5;
	[sflag:s22] =	ssyncadd.s32 $0xFFFFE000  }
0x99: {  	[tilespmem:s21], [sflag:$0x3] =	stream.indirect.gather [hbm4b:s4+s17], $0x40, s6, s17, $0xb8;
	[tilespmem:$0x1DE00] =	vst v63  }
0x9a: {  	_ =	swait.ge [sflag:s26], $0x2000  }
0x9b: {  	[sflag:s26] =	ssyncset.done $0x0  }
.Ltmp0:
0x9c: {  	s6 =	sadd.s32 $0x5480, s5;
	[sflag:s26] =	ssyncadd.s32 $0xFFFFE000;
	(pc) =	sbr.rel @p0 .LBB2_2-.Ltmp0, $4  }
0x9d: {  	[spmem:s2] =	stream.indirect.scatter.add.f32 [tilespmem:s25], [sflag:$0xA], $0x40, s6, s17, $0xb8;
	[tilespmem:$0x1DE00] =	vst v63  }
0x9e: {  	_ =	swait.ge [sflag:s30], $0x2000  }
0x9f: {  	[sflag:s30] =	ssyncset.done $0x0  }
0xa0: {  	s5 =	sadd.s32 $0x680, s5;
	[sflag:s30] =	ssyncadd.s32 $0xFFFFE000  }
0xa1: {  	[tilespmem:s23], [sflag:$0x4] =	stream.indirect.gather [hbm4b:s4+s17], $0x40, s5, s17, $0xb8;
	[tilespmem:$0x1DE00] =	vst v63  }
0xa2: {  	_ =	swait.ge [sflag:s14], $0x2000  }
0xa3: {  	[sflag:s14] =	ssyncset.done $0x0  }
0xa4: {  	s24 =	simm.s32 $0x9D80;
	[sflag:s14] =	ssyncadd.s32 $0xFFFFE000  }
0xa5: {  	[spmem:s2] =	stream.indirect.scatter.add.f32 [tilespmem:s18], [sflag:$0x6], $0x40, s24, s17, $0xb8;
	[tilespmem:$0x1DE00] =	vst v63  }
0xa6: {  	_ =	swait.ge [sflag:s20], $0x2000  }
0xa7: {  	[sflag:s20] =	ssyncset.done $0x0  }
0xa8: {  	s6 =	simm.s32 $0x4F80;
	[sflag:s20] =	ssyncadd.s32 $0xFFFFE000  }
0xa9: {  	[tilespmem:s25], [sflag:$0x5] =	stream.indirect.gather [hbm4b:s4+s17], $0x40, s6, s17, $0xb8;
	[tilespmem:$0x1DE00] =	vst v63  }
0xaa: {  	_ =	swait.ge [sflag:s15], $0x2000  }
0xab: {  	[sflag:s15] =	ssyncset.done $0x0  }
0xac: {  	s24 =	simm.s32 $0x9E00;
	[sflag:s15] =	ssyncadd.s32 $0xFFFFE000  }
0xad: {  	[spmem:s2] =	stream.indirect.scatter.add.f32 [tilespmem:s19], [sflag:$0x7], $0x40, s24, s17, $0xb8;
	[tilespmem:$0x1DE00] =	vst v63  }
0xae: {  	_ =	swait.ge [sflag:s16], $0x2000  }
0xaf: {  	[sflag:s16] =	ssyncset.done $0x0  }
0xb0: {  	s6 =	simm.s32 $0x9E80;
	[sflag:s16] =	ssyncadd.s32 $0xFFFFE000  }
0xb1: {  	[spmem:s2] =	stream.indirect.scatter.add.f32 [tilespmem:s21], [sflag:$0x8], $0x40, s6, s17, $0xb8;
	[tilespmem:$0x1DE00] =	vst v63  }
0xb2: {  	_ =	swait.ge [sflag:s0], $0x2000  }
0xb3: {  	[sflag:s0] =	ssyncset.done $0x0  }
0xb4: {  	s24 =	simm.s32 $0x9F00;
	[sflag:s0] =	ssyncadd.s32 $0xFFFFE000  }
0xb5: {  	[spmem:s2] =	stream.indirect.scatter.add.f32 [tilespmem:s23], [sflag:$0x9], $0x40, s24, s17, $0xb8;
	[tilespmem:$0x1DE00] =	vst v63  }
0xb6: {  	_ =	swait.ge [sflag:s26], $0x2000  }
0xb7: {  	[sflag:s26] =	ssyncset.done $0x0  }
0xb8: {  	s6 =	simm.s32 $0x9F80;
	[sflag:s26] =	ssyncadd.s32 $0xFFFFE000  }
0xb9: {  	[spmem:s2] =	stream.indirect.scatter.add.f32 [tilespmem:s25], [sflag:$0xA], $0x40, s6, s17, $0xb8;
	[tilespmem:$0x1DE00] =	vst v63  }
0xba: {  	_ =	swait.ge [sflag:s28], $0x2000  }
0xbb: {  	[sflag:s28] =	ssyncset.done $0x0  }
0xbc: {  	[sflag:s28] =	ssyncadd.s32 $0xFFFFE000  }
0xbd: {  	_ =	swait.ge [sflag:s31], $0x2000  }
0xbe: {  	[sflag:s31] =	ssyncset.done $0x0  }
0xbf: {  	[sflag:s31] =	ssyncadd.s32 $0xFFFFE000  }
0xc0: {  	_ =	swait.ge [sflag:s22], $0x2000  }
0xc1: {  	[sflag:s22] =	ssyncset.done $0x0  }
0xc2: {  	[sflag:s22] =	ssyncadd.s32 $0xFFFFE000  }
0xc3: {  	_ =	swait.ge [sflag:s30], $0x2000  }
0xc4: {  	[sflag:s30] =	ssyncset.done $0x0  }
0xc5: {  	[sflag:s30] =	ssyncadd.s32 $0xFFFFE000  }
0xc6: {  	_ =	swait.ge [sflag:s20], $0x2000  }
0xc7: {  	s1 =	sadd.s32 $0x1, s1;
	[sflag:s20] =	ssyncset.done $0x0  }
0xc8: {  	p0 =	sne.s32 s1, s11;
	s24 =	sor.u32 $0x1C0B, s7;
	[sflag:s20] =	ssyncadd.s32 $0xFFFFE000  }
.Ltmp1:
0xc9: {  	s6 =	simm.s32 $0x10;
	[bflag:$0x0] =	sbarrier.arrive $0xFFFF;
	(pc) =	sbr.rel @p0 .LBB2_1-.Ltmp1, $4  }
0xca: {  	[hbm:s10@s6], [sflag:s24] =	dma.strided [spmem:s13@s22], $0x13C0, s14, $0x8   }
0xcb: {  	_ =	swait.ge [sflag:s29], $0x13C0  }
0xcc: {  	[sflag:s29] =	ssyncset.done $0x0  }
0xcd: {  	[sflag:s29] =	ssyncadd.s32 $0xFFFFEC40  }
0xce: {  	_ =	sfence.sel $0x180000  }
0xcf: {  	[bflag:$0x0] =	sbarrier.arrive $0xFFFF  }
0xd0: {  	_ =	strace $0x90000047  }
0xd1: {  	s0 =	stileid.u32;
	[bflag:$0x2] =	sbarrier.arrive $0xFFFF  }
0xd2: {  	p0 =	sne.s32 s0, $0x0;
	s0 =	rddreg [dreg:$0x3]  }
0xd3: {  	s0 =	sadd.s32 @!p0 $0x100000, s0  }
0xd4: {  	[sflag:s0] =	ssyncadd.tile.s32 @!p0 $0x1;
	_ =	shalt  }
.Lfunc_end2:
_tile_overlayer_lowered:
.L_overlay_start_2:
0xd5: {  	(tag) =	ssettag $0x2  }
0xd6: {  	s0 =	rddreg [dreg:$0x0];
	s2 =	stileid.u32  }
0xd7: {  	s1 =	rddreg [dreg:$0x1];
	p0 =	sne.s32 s2, $0x0  }
0xd8: {  	s3 =	rddreg [dreg:$0x2];
	[bflag:$0x3] =	sbarrier.arrive $0xFFFF;
	s2 =	simm.s32 @!p0 $0x1C0B  }
0xd9: {  	[timem:s3], [sflag:s2] =	dma.local @!p0 [hbm:s0], s1  }
0xda: {  	s0 =	simm.s32 @!p0 $0xB  }
0xdb: {  	_ =	swait.ge @!p0 [sflag:s0], s1  }
0xdc: {  	s1 =	ssub.s32 @!p0 $0x0, s1;
	[sflag:s0] =	ssyncset.done @!p0 $0x0  }
0xdd: {  	[sflag:s0] =	ssyncadd.s32 @!p0 s1  }
0xde: {  	[bflag:$0x3] =	sbarrier.arrive $0xFFFF  }
0xdf: {  	_ =	shalt  }

// kernel: gcn_edge_agg_64x2.8.cloned.1.call-start
scs
__scs_entry_jumppad:
0x0: {  	(pc) =	sbr.rel $0x88, $3  }
0x1: {  	(tag) =	ssettag $0x0;
	lr =	simm.s32 $0x1  }
0x2: {  	[smem:$0x3F97] =	sst lr;
	_ =	strace $0xD0000000  }
0x3: {  	_ = 	snop  }
0x4: {  	_ = 	snop  }
0x5: {  	_ = 	snop  }
0x6: {  	_ = 	snop  }
0x7: {  	_ = 	snop  }
__scs_overlays_trampoline_lowered:
0x8: {  	[smem:$0x3FA6] =	sst s0  }
0x9: {  	[smem:$0x3FA7] =	sst s1  }
0xa: {  	[smem:$0x3FA8] =	sst s2  }
0xb: {  	[smem:$0x3FA9] =	sst s3  }
0xc: {  	[smem:$0x3FAA] =	sst s4  }
0xd: {  	[smem:$0x3FAB] =	sst s5  }
0xe: {  	[smem:$0x3FAC] =	sst s6  }
0xf: {  	[smem:$0x3FAD] =	sst s7  }
0x10: {  	[smem:$0x3FAE] =	sst s8  }
0x11: {  	[smem:$0x3FAF] =	sst s9;
	s0 =	simm.s32 @!p0 $0x0  }
0x12: {  	s1 =	sld [smem:$0x3F95];
	s0 =	simm.s32 @p0 $0x1  }
0x13: {  	[smem:$0x3FB0] =	sst s0;
	s0 =	simm.s32 @!p1 $0x0  }
0x14: {  	s2 =	sld [smem:$0x3F94];
	s0 =	simm.s32 @p1 $0x1  }
0x15: {  	[smem:$0x3FB1] =	sst s0;
	s0 =	simm.s32 @!p2 $0x0  }
0x16: {  	s3 =	sld [smem:$0x3FDB];
	s0 =	simm.s32 @p2 $0x1  }
0x17: {  	s4 =	simm.s32 $0x1BF5;
	[smem:$0x3FB3] =	sst s0  }
0x18: {  	s0 =	sld [smem:$0x3F96];
	_ =	swait.ge [sflag:s4], $0x0  }
0x19: {  	s7 =	sld [smem:$0x3F97]  }
0x1a: {  	s8 =	sadd.s32 $0xFFFFE003, lr  }
0x1b: {  	s9 =	sadd.s32 $0xFFFFFEF7, lr;
	s5 =	simm.s32 $0xFFFFFFFF;
	p2 =	slt.u32 s8, $0xFFFFF086  }
0x1c: {  	p1 =	slt.u32 s9, $0xF7A;
	s5 =	simm.s32 @!p2 $0x0  }
0x1d: {  	s5 =	simm.s32 @p1 $0x1;
	p0 =	seq.s32 s7, s2  }
0x1e: {  	s7 =	smul.u32 @!p0 $0xF7A, s2;
	p2 =	seq.s32 @!p0 s5, $0x0  }
0x1f: {  	s9 =	smul.u32 $0xF7A, s1;
	s8 =	simm.s32 @!p0 $0x1BF5;
	p2 =	por !p2, p0  }
0x20: {  	[sflag:s8] =	ssyncset.s32 @!p0 $0xFFFFF086;
	s6 =	sadd.s32 @!p0 s3, s7;
	s7 =	simm.s32 @!p0 $0x108  }
0x21: {  	s3 =	sadd.s32 s3, s9;
	s6 =	sadd.s32 @!p0 $0x88, s6;
	s7 =	simm.s32 @p2 $0x1082  }
0x22: {  	[simem:s7], [sflag:s8] =	dma.local @!p0 [hbm:s6], $0xF7A  }
0x23: {  	s9 =	sor.u32 $0xD0000000, s2;
	s6 =	simm.s32 $0x108;
	_ =	swait.ge @!p0 [sflag:s8], $0x0  }
0x24: {  	s3 =	sadd.s32 $0x88, s3;
	s6 =	simm.s32 @!p1 $0x1082;
	[sflag:s4] =	ssyncset.s32 $0xFFFFF086  }
0x25: {  	[simem:s6], [sflag:s4] =	dma.local [hbm:s3], $0xF7A  }
0x26: {  	[smem:$0x3F97] =	sst s1;
	(tag) =	ssettag s2;
	_ =	strace s9  }
0x27: {  	s1 =	sld [smem:$0x3FA7]  }
0x28: {  	s2 =	sld [smem:$0x3FA8]  }
0x29: {  	s4 =	sld [smem:$0x3FAA]  }
0x2a: {  	p0 =	seq.s32 s5, $0x0;
	s5 =	sld [smem:$0x3FAB]  }
0x2b: {  	s6 =	sld [smem:$0x3FAC]  }
0x2c: {  	s7 =	sld [smem:$0x3FAD]  }
0x2d: {  	s3 =	simm.s32 $0x108;
	s8 =	sld [smem:$0x3FAE]  }
0x2e: {  	s3 =	simm.s32 @!p0 $0x1082;
	s9 =	sld [smem:$0x3FAF]  }
0x2f: {  	lr =	sadd.s32 s0, s3;
	s0 =	sld [smem:$0x3FA6]  }
0x30: {  	s3 =	sld [smem:$0x3FA9]  }
0x31: {  	[smem:$0x3FB2] =	sst s10  }
0x32: {  	s10 =	sld [smem:$0x3FB0];
	_ =	sdelay $0x3  }
0x33: {  	p0 =	seq.s32 s10, $0x1;
	s10 =	sld [smem:$0x3FB2];
	_ =	sdelay $0x3  }
0x34: {  	[smem:$0x3FB2] =	sst s10  }
0x35: {  	s10 =	sld [smem:$0x3FB1];
	_ =	sdelay $0x3  }
0x36: {  	p1 =	seq.s32 s10, $0x1;
	s10 =	sld [smem:$0x3FB2];
	_ =	sdelay $0x3  }
0x37: {  	[smem:$0x3FB2] =	sst s10  }
0x38: {  	s10 =	sld [smem:$0x3FB3]  }
0x39: {  	_ = 	snop;
	(pc) =	sbr.ind lr, $3  }
0x3a: {  	_ = 	snop  }
0x3b: {  	_ = 	snop  }
0x3c: {  	p2 =	seq.s32 s10, $0x1;
	s10 =	sld [smem:$0x3FB2]  }
0x3d: {  	_ =	shalt  }
0x3e: {  	_ =	shalt  }
0x3f: {  	_ =	shalt  }
0x40: {  	_ =	shalt  }
0x41: {  	_ =	shalt  }
0x42: {  	_ =	shalt  }
0x43: {  	_ =	shalt  }
0x44: {  	_ =	shalt  }
0x45: {  	_ =	shalt  }
0x46: {  	_ =	shalt  }
0x47: {  	_ =	shalt  }
0x48: {  	_ =	shalt  }
0x49: {  	_ =	shalt  }
0x4a: {  	_ =	shalt  }
0x4b: {  	_ =	shalt  }
0x4c: {  	_ =	shalt  }
0x4d: {  	_ =	shalt  }
0x4e: {  	_ =	shalt  }
0x4f: {  	_ =	shalt  }
0x50: {  	_ =	shalt  }
0x51: {  	_ =	shalt  }
0x52: {  	_ =	shalt  }
0x53: {  	_ =	shalt  }
0x54: {  	_ =	shalt  }
0x55: {  	_ =	shalt  }
0x56: {  	_ =	shalt  }
0x57: {  	_ =	shalt  }
0x58: {  	_ =	shalt  }
0x59: {  	_ =	shalt  }
0x5a: {  	_ =	shalt  }
0x5b: {  	_ =	shalt  }
0x5c: {  	_ =	shalt  }
0x5d: {  	_ =	shalt  }
0x5e: {  	_ =	shalt  }
0x5f: {  	_ =	shalt  }
0x60: {  	_ =	shalt  }
0x61: {  	_ =	shalt  }
0x62: {  	_ =	shalt  }
0x63: {  	_ =	shalt  }
0x64: {  	_ =	shalt  }
0x65: {  	_ =	shalt  }
0x66: {  	_ =	shalt  }
0x67: {  	_ =	shalt  }
0x68: {  	_ =	shalt  }
0x69: {  	_ =	shalt  }
0x6a: {  	_ =	shalt  }
0x6b: {  	_ =	shalt  }
0x6c: {  	_ =	shalt  }
0x6d: {  	_ =	shalt  }
0x6e: {  	_ =	shalt  }
0x6f: {  	_ =	shalt  }
0x70: {  	_ =	shalt  }
0x71: {  	_ =	shalt  }
0x72: {  	_ =	shalt  }
0x73: {  	_ =	shalt  }
0x74: {  	_ =	shalt  }
0x75: {  	_ =	shalt  }
0x76: {  	_ =	shalt  }
0x77: {  	_ =	shalt  }
0x78: {  	_ =	shalt  }
0x79: {  	_ =	shalt  }
0x7a: {  	_ =	shalt  }
0x7b: {  	_ =	shalt  }
0x7c: {  	_ =	shalt  }
0x7d: {  	_ =	shalt  }
0x7e: {  	_ =	shalt  }
0x7f: {  	_ =	shalt  }
0x80: {  	_ =	shalt  }
0x81: {  	_ =	shalt  }
0x82: {  	_ =	shalt  }
0x83: {  	_ =	shalt  }
0x84: {  	_ =	shalt  }
0x85: {  	_ =	shalt  }
0x86: {  	_ =	shalt  }
0x87: {  	_ =	shalt  }
.Lfunc_end0:
.L_simem_size_0:
called_computation.1_lowered:
.L_overlay_start_0:
0x88: {  	s2 =	sld [smem:$0x3FD9]  }
0x89: {  	s3 =	sld [smem:$0x3FFE];
	_ =	sdelay $0x1  }
0x8a: {  	s1 =	srdreg.scid  }
0x8b: {  	s0 =	sand.u32 $0x1, s1  }
0x8c: {  	s17 =	sshll.u32 s0, $0xA;
	s2 =	sadd.s32 s3, s2  }
0x8d: {  	s2 =	sadd.s32 s2, s17  }
0x8e: {  	[smem:$0x3FBE] =	sst s2  }
0x8f: {  	_ = 	snop  }
0x90: {  	s2 =	sld [smem:$0x3FD0];
	(tm) =	ssettm $0x1  }
0x91: {  	s18 =	sld [smem:$0x3FFB];
	_ =	sdelay $0x3  }
0x92: {  	_ =	strace s18  }
0x93: {  	s3 =	sld [smem:$0x3FFC];
	_ =	sdelay $0x3  }
0x94: {  	_ =	strace s3  }
0x95: {  	s3 =	sld [smem:$0x3FFD];
	_ =	sdelay $0x3  }
0x96: {  	_ =	strace s3  }
0x97: {  	_ =	strace $0x8FFFFFFF  }
0x98: {  	s19 =	sld [smem:$0x3FDB];
	_ =	sdelay $0x1  }
0x99: {  	s4 =	simm.s32 $_scs_section_size  }
0x9a: {  	s5 =	simm.s32 $_size__tile_overlayer_lowered;
	s6 =	simm.s32 $_tile_overlayer_lowered  }
0x9b: {  	s22 =	simm.s32 $0x1BFF;
	s21 =	sshll.u32 s6, $0x1;
	s3 =	sadd.s32 s4, s19  }
0x9c: {  	s7 =	simm.s32 $0x0;
	s20 =	sshll.u32 s5, $0x1;
	s5 =	sadd.s32 s21, s3  }
0x9d: {  	[timem:s7], [sflag:s22] =	dma.local [hbm:s5], s20  }
0x9e: {  	_ =	swait.ge [sflag:s22], s20  }
0x9f: {  	s4 =	ssub.s32 $0x0, s20;
	[sflag:s22] =	ssyncset.done $0x0  }
0xa0: {  	[sflag:s22] =	ssyncadd.s32 s4;
	_ =	sdelay $0x1  }
0xa1: {  	s23 =	simm.s32 $0x1B8B  }
0xa2: {  	_ =	swait.ge [sflag:s23], $0x1  }
0xa3: {  	[sflag:s23] =	ssyncset.done $0x0  }
0xa4: {  	s25 =	simm.s32 $0x1B8E;
	s24 =	sld [smem:$0x3FFE];
	[sflag:s23] =	ssyncadd.s32 $0xFFFFFFFF  }
0xa5: {  	s26 =	simm.s32 $execute0_lowered;
	[smem:$0x3FD2] =	sst s25  }
0xa6: {  	s5 =	sshll.u32 s26, $0x1;
	_ =	strace $0x80000049;
	[dreg:$0x1] =	wrdreg $0xFFFFFFFF  }
0xa7: {  	s28 =	simm.s32 $_size_execute0_lowered;
	s3 =	sadd.s32 s3, s5;
	[dreg:$0x0] =	wrdreg $0x0  }
0xa8: {  	s5 =	sshll.u32 s28, $0x1;
	[dreg:$0x2] =	wrdreg s3  }
0xa9: {  	[dreg:$0x3] =	wrdreg s5  }
0xaa: {  	[dreg:$0x4] =	wrdreg $0xC0  }
0xab: {  	_ =	task [dreg:s7], $0x5FFFF  }
0xac: {  	[dreg:$0x1] =	wrdreg $0xFFFFFFFF  }
0xad: {  	[dreg:$0x0] =	wrdreg $0x60  }
0xae: {  	[dreg:$0x2] =	wrdreg s24  }
0xaf: {  	[dreg:$0x3] =	wrdreg s2  }
0xb0: {  	[dreg:$0x4] =	wrdreg $0x140000  }
0xb1: {  	[dreg:$0x5] =	wrdreg $0x9  }
0xb2: {  	_ =	task.clear_ibuf [dreg:s7], $0x6FFFF;
	_ =	strace $0x90000049  }
0xb3: {  	s29 =	simm.s32 $0x9;
	_ =	strace $0x8000004B  }
0xb4: {  	_ =	swait.ge [sflag:s29], $0x1  }
0xb5: {  	[sflag:s29] =	ssyncadd.s32 $0xFFFFFFFF  }
0xb6: {  	_ =	strace $0x9000004B  }
0xb7: {  	_ =	sfence  }
0xb8: {  	s30 =	sld [smem:$0x0];
	_ =	sdelay $0x2  }
0xb9: {  	s31 =	sshll.u32 s1, $0xD;
	s1 =	sshrl.u32 s1, $0x2  }
0xba: {  	s3 =	sand.u32 $0x4000, s31;
	s1 =	sadd.s32 s1, s30  }
0xbb: {  	s0 =	sor.u32 s3, s0;
	s1 =	sshll.u32 s1, $0x11  }
0xbc: {  	s0 =	sor.u32 s1, s0  }
0xbd: {  	s0 =	sadd.s32 $0x8F2B, s0  }
0xbe: {  	[sflag:s0] =	ssyncadd.remote.s32 $0x1  }
0xbf: {  	_ =	sfence.sel $0xFFFF  }
0xc0: {  	[dreg:$0x0] =	wrdreg $0xFFFFFFFF;
	(pc) =	sbr.abs _section_cstart, $3  }
0xc1: {  	[dreg:$0x1] =	wrdreg $0xFFFFFFFF  }
0xc2: {  	_ =	task.clear_ibuf [dreg:s7], $0x2FFFF;
	_ =	strace $0x9FFFFFFF  }
0xc3: {  	(tm) =	ssettm $0x7FFFFFFF  }
tec
execute0_lowered:
.L_overlay_start_1:
0x0: {  	(tag) =	ssettag $0x1  }
0x1: {  	s0 =	rddreg [dreg:$0x0]  }
0x2: {  	s1 =	rddreg [dreg:$0x1];
	s3 =	srdreg.scid  }
0x3: {  	s10 =	stileid.u32;
	s2 =	rddreg [dreg:$0x2];
	s12 =	simm.s32 $0x5000  }
0x4: {  	s14 =	simm.s32 $0x1;
	s15 =	simm.s32 $0x2;
	s16 =	simm.s32 $0x3  }
0x5: {  	s17 =	simm.s32 $0x80;
	s18 =	simm.s32 $0xA000;
	s19 =	simm.s32 $0xC000  }
0x6: {  	s21 =	simm.s32 $0xE000;
	s23 =	simm.s32 $0x10000;
	s28 =	simm.s32 $0x6  }
0x7: {  	s31 =	simm.s32 $0x7;
	s22 =	simm.s32 $0x8;
	s6 =	smul.u32 $0x5000, s10  }
0x8: {  	s30 =	simm.s32 $0x9;
	s20 =	simm.s32 $0xA;
	s8 =	smul.u32 $0x13C00, s10  }
0x9: {  	s5 =	sand.u32 $0x1, s3;
	s3 =	simm.s32 $0x0;
	s25 =	smul.u32 $0x9E00, s10  }
0xa: {  	s29 =	simm.s32 $0xB;
	s4 =	smul.u32 $0x50000, s5;
	[smem:$0x7FF] =	sst s3  }
0xb: {  	s9 =	sshll.u32 s5, $0x6;
	s5 =	ssub.s32 $0x2, s5;
	_ =	strace $0x8000004A  }
0xc: {  	s8 =	sor.u32 s9, s8;
	s24 =	sshrl.u32 s5, $0x1;
	s13 =	sadd.s32 s25, s2  }
0xd: {  	s26 =	sshrl.u32 s25, $0x3;
	s25 =	simm.s32 $0x12000;
	s7 =	sadd.s32 s6, s4  }
0xe: {  	s4 =	sadd.s32 $0x2B600, s0;
	s6 =	sshrl.u32 s6, $0x3;
	s8 =	sshrl.u32 s8, $0x3  }
0xf: {  	s5 =	ssub.s32 s5, s24;
	s13 =	sshrl.u32 s13, $0x3;
	s7 =	sshrl.u32 s7, $0x3  }
0x10: {  	s6 =	sadd.s32 s6, s0;
	s11 =	smax.u32 s5, $0x1;
	s7 =	sadd.s32 s7, s0  }
0x11: {  	s0 =	sadd.s32 s8, s0;
	s6 =	sadd.s32 $0x21600, s6;
	s8 =	sadd.s32 s1, s26  }
0x12: {  	s26 =	simm.s32 $0x5;
	s7 =	sadd.s32 $0xD600, s7;
	[dreg:$0x5] =	wrdreg s6  }
0x13: {  	s1 =	simm.s32 $0x0;
	[dreg:$0x4] =	wrdreg s7;
	s7 =	sshll.u32 s10, $0x6  }
0x14: {  	s10 =	sadd.s32 $0x52800, s0;
	s0 =	simm.s32 $0x4;
	s9 =	sor.u32 $0x1C03, s7  }
.LBB2_1:
0x15: {  	s5 =	rddreg [dreg:$0x4]  }
0x16: {  	[tilespmem:s3], [sflag:$0x1] =	stream.linear.gather [hbm4b:s5+s3], $0x5000, $0x38;
	[tilespmem:$0x1DE00] =	vst v63  }
0x17: {  	s24 =	rddreg [dreg:$0x5]  }
0x18: {  	[tilespmem:s12], [sflag:$0x2] =	stream.linear.gather [hbm4b:s24+s3], $0x5000, $0x38;
	[tilespmem:$0x1DE00] =	vst v63  }
0x19: {  	[spmem:s13], [sflag:s9] =	dma.local [hbm:s8], $0x13C0  }
0x1a: {  	_ =	swait.ge [sflag:s14], $0x5000  }
0x1b: {  	[sflag:s14] =	ssyncset.done $0x0  }
0x1c: {  	[sflag:s14] =	ssyncadd.s32 $0xFFFFB000  }
0x1d: {  	_ =	swait.ge [sflag:s15], $0x5000  }
0x1e: {  	[sflag:s15] =	ssyncset.done $0x0  }
0x1f: {  	[sflag:s15] =	ssyncadd.s32 $0xFFFFB000  }
0x20: {  	_ =	swait.ge [sflag:s16], $0x13C0  }
0x21: {  	[sflag:s16] =	ssyncset.done $0x0  }
0x22: {  	[sflag:s16] =	ssyncadd.s32 $0xFFFFEC40  }
0x23: {  	[bflag:$0x0] =	sbarrier.arrive $0xFFFF  }
0x24: {  	[tilespmem:s18], [sflag:$0x1] =	stream.indirect.gather [hbm4b:s4+s17], $0x40, s3, s17, $0xb8;
	[tilespmem:$0x1DE00] =	vst v63  }
0x25: {  	_ = 	snop  }
0x26: {  	[tilespmem:s19], [sflag:$0x2] =	stream.indirect.gather [hbm4b:s4+s17], $0x40, s17, s17, $0xb8;
	[tilespmem:$0x1DE00] =	vst v63  }
0x27: {  	s6 =	simm.s32 $0x100  }
0x28: {  	[tilespmem:s21], [sflag:$0x3] =	stream.indirect.gather [hbm4b:s4+s17], $0x40, s6, s17, $0xb8;
	[tilespmem:$0x1DE00] =	vst v63  }
0x29: {  	s24 =	simm.s32 $0x180  }
0x2a: {  	[tilespmem:s23], [sflag:$0x4] =	stream.indirect.gather [hbm4b:s4+s17], $0x40, s24, s17, $0xb8;
	[tilespmem:$0x1DE00] =	vst v63  }
0x2b: {  	_ =	swait.ge [sflag:s14], $0x2000  }
0x2c: {  	[sflag:s14] =	ssyncset.done $0x0  }
0x2d: {  	[sflag:s14] =	ssyncadd.s32 $0xFFFFE000  }
0x2e: {  	[spmem:s2] =	stream.indirect.scatter.add.f32 [tilespmem:s18], [sflag:$0x6], $0x40, s12, s17, $0xb8;
	[tilespmem:$0x1DE00] =	vst v63  }
0x2f: {  	s6 =	simm.s32 $0x200  }
0x30: {  	[tilespmem:s25], [sflag:$0x5] =	stream.indirect.gather [hbm4b:s4+s17], $0x40, s6, s17, $0xb8;
	[tilespmem:$0x1DE00] =	vst v63  }
0x31: {  	_ =	swait.ge [sflag:s15], $0x2000  }
0x32: {  	[sflag:s15] =	ssyncset.done $0x0  }
0x33: {  	s24 =	simm.s32 $0x5080;
	[sflag:s15] =	ssyncadd.s32 $0xFFFFE000  }
0x34: {  	[spmem:s2] =	stream.indirect.scatter.add.f32 [tilespmem:s19], [sflag:$0x7], $0x40, s24, s17, $0xb8;
	[tilespmem:$0x1DE00] =	vst v63  }
0x35: {  	_ =	swait.ge [sflag:s28], $0x2000  }
0x36: {  	[sflag:s28] =	ssyncset.done $0x0  }
0x37: {  	s6 =	simm.s32 $0x280;
	[sflag:s28] =	ssyncadd.s32 $0xFFFFE000  }
0x38: {  	[tilespmem:s18], [sflag:$0x1] =	stream.indirect.gather [hbm4b:s4+s17], $0x40, s6, s17, $0xb8;
	[tilespmem:$0x1DE00] =	vst v63  }
0x39: {  	_ =	swait.ge [sflag:s16], $0x2000  }
0x3a: {  	[sflag:s16] =	ssyncset.done $0x0  }
0x3b: {  	s24 =	simm.s32 $0x5100;
	[sflag:s16] =	ssyncadd.s32 $0xFFFFE000  }
0x3c: {  	[spmem:s2] =	stream.indirect.scatter.add.f32 [tilespmem:s21], [sflag:$0x8], $0x40, s24, s17, $0xb8;
	[tilespmem:$0x1DE00] =	vst v63  }
0x3d: {  	_ =	swait.ge [sflag:s31], $0x2000  }
0x3e: {  	[sflag:s31] =	ssyncset.done $0x0  }
0x3f: {  	s6 =	simm.s32 $0x300;
	[sflag:s31] =	ssyncadd.s32 $0xFFFFE000  }
0x40: {  	[tilespmem:s19], [sflag:$0x2] =	stream.indirect.gather [hbm4b:s4+s17], $0x40, s6, s17, $0xb8;
	[tilespmem:$0x1DE00] =	vst v63  }
0x41: {  	_ =	swait.ge [sflag:s0], $0x2000  }
0x42: {  	[sflag:s0] =	ssyncset.done $0x0  }
0x43: {  	s24 =	simm.s32 $0x5180;
	[sflag:s0] =	ssyncadd.s32 $0xFFFFE000  }
0x44: {  	[spmem:s2] =	stream.indirect.scatter.add.f32 [tilespmem:s23], [sflag:$0x9], $0x40, s24, s17, $0xb8;
	[tilespmem:$0x1DE00] =	vst v63  }
0x45: {  	_ =	swait.ge [sflag:s22], $0x2000  }
0x46: {  	[sflag:s22] =	ssyncset.done $0x0  }
0x47: {  	s6 =	simm.s32 $0x380;
	[sflag:s22] =	ssyncadd.s32 $0xFFFFE000  }
0x48: {  	[tilespmem:s21], [sflag:$0x3] =	stream.indirect.gather [hbm4b:s4+s17], $0x40, s6, s17, $0xb8;
	[tilespmem:$0x1DE00] =	vst v63  }
0x49: {  	_ =	swait.ge [sflag:s26], $0x2000  }
0x4a: {  	[sflag:s26] =	ssyncset.done $0x0  }
0x4b: {  	s24 =	simm.s32 $0x5200;
	[sflag:s26] =	ssyncadd.s32 $0xFFFFE000  }
0x4c: {  	[spmem:s2] =	stream.indirect.scatter.add.f32 [tilespmem:s25], [sflag:$0xA], $0x40, s24, s17, $0xb8;
	[tilespmem:$0x1DE00] =	vst v63  }
0x4d: {  	_ =	swait.ge [sflag:s30], $0x2000  }
0x4e: {  	[sflag:s30] =	ssyncset.done $0x0  }
0x4f: {  	s6 =	simm.s32 $0x400;
	[sflag:s30] =	ssyncadd.s32 $0xFFFFE000  }
0x50: {  	[tilespmem:s23], [sflag:$0x4] =	stream.indirect.gather [hbm4b:s4+s17], $0x40, s6, s17, $0xb8;
	[tilespmem:$0x1DE00] =	vst v63  }
0x51: {  	_ =	swait.ge [sflag:s14], $0x2000  }
0x52: {  	[sflag:s14] =	ssyncset.done $0x0  }
0x53: {  	s24 =	simm.s32 $0x5280;
	[sflag:s14] =	ssyncadd.s32 $0xFFFFE000  }
0x54: {  	[spmem:s2] =	stream.indirect.scatter.add.f32 [tilespmem:s18], [sflag:$0x6], $0x40, s24, s17, $0xb8;
	[tilespmem:$0x1DE00] =	vst v63  }
0x55: {  	_ =	swait.ge [sflag:s20], $0x2000  }
0x56: {  	[sflag:s20] =	ssyncset.done $0x0  }
0x57: {  	s6 =	simm.s32 $0x480;
	[sflag:s20] =	ssyncadd.s32 $0xFFFFE000  }
0x58: {  	[tilespmem:s25], [sflag:$0x5] =	stream.indirect.gather [hbm4b:s4+s17], $0x40, s6, s17, $0xb8;
	[tilespmem:$0x1DE00] =	vst v63  }
0x59: {  	_ =	swait.ge [sflag:s15], $0x2000  }
0x5a: {  	[sflag:s15] =	ssyncset.done $0x0  }
0x5b: {  	s24 =	simm.s32 $0x5300;
	[sflag:s15] =	ssyncadd.s32 $0xFFFFE000  }
0x5c: {  	[spmem:s2] =	stream.indirect.scatter.add.f32 [tilespmem:s19], [sflag:$0x7], $0x40, s24, s17, $0xb8;
	[tilespmem:$0x1DE00] =	vst v63  }
0x5d: {  	_ =	swait.ge [sflag:s28], $0x2000  }
0x5e: {  	[sflag:s28] =	ssyncset.done $0x0  }
0x5f: {  	s6 =	simm.s32 $0x500;
	[sflag:s28] =	ssyncadd.s32 $0xFFFFE000  }
0x60: {  	[tilespmem:s18], [sflag:$0x1] =	stream.indirect.gather [hbm4b:s4+s17], $0x40, s6, s17, $0xb8;
	[tilespmem:$0x1DE00] =	vst v63  }
0x61: {  	_ =	swait.ge [sflag:s16], $0x2000  }
0x62: {  	[sflag:s16] =	ssyncset.done $0x0  }
0x63: {  	s24 =	simm.s32 $0x5380;
	[sflag:s16] =	ssyncadd.s32 $0xFFFFE000  }
0x64: {  	[spmem:s2] =	stream.indirect.scatter.add.f32 [tilespmem:s21], [sflag:$0x8], $0x40, s24, s17, $0xb8;
	[tilespmem:$0x1DE00] =	vst v63  }
0x65: {  	_ =	swait.ge [sflag:s31], $0x2000  }
0x66: {  	[sflag:s31] =	ssyncset.done $0x0  }
0x67: {  	s6 =	simm.s32 $0x580;
	[sflag:s31] =	ssyncadd.s32 $0xFFFFE000  }
0x68: {  	[tilespmem:s19], [sflag:$0x2] =	stream.indirect.gather [hbm4b:s4+s17], $0x40, s6, s17, $0xb8;
	[tilespmem:$0x1DE00] =	vst v63  }
0x69: {  	_ =	swait.ge [sflag:s0], $0x2000  }
0x6a: {  	[sflag:s0] =	ssyncset.done $0x0  }
0x6b: {  	s24 =	simm.s32 $0x5400;
	[sflag:s0] =	ssyncadd.s32 $0xFFFFE000  }
0x6c: {  	[spmem:s2] =	stream.indirect.scatter.add.f32 [tilespmem:s23], [sflag:$0x9], $0x40, s24, s17, $0xb8;
	[tilespmem:$0x1DE00] =	vst v63  }
0x6d: {  	_ =	swait.ge [sflag:s22], $0x2000  }
0x6e: {  	[sflag:s22] =	ssyncset.done $0x0  }
0x6f: {  	s6 =	simm.s32 $0x600;
	[sflag:s22] =	ssyncadd.s32 $0xFFFFE000  }
0x70: {  	[tilespmem:s21], [sflag:$0x3] =	stream.indirect.gather [hbm4b:s4+s17], $0x40, s6, s17, $0xb8;
	[tilespmem:$0x1DE00] =	vst v63  }
0x71: {  	_ =	swait.ge [sflag:s26], $0x2000  }
0x72: {  	[sflag:s26] =	ssyncset.done $0x0  }
0x73: {  	s24 =	simm.s32 $0x5480;
	[sflag:s26] =	ssyncadd.s32 $0xFFFFE000  }
0x74: {  	[spmem:s2] =	stream.indirect.scatter.add.f32 [tilespmem:s25], [sflag:$0xA], $0x40, s24, s17, $0xb8;
	[tilespmem:$0x1DE00] =	vst v63  }
0x75: {  	_ =	swait.ge [sflag:s30], $0x2000  }
0x76: {  	[sflag:s30] =	ssyncset.done $0x0  }
0x77: {  	s5 =	simm.s32 $0x680;
	s24 =	simm.s32 $0xA00;
	[sflag:s30] =	ssyncadd.s32 $0xFFFFE000  }
.LBB2_2:
0x78: {  	[tilespmem:s23], [sflag:$0x4] =	stream.indirect.gather [hbm4b:s4+s17], $0x40, s5, s17, $0xb8;
	[tilespmem:$0x1DE00] =	vst v63  }
0x79: {  	s5 =	smov.u32 s24  }
0x7a: {  	p0 =	sne.s32 s24, $0x12200;
	s24 =	sadd.s32 $0xA00, s24;
	_ =	swait.ge [sflag:s14], $0x2000  }
0x7b: {  	s5 =	sshra.s32 s5, $0x2;
	[sflag:s14] =	ssyncset.done $0x0  }
0x7c: {  	s6 =	sadd.s32 $0x5280, s5;
	[sflag:s14] =	ssyncadd.s32 $0xFFFFE000  }
0x7d: {  	[spmem:s2] =	stream.indirect.scatter.add.f32 [tilespmem:s18], [sflag:$0x6], $0x40, s6, s17, $0xb8;
	[tilespmem:$0x1DE00] =	vst v63  }
0x7e: {  	_ =	swait.ge [sflag:s20], $0x2000  }
0x7f: {  	[sflag:s20] =	ssyncset.done $0x0  }
0x80: {  	s6 =	sadd.s32 $0x480, s5;
	[sflag:s20] =	ssyncadd.s32 $0xFFFFE000  }
0x81: {  	[tilespmem:s25], [sflag:$0x5] =	stream.indirect.gather [hbm4b:s4+s17], $0x40, s6, s17, $0xb8;
	[tilespmem:$0x1DE00] =	vst v63  }
0x82: {  	_ =	swait.ge [sflag:s15], $0x2000  }
0x83: {  	[sflag:s15] =	ssyncset.done $0x0  }
0x84: {  	s6 =	sadd.s32 $0x5300, s5;
	[sflag:s15] =	ssyncadd.s32 $0xFFFFE000  }
0x85: {  	[spmem:s2] =	stream.indirect.scatter.add.f32 [tilespmem:s19], [sflag:$0x7], $0x40, s6, s17, $0xb8;
	[tilespmem:$0x1DE00] =	vst v63  }
0x86: {  	_ =	swait.ge [sflag:s28], $0x2000  }
0x87: {  	[sflag:s28] =	ssyncset.done $0x0  }
0x88: {  	s6 =	sadd.s32 $0x500, s5;
	[sflag:s28] =	ssyncadd.s32 $0xFFFFE000  }
0x89: {  	[tilespmem:s18], [sflag:$0x1] =	stream.indirect.gather [hbm4b:s4+s17], $0x40, s6, s17, $0xb8;
	[tilespmem:$0x1DE00] =	vst v63  }
0x8a: {  	_ =	swait.ge [sflag:s16], $0x2000  }
0x8b: {  	[sflag:s16] =	ssyncset.done $0x0  }
0x8c: {  	s6 =	sadd.s32 $0x5380, s5;
	[sflag:s16] =	ssyncadd.s32 $0xFFFFE000  }
0x8d: {  	[spmem:s2] =	stream.indirect.scatter.add.f32 [tilespmem:s21], [sflag:$0x8], $0x40, s6, s17, $0xb8;
	[tilespmem:$0x1DE00] =	vst v63  }
0x8e: {  	_ =	swait.ge [sflag:s31], $0x2000  }
0x8f: {  	[sflag:s31] =	ssyncset.done $0x0  }
0x90: {  	s6 =	sadd.s32 $0x580, s5;
	[sflag:s31] =	ssyncadd.s32 $0xFFFFE000  }
0x91: {  	[tilespmem:s19], [sflag:$0x2] =	stream.indirect.gather [hbm4b:s4+s17], $0x40, s6, s17, $0xb8;
	[tilespmem:$0x1DE00] =	vst v63  }
0x92: {  	_ =	swait.ge [sflag:s0], $0x2000  }
0x93: {  	[sflag:s0] =	ssyncset.done $0x0  }
0x94: {  	s6 =	sadd.s32 $0x5400, s5;
	[sflag:s0] =	ssyncadd.s32 $0xFFFFE000  }
0x95: {  	[spmem:s2] =	stream.indirect.scatter.add.f32 [tilespmem:s23], [sflag:$0x9], $0x40, s6, s17, $0xb8;
	[tilespmem:$0x1DE00] =	vst v63  }
0x96: {  	_ =	swait.ge [sflag:s22], $0x2000  }
0x97: {  	[sflag:s22] =	ssyncset.done $0x0  }
0x98: {  	s6 =	sadd.s32 $0x600, s5;
	[sflag:s22] =	ssyncadd.s32 $0xFFFFE000  }
0x99: {  	[tilespmem:s21], [sflag:$0x3] =	stream.indirect.gather [hbm4b:s4+s17], $0x40, s6, s17, $0xb8;
	[tilespmem:$0x1DE00] =	vst v63  }
0x9a: {  	_ =	swait.ge [sflag:s26], $0x2000  }
0x9b: {  	[sflag:s26] =	ssyncset.done $0x0  }
.Ltmp0:
0x9c: {  	s6 =	sadd.s32 $0x5480, s5;
	[sflag:s26] =	ssyncadd.s32 $0xFFFFE000;
	(pc) =	sbr.rel @p0 .LBB2_2-.Ltmp0, $4  }
0x9d: {  	[spmem:s2] =	stream.indirect.scatter.add.f32 [tilespmem:s25], [sflag:$0xA], $0x40, s6, s17, $0xb8;
	[tilespmem:$0x1DE00] =	vst v63  }
0x9e: {  	_ =	swait.ge [sflag:s30], $0x2000  }
0x9f: {  	[sflag:s30] =	ssyncset.done $0x0  }
0xa0: {  	s5 =	sadd.s32 $0x680, s5;
	[sflag:s30] =	ssyncadd.s32 $0xFFFFE000  }
0xa1: {  	[tilespmem:s23], [sflag:$0x4] =	stream.indirect.gather [hbm4b:s4+s17], $0x40, s5, s17, $0xb8;
	[tilespmem:$0x1DE00] =	vst v63  }
0xa2: {  	_ =	swait.ge [sflag:s14], $0x2000  }
0xa3: {  	[sflag:s14] =	ssyncset.done $0x0  }
0xa4: {  	s24 =	simm.s32 $0x9D80;
	[sflag:s14] =	ssyncadd.s32 $0xFFFFE000  }
0xa5: {  	[spmem:s2] =	stream.indirect.scatter.add.f32 [tilespmem:s18], [sflag:$0x6], $0x40, s24, s17, $0xb8;
	[tilespmem:$0x1DE00] =	vst v63  }
0xa6: {  	_ =	swait.ge [sflag:s20], $0x2000  }
0xa7: {  	[sflag:s20] =	ssyncset.done $0x0  }
0xa8: {  	s6 =	simm.s32 $0x4F80;
	[sflag:s20] =	ssyncadd.s32 $0xFFFFE000  }
0xa9: {  	[tilespmem:s25], [sflag:$0x5] =	stream.indirect.gather [hbm4b:s4+s17], $0x40, s6, s17, $0xb8;
	[tilespmem:$0x1DE00] =	vst v63  }
0xaa: {  	_ =	swait.ge [sflag:s15], $0x2000  }
0xab: {  	[sflag:s15] =	ssyncset.done $0x0  }
0xac: {  	s24 =	simm.s32 $0x9E00;
	[sflag:s15] =	ssyncadd.s32 $0xFFFFE000  }
0xad: {  	[spmem:s2] =	stream.indirect.scatter.add.f32 [tilespmem:s19], [sflag:$0x7], $0x40, s24, s17, $0xb8;
	[tilespmem:$0x1DE00] =	vst v63  }
0xae: {  	_ =	swait.ge [sflag:s16], $0x2000  }
0xaf: {  	[sflag:s16] =	ssyncset.done $0x0  }
0xb0: {  	s6 =	simm.s32 $0x9E80;
	[sflag:s16] =	ssyncadd.s32 $0xFFFFE000  }
0xb1: {  	[spmem:s2] =	stream.indirect.scatter.add.f32 [tilespmem:s21], [sflag:$0x8], $0x40, s6, s17, $0xb8;
	[tilespmem:$0x1DE00] =	vst v63  }
0xb2: {  	_ =	swait.ge [sflag:s0], $0x2000  }
0xb3: {  	[sflag:s0] =	ssyncset.done $0x0  }
0xb4: {  	s24 =	simm.s32 $0x9F00;
	[sflag:s0] =	ssyncadd.s32 $0xFFFFE000  }
0xb5: {  	[spmem:s2] =	stream.indirect.scatter.add.f32 [tilespmem:s23], [sflag:$0x9], $0x40, s24, s17, $0xb8;
	[tilespmem:$0x1DE00] =	vst v63  }
0xb6: {  	_ =	swait.ge [sflag:s26], $0x2000  }
0xb7: {  	[sflag:s26] =	ssyncset.done $0x0  }
0xb8: {  	s6 =	simm.s32 $0x9F80;
	[sflag:s26] =	ssyncadd.s32 $0xFFFFE000  }
0xb9: {  	[spmem:s2] =	stream.indirect.scatter.add.f32 [tilespmem:s25], [sflag:$0xA], $0x40, s6, s17, $0xb8;
	[tilespmem:$0x1DE00] =	vst v63  }
0xba: {  	_ =	swait.ge [sflag:s28], $0x2000  }
0xbb: {  	[sflag:s28] =	ssyncset.done $0x0  }
0xbc: {  	[sflag:s28] =	ssyncadd.s32 $0xFFFFE000  }
0xbd: {  	_ =	swait.ge [sflag:s31], $0x2000  }
0xbe: {  	[sflag:s31] =	ssyncset.done $0x0  }
0xbf: {  	[sflag:s31] =	ssyncadd.s32 $0xFFFFE000  }
0xc0: {  	_ =	swait.ge [sflag:s22], $0x2000  }
0xc1: {  	[sflag:s22] =	ssyncset.done $0x0  }
0xc2: {  	[sflag:s22] =	ssyncadd.s32 $0xFFFFE000  }
0xc3: {  	_ =	swait.ge [sflag:s30], $0x2000  }
0xc4: {  	[sflag:s30] =	ssyncset.done $0x0  }
0xc5: {  	[sflag:s30] =	ssyncadd.s32 $0xFFFFE000  }
0xc6: {  	_ =	swait.ge [sflag:s20], $0x2000  }
0xc7: {  	s1 =	sadd.s32 $0x1, s1;
	[sflag:s20] =	ssyncset.done $0x0  }
0xc8: {  	p0 =	sne.s32 s1, s11;
	s24 =	sor.u32 $0x1C0B, s7;
	[sflag:s20] =	ssyncadd.s32 $0xFFFFE000  }
.Ltmp1:
0xc9: {  	s6 =	simm.s32 $0x10;
	[bflag:$0x0] =	sbarrier.arrive $0xFFFF;
	(pc) =	sbr.rel @p0 .LBB2_1-.Ltmp1, $4  }
0xca: {  	[hbm:s10@s6], [sflag:s24] =	dma.strided [spmem:s13@s22], $0x13C0, s14, $0x8   }
0xcb: {  	_ =	swait.ge [sflag:s29], $0x13C0  }
0xcc: {  	[sflag:s29] =	ssyncset.done $0x0  }
0xcd: {  	[sflag:s29] =	ssyncadd.s32 $0xFFFFEC40  }
0xce: {  	_ =	sfence.sel $0x180000  }
0xcf: {  	[bflag:$0x0] =	sbarrier.arrive $0xFFFF  }
0xd0: {  	_ =	strace $0x9000004A  }
0xd1: {  	s0 =	stileid.u32;
	[bflag:$0x2] =	sbarrier.arrive $0xFFFF  }
0xd2: {  	p0 =	sne.s32 s0, $0x0;
	s0 =	rddreg [dreg:$0x3]  }
0xd3: {  	s0 =	sadd.s32 @!p0 $0x100000, s0  }
0xd4: {  	[sflag:s0] =	ssyncadd.tile.s32 @!p0 $0x1;
	_ =	shalt  }
.Lfunc_end2:
_tile_overlayer_lowered:
.L_overlay_start_2:
0xd5: {  	(tag) =	ssettag $0x2  }
0xd6: {  	s0 =	rddreg [dreg:$0x0];
	s2 =	stileid.u32  }
0xd7: {  	s1 =	rddreg [dreg:$0x1];
	p0 =	sne.s32 s2, $0x0  }
0xd8: {  	s3 =	rddreg [dreg:$0x2];
	[bflag:$0x3] =	sbarrier.arrive $0xFFFF;
	s2 =	simm.s32 @!p0 $0x1C0B  }
0xd9: {  	[timem:s3], [sflag:s2] =	dma.local @!p0 [hbm:s0], s1  }
0xda: {  	s0 =	simm.s32 @!p0 $0xB  }
0xdb: {  	_ =	swait.ge @!p0 [sflag:s0], s1  }
0xdc: {  	s1 =	ssub.s32 @!p0 $0x0, s1;
	[sflag:s0] =	ssyncset.done @!p0 $0x0  }
0xdd: {  	[sflag:s0] =	ssyncadd.s32 @!p0 s1  }
0xde: {  	[bflag:$0x3] =	sbarrier.arrive $0xFFFF  }
0xdf: {  	_ =	shalt  }

</sc_bundles>
